<compile_context>
chip_gen: v7x
topology: tpu7x:2x2x1
jax: 0.10.2.dev20260603
libtpu: 0.0.44.dev20260713+nightly
codegen_flags: <defaults>
</compile_context>

<pallas_src>
import functools

import jax
import jax.numpy as jnp
from jax import lax
from jax.experimental import pallas as pl
from jax.experimental.pallas import tpu as pltpu
from jax.experimental.pallas import tpu_sc as plsc

N_PTS = 20000
M_PAIRS = 320000
IN_C = 256
OUT_C = 256
H = 8
AC = 32
KV = 27
EPS = 1e-5

NTILES = 16
BATCH = 128
PAIRS_PER_TILE = 20096
NBATCH = PAIRS_PER_TILE // BATCH
M_PAD = PAIRS_PER_TILE * NTILES
ROWS_PER_TILE = 1248
ZCHUNK = 208
EXTRA_ROWS = N_PTS - NTILES * ROWS_PER_TILE
ACC_ROWS = N_PTS + 16


def _k1_body(pts_ref, w1_ref, g1_ref, b1_ref, w2_ref, g2_ref, b2_ref,
             h1_ref, scale2_ref, shift2_ref):
    pts = pts_ref[...]
    w1 = w1_ref[...]
    ipe1 = jnp.dot(pts, w1, preferred_element_type=jnp.float32)
    mu1 = jnp.mean(ipe1, axis=0, keepdims=True)
    var1 = jnp.mean((ipe1 - mu1) ** 2, axis=0, keepdims=True)
    h1 = (ipe1 - mu1) / jnp.sqrt(var1 + EPS) * g1_ref[...] + b1_ref[...]
    h1 = jnp.maximum(h1, 0.0)
    h1_ref[...] = h1
    m1 = jnp.mean(h1, axis=0, keepdims=True)
    hc = h1 - m1
    cov = lax.dot_general(hc, hc, (((0,), (0,)), ((), ())),
                          preferred_element_type=jnp.float32) / N_PTS
    w2 = w2_ref[...]
    mu2 = jnp.dot(m1, w2, preferred_element_type=jnp.float32)
    cw = lax.dot_general(cov, w2, (((1,), (0,)), ((), ())),
                         preferred_element_type=jnp.float32)
    var2 = jnp.sum(w2 * cw, axis=0, keepdims=True)
    scale2 = g2_ref[...] / jnp.sqrt(var2 + EPS)
    shift2 = b2_ref[...] - mu2 * scale2
    scale2_ref[...] = scale2
    shift2_ref[...] = shift2


def _k2_body(h1_ref, feats_ref, scale2_ref, shift2_ref, w2_ref, w3_ref,
             b3_ref, qw_ref, qb_ref, vw_ref, vb_ref, wp_ref, hm_ref,
             hmt_ref, a_ref, vg_ref):
    h2 = jnp.dot(h1_ref[...], w2_ref[...],
                 preferred_element_type=jnp.float32)
    h2 = jnp.maximum(h2 * scale2_ref[...] + shift2_ref[...], 0.0)
    ipe = jnp.dot(h2, w3_ref[...],
                  preferred_element_type=jnp.float32) + b3_ref[...]
    x = feats_ref[...] + ipe
    q = jnp.dot(x, qw_ref[...], preferred_element_type=jnp.float32) + qb_ref[...]
    s = jnp.dot(q * q, hm_ref[...], preferred_element_type=jnp.float32)
    denom = jnp.maximum(jnp.sqrt(s), 1e-12)
    invq = jnp.dot(1.0 / denom, hmt_ref[...],
                   preferred_element_type=jnp.float32)
    nq = q * invq
    a_ref[...] = jnp.dot(nq, wp_ref[...], preferred_element_type=jnp.float32)
    v = jnp.dot(x, vw_ref[...], preferred_element_type=jnp.float32) + vb_ref[...]
    for g in range(4):
        vg_ref[g] = v[:, 64 * g:64 * (g + 1)]


def _k4_body(of_ref, ow_ref, ob_ref, out_ref):
    xf = jnp.concatenate([of_ref[g] for g in range(4)], axis=-1)
    out_ref[...] = jnp.dot(xf, ow_ref[...],
                           preferred_element_type=jnp.float32) + ob_ref[...]


def _sc_pass(g, s_id, a_hbm, vg_hbm, key_hbm, qry_hbm, out_hbm,
             kqb, qb, aib, vib, arows, vrows, contrib, zbuf, acc,
             sem_a, sem_v):
    for j in range(ROWS_PER_TILE // ZCHUNK):
        pltpu.sync_copy(zbuf, acc.at[pl.ds(s_id * ROWS_PER_TILE + j * ZCHUNK,
                                           ZCHUNK), :])

    @pl.when(s_id == NTILES - 1)
    def _zero_tail():
        pltpu.sync_copy(zbuf.at[pl.ds(0, EXTRA_ROWS), :],
                        acc.at[pl.ds(NTILES * ROWS_PER_TILE, EXTRA_ROWS), :])

    plsc.subcore_barrier()

    base0 = s_id * PAIRS_PER_TILE

    def batch_body(b, carry):
        base = base0 + b * BATCH
        pltpu.sync_copy(key_hbm.at[pl.ds(base, BATCH)], kqb)
        pltpu.sync_copy(qry_hbm.at[pl.ds(base, BATCH)], qb)
        for j in range(BATCH // 16):
            kq = kqb[pl.ds(16 * j, 16)]
            qv = qb[pl.ds(16 * j, 16)]
            keyi = (kq.astype(jnp.float32) * (1.0 / KV)
                    + 0.01).astype(jnp.int32)
            kmod = kq - keyi * KV
            ai = jnp.minimum(qv * KV + kmod, N_PTS * KV - 1)
            aib[pl.ds(16 * j, 16)] = ai
            vib[pl.ds(16 * j, 16)] = keyi + g * N_PTS
        cp_a = pltpu.async_copy(a_hbm.at[aib], arows, sem_a)
        cp_v = pltpu.async_copy(vg_hbm.at[vib], vrows, sem_v)
        cp_a.wait()
        cp_v.wait()

        splat0 = jnp.full((16, 1), 2 * g, jnp.int32)
        splat1 = jnp.full((16, 1), 2 * g + 1, jnp.int32)
        gdn = lax.GatherDimensionNumbers(
            offset_dims=(), collapsed_slice_dims=(0,), start_index_map=(0,))

        def _splat(vec, idx):
            return lax.gather(vec, idx, gdn, (1,), unique_indices=False,
                              indices_are_sorted=False,
                              mode=lax.GatherScatterMode.PROMISE_IN_BOUNDS)

        def pair_body(i, c2):
            arow = arows[i, pl.ds(0, 16)]
            s0 = _splat(arow, splat0)
            s1 = _splat(arow, splat1)
            contrib[i, pl.ds(0, 16)] = vrows[i, pl.ds(0, 16)] * s0
            contrib[i, pl.ds(16, 16)] = vrows[i, pl.ds(16, 16)] * s0
            contrib[i, pl.ds(32, 16)] = vrows[i, pl.ds(32, 16)] * s1
            contrib[i, pl.ds(48, 16)] = vrows[i, pl.ds(48, 16)] * s1
            return c2

        lax.fori_loop(0, BATCH, pair_body, 0)
        pltpu.sync_copy(contrib, acc.at[qb], add=True)
        return carry

    lax.fori_loop(0, NBATCH, batch_body, 0)
    plsc.subcore_barrier()
    for j in range(ROWS_PER_TILE // ZCHUNK):
        r = s_id * ROWS_PER_TILE + j * ZCHUNK
        pltpu.sync_copy(acc.at[pl.ds(r, ZCHUNK), :],
                        out_hbm.at[pl.ds(g * N_PTS + r, ZCHUNK), :])

    @pl.when(s_id == NTILES - 1)
    def _read_tail():
        r = NTILES * ROWS_PER_TILE
        pltpu.sync_copy(acc.at[pl.ds(r, EXTRA_ROWS), :],
                        out_hbm.at[pl.ds(g * N_PTS + r, EXTRA_ROWS), :])

    plsc.subcore_barrier()


def _sc_body(a_hbm, vg_hbm, key_hbm, qry_hbm, out_hbm,
             kqb, qb, aib, vib, arows, vrows, contrib, zbuf, acc,
             sem_a, sem_v):
    s_id = lax.axis_index("s")
    c_id = lax.axis_index("c")

    z16 = jnp.zeros((16,), jnp.float32)

    def zrow(i, carry):
        for j in range(4):
            zbuf[i, pl.ds(16 * j, 16)] = z16
        return carry

    lax.fori_loop(0, ZCHUNK, zrow, 0)

    for p in range(2):
        for cv in range(2):
            gid = 2 * p + cv

            @pl.when(c_id == cv)
            def _run(gid=gid):
                _sc_pass(gid, s_id, a_hbm, vg_hbm, key_hbm, qry_hbm, out_hbm,
                         kqb, qb, aib, vib, arows, vrows, contrib, zbuf, acc,
                         sem_a, sem_v)


def kernel(points, feats, kq_key, kq_query, mlp1_w, bn1_g, bn1_b, mlp2_w,
           bn2_g, bn2_b, mlp3_w, mlp3_b, q_w, q_b, v_w, v_b, out_w, out_b,
           inter_pos_enc):
    f32 = jnp.float32
    g1 = bn1_g.reshape(1, 3)
    b1 = bn1_b.reshape(1, 3)
    g2 = bn2_g.reshape(1, IN_C)
    b2 = bn2_b.reshape(1, IN_C)
    b3 = mlp3_b.reshape(1, IN_C)
    qb2 = q_b.reshape(1, OUT_C)
    vb2 = v_b.reshape(1, OUT_C)
    ob2 = out_b.reshape(1, OUT_C)
    pe = inter_pos_enc
    pen = pe / jnp.maximum(
        jnp.sqrt(jnp.sum(pe * pe, axis=-1, keepdims=True)), 1e-12)
    kk, hh, cc = jnp.meshgrid(jnp.arange(KV), jnp.arange(H), jnp.arange(AC),
                              indexing="ij")
    w2p = jnp.zeros((OUT_C, KV * 16), f32).at[
        (hh * AC + cc).ravel(), (kk * 16 + hh).ravel()].set(pen.ravel())
    hm = (jnp.arange(OUT_C)[:, None] // AC
          == jnp.arange(H)[None, :]).astype(f32)
    hmt = hm.T
    pad = M_PAD - M_PAIRS
    kq_key_p = jnp.concatenate([kq_key, jnp.zeros((pad,), jnp.int32)])
    kq_query_p = jnp.concatenate(
        [kq_query, jnp.full((pad,), N_PTS, jnp.int32)])

    h1_n, scale2, shift2 = pl.pallas_call(
        _k1_body,
        out_shape=(
            jax.ShapeDtypeStruct((N_PTS, 3), f32),
            jax.ShapeDtypeStruct((1, IN_C), f32),
            jax.ShapeDtypeStruct((1, IN_C), f32),
        ),
    )(points, mlp1_w, g1, b1, mlp2_w, g2, b2)

    NB = 2000
    grid = (N_PTS // NB,)
    a2, vg = pl.pallas_call(
        _k2_body,
        grid=grid,
        in_specs=[
            pl.BlockSpec((NB, 3), lambda i: (i, 0)),
            pl.BlockSpec((NB, IN_C), lambda i: (i, 0)),
            pl.BlockSpec((1, IN_C), lambda i: (0, 0)),
            pl.BlockSpec((1, IN_C), lambda i: (0, 0)),
            pl.BlockSpec((3, IN_C), lambda i: (0, 0)),
            pl.BlockSpec((IN_C, IN_C), lambda i: (0, 0)),
            pl.BlockSpec((1, IN_C), lambda i: (0, 0)),
            pl.BlockSpec((IN_C, OUT_C), lambda i: (0, 0)),
            pl.BlockSpec((1, OUT_C), lambda i: (0, 0)),
            pl.BlockSpec((IN_C, OUT_C), lambda i: (0, 0)),
            pl.BlockSpec((1, OUT_C), lambda i: (0, 0)),
            pl.BlockSpec((OUT_C, KV * 16), lambda i: (0, 0)),
            pl.BlockSpec((OUT_C, H), lambda i: (0, 0)),
            pl.BlockSpec((H, OUT_C), lambda i: (0, 0)),
        ],
        out_specs=(
            pl.BlockSpec((NB, KV * 16), lambda i: (i, 0)),
            pl.BlockSpec((4, NB, 64), lambda i: (0, i, 0)),
        ),
        out_shape=(
            jax.ShapeDtypeStruct((N_PTS, KV * 16), f32),
            jax.ShapeDtypeStruct((4, N_PTS, 64), f32),
        ),
    )(h1_n, feats, scale2, shift2, mlp2_w, mlp3_w, b3, q_w, qb2, v_w, vb2,
      w2p, hm, hmt)

    a_pad = a2.reshape(N_PTS * KV, 16)
    vg_flat = vg.reshape(4 * N_PTS, 64)

    mesh = plsc.VectorSubcoreMesh(core_axis_name="c", subcore_axis_name="s")
    sc_fn = pl.kernel(
        _sc_body,
        out_type=jax.ShapeDtypeStruct((4 * N_PTS, 64), f32),
        mesh=mesh,
        scratch_types=[
            pltpu.VMEM((BATCH,), jnp.int32),
            pltpu.VMEM((BATCH,), jnp.int32),
            pltpu.VMEM((BATCH,), jnp.int32),
            pltpu.VMEM((BATCH,), jnp.int32),
            pltpu.VMEM((BATCH, 16), f32),
            pltpu.VMEM((BATCH, 64), f32),
            pltpu.VMEM((BATCH, 64), f32),
            pltpu.VMEM((ZCHUNK, 64), f32),
            pltpu.VMEM_SHARED((ACC_ROWS, 64), f32),
            pltpu.SemaphoreType.DMA,
            pltpu.SemaphoreType.DMA,
        ],
        compiler_params=pltpu.CompilerParams(use_tc_tiling_on_sc=False),
    )
    out_sc = sc_fn(a_pad, vg_flat, kq_key_p, kq_query_p)

    of = out_sc.reshape(4, N_PTS, 64)
    out = pl.pallas_call(
        _k4_body,
        grid=grid,
        in_specs=[
            pl.BlockSpec((4, NB, 64), lambda i: (0, i, 0)),
            pl.BlockSpec((OUT_C, OUT_C), lambda i: (0, 0)),
            pl.BlockSpec((1, OUT_C), lambda i: (0, 0)),
        ],
        out_specs=pl.BlockSpec((NB, OUT_C), lambda i: (i, 0)),
        out_shape=jax.ShapeDtypeStruct((N_PTS, OUT_C), f32),
    )(of, out_w, ob2)
    return out

# --- scband reference (transcript-rebuilt; emitter-appended) ---
"""Pipeline reference for scband-fast-point-transformer-layer-64665027608654 (READ-ONLY COPY).

The authoritative reference and input builder live on the scoring server;
editing this copy changes nothing except your own understanding.
"""

import jax, jax.numpy as jnp
import numpy as np

N = 20000      # number of points (sparse voxels)
M = 320000     # number of key-query pairs (~16 neighbors/point)
IN_C = 256
OUT_C = 256
H = 8          # num_heads
AC = OUT_C // H  # attn_channels = 32
KV = 27        # kernel_volume = 3^3
DIM = 3
EPS = 1e-5


def _bn(x, g, b):
    # BatchNorm1d forward with batch statistics (training-mode forward)
    mu = jnp.mean(x, axis=0)
    var = jnp.var(x, axis=0)
    return (x - mu) / jnp.sqrt(var + EPS) * g + b


def _l2norm(x):
    # F.normalize(p=2, dim=-1)
    n = jnp.sqrt(jnp.sum(x * x, axis=-1, keepdims=True))
    return x / jnp.maximum(n, 1e-12)


def setup_inputs(seed: int = 0) -> dict:
    key = jax.random.key(seed)
    ks = jax.random.split(key, 16)
    inp = {
        "points": jax.random.normal(ks[0], (N, DIM), dtype=jnp.float32),
        "feats": jax.random.normal(ks[1], (N, IN_C), dtype=jnp.float32),
        "kq_key": jax.random.randint(ks[2], (M,), 0, N * KV, dtype=jnp.int32),
        "kq_query": jax.random.randint(ks[3], (M,), 0, N, dtype=jnp.int32),
        # intra_pos_mlp: Linear(3,3,bias=False) BN ReLU Linear(3,256,bias=False) BN ReLU Linear(256,256)
        "mlp1_w": jax.random.normal(ks[4], (DIM, DIM), dtype=jnp.float32) * 0.5,
        "bn1_g": jnp.ones((DIM,), dtype=jnp.float32),
        "bn1_b": jnp.zeros((DIM,), dtype=jnp.float32),
        "mlp2_w": jax.random.normal(ks[5], (DIM, IN_C), dtype=jnp.float32) * 0.1,
        "bn2_g": jnp.ones((IN_C,), dtype=jnp.float32),
        "bn2_b": jnp.zeros((IN_C,), dtype=jnp.float32),
        "mlp3_w": jax.random.normal(ks[6], (IN_C, IN_C), dtype=jnp.float32) * 0.05,
        "mlp3_b": jnp.zeros((IN_C,), dtype=jnp.float32),
        # to_query / to_value: 1x1 MinkowskiConvolution == per-point Linear
        "q_w": jax.random.normal(ks[7], (IN_C, OUT_C), dtype=jnp.float32) * 0.05,
        "q_b": jnp.zeros((OUT_C,), dtype=jnp.float32),
        "v_w": jax.random.normal(ks[8], (IN_C, OUT_C), dtype=jnp.float32) * 0.05,
        "v_b": jnp.zeros((OUT_C,), dtype=jnp.float32),
        "out_w": jax.random.normal(ks[9], (OUT_C, OUT_C), dtype=jnp.float32) * 0.05,
        "out_b": jnp.zeros((OUT_C,), dtype=jnp.float32),
        "inter_pos_enc": jax.random.normal(ks[10], (KV, H, AC), dtype=jnp.float32),
    }
    return inp


def reference(points, feats, kq_key, kq_query, mlp1_w, bn1_g, bn1_b, mlp2_w,
              bn2_g, bn2_b, mlp3_w, mlp3_b, q_w, q_b, v_w, v_b, out_w, out_b,
              inter_pos_enc):
    # intra positional encoding MLP
    ipe = points @ mlp1_w
    ipe = jax.nn.relu(_bn(ipe, bn1_g, bn1_b))
    ipe = ipe @ mlp2_w
    ipe = jax.nn.relu(_bn(ipe, bn2_g, bn2_b))
    ipe = ipe @ mlp3_w + mlp3_b
    x = feats + ipe
    # to_query / to_value (1x1 conv == linear), reshape to heads
    q = (x @ q_w + q_b).reshape(N, H, AC)
    v = (x @ v_w + v_b).reshape(N, H, AC)
    norm_q = _l2norm(q)
    norm_pos = _l2norm(inter_pos_enc)
    # dot_product_cuda: attn[m,h] = sum_c norm_q[kq_map[1,m],h,c] * norm_pos[kq_map[0,m] % KV, h, c]
    kernel_idx = kq_key % KV
    attn = jnp.sum(norm_q[kq_query] * norm_pos[kernel_idx], axis=-1)  # [M, H]
    # scalar_attention_cuda: out_F[kq_indices[1,m]] += attn[m] * v[kq_indices[0,m]]
    key_idx = kq_key // KV
    contrib = attn[:, :, None] * v[key_idx]  # [M, H, AC]
    out_F = jnp.zeros((N, H, AC), dtype=jnp.float32).at[kq_query].add(contrib)
    # to_out linear
    out = out_F.reshape(N, OUT_C) @ out_w + out_b
    return out

if __name__ == "__main__":
    import jax
    _d = setup_inputs()
    print(jax.jit(kernel)(*tuple(_d.values())))

</pallas_src>

<mosaic_0001>
#map = affine_map<(d0, d1) -> (0, 0)>
#map1 = affine_map<(d0, d1) -> (0)>
module attributes {stable_mosaic.version = 14 : i64} {
  func.func @_sc_body(%arg0: i32, %arg1: i32, %arg2: memref<540000x16xf32, #tpu.memory_space<hbm>>, %arg3: memref<80000x64xf32, #tpu.memory_space<hbm>>, %arg4: memref<321536xi32, #tpu.memory_space<hbm>>, %arg5: memref<321536xi32, #tpu.memory_space<hbm>>, %arg6: memref<80000x64xf32, #tpu.memory_space<hbm>>, %arg7: memref<128xi32, #tpu.memory_space<vmem>>, %arg8: memref<128xi32, #tpu.memory_space<vmem>>, %arg9: memref<128xi32, #tpu.memory_space<vmem>>, %arg10: memref<128xi32, #tpu.memory_space<vmem>>, %arg11: memref<128x16xf32, #tpu.memory_space<vmem>>, %arg12: memref<128x64xf32, #tpu.memory_space<vmem>>, %arg13: memref<128x64xf32, #tpu.memory_space<vmem>>, %arg14: memref<208x64xf32, #tpu.memory_space<vmem>>, %arg15: memref<20016x64xf32, #tpu.memory_space<vmem_shared>>, %arg16: memref<!tpu.dma_semaphore, #tpu.memory_space<semaphore_mem>>, %arg17: memref<!tpu.dma_semaphore, #tpu.memory_space<semaphore_mem>>) attributes {dimension_semantics = [#tpu.dimension_semantics<core_parallel>, #tpu.dimension_semantics<subcore_parallel>], iteration_bounds = array<i64: 2, 16>, scalar_prefetch = 0 : i64, scratch_operands = 11 : i64, tpu.core_type = #tpu.core_type<sc_vector_subcore>, window_params = [{transform_indices = #map}, {transform_indices = #map}, {transform_indices = #map1}, {transform_indices = #map1}, {transform_indices = #map}]} {
    %broadcast_in_dim3A = arith.constant 0.000000e+00 : f32
    %broadcast_in_dim3A_0 = vector.broadcast %broadcast_in_dim3A : f32 to vector<16xf32>
    %scan3A = arith.constant 0 : i32
    %scan3A_1 = arith.constant 0 : i32
    %scan3A_2 = arith.constant 208 : i32
    %scan3A_3 = arith.addi %scan3A_1, %scan3A_2 : i32
    %scan3A_4 = arith.constant 1 : i32
    scf.for %scan3A_23 = %scan3A_1 to %scan3A_3 step %scan3A_4  : i32 {
      %swap3A = arith.index_cast %scan3A_23 : i32 to index
      %swap3A_24 = arith.constant 0 : index
      %swap3A_25 = tpu.vector_load %arg14[%swap3A, %swap3A_24] {strides = array<i32>} : memref<208x64xf32, #tpu.memory_space<vmem>>, vector<1x16xf32>,
      %swap3A_26 = vector.shape_cast %swap3A_25 : vector<1x16xf32> to vector<16xf32>
      %swap3A_27 = vector.shape_cast %broadcast_in_dim3A_0 : vector<16xf32> to vector<1x16xf32>
      tpu.vector_store %arg14[%swap3A, %swap3A_24], %swap3A_27 {strides = array<i32>} : memref<208x64xf32, #tpu.memory_space<vmem>>, vector<1x16xf32>,
      %swap3A_28 = arith.index_cast %scan3A_23 : i32 to index
      %swap3A_29 = arith.constant 16 : index
      %swap3A_30 = tpu.vector_load %arg14[%swap3A_28, %swap3A_29] {strides = array<i32>} : memref<208x64xf32, #tpu.memory_space<vmem>>, vector<1x16xf32>,
      %swap3A_31 = vector.shape_cast %swap3A_30 : vector<1x16xf32> to vector<16xf32>
      %swap3A_32 = vector.shape_cast %broadcast_in_dim3A_0 : vector<16xf32> to vector<1x16xf32>
      tpu.vector_store %arg14[%swap3A_28, %swap3A_29], %swap3A_32 {strides = array<i32>} : memref<208x64xf32, #tpu.memory_space<vmem>>, vector<1x16xf32>,
      %swap3A_33 = arith.index_cast %scan3A_23 : i32 to index
      %swap3A_34 = arith.constant 32 : index
      %swap3A_35 = tpu.vector_load %arg14[%swap3A_33, %swap3A_34] {strides = array<i32>} : memref<208x64xf32, #tpu.memory_space<vmem>>, vector<1x16xf32>,
      %swap3A_36 = vector.shape_cast %swap3A_35 : vector<1x16xf32> to vector<16xf32>
      %swap3A_37 = vector.shape_cast %broadcast_in_dim3A_0 : vector<16xf32> to vector<1x16xf32>
      tpu.vector_store %arg14[%swap3A_33, %swap3A_34], %swap3A_37 {strides = array<i32>} : memref<208x64xf32, #tpu.memory_space<vmem>>, vector<1x16xf32>,
      %swap3A_38 = arith.index_cast %scan3A_23 : i32 to index
      %swap3A_39 = arith.constant 48 : index
      %swap3A_40 = tpu.vector_load %arg14[%swap3A_38, %swap3A_39] {strides = array<i32>} : memref<208x64xf32, #tpu.memory_space<vmem>>, vector<1x16xf32>,
      %swap3A_41 = vector.shape_cast %swap3A_40 : vector<1x16xf32> to vector<16xf32>
      %swap3A_42 = vector.shape_cast %broadcast_in_dim3A_0 : vector<16xf32> to vector<1x16xf32>
      tpu.vector_store %arg14[%swap3A_38, %swap3A_39], %swap3A_42 {strides = array<i32>} : memref<208x64xf32, #tpu.memory_space<vmem>>, vector<1x16xf32>,
    }
    %scan3A_5 = arith.constant 208 : i32
    %eq3A = arith.constant 0 : i32
    %eq3A_6 = arith.cmpi eq, %arg0, %eq3A : i32
    %convert_element_type3A = arith.extui %eq3A_6 : i1 to i32
    %cond3A = arith.constant 0 : i32
    %cond3A_7 = arith.cmpi ne, %convert_element_type3A, %cond3A : i32
    scf.if %cond3A_7 {
      %mul3A = arith.constant 1248 : i32
      %mul3A_23 = arith.muli %arg1, %mul3A : i32
      %add3A = arith.constant 0 : i32
      %add3A_24 = arith.addi %mul3A_23, %add3A : i32
      "tpu.region"() ({
        %run_scoped3A = tpu.sem_alloc : memref<!tpu.dma_semaphore, #tpu.memory_space<semaphore_mem>>
        %dma_start3A = arith.constant 0 : i32
        %dma_start3A_101 = tpu.memref_slice %arg15[%add3A_24, %dma_start3A] : memref<20016x64xf32, #tpu.memory_space<vmem_shared>> -> memref<208x64xf32, #tpu.memory_space<vmem_shared>>
        %dma_start3A_102 = arith.constant 0 : i32
        %dma_start3A_103 = tpu.memref_slice %arg15[%add3A_24, %dma_start3A_102] : memref<20016x64xf32, #tpu.memory_space<vmem_shared>> -> memref<208x64xf32, #tpu.memory_space<vmem_shared>>
        tpu.enqueue_dma source(%arg14 : memref<208x64xf32, #tpu.memory_space<vmem>>) target(%dma_start3A_103 : memref<208x64xf32, #tpu.memory_space<vmem_shared>>) target_semaphore(%run_scoped3A : memref<!tpu.dma_semaphore, #tpu.memory_space<semaphore_mem>>)
        %dma_wait3A = arith.constant 0 : i32
        %dma_wait3A_104 = tpu.memref_slice %arg15[%add3A_24, %dma_wait3A] : memref<20016x64xf32, #tpu.memory_space<vmem_shared>> -> memref<208x64xf32, #tpu.memory_space<vmem_shared>>
        %dma_wait3A_105 = arith.constant 0 : i32
        %dma_wait3A_106 = tpu.memref_slice %arg15[%add3A_24, %dma_wait3A_105] : memref<20016x64xf32, #tpu.memory_space<vmem_shared>> -> memref<208x64xf32, #tpu.memory_space<vmem_shared>>
        tpu.wait_dma2 semaphore(%run_scoped3A : memref<!tpu.dma_semaphore, #tpu.memory_space<semaphore_mem>>) src(%arg14 : memref<208x64xf32, #tpu.memory_space<vmem>>) dst(%dma_wait3A_106 : memref<208x64xf32, #tpu.memory_space<vmem_shared>>)
        tpu.yield
      }) : () -> ()
      %mul3A_25 = arith.constant 1248 : i32
      %mul3A_26 = arith.muli %arg1, %mul3A_25 : i32
      %add3A_27 = arith.constant 208 : i32
      %add3A_28 = arith.addi %mul3A_26, %add3A_27 : i32
      "tpu.region"() ({
        %run_scoped3A = tpu.sem_alloc : memref<!tpu.dma_semaphore, #tpu.memory_space<semaphore_mem>>
        %dma_start3A = arith.constant 0 : i32
        %dma_start3A_101 = tpu.memref_slice %arg15[%add3A_28, %dma_start3A] : memref<20016x64xf32, #tpu.memory_space<vmem_shared>> -> memref<208x64xf32, #tpu.memory_space<vmem_shared>>
        %dma_start3A_102 = arith.constant 0 : i32
        %dma_start3A_103 = tpu.memref_slice %arg15[%add3A_28, %dma_start3A_102] : memref<20016x64xf32, #tpu.memory_space<vmem_shared>> -> memref<208x64xf32, #tpu.memory_space<vmem_shared>>
        tpu.enqueue_dma source(%arg14 : memref<208x64xf32, #tpu.memory_space<vmem>>) target(%dma_start3A_103 : memref<208x64xf32, #tpu.memory_space<vmem_shared>>) target_semaphore(%run_scoped3A : memref<!tpu.dma_semaphore, #tpu.memory_space<semaphore_mem>>)
        %dma_wait3A = arith.constant 0 : i32
        %dma_wait3A_104 = tpu.memref_slice %arg15[%add3A_28, %dma_wait3A] : memref<20016x64xf32, #tpu.memory_space<vmem_shared>> -> memref<208x64xf32, #tpu.memory_space<vmem_shared>>
        %dma_wait3A_105 = arith.constant 0 : i32
        %dma_wait3A_106 = tpu.memref_slice %arg15[%add3A_28, %dma_wait3A_105] : memref<20016x64xf32, #tpu.memory_space<vmem_shared>> -> memref<208x64xf32, #tpu.memory_space<vmem_shared>>
        tpu.wait_dma2 semaphore(%run_scoped3A : memref<!tpu.dma_semaphore, #tpu.memory_space<semaphore_mem>>) src(%arg14 : memref<208x64xf32, #tpu.memory_space<vmem>>) dst(%dma_wait3A_106 : memref<208x64xf32, #tpu.memory_space<vmem_shared>>)
        tpu.yield
      }) : () -> ()
      %mul3A_29 = arith.constant 1248 : i32
      %mul3A_30 = arith.muli %arg1, %mul3A_29 : i32
      %add3A_31 = arith.constant 416 : i32
      %add3A_32 = arith.addi %mul3A_30, %add3A_31 : i32
      "tpu.region"() ({
        %run_scoped3A = tpu.sem_alloc : memref<!tpu.dma_semaphore, #tpu.memory_space<semaphore_mem>>
        %dma_start3A = arith.constant 0 : i32
        %dma_start3A_101 = tpu.memref_slice %arg15[%add3A_32, %dma_start3A] : memref<20016x64xf32, #tpu.memory_space<vmem_shared>> -> memref<208x64xf32, #tpu.memory_space<vmem_shared>>
        %dma_start3A_102 = arith.constant 0 : i32
        %dma_start3A_103 = tpu.memref_slice %arg15[%add3A_32, %dma_start3A_102] : memref<20016x64xf32, #tpu.memory_space<vmem_shared>> -> memref<208x64xf32, #tpu.memory_space<vmem_shared>>
        tpu.enqueue_dma source(%arg14 : memref<208x64xf32, #tpu.memory_space<vmem>>) target(%dma_start3A_103 : memref<208x64xf32, #tpu.memory_space<vmem_shared>>) target_semaphore(%run_scoped3A : memref<!tpu.dma_semaphore, #tpu.memory_space<semaphore_mem>>)
        %dma_wait3A = arith.constant 0 : i32
        %dma_wait3A_104 = tpu.memref_slice %arg15[%add3A_32, %dma_wait3A] : memref<20016x64xf32, #tpu.memory_space<vmem_shared>> -> memref<208x64xf32, #tpu.memory_space<vmem_shared>>
        %dma_wait3A_105 = arith.constant 0 : i32
        %dma_wait3A_106 = tpu.memref_slice %arg15[%add3A_32, %dma_wait3A_105] : memref<20016x64xf32, #tpu.memory_space<vmem_shared>> -> memref<208x64xf32, #tpu.memory_space<vmem_shared>>
        tpu.wait_dma2 semaphore(%run_scoped3A : memref<!tpu.dma_semaphore, #tpu.memory_space<semaphore_mem>>) src(%arg14 : memref<208x64xf32, #tpu.memory_space<vmem>>) dst(%dma_wait3A_106 : memref<208x64xf32, #tpu.memory_space<vmem_shared>>)
        tpu.yield
      }) : () -> ()
      %mul3A_33 = arith.constant 1248 : i32
      %mul3A_34 = arith.muli %arg1, %mul3A_33 : i32
      %add3A_35 = arith.constant 624 : i32
      %add3A_36 = arith.addi %mul3A_34, %add3A_35 : i32
      "tpu.region"() ({
        %run_scoped3A = tpu.sem_alloc : memref<!tpu.dma_semaphore, #tpu.memory_space<semaphore_mem>>
        %dma_start3A = arith.constant 0 : i32
        %dma_start3A_101 = tpu.memref_slice %arg15[%add3A_36, %dma_start3A] : memref<20016x64xf32, #tpu.memory_space<vmem_shared>> -> memref<208x64xf32, #tpu.memory_space<vmem_shared>>
        %dma_start3A_102 = arith.constant 0 : i32
        %dma_start3A_103 = tpu.memref_slice %arg15[%add3A_36, %dma_start3A_102] : memref<20016x64xf32, #tpu.memory_space<vmem_shared>> -> memref<208x64xf32, #tpu.memory_space<vmem_shared>>
        tpu.enqueue_dma source(%arg14 : memref<208x64xf32, #tpu.memory_space<vmem>>) target(%dma_start3A_103 : memref<208x64xf32, #tpu.memory_space<vmem_shared>>) target_semaphore(%run_scoped3A : memref<!tpu.dma_semaphore, #tpu.memory_space<semaphore_mem>>)
        %dma_wait3A = arith.constant 0 : i32
        %dma_wait3A_104 = tpu.memref_slice %arg15[%add3A_36, %dma_wait3A] : memref<20016x64xf32, #tpu.memory_space<vmem_shared>> -> memref<208x64xf32, #tpu.memory_space<vmem_shared>>
        %dma_wait3A_105 = arith.constant 0 : i32
        %dma_wait3A_106 = tpu.memref_slice %arg15[%add3A_36, %dma_wait3A_105] : memref<20016x64xf32, #tpu.memory_space<vmem_shared>> -> memref<208x64xf32, #tpu.memory_space<vmem_shared>>
        tpu.wait_dma2 semaphore(%run_scoped3A : memref<!tpu.dma_semaphore, #tpu.memory_space<semaphore_mem>>) src(%arg14 : memref<208x64xf32, #tpu.memory_space<vmem>>) dst(%dma_wait3A_106 : memref<208x64xf32, #tpu.memory_space<vmem_shared>>)
        tpu.yield
      }) : () -> ()
      %mul3A_37 = arith.constant 1248 : i32
      %mul3A_38 = arith.muli %arg1, %mul3A_37 : i32
      %add3A_39 = arith.constant 832 : i32
      %add3A_40 = arith.addi %mul3A_38, %add3A_39 : i32
      "tpu.region"() ({
        %run_scoped3A = tpu.sem_alloc : memref<!tpu.dma_semaphore, #tpu.memory_space<semaphore_mem>>
        %dma_start3A = arith.constant 0 : i32
        %dma_start3A_101 = tpu.memref_slice %arg15[%add3A_40, %dma_start3A] : memref<20016x64xf32, #tpu.memory_space<vmem_shared>> -> memref<208x64xf32, #tpu.memory_space<vmem_shared>>
        %dma_start3A_102 = arith.constant 0 : i32
        %dma_start3A_103 = tpu.memref_slice %arg15[%add3A_40, %dma_start3A_102] : memref<20016x64xf32, #tpu.memory_space<vmem_shared>> -> memref<208x64xf32, #tpu.memory_space<vmem_shared>>
        tpu.enqueue_dma source(%arg14 : memref<208x64xf32, #tpu.memory_space<vmem>>) target(%dma_start3A_103 : memref<208x64xf32, #tpu.memory_space<vmem_shared>>) target_semaphore(%run_scoped3A : memref<!tpu.dma_semaphore, #tpu.memory_space<semaphore_mem>>)
        %dma_wait3A = arith.constant 0 : i32
        %dma_wait3A_104 = tpu.memref_slice %arg15[%add3A_40, %dma_wait3A] : memref<20016x64xf32, #tpu.memory_space<vmem_shared>> -> memref<208x64xf32, #tpu.memory_space<vmem_shared>>
        %dma_wait3A_105 = arith.constant 0 : i32
        %dma_wait3A_106 = tpu.memref_slice %arg15[%add3A_40, %dma_wait3A_105] : memref<20016x64xf32, #tpu.memory_space<vmem_shared>> -> memref<208x64xf32, #tpu.memory_space<vmem_shared>>
        tpu.wait_dma2 semaphore(%run_scoped3A : memref<!tpu.dma_semaphore, #tpu.memory_space<semaphore_mem>>) src(%arg14 : memref<208x64xf32, #tpu.memory_space<vmem>>) dst(%dma_wait3A_106 : memref<208x64xf32, #tpu.memory_space<vmem_shared>>)
        tpu.yield
      }) : () -> ()
      %mul3A_41 = arith.constant 1248 : i32
      %mul3A_42 = arith.muli %arg1, %mul3A_41 : i32
      %add3A_43 = arith.constant 1040 : i32
      %add3A_44 = arith.addi %mul3A_42, %add3A_43 : i32
      "tpu.region"() ({
        %run_scoped3A = tpu.sem_alloc : memref<!tpu.dma_semaphore, #tpu.memory_space<semaphore_mem>>
        %dma_start3A = arith.constant 0 : i32
        %dma_start3A_101 = tpu.memref_slice %arg15[%add3A_44, %dma_start3A] : memref<20016x64xf32, #tpu.memory_space<vmem_shared>> -> memref<208x64xf32, #tpu.memory_space<vmem_shared>>
        %dma_start3A_102 = arith.constant 0 : i32
        %dma_start3A_103 = tpu.memref_slice %arg15[%add3A_44, %dma_start3A_102] : memref<20016x64xf32, #tpu.memory_space<vmem_shared>> -> memref<208x64xf32, #tpu.memory_space<vmem_shared>>
        tpu.enqueue_dma source(%arg14 : memref<208x64xf32, #tpu.memory_space<vmem>>) target(%dma_start3A_103 : memref<208x64xf32, #tpu.memory_space<vmem_shared>>) target_semaphore(%run_scoped3A : memref<!tpu.dma_semaphore, #tpu.memory_space<semaphore_mem>>)
        %dma_wait3A = arith.constant 0 : i32
        %dma_wait3A_104 = tpu.memref_slice %arg15[%add3A_44, %dma_wait3A] : memref<20016x64xf32, #tpu.memory_space<vmem_shared>> -> memref<208x64xf32, #tpu.memory_space<vmem_shared>>
        %dma_wait3A_105 = arith.constant 0 : i32
        %dma_wait3A_106 = tpu.memref_slice %arg15[%add3A_44, %dma_wait3A_105] : memref<20016x64xf32, #tpu.memory_space<vmem_shared>> -> memref<208x64xf32, #tpu.memory_space<vmem_shared>>
        tpu.wait_dma2 semaphore(%run_scoped3A : memref<!tpu.dma_semaphore, #tpu.memory_space<semaphore_mem>>) src(%arg14 : memref<208x64xf32, #tpu.memory_space<vmem>>) dst(%dma_wait3A_106 : memref<208x64xf32, #tpu.memory_space<vmem_shared>>)
        tpu.yield
      }) : () -> ()
      %eq3A_45 = arith.constant 15 : i32
      %eq3A_46 = arith.cmpi eq, %arg1, %eq3A_45 : i32
      %convert_element_type3A_47 = arith.extui %eq3A_46 : i1 to i32
      %cond3A_48 = arith.constant 0 : i32
      %cond3A_49 = arith.cmpi ne, %convert_element_type3A_47, %cond3A_48 : i32
      scf.if %cond3A_49 {
        "tpu.region"() ({
          %run_scoped3A = tpu.sem_alloc : memref<!tpu.dma_semaphore, #tpu.memory_space<semaphore_mem>>
          %dma_start3A = arith.constant 0 : i32
          %dma_start3A_101 = arith.constant 0 : i32
          %dma_start3A_102 = tpu.memref_slice %arg14[%dma_start3A, %dma_start3A_101] : memref<208x64xf32, #tpu.memory_space<vmem>> -> memref<32x64xf32, #tpu.memory_space<vmem>>
          %dma_start3A_103 = arith.constant 19968 : i32
          %dma_start3A_104 = arith.constant 0 : i32
          %dma_start3A_105 = tpu.memref_slice %arg15[%dma_start3A_103, %dma_start3A_104] : memref<20016x64xf32, #tpu.memory_space<vmem_shared>> -> memref<32x64xf32, #tpu.memory_space<vmem_shared>>
          %dma_start3A_106 = arith.constant 19968 : i32
          %dma_start3A_107 = arith.constant 0 : i32
          %dma_start3A_108 = tpu.memref_slice %arg15[%dma_start3A_106, %dma_start3A_107] : memref<20016x64xf32, #tpu.memory_space<vmem_shared>> -> memref<32x64xf32, #tpu.memory_space<vmem_shared>>
          %dma_start3A_109 = arith.constant 0 : i32
          %dma_start3A_110 = arith.constant 0 : i32
          %dma_start3A_111 = tpu.memref_slice %arg14[%dma_start3A_109, %dma_start3A_110] : memref<208x64xf32, #tpu.memory_space<vmem>> -> memref<32x64xf32, #tpu.memory_space<vmem>>
          tpu.enqueue_dma source(%dma_start3A_111 : memref<32x64xf32, #tpu.memory_space<vmem>>) target(%dma_start3A_108 : memref<32x64xf32, #tpu.memory_space<vmem_shared>>) target_semaphore(%run_scoped3A : memref<!tpu.dma_semaphore, #tpu.memory_space<semaphore_mem>>)
          %dma_wait3A = arith.constant 0 : i32
          %dma_wait3A_112 = arith.constant 0 : i32
          %dma_wait3A_113 = tpu.memref_slice %arg14[%dma_wait3A, %dma_wait3A_112] : memref<208x64xf32, #tpu.memory_space<vmem>> -> memref<32x64xf32, #tpu.memory_space<vmem>>
          %dma_wait3A_114 = arith.constant 19968 : i32
          %dma_wait3A_115 = arith.constant 0 : i32
          %dma_wait3A_116 = tpu.memref_slice %arg15[%dma_wait3A_114, %dma_wait3A_115] : memref<20016x64xf32, #tpu.memory_space<vmem_shared>> -> memref<32x64xf32, #tpu.memory_space<vmem_shared>>
          %dma_wait3A_117 = arith.constant 19968 : i32
          %dma_wait3A_118 = arith.constant 0 : i32
          %dma_wait3A_119 = tpu.memref_slice %arg15[%dma_wait3A_117, %dma_wait3A_118] : memref<20016x64xf32, #tpu.memory_space<vmem_shared>> -> memref<32x64xf32, #tpu.memory_space<vmem_shared>>
          %dma_wait3A_120 = arith.constant 0 : i32
          %dma_wait3A_121 = arith.constant 0 : i32
          %dma_wait3A_122 = tpu.memref_slice %arg14[%dma_wait3A_120, %dma_wait3A_121] : memref<208x64xf32, #tpu.memory_space<vmem>> -> memref<32x64xf32, #tpu.memory_space<vmem>>
          tpu.wait_dma2 semaphore(%run_scoped3A : memref<!tpu.dma_semaphore, #tpu.memory_space<semaphore_mem>>) src(%dma_wait3A_122 : memref<32x64xf32, #tpu.memory_space<vmem>>) dst(%dma_wait3A_119 : memref<32x64xf32, #tpu.memory_space<vmem_shared>>)
          tpu.yield
        }) : () -> ()
      } else {
      }
      %barrier3A = arith.constant 0 : index
      tpu.barrier barrier_id(%barrier3A)
      %mul3A_50 = arith.constant 20096 : i32
      %mul3A_51 = arith.muli %arg1, %mul3A_50 : i32
      %scan3A_52 = arith.constant 0 : i32
      %scan3A_53 = arith.constant 0 : i32
      %scan3A_54 = arith.constant 157 : i32
      %scan3A_55 = arith.addi %scan3A_53, %scan3A_54 : i32
      %scan3A_56 = arith.constant 1 : i32
      scf.for %scan3A_101 = %scan3A_53 to %scan3A_55 step %scan3A_56  : i32 {
        %mul3A_102 = arith.constant 128 : i32
        %mul3A_103 = arith.muli %scan3A_101, %mul3A_102 : i32
        %add3A_104 = arith.addi %mul3A_51, %mul3A_103 : i32
        "tpu.region"() ({
          %run_scoped3A = tpu.sem_alloc : memref<!tpu.dma_semaphore, #tpu.memory_space<semaphore_mem>>
          %dma_start3A_409 = tpu.memref_slice %arg4[%add3A_104] : memref<321536xi32, #tpu.memory_space<hbm>> -> memref<128xi32, #tpu.memory_space<hbm>>
          %dma_start3A_410 = tpu.memref_slice %arg4[%add3A_104] : memref<321536xi32, #tpu.memory_space<hbm>> -> memref<128xi32, #tpu.memory_space<hbm>>
          tpu.enqueue_dma source(%dma_start3A_410 : memref<128xi32, #tpu.memory_space<hbm>>) target(%arg7 : memref<128xi32, #tpu.memory_space<vmem>>) target_semaphore(%run_scoped3A : memref<!tpu.dma_semaphore, #tpu.memory_space<semaphore_mem>>)
          %dma_wait3A_411 = tpu.memref_slice %arg4[%add3A_104] : memref<321536xi32, #tpu.memory_space<hbm>> -> memref<128xi32, #tpu.memory_space<hbm>>
          %dma_wait3A_412 = tpu.memref_slice %arg4[%add3A_104] : memref<321536xi32, #tpu.memory_space<hbm>> -> memref<128xi32, #tpu.memory_space<hbm>>
          tpu.wait_dma2 semaphore(%run_scoped3A : memref<!tpu.dma_semaphore, #tpu.memory_space<semaphore_mem>>) src(%dma_wait3A_412 : memref<128xi32, #tpu.memory_space<hbm>>) dst(%arg7 : memref<128xi32, #tpu.memory_space<vmem>>)
          tpu.yield
        }) : () -> ()
        "tpu.region"() ({
          %run_scoped3A = tpu.sem_alloc : memref<!tpu.dma_semaphore, #tpu.memory_space<semaphore_mem>>
          %dma_start3A_409 = tpu.memref_slice %arg5[%add3A_104] : memref<321536xi32, #tpu.memory_space<hbm>> -> memref<128xi32, #tpu.memory_space<hbm>>
          %dma_start3A_410 = tpu.memref_slice %arg5[%add3A_104] : memref<321536xi32, #tpu.memory_space<hbm>> -> memref<128xi32, #tpu.memory_space<hbm>>
          tpu.enqueue_dma source(%dma_start3A_410 : memref<128xi32, #tpu.memory_space<hbm>>) target(%arg8 : memref<128xi32, #tpu.memory_space<vmem>>) target_semaphore(%run_scoped3A : memref<!tpu.dma_semaphore, #tpu.memory_space<semaphore_mem>>)
          %dma_wait3A_411 = tpu.memref_slice %arg5[%add3A_104] : memref<321536xi32, #tpu.memory_space<hbm>> -> memref<128xi32, #tpu.memory_space<hbm>>
          %dma_wait3A_412 = tpu.memref_slice %arg5[%add3A_104] : memref<321536xi32, #tpu.memory_space<hbm>> -> memref<128xi32, #tpu.memory_space<hbm>>
          tpu.wait_dma2 semaphore(%run_scoped3A : memref<!tpu.dma_semaphore, #tpu.memory_space<semaphore_mem>>) src(%dma_wait3A_412 : memref<128xi32, #tpu.memory_space<hbm>>) dst(%arg8 : memref<128xi32, #tpu.memory_space<vmem>>)
          tpu.yield
        }) : () -> ()
        %get3A = arith.constant 0 : index
        %get3A_105 = tpu.vector_load %arg7[%get3A] {strides = array<i32>} : memref<128xi32, #tpu.memory_space<vmem>>, vector<16xi32>,
        %get3A_106 = vector.shape_cast %get3A_105 : vector<16xi32> to vector<16xi32>
        %get3A_107 = arith.constant 0 : index
        %get3A_108 = tpu.vector_load %arg8[%get3A_107] {strides = array<i32>} : memref<128xi32, #tpu.memory_space<vmem>>, vector<16xi32>,
        %get3A_109 = vector.shape_cast %get3A_108 : vector<16xi32> to vector<16xi32>
        %convert_element_type3A_110 = arith.sitofp %get3A_106 : vector<16xi32> to vector<16xf32>
        %mul3A_111 = arith.constant 0.0370370373 : f32
        %mul3A_112 = vector.broadcast %mul3A_111 : f32 to vector<16xf32>
        %mul3A_113 = arith.mulf %convert_element_type3A_110, %mul3A_112 : vector<16xf32>
        %add3A_114 = arith.constant 0.00999999977 : f32
        %add3A_115 = vector.broadcast %add3A_114 : f32 to vector<16xf32>
        %add3A_116 = arith.addf %mul3A_113, %add3A_115 : vector<16xf32>
        %convert_element_type3A_117 = arith.fptosi %add3A_116 : vector<16xf32> to vector<16xi32>
        %mul3A_118 = arith.constant 27 : i32
        %mul3A_119 = vector.broadcast %mul3A_118 : i32 to vector<16xi32>
        %mul3A_120 = arith.muli %convert_element_type3A_117, %mul3A_119 : vector<16xi32>
        %sub3A = arith.subi %get3A_106, %mul3A_120 : vector<16xi32>
        %mul3A_121 = arith.constant 27 : i32
        %mul3A_122 = vector.broadcast %mul3A_121 : i32 to vector<16xi32>
        %mul3A_123 = arith.muli %get3A_109, %mul3A_122 : vector<16xi32>
        %add3A_124 = arith.addi %mul3A_123, %sub3A : vector<16xi32>
        %min3A = arith.constant 539999 : i32
        %min3A_125 = vector.broadcast %min3A : i32 to vector<16xi32>
        %min3A_126 = arith.minsi %add3A_124, %min3A_125 : vector<16xi32>
        %swap3A = arith.constant 0 : index
        %swap3A_127 = tpu.vector_load %arg9[%swap3A] {strides = array<i32>} : memref<128xi32, #tpu.memory_space<vmem>>, vector<16xi32>,
        %swap3A_128 = vector.shape_cast %swap3A_127 : vector<16xi32> to vector<16xi32>
        %swap3A_129 = vector.shape_cast %min3A_126 : vector<16xi32> to vector<16xi32>
        tpu.vector_store %arg9[%swap3A], %swap3A_129 {strides = array<i32>} : memref<128xi32, #tpu.memory_space<vmem>>, vector<16xi32>,
        %add3A_130 = arith.constant 0 : i32
        %add3A_131 = vector.broadcast %add3A_130 : i32 to vector<16xi32>
        %add3A_132 = arith.addi %convert_element_type3A_117, %add3A_131 : vector<16xi32>
        %swap3A_133 = arith.constant 0 : index
        %swap3A_134 = tpu.vector_load %arg10[%swap3A_133] {strides = array<i32>} : memref<128xi32, #tpu.memory_space<vmem>>, vector<16xi32>,
        %swap3A_135 = vector.shape_cast %swap3A_134 : vector<16xi32> to vector<16xi32>
        %swap3A_136 = vector.shape_cast %add3A_132 : vector<16xi32> to vector<16xi32>
        tpu.vector_store %arg10[%swap3A_133], %swap3A_136 {strides = array<i32>} : memref<128xi32, #tpu.memory_space<vmem>>, vector<16xi32>,
        %get3A_137 = arith.constant 16 : index
        %get3A_138 = tpu.vector_load %arg7[%get3A_137] {strides = array<i32>} : memref<128xi32, #tpu.memory_space<vmem>>, vector<16xi32>,
        %get3A_139 = vector.shape_cast %get3A_138 : vector<16xi32> to vector<16xi32>
        %get3A_140 = arith.constant 16 : index
        %get3A_141 = tpu.vector_load %arg8[%get3A_140] {strides = array<i32>} : memref<128xi32, #tpu.memory_space<vmem>>, vector<16xi32>,
        %get3A_142 = vector.shape_cast %get3A_141 : vector<16xi32> to vector<16xi32>
        %convert_element_type3A_143 = arith.sitofp %get3A_139 : vector<16xi32> to vector<16xf32>
        %mul3A_144 = arith.constant 0.0370370373 : f32
        %mul3A_145 = vector.broadcast %mul3A_144 : f32 to vector<16xf32>
        %mul3A_146 = arith.mulf %convert_element_type3A_143, %mul3A_145 : vector<16xf32>
        %add3A_147 = arith.constant 0.00999999977 : f32
        %add3A_148 = vector.broadcast %add3A_147 : f32 to vector<16xf32>
        %add3A_149 = arith.addf %mul3A_146, %add3A_148 : vector<16xf32>
        %convert_element_type3A_150 = arith.fptosi %add3A_149 : vector<16xf32> to vector<16xi32>
        %mul3A_151 = arith.constant 27 : i32
        %mul3A_152 = vector.broadcast %mul3A_151 : i32 to vector<16xi32>
        %mul3A_153 = arith.muli %convert_element_type3A_150, %mul3A_152 : vector<16xi32>
        %sub3A_154 = arith.subi %get3A_139, %mul3A_153 : vector<16xi32>
        %mul3A_155 = arith.constant 27 : i32
        %mul3A_156 = vector.broadcast %mul3A_155 : i32 to vector<16xi32>
        %mul3A_157 = arith.muli %get3A_142, %mul3A_156 : vector<16xi32>
        %add3A_158 = arith.addi %mul3A_157, %sub3A_154 : vector<16xi32>
        %min3A_159 = arith.constant 539999 : i32
        %min3A_160 = vector.broadcast %min3A_159 : i32 to vector<16xi32>
        %min3A_161 = arith.minsi %add3A_158, %min3A_160 : vector<16xi32>
        %swap3A_162 = arith.constant 16 : index
        %swap3A_163 = tpu.vector_load %arg9[%swap3A_162] {strides = array<i32>} : memref<128xi32, #tpu.memory_space<vmem>>, vector<16xi32>,
        %swap3A_164 = vector.shape_cast %swap3A_163 : vector<16xi32> to vector<16xi32>
        %swap3A_165 = vector.shape_cast %min3A_161 : vector<16xi32> to vector<16xi32>
        tpu.vector_store %arg9[%swap3A_162], %swap3A_165 {strides = array<i32>} : memref<128xi32, #tpu.memory_space<vmem>>, vector<16xi32>,
        %add3A_166 = arith.constant 0 : i32
        %add3A_167 = vector.broadcast %add3A_166 : i32 to vector<16xi32>
        %add3A_168 = arith.addi %convert_element_type3A_150, %add3A_167 : vector<16xi32>
        %swap3A_169 = arith.constant 16 : index
        %swap3A_170 = tpu.vector_load %arg10[%swap3A_169] {strides = array<i32>} : memref<128xi32, #tpu.memory_space<vmem>>, vector<16xi32>,
        %swap3A_171 = vector.shape_cast %swap3A_170 : vector<16xi32> to vector<16xi32>
        %swap3A_172 = vector.shape_cast %add3A_168 : vector<16xi32> to vector<16xi32>
        tpu.vector_store %arg10[%swap3A_169], %swap3A_172 {strides = array<i32>} : memref<128xi32, #tpu.memory_space<vmem>>, vector<16xi32>,
        %get3A_173 = arith.constant 32 : index
        %get3A_174 = tpu.vector_load %arg7[%get3A_173] {strides = array<i32>} : memref<128xi32, #tpu.memory_space<vmem>>, vector<16xi32>,
        %get3A_175 = vector.shape_cast %get3A_174 : vector<16xi32> to vector<16xi32>
        %get3A_176 = arith.constant 32 : index
        %get3A_177 = tpu.vector_load %arg8[%get3A_176] {strides = array<i32>} : memref<128xi32, #tpu.memory_space<vmem>>, vector<16xi32>,
        %get3A_178 = vector.shape_cast %get3A_177 : vector<16xi32> to vector<16xi32>
        %convert_element_type3A_179 = arith.sitofp %get3A_175 : vector<16xi32> to vector<16xf32>
        %mul3A_180 = arith.constant 0.0370370373 : f32
        %mul3A_181 = vector.broadcast %mul3A_180 : f32 to vector<16xf32>
        %mul3A_182 = arith.mulf %convert_element_type3A_179, %mul3A_181 : vector<16xf32>
        %add3A_183 = arith.constant 0.00999999977 : f32
        %add3A_184 = vector.broadcast %add3A_183 : f32 to vector<16xf32>
        %add3A_185 = arith.addf %mul3A_182, %add3A_184 : vector<16xf32>
        %convert_element_type3A_186 = arith.fptosi %add3A_185 : vector<16xf32> to vector<16xi32>
        %mul3A_187 = arith.constant 27 : i32
        %mul3A_188 = vector.broadcast %mul3A_187 : i32 to vector<16xi32>
        %mul3A_189 = arith.muli %convert_element_type3A_186, %mul3A_188 : vector<16xi32>
        %sub3A_190 = arith.subi %get3A_175, %mul3A_189 : vector<16xi32>
        %mul3A_191 = arith.constant 27 : i32
        %mul3A_192 = vector.broadcast %mul3A_191 : i32 to vector<16xi32>
        %mul3A_193 = arith.muli %get3A_178, %mul3A_192 : vector<16xi32>
        %add3A_194 = arith.addi %mul3A_193, %sub3A_190 : vector<16xi32>
        %min3A_195 = arith.constant 539999 : i32
        %min3A_196 = vector.broadcast %min3A_195 : i32 to vector<16xi32>
        %min3A_197 = arith.minsi %add3A_194, %min3A_196 : vector<16xi32>
        %swap3A_198 = arith.constant 32 : index
        %swap3A_199 = tpu.vector_load %arg9[%swap3A_198] {strides = array<i32>} : memref<128xi32, #tpu.memory_space<vmem>>, vector<16xi32>,
        %swap3A_200 = vector.shape_cast %swap3A_199 : vector<16xi32> to vector<16xi32>
        %swap3A_201 = vector.shape_cast %min3A_197 : vector<16xi32> to vector<16xi32>
        tpu.vector_store %arg9[%swap3A_198], %swap3A_201 {strides = array<i32>} : memref<128xi32, #tpu.memory_space<vmem>>, vector<16xi32>,
        %add3A_202 = arith.constant 0 : i32
        %add3A_203 = vector.broadcast %add3A_202 : i32 to vector<16xi32>
        %add3A_204 = arith.addi %convert_element_type3A_186, %add3A_203 : vector<16xi32>
        %swap3A_205 = arith.constant 32 : index
        %swap3A_206 = tpu.vector_load %arg10[%swap3A_205] {strides = array<i32>} : memref<128xi32, #tpu.memory_space<vmem>>, vector<16xi32>,
        %swap3A_207 = vector.shape_cast %swap3A_206 : vector<16xi32> to vector<16xi32>
        %swap3A_208 = vector.shape_cast %add3A_204 : vector<16xi32> to vector<16xi32>
        tpu.vector_store %arg10[%swap3A_205], %swap3A_208 {strides = array<i32>} : memref<128xi32, #tpu.memory_space<vmem>>, vector<16xi32>,
        %get3A_209 = arith.constant 48 : index
        %get3A_210 = tpu.vector_load %arg7[%get3A_209] {strides = array<i32>} : memref<128xi32, #tpu.memory_space<vmem>>, vector<16xi32>,
        %get3A_211 = vector.shape_cast %get3A_210 : vector<16xi32> to vector<16xi32>
        %get3A_212 = arith.constant 48 : index
        %get3A_213 = tpu.vector_load %arg8[%get3A_212] {strides = array<i32>} : memref<128xi32, #tpu.memory_space<vmem>>, vector<16xi32>,
        %get3A_214 = vector.shape_cast %get3A_213 : vector<16xi32> to vector<16xi32>
        %convert_element_type3A_215 = arith.sitofp %get3A_211 : vector<16xi32> to vector<16xf32>
        %mul3A_216 = arith.constant 0.0370370373 : f32
        %mul3A_217 = vector.broadcast %mul3A_216 : f32 to vector<16xf32>
        %mul3A_218 = arith.mulf %convert_element_type3A_215, %mul3A_217 : vector<16xf32>
        %add3A_219 = arith.constant 0.00999999977 : f32
        %add3A_220 = vector.broadcast %add3A_219 : f32 to vector<16xf32>
        %add3A_221 = arith.addf %mul3A_218, %add3A_220 : vector<16xf32>
        %convert_element_type3A_222 = arith.fptosi %add3A_221 : vector<16xf32> to vector<16xi32>
        %mul3A_223 = arith.constant 27 : i32
        %mul3A_224 = vector.broadcast %mul3A_223 : i32 to vector<16xi32>
        %mul3A_225 = arith.muli %convert_element_type3A_222, %mul3A_224 : vector<16xi32>
        %sub3A_226 = arith.subi %get3A_211, %mul3A_225 : vector<16xi32>
        %mul3A_227 = arith.constant 27 : i32
        %mul3A_228 = vector.broadcast %mul3A_227 : i32 to vector<16xi32>
        %mul3A_229 = arith.muli %get3A_214, %mul3A_228 : vector<16xi32>
        %add3A_230 = arith.addi %mul3A_229, %sub3A_226 : vector<16xi32>
        %min3A_231 = arith.constant 539999 : i32
        %min3A_232 = vector.broadcast %min3A_231 : i32 to vector<16xi32>
        %min3A_233 = arith.minsi %add3A_230, %min3A_232 : vector<16xi32>
        %swap3A_234 = arith.constant 48 : index
        %swap3A_235 = tpu.vector_load %arg9[%swap3A_234] {strides = array<i32>} : memref<128xi32, #tpu.memory_space<vmem>>, vector<16xi32>,
        %swap3A_236 = vector.shape_cast %swap3A_235 : vector<16xi32> to vector<16xi32>
        %swap3A_237 = vector.shape_cast %min3A_233 : vector<16xi32> to vector<16xi32>
        tpu.vector_store %arg9[%swap3A_234], %swap3A_237 {strides = array<i32>} : memref<128xi32, #tpu.memory_space<vmem>>, vector<16xi32>,
        %add3A_238 = arith.constant 0 : i32
        %add3A_239 = vector.broadcast %add3A_238 : i32 to vector<16xi32>
        %add3A_240 = arith.addi %convert_element_type3A_222, %add3A_239 : vector<16xi32>
        %swap3A_241 = arith.constant 48 : index
        %swap3A_242 = tpu.vector_load %arg10[%swap3A_241] {strides = array<i32>} : memref<128xi32, #tpu.memory_space<vmem>>, vector<16xi32>,
        %swap3A_243 = vector.shape_cast %swap3A_242 : vector<16xi32> to vector<16xi32>
        %swap3A_244 = vector.shape_cast %add3A_240 : vector<16xi32> to vector<16xi32>
        tpu.vector_store %arg10[%swap3A_241], %swap3A_244 {strides = array<i32>} : memref<128xi32, #tpu.memory_space<vmem>>, vector<16xi32>,
        %get3A_245 = arith.constant 64 : index
        %get3A_246 = tpu.vector_load %arg7[%get3A_245] {strides = array<i32>} : memref<128xi32, #tpu.memory_space<vmem>>, vector<16xi32>,
        %get3A_247 = vector.shape_cast %get3A_246 : vector<16xi32> to vector<16xi32>
        %get3A_248 = arith.constant 64 : index
        %get3A_249 = tpu.vector_load %arg8[%get3A_248] {strides = array<i32>} : memref<128xi32, #tpu.memory_space<vmem>>, vector<16xi32>,
        %get3A_250 = vector.shape_cast %get3A_249 : vector<16xi32> to vector<16xi32>
        %convert_element_type3A_251 = arith.sitofp %get3A_247 : vector<16xi32> to vector<16xf32>
        %mul3A_252 = arith.constant 0.0370370373 : f32
        %mul3A_253 = vector.broadcast %mul3A_252 : f32 to vector<16xf32>
        %mul3A_254 = arith.mulf %convert_element_type3A_251, %mul3A_253 : vector<16xf32>
        %add3A_255 = arith.constant 0.00999999977 : f32
        %add3A_256 = vector.broadcast %add3A_255 : f32 to vector<16xf32>
        %add3A_257 = arith.addf %mul3A_254, %add3A_256 : vector<16xf32>
        %convert_element_type3A_258 = arith.fptosi %add3A_257 : vector<16xf32> to vector<16xi32>
        %mul3A_259 = arith.constant 27 : i32
        %mul3A_260 = vector.broadcast %mul3A_259 : i32 to vector<16xi32>
        %mul3A_261 = arith.muli %convert_element_type3A_258, %mul3A_260 : vector<16xi32>
        %sub3A_262 = arith.subi %get3A_247, %mul3A_261 : vector<16xi32>
        %mul3A_263 = arith.constant 27 : i32
        %mul3A_264 = vector.broadcast %mul3A_263 : i32 to vector<16xi32>
        %mul3A_265 = arith.muli %get3A_250, %mul3A_264 : vector<16xi32>
        %add3A_266 = arith.addi %mul3A_265, %sub3A_262 : vector<16xi32>
        %min3A_267 = arith.constant 539999 : i32
        %min3A_268 = vector.broadcast %min3A_267 : i32 to vector<16xi32>
        %min3A_269 = arith.minsi %add3A_266, %min3A_268 : vector<16xi32>
        %swap3A_270 = arith.constant 64 : index
        %swap3A_271 = tpu.vector_load %arg9[%swap3A_270] {strides = array<i32>} : memref<128xi32, #tpu.memory_space<vmem>>, vector<16xi32>,
        %swap3A_272 = vector.shape_cast %swap3A_271 : vector<16xi32> to vector<16xi32>
        %swap3A_273 = vector.shape_cast %min3A_269 : vector<16xi32> to vector<16xi32>
        tpu.vector_store %arg9[%swap3A_270], %swap3A_273 {strides = array<i32>} : memref<128xi32, #tpu.memory_space<vmem>>, vector<16xi32>,
        %add3A_274 = arith.constant 0 : i32
        %add3A_275 = vector.broadcast %add3A_274 : i32 to vector<16xi32>
        %add3A_276 = arith.addi %convert_element_type3A_258, %add3A_275 : vector<16xi32>
        %swap3A_277 = arith.constant 64 : index
        %swap3A_278 = tpu.vector_load %arg10[%swap3A_277] {strides = array<i32>} : memref<128xi32, #tpu.memory_space<vmem>>, vector<16xi32>,
        %swap3A_279 = vector.shape_cast %swap3A_278 : vector<16xi32> to vector<16xi32>
        %swap3A_280 = vector.shape_cast %add3A_276 : vector<16xi32> to vector<16xi32>
        tpu.vector_store %arg10[%swap3A_277], %swap3A_280 {strides = array<i32>} : memref<128xi32, #tpu.memory_space<vmem>>, vector<16xi32>,
        %get3A_281 = arith.constant 80 : index
        %get3A_282 = tpu.vector_load %arg7[%get3A_281] {strides = array<i32>} : memref<128xi32, #tpu.memory_space<vmem>>, vector<16xi32>,
        %get3A_283 = vector.shape_cast %get3A_282 : vector<16xi32> to vector<16xi32>
        %get3A_284 = arith.constant 80 : index
        %get3A_285 = tpu.vector_load %arg8[%get3A_284] {strides = array<i32>} : memref<128xi32, #tpu.memory_space<vmem>>, vector<16xi32>,
        %get3A_286 = vector.shape_cast %get3A_285 : vector<16xi32> to vector<16xi32>
        %convert_element_type3A_287 = arith.sitofp %get3A_283 : vector<16xi32> to vector<16xf32>
        %mul3A_288 = arith.constant 0.0370370373 : f32
        %mul3A_289 = vector.broadcast %mul3A_288 : f32 to vector<16xf32>
        %mul3A_290 = arith.mulf %convert_element_type3A_287, %mul3A_289 : vector<16xf32>
        %add3A_291 = arith.constant 0.00999999977 : f32
        %add3A_292 = vector.broadcast %add3A_291 : f32 to vector<16xf32>
        %add3A_293 = arith.addf %mul3A_290, %add3A_292 : vector<16xf32>
        %convert_element_type3A_294 = arith.fptosi %add3A_293 : vector<16xf32> to vector<16xi32>
        %mul3A_295 = arith.constant 27 : i32
        %mul3A_296 = vector.broadcast %mul3A_295 : i32 to vector<16xi32>
        %mul3A_297 = arith.muli %convert_element_type3A_294, %mul3A_296 : vector<16xi32>
        %sub3A_298 = arith.subi %get3A_283, %mul3A_297 : vector<16xi32>
        %mul3A_299 = arith.constant 27 : i32
        %mul3A_300 = vector.broadcast %mul3A_299 : i32 to vector<16xi32>
        %mul3A_301 = arith.muli %get3A_286, %mul3A_300 : vector<16xi32>
        %add3A_302 = arith.addi %mul3A_301, %sub3A_298 : vector<16xi32>
        %min3A_303 = arith.constant 539999 : i32
        %min3A_304 = vector.broadcast %min3A_303 : i32 to vector<16xi32>
        %min3A_305 = arith.minsi %add3A_302, %min3A_304 : vector<16xi32>
        %swap3A_306 = arith.constant 80 : index
        %swap3A_307 = tpu.vector_load %arg9[%swap3A_306] {strides = array<i32>} : memref<128xi32, #tpu.memory_space<vmem>>, vector<16xi32>,
        %swap3A_308 = vector.shape_cast %swap3A_307 : vector<16xi32> to vector<16xi32>
        %swap3A_309 = vector.shape_cast %min3A_305 : vector<16xi32> to vector<16xi32>
        tpu.vector_store %arg9[%swap3A_306], %swap3A_309 {strides = array<i32>} : memref<128xi32, #tpu.memory_space<vmem>>, vector<16xi32>,
        %add3A_310 = arith.constant 0 : i32
        %add3A_311 = vector.broadcast %add3A_310 : i32 to vector<16xi32>
        %add3A_312 = arith.addi %convert_element_type3A_294, %add3A_311 : vector<16xi32>
        %swap3A_313 = arith.constant 80 : index
        %swap3A_314 = tpu.vector_load %arg10[%swap3A_313] {strides = array<i32>} : memref<128xi32, #tpu.memory_space<vmem>>, vector<16xi32>,
        %swap3A_315 = vector.shape_cast %swap3A_314 : vector<16xi32> to vector<16xi32>
        %swap3A_316 = vector.shape_cast %add3A_312 : vector<16xi32> to vector<16xi32>
        tpu.vector_store %arg10[%swap3A_313], %swap3A_316 {strides = array<i32>} : memref<128xi32, #tpu.memory_space<vmem>>, vector<16xi32>,
        %get3A_317 = arith.constant 96 : index
        %get3A_318 = tpu.vector_load %arg7[%get3A_317] {strides = array<i32>} : memref<128xi32, #tpu.memory_space<vmem>>, vector<16xi32>,
        %get3A_319 = vector.shape_cast %get3A_318 : vector<16xi32> to vector<16xi32>
        %get3A_320 = arith.constant 96 : index
        %get3A_321 = tpu.vector_load %arg8[%get3A_320] {strides = array<i32>} : memref<128xi32, #tpu.memory_space<vmem>>, vector<16xi32>,
        %get3A_322 = vector.shape_cast %get3A_321 : vector<16xi32> to vector<16xi32>
        %convert_element_type3A_323 = arith.sitofp %get3A_319 : vector<16xi32> to vector<16xf32>
        %mul3A_324 = arith.constant 0.0370370373 : f32
        %mul3A_325 = vector.broadcast %mul3A_324 : f32 to vector<16xf32>
        %mul3A_326 = arith.mulf %convert_element_type3A_323, %mul3A_325 : vector<16xf32>
        %add3A_327 = arith.constant 0.00999999977 : f32
        %add3A_328 = vector.broadcast %add3A_327 : f32 to vector<16xf32>
        %add3A_329 = arith.addf %mul3A_326, %add3A_328 : vector<16xf32>
        %convert_element_type3A_330 = arith.fptosi %add3A_329 : vector<16xf32> to vector<16xi32>
        %mul3A_331 = arith.constant 27 : i32
        %mul3A_332 = vector.broadcast %mul3A_331 : i32 to vector<16xi32>
        %mul3A_333 = arith.muli %convert_element_type3A_330, %mul3A_332 : vector<16xi32>
        %sub3A_334 = arith.subi %get3A_319, %mul3A_333 : vector<16xi32>
        %mul3A_335 = arith.constant 27 : i32
        %mul3A_336 = vector.broadcast %mul3A_335 : i32 to vector<16xi32>
        %mul3A_337 = arith.muli %get3A_322, %mul3A_336 : vector<16xi32>
        %add3A_338 = arith.addi %mul3A_337, %sub3A_334 : vector<16xi32>
        %min3A_339 = arith.constant 539999 : i32
        %min3A_340 = vector.broadcast %min3A_339 : i32 to vector<16xi32>
        %min3A_341 = arith.minsi %add3A_338, %min3A_340 : vector<16xi32>
        %swap3A_342 = arith.constant 96 : index
        %swap3A_343 = tpu.vector_load %arg9[%swap3A_342] {strides = array<i32>} : memref<128xi32, #tpu.memory_space<vmem>>, vector<16xi32>,
        %swap3A_344 = vector.shape_cast %swap3A_343 : vector<16xi32> to vector<16xi32>
        %swap3A_345 = vector.shape_cast %min3A_341 : vector<16xi32> to vector<16xi32>
        tpu.vector_store %arg9[%swap3A_342], %swap3A_345 {strides = array<i32>} : memref<128xi32, #tpu.memory_space<vmem>>, vector<16xi32>,
        %add3A_346 = arith.constant 0 : i32
        %add3A_347 = vector.broadcast %add3A_346 : i32 to vector<16xi32>
        %add3A_348 = arith.addi %convert_element_type3A_330, %add3A_347 : vector<16xi32>
        %swap3A_349 = arith.constant 96 : index
        %swap3A_350 = tpu.vector_load %arg10[%swap3A_349] {strides = array<i32>} : memref<128xi32, #tpu.memory_space<vmem>>, vector<16xi32>,
        %swap3A_351 = vector.shape_cast %swap3A_350 : vector<16xi32> to vector<16xi32>
        %swap3A_352 = vector.shape_cast %add3A_348 : vector<16xi32> to vector<16xi32>
        tpu.vector_store %arg10[%swap3A_349], %swap3A_352 {strides = array<i32>} : memref<128xi32, #tpu.memory_space<vmem>>, vector<16xi32>,
        %get3A_353 = arith.constant 112 : index
        %get3A_354 = tpu.vector_load %arg7[%get3A_353] {strides = array<i32>} : memref<128xi32, #tpu.memory_space<vmem>>, vector<16xi32>,
        %get3A_355 = vector.shape_cast %get3A_354 : vector<16xi32> to vector<16xi32>
        %get3A_356 = arith.constant 112 : index
        %get3A_357 = tpu.vector_load %arg8[%get3A_356] {strides = array<i32>} : memref<128xi32, #tpu.memory_space<vmem>>, vector<16xi32>,
        %get3A_358 = vector.shape_cast %get3A_357 : vector<16xi32> to vector<16xi32>
        %convert_element_type3A_359 = arith.sitofp %get3A_355 : vector<16xi32> to vector<16xf32>
        %mul3A_360 = arith.constant 0.0370370373 : f32
        %mul3A_361 = vector.broadcast %mul3A_360 : f32 to vector<16xf32>
        %mul3A_362 = arith.mulf %convert_element_type3A_359, %mul3A_361 : vector<16xf32>
        %add3A_363 = arith.constant 0.00999999977 : f32
        %add3A_364 = vector.broadcast %add3A_363 : f32 to vector<16xf32>
        %add3A_365 = arith.addf %mul3A_362, %add3A_364 : vector<16xf32>
        %convert_element_type3A_366 = arith.fptosi %add3A_365 : vector<16xf32> to vector<16xi32>
        %mul3A_367 = arith.constant 27 : i32
        %mul3A_368 = vector.broadcast %mul3A_367 : i32 to vector<16xi32>
        %mul3A_369 = arith.muli %convert_element_type3A_366, %mul3A_368 : vector<16xi32>
        %sub3A_370 = arith.subi %get3A_355, %mul3A_369 : vector<16xi32>
        %mul3A_371 = arith.constant 27 : i32
        %mul3A_372 = vector.broadcast %mul3A_371 : i32 to vector<16xi32>
        %mul3A_373 = arith.muli %get3A_358, %mul3A_372 : vector<16xi32>
        %add3A_374 = arith.addi %mul3A_373, %sub3A_370 : vector<16xi32>
        %min3A_375 = arith.constant 539999 : i32
        %min3A_376 = vector.broadcast %min3A_375 : i32 to vector<16xi32>
        %min3A_377 = arith.minsi %add3A_374, %min3A_376 : vector<16xi32>
        %swap3A_378 = arith.constant 112 : index
        %swap3A_379 = tpu.vector_load %arg9[%swap3A_378] {strides = array<i32>} : memref<128xi32, #tpu.memory_space<vmem>>, vector<16xi32>,
        %swap3A_380 = vector.shape_cast %swap3A_379 : vector<16xi32> to vector<16xi32>
        %swap3A_381 = vector.shape_cast %min3A_377 : vector<16xi32> to vector<16xi32>
        tpu.vector_store %arg9[%swap3A_378], %swap3A_381 {strides = array<i32>} : memref<128xi32, #tpu.memory_space<vmem>>, vector<16xi32>,
        %add3A_382 = arith.constant 0 : i32
        %add3A_383 = vector.broadcast %add3A_382 : i32 to vector<16xi32>
        %add3A_384 = arith.addi %convert_element_type3A_366, %add3A_383 : vector<16xi32>
        %swap3A_385 = arith.constant 112 : index
        %swap3A_386 = tpu.vector_load %arg10[%swap3A_385] {strides = array<i32>} : memref<128xi32, #tpu.memory_space<vmem>>, vector<16xi32>,
        %swap3A_387 = vector.shape_cast %swap3A_386 : vector<16xi32> to vector<16xi32>
        %swap3A_388 = vector.shape_cast %add3A_384 : vector<16xi32> to vector<16xi32>
        tpu.vector_store %arg10[%swap3A_385], %swap3A_388 {strides = array<i32>} : memref<128xi32, #tpu.memory_space<vmem>>, vector<16xi32>,
        %dma_start3A = arith.constant 0 : i32
        %dma_start3A_389 = arith.constant 0 : i32
        %dma_start3A_390 = tpu.memref_slice %arg2[%dma_start3A, %dma_start3A_389] : memref<540000x16xf32, #tpu.memory_space<hbm>> -> memref<540000x16xf32, #tpu.memory_space<hbm>>
        tpu.enqueue_indirect_dma source(%dma_start3A_390 : memref<540000x16xf32, #tpu.memory_space<hbm>>) target(%arg11 : memref<128x16xf32, #tpu.memory_space<vmem>>) offsets(%arg9 : memref<128xi32, #tpu.memory_space<vmem>>) semaphore(%arg16 : memref<!tpu.dma_semaphore, #tpu.memory_space<semaphore_mem>>)
        %dma_start3A_391 = arith.constant 0 : i32
        %dma_start3A_392 = arith.constant 0 : i32
        %dma_start3A_393 = tpu.memref_slice %arg3[%dma_start3A_391, %dma_start3A_392] : memref<80000x64xf32, #tpu.memory_space<hbm>> -> memref<80000x64xf32, #tpu.memory_space<hbm>>
        tpu.enqueue_indirect_dma source(%dma_start3A_393 : memref<80000x64xf32, #tpu.memory_space<hbm>>) target(%arg12 : memref<128x64xf32, #tpu.memory_space<vmem>>) offsets(%arg10 : memref<128xi32, #tpu.memory_space<vmem>>) semaphore(%arg17 : memref<!tpu.dma_semaphore, #tpu.memory_space<semaphore_mem>>)
        %dma_wait3A = arith.constant 0 : i32
        %dma_wait3A_394 = arith.constant 0 : i32
        %dma_wait3A_395 = tpu.memref_slice %arg2[%dma_wait3A, %dma_wait3A_394] : memref<540000x16xf32, #tpu.memory_space<hbm>> -> memref<540000x16xf32, #tpu.memory_space<hbm>>
        tpu.wait_indirect_dma semaphore(%arg16 : memref<!tpu.dma_semaphore, #tpu.memory_space<semaphore_mem>>) src(%dma_wait3A_395 : memref<540000x16xf32, #tpu.memory_space<hbm>>) dst(%arg11 : memref<128x16xf32, #tpu.memory_space<vmem>>)
        %dma_wait3A_396 = arith.constant 0 : i32
        %dma_wait3A_397 = arith.constant 0 : i32
        %dma_wait3A_398 = tpu.memref_slice %arg3[%dma_wait3A_396, %dma_wait3A_397] : memref<80000x64xf32, #tpu.memory_space<hbm>> -> memref<80000x64xf32, #tpu.memory_space<hbm>>
        tpu.wait_indirect_dma semaphore(%arg17 : memref<!tpu.dma_semaphore, #tpu.memory_space<semaphore_mem>>) src(%dma_wait3A_398 : memref<80000x64xf32, #tpu.memory_space<hbm>>) dst(%arg12 : memref<128x64xf32, #tpu.memory_space<vmem>>)
        %broadcast_in_dim3A_399 = arith.constant 0 : i32
        %broadcast_in_dim3A_400 = vector.broadcast %broadcast_in_dim3A_399 : i32 to vector<16x1xi32>
        %broadcast_in_dim3A_401 = arith.constant 1 : i32
        %broadcast_in_dim3A_402 = vector.broadcast %broadcast_in_dim3A_401 : i32 to vector<16x1xi32>
        %scan3A_403 = arith.constant 0 : i32
        %scan3A_404 = arith.constant 0 : i32
        %scan3A_405 = arith.constant 128 : i32
        %scan3A_406 = arith.addi %scan3A_404, %scan3A_405 : i32
        %scan3A_407 = arith.constant 1 : i32
        scf.for %scan3A_409 = %scan3A_404 to %scan3A_406 step %scan3A_407  : i32 {
          %get3A_410 = arith.index_cast %scan3A_409 : i32 to index
          %get3A_411 = arith.constant 0 : index
          %get3A_412 = tpu.vector_load %arg11[%get3A_410, %get3A_411] {strides = array<i32>} : memref<128x16xf32, #tpu.memory_space<vmem>>, vector<1x16xf32>,
          %get3A_413 = vector.shape_cast %get3A_412 : vector<1x16xf32> to vector<16xf32>
          %gather3A = vector.shape_cast %broadcast_in_dim3A_400 : vector<16x1xi32> to vector<16xi32>
          %gather3A_414 = tpu.dynamic_gather %get3A_413[%gather3A] in [0] : vector<16xf32>, vector<16xi32> -> vector<16xf32>
          %gather3A_415 = vector.shape_cast %broadcast_in_dim3A_402 : vector<16x1xi32> to vector<16xi32>
          %gather3A_416 = tpu.dynamic_gather %get3A_413[%gather3A_415] in [0] : vector<16xf32>, vector<16xi32> -> vector<16xf32>
          %get3A_417 = arith.index_cast %scan3A_409 : i32 to index
          %get3A_418 = arith.constant 0 : index
          %get3A_419 = tpu.vector_load %arg12[%get3A_417, %get3A_418] {strides = array<i32>} : memref<128x64xf32, #tpu.memory_space<vmem>>, vector<1x16xf32>,
          %get3A_420 = vector.shape_cast %get3A_419 : vector<1x16xf32> to vector<16xf32>
          %mul3A_421 = arith.mulf %get3A_420, %gather3A_414 : vector<16xf32>
          %swap3A_422 = arith.index_cast %scan3A_409 : i32 to index
          %swap3A_423 = arith.constant 0 : index
          %swap3A_424 = tpu.vector_load %arg13[%swap3A_422, %swap3A_423] {strides = array<i32>} : memref<128x64xf32, #tpu.memory_space<vmem>>, vector<1x16xf32>,
          %swap3A_425 = vector.shape_cast %swap3A_424 : vector<1x16xf32> to vector<16xf32>
          %swap3A_426 = vector.shape_cast %mul3A_421 : vector<16xf32> to vector<1x16xf32>
          tpu.vector_store %arg13[%swap3A_422, %swap3A_423], %swap3A_426 {strides = array<i32>} : memref<128x64xf32, #tpu.memory_space<vmem>>, vector<1x16xf32>,
          %get3A_427 = arith.index_cast %scan3A_409 : i32 to index
          %get3A_428 = arith.constant 16 : index
          %get3A_429 = tpu.vector_load %arg12[%get3A_427, %get3A_428] {strides = array<i32>} : memref<128x64xf32, #tpu.memory_space<vmem>>, vector<1x16xf32>,
          %get3A_430 = vector.shape_cast %get3A_429 : vector<1x16xf32> to vector<16xf32>
          %mul3A_431 = arith.mulf %get3A_430, %gather3A_414 : vector<16xf32>
          %swap3A_432 = arith.index_cast %scan3A_409 : i32 to index
          %swap3A_433 = arith.constant 16 : index
          %swap3A_434 = tpu.vector_load %arg13[%swap3A_432, %swap3A_433] {strides = array<i32>} : memref<128x64xf32, #tpu.memory_space<vmem>>, vector<1x16xf32>,
          %swap3A_435 = vector.shape_cast %swap3A_434 : vector<1x16xf32> to vector<16xf32>
          %swap3A_436 = vector.shape_cast %mul3A_431 : vector<16xf32> to vector<1x16xf32>
          tpu.vector_store %arg13[%swap3A_432, %swap3A_433], %swap3A_436 {strides = array<i32>} : memref<128x64xf32, #tpu.memory_space<vmem>>, vector<1x16xf32>,
          %get3A_437 = arith.index_cast %scan3A_409 : i32 to index
          %get3A_438 = arith.constant 32 : index
          %get3A_439 = tpu.vector_load %arg12[%get3A_437, %get3A_438] {strides = array<i32>} : memref<128x64xf32, #tpu.memory_space<vmem>>, vector<1x16xf32>,
          %get3A_440 = vector.shape_cast %get3A_439 : vector<1x16xf32> to vector<16xf32>
          %mul3A_441 = arith.mulf %get3A_440, %gather3A_416 : vector<16xf32>
          %swap3A_442 = arith.index_cast %scan3A_409 : i32 to index
          %swap3A_443 = arith.constant 32 : index
          %swap3A_444 = tpu.vector_load %arg13[%swap3A_442, %swap3A_443] {strides = array<i32>} : memref<128x64xf32, #tpu.memory_space<vmem>>, vector<1x16xf32>,
          %swap3A_445 = vector.shape_cast %swap3A_444 : vector<1x16xf32> to vector<16xf32>
          %swap3A_446 = vector.shape_cast %mul3A_441 : vector<16xf32> to vector<1x16xf32>
          tpu.vector_store %arg13[%swap3A_442, %swap3A_443], %swap3A_446 {strides = array<i32>} : memref<128x64xf32, #tpu.memory_space<vmem>>, vector<1x16xf32>,
          %get3A_447 = arith.index_cast %scan3A_409 : i32 to index
          %get3A_448 = arith.constant 48 : index
          %get3A_449 = tpu.vector_load %arg12[%get3A_447, %get3A_448] {strides = array<i32>} : memref<128x64xf32, #tpu.memory_space<vmem>>, vector<1x16xf32>,
          %get3A_450 = vector.shape_cast %get3A_449 : vector<1x16xf32> to vector<16xf32>
          %mul3A_451 = arith.mulf %get3A_450, %gather3A_416 : vector<16xf32>
          %swap3A_452 = arith.index_cast %scan3A_409 : i32 to index
          %swap3A_453 = arith.constant 48 : index
          %swap3A_454 = tpu.vector_load %arg13[%swap3A_452, %swap3A_453] {strides = array<i32>} : memref<128x64xf32, #tpu.memory_space<vmem>>, vector<1x16xf32>,
          %swap3A_455 = vector.shape_cast %swap3A_454 : vector<1x16xf32> to vector<16xf32>
          %swap3A_456 = vector.shape_cast %mul3A_451 : vector<16xf32> to vector<1x16xf32>
          tpu.vector_store %arg13[%swap3A_452, %swap3A_453], %swap3A_456 {strides = array<i32>} : memref<128x64xf32, #tpu.memory_space<vmem>>, vector<1x16xf32>,
        }
        %scan3A_408 = arith.constant 128 : i32
        "tpu.region"() ({
          %run_scoped3A = tpu.sem_alloc : memref<!tpu.dma_semaphore, #tpu.memory_space<semaphore_mem>>
          %dma_start3A_409 = arith.constant 0 : i32
          %dma_start3A_410 = arith.constant 0 : i32
          %dma_start3A_411 = tpu.memref_slice %arg15[%dma_start3A_409, %dma_start3A_410] : memref<20016x64xf32, #tpu.memory_space<vmem_shared>> -> memref<20016x64xf32, #tpu.memory_space<vmem_shared>>
          tpu.enqueue_indirect_dma source(%arg13 : memref<128x64xf32, #tpu.memory_space<vmem>>) target(%dma_start3A_411 : memref<20016x64xf32, #tpu.memory_space<vmem_shared>>) offsets(%arg8 : memref<128xi32, #tpu.memory_space<vmem>>) semaphore(%run_scoped3A : memref<!tpu.dma_semaphore, #tpu.memory_space<semaphore_mem>>) {add = true}
          %dma_wait3A_412 = arith.constant 0 : i32
          %dma_wait3A_413 = arith.constant 0 : i32
          %dma_wait3A_414 = tpu.memref_slice %arg15[%dma_wait3A_412, %dma_wait3A_413] : memref<20016x64xf32, #tpu.memory_space<vmem_shared>> -> memref<20016x64xf32, #tpu.memory_space<vmem_shared>>
          tpu.wait_indirect_dma semaphore(%run_scoped3A : memref<!tpu.dma_semaphore, #tpu.memory_space<semaphore_mem>>) src(%arg13 : memref<128x64xf32, #tpu.memory_space<vmem>>) dst(%dma_wait3A_414 : memref<20016x64xf32, #tpu.memory_space<vmem_shared>>)
          tpu.yield
        }) : () -> ()
      }
      %scan3A_57 = arith.constant 157 : i32
      %barrier3A_58 = arith.constant 0 : index
      tpu.barrier barrier_id(%barrier3A_58)
      %mul3A_59 = arith.constant 1248 : i32
      %mul3A_60 = arith.muli %arg1, %mul3A_59 : i32
      %add3A_61 = arith.constant 0 : i32
      %add3A_62 = arith.addi %mul3A_60, %add3A_61 : i32
      %add3A_63 = arith.constant 0 : i32
      %add3A_64 = arith.addi %add3A_63, %add3A_62 : i32
      "tpu.region"() ({
        %run_scoped3A = tpu.sem_alloc : memref<!tpu.dma_semaphore, #tpu.memory_space<semaphore_mem>>
        %dma_start3A = arith.constant 0 : i32
        %dma_start3A_101 = tpu.memref_slice %arg6[%add3A_64, %dma_start3A] : memref<80000x64xf32, #tpu.memory_space<hbm>> -> memref<208x64xf32, #tpu.memory_space<hbm>>
        %dma_start3A_102 = arith.constant 0 : i32
        %dma_start3A_103 = tpu.memref_slice %arg15[%add3A_62, %dma_start3A_102] : memref<20016x64xf32, #tpu.memory_space<vmem_shared>> -> memref<208x64xf32, #tpu.memory_space<vmem_shared>>
        tpu.enqueue_dma source(%dma_start3A_103 : memref<208x64xf32, #tpu.memory_space<vmem_shared>>) target(%dma_start3A_101 : memref<208x64xf32, #tpu.memory_space<hbm>>) target_semaphore(%run_scoped3A : memref<!tpu.dma_semaphore, #tpu.memory_space<semaphore_mem>>)
        %dma_wait3A = arith.constant 0 : i32
        %dma_wait3A_104 = tpu.memref_slice %arg6[%add3A_64, %dma_wait3A] : memref<80000x64xf32, #tpu.memory_space<hbm>> -> memref<208x64xf32, #tpu.memory_space<hbm>>
        %dma_wait3A_105 = arith.constant 0 : i32
        %dma_wait3A_106 = tpu.memref_slice %arg15[%add3A_62, %dma_wait3A_105] : memref<20016x64xf32, #tpu.memory_space<vmem_shared>> -> memref<208x64xf32, #tpu.memory_space<vmem_shared>>
        tpu.wait_dma2 semaphore(%run_scoped3A : memref<!tpu.dma_semaphore, #tpu.memory_space<semaphore_mem>>) src(%dma_wait3A_106 : memref<208x64xf32, #tpu.memory_space<vmem_shared>>) dst(%dma_wait3A_104 : memref<208x64xf32, #tpu.memory_space<hbm>>)
        tpu.yield
      }) : () -> ()
      %mul3A_65 = arith.constant 1248 : i32
      %mul3A_66 = arith.muli %arg1, %mul3A_65 : i32
      %add3A_67 = arith.constant 208 : i32
      %add3A_68 = arith.addi %mul3A_66, %add3A_67 : i32
      %add3A_69 = arith.constant 0 : i32
      %add3A_70 = arith.addi %add3A_69, %add3A_68 : i32
      "tpu.region"() ({
        %run_scoped3A = tpu.sem_alloc : memref<!tpu.dma_semaphore, #tpu.memory_space<semaphore_mem>>
        %dma_start3A = arith.constant 0 : i32
        %dma_start3A_101 = tpu.memref_slice %arg6[%add3A_70, %dma_start3A] : memref<80000x64xf32, #tpu.memory_space<hbm>> -> memref<208x64xf32, #tpu.memory_space<hbm>>
        %dma_start3A_102 = arith.constant 0 : i32
        %dma_start3A_103 = tpu.memref_slice %arg15[%add3A_68, %dma_start3A_102] : memref<20016x64xf32, #tpu.memory_space<vmem_shared>> -> memref<208x64xf32, #tpu.memory_space<vmem_shared>>
        tpu.enqueue_dma source(%dma_start3A_103 : memref<208x64xf32, #tpu.memory_space<vmem_shared>>) target(%dma_start3A_101 : memref<208x64xf32, #tpu.memory_space<hbm>>) target_semaphore(%run_scoped3A : memref<!tpu.dma_semaphore, #tpu.memory_space<semaphore_mem>>)
        %dma_wait3A = arith.constant 0 : i32
        %dma_wait3A_104 = tpu.memref_slice %arg6[%add3A_70, %dma_wait3A] : memref<80000x64xf32, #tpu.memory_space<hbm>> -> memref<208x64xf32, #tpu.memory_space<hbm>>
        %dma_wait3A_105 = arith.constant 0 : i32
        %dma_wait3A_106 = tpu.memref_slice %arg15[%add3A_68, %dma_wait3A_105] : memref<20016x64xf32, #tpu.memory_space<vmem_shared>> -> memref<208x64xf32, #tpu.memory_space<vmem_shared>>
        tpu.wait_dma2 semaphore(%run_scoped3A : memref<!tpu.dma_semaphore, #tpu.memory_space<semaphore_mem>>) src(%dma_wait3A_106 : memref<208x64xf32, #tpu.memory_space<vmem_shared>>) dst(%dma_wait3A_104 : memref<208x64xf32, #tpu.memory_space<hbm>>)
        tpu.yield
      }) : () -> ()
      %mul3A_71 = arith.constant 1248 : i32
      %mul3A_72 = arith.muli %arg1, %mul3A_71 : i32
      %add3A_73 = arith.constant 416 : i32
      %add3A_74 = arith.addi %mul3A_72, %add3A_73 : i32
      %add3A_75 = arith.constant 0 : i32
      %add3A_76 = arith.addi %add3A_75, %add3A_74 : i32
      "tpu.region"() ({
        %run_scoped3A = tpu.sem_alloc : memref<!tpu.dma_semaphore, #tpu.memory_space<semaphore_mem>>
        %dma_start3A = arith.constant 0 : i32
        %dma_start3A_101 = tpu.memref_slice %arg6[%add3A_76, %dma_start3A] : memref<80000x64xf32, #tpu.memory_space<hbm>> -> memref<208x64xf32, #tpu.memory_space<hbm>>
        %dma_start3A_102 = arith.constant 0 : i32
        %dma_start3A_103 = tpu.memref_slice %arg15[%add3A_74, %dma_start3A_102] : memref<20016x64xf32, #tpu.memory_space<vmem_shared>> -> memref<208x64xf32, #tpu.memory_space<vmem_shared>>
        tpu.enqueue_dma source(%dma_start3A_103 : memref<208x64xf32, #tpu.memory_space<vmem_shared>>) target(%dma_start3A_101 : memref<208x64xf32, #tpu.memory_space<hbm>>) target_semaphore(%run_scoped3A : memref<!tpu.dma_semaphore, #tpu.memory_space<semaphore_mem>>)
        %dma_wait3A = arith.constant 0 : i32
        %dma_wait3A_104 = tpu.memref_slice %arg6[%add3A_76, %dma_wait3A] : memref<80000x64xf32, #tpu.memory_space<hbm>> -> memref<208x64xf32, #tpu.memory_space<hbm>>
        %dma_wait3A_105 = arith.constant 0 : i32
        %dma_wait3A_106 = tpu.memref_slice %arg15[%add3A_74, %dma_wait3A_105] : memref<20016x64xf32, #tpu.memory_space<vmem_shared>> -> memref<208x64xf32, #tpu.memory_space<vmem_shared>>
        tpu.wait_dma2 semaphore(%run_scoped3A : memref<!tpu.dma_semaphore, #tpu.memory_space<semaphore_mem>>) src(%dma_wait3A_106 : memref<208x64xf32, #tpu.memory_space<vmem_shared>>) dst(%dma_wait3A_104 : memref<208x64xf32, #tpu.memory_space<hbm>>)
        tpu.yield
      }) : () -> ()
      %mul3A_77 = arith.constant 1248 : i32
      %mul3A_78 = arith.muli %arg1, %mul3A_77 : i32
      %add3A_79 = arith.constant 624 : i32
      %add3A_80 = arith.addi %mul3A_78, %add3A_79 : i32
      %add3A_81 = arith.constant 0 : i32
      %add3A_82 = arith.addi %add3A_81, %add3A_80 : i32
      "tpu.region"() ({
        %run_scoped3A = tpu.sem_alloc : memref<!tpu.dma_semaphore, #tpu.memory_space<semaphore_mem>>
        %dma_start3A = arith.constant 0 : i32
        %dma_start3A_101 = tpu.memref_slice %arg6[%add3A_82, %dma_start3A] : memref<80000x64xf32, #tpu.memory_space<hbm>> -> memref<208x64xf32, #tpu.memory_space<hbm>>
        %dma_start3A_102 = arith.constant 0 : i32
        %dma_start3A_103 = tpu.memref_slice %arg15[%add3A_80, %dma_start3A_102] : memref<20016x64xf32, #tpu.memory_space<vmem_shared>> -> memref<208x64xf32, #tpu.memory_space<vmem_shared>>
        tpu.enqueue_dma source(%dma_start3A_103 : memref<208x64xf32, #tpu.memory_space<vmem_shared>>) target(%dma_start3A_101 : memref<208x64xf32, #tpu.memory_space<hbm>>) target_semaphore(%run_scoped3A : memref<!tpu.dma_semaphore, #tpu.memory_space<semaphore_mem>>)
        %dma_wait3A = arith.constant 0 : i32
        %dma_wait3A_104 = tpu.memref_slice %arg6[%add3A_82, %dma_wait3A] : memref<80000x64xf32, #tpu.memory_space<hbm>> -> memref<208x64xf32, #tpu.memory_space<hbm>>
        %dma_wait3A_105 = arith.constant 0 : i32
        %dma_wait3A_106 = tpu.memref_slice %arg15[%add3A_80, %dma_wait3A_105] : memref<20016x64xf32, #tpu.memory_space<vmem_shared>> -> memref<208x64xf32, #tpu.memory_space<vmem_shared>>
        tpu.wait_dma2 semaphore(%run_scoped3A : memref<!tpu.dma_semaphore, #tpu.memory_space<semaphore_mem>>) src(%dma_wait3A_106 : memref<208x64xf32, #tpu.memory_space<vmem_shared>>) dst(%dma_wait3A_104 : memref<208x64xf32, #tpu.memory_space<hbm>>)
        tpu.yield
      }) : () -> ()
      %mul3A_83 = arith.constant 1248 : i32
      %mul3A_84 = arith.muli %arg1, %mul3A_83 : i32
      %add3A_85 = arith.constant 832 : i32
      %add3A_86 = arith.addi %mul3A_84, %add3A_85 : i32
      %add3A_87 = arith.constant 0 : i32
      %add3A_88 = arith.addi %add3A_87, %add3A_86 : i32
      "tpu.region"() ({
        %run_scoped3A = tpu.sem_alloc : memref<!tpu.dma_semaphore, #tpu.memory_space<semaphore_mem>>
        %dma_start3A = arith.constant 0 : i32
        %dma_start3A_101 = tpu.memref_slice %arg6[%add3A_88, %dma_start3A] : memref<80000x64xf32, #tpu.memory_space<hbm>> -> memref<208x64xf32, #tpu.memory_space<hbm>>
        %dma_start3A_102 = arith.constant 0 : i32
        %dma_start3A_103 = tpu.memref_slice %arg15[%add3A_86, %dma_start3A_102] : memref<20016x64xf32, #tpu.memory_space<vmem_shared>> -> memref<208x64xf32, #tpu.memory_space<vmem_shared>>
        tpu.enqueue_dma source(%dma_start3A_103 : memref<208x64xf32, #tpu.memory_space<vmem_shared>>) target(%dma_start3A_101 : memref<208x64xf32, #tpu.memory_space<hbm>>) target_semaphore(%run_scoped3A : memref<!tpu.dma_semaphore, #tpu.memory_space<semaphore_mem>>)
        %dma_wait3A = arith.constant 0 : i32
        %dma_wait3A_104 = tpu.memref_slice %arg6[%add3A_88, %dma_wait3A] : memref<80000x64xf32, #tpu.memory_space<hbm>> -> memref<208x64xf32, #tpu.memory_space<hbm>>
        %dma_wait3A_105 = arith.constant 0 : i32
        %dma_wait3A_106 = tpu.memref_slice %arg15[%add3A_86, %dma_wait3A_105] : memref<20016x64xf32, #tpu.memory_space<vmem_shared>> -> memref<208x64xf32, #tpu.memory_space<vmem_shared>>
        tpu.wait_dma2 semaphore(%run_scoped3A : memref<!tpu.dma_semaphore, #tpu.memory_space<semaphore_mem>>) src(%dma_wait3A_106 : memref<208x64xf32, #tpu.memory_space<vmem_shared>>) dst(%dma_wait3A_104 : memref<208x64xf32, #tpu.memory_space<hbm>>)
        tpu.yield
      }) : () -> ()
      %mul3A_89 = arith.constant 1248 : i32
      %mul3A_90 = arith.muli %arg1, %mul3A_89 : i32
      %add3A_91 = arith.constant 1040 : i32
      %add3A_92 = arith.addi %mul3A_90, %add3A_91 : i32
      %add3A_93 = arith.constant 0 : i32
      %add3A_94 = arith.addi %add3A_93, %add3A_92 : i32
      "tpu.region"() ({
        %run_scoped3A = tpu.sem_alloc : memref<!tpu.dma_semaphore, #tpu.memory_space<semaphore_mem>>
        %dma_start3A = arith.constant 0 : i32
        %dma_start3A_101 = tpu.memref_slice %arg6[%add3A_94, %dma_start3A] : memref<80000x64xf32, #tpu.memory_space<hbm>> -> memref<208x64xf32, #tpu.memory_space<hbm>>
        %dma_start3A_102 = arith.constant 0 : i32
        %dma_start3A_103 = tpu.memref_slice %arg15[%add3A_92, %dma_start3A_102] : memref<20016x64xf32, #tpu.memory_space<vmem_shared>> -> memref<208x64xf32, #tpu.memory_space<vmem_shared>>
        tpu.enqueue_dma source(%dma_start3A_103 : memref<208x64xf32, #tpu.memory_space<vmem_shared>>) target(%dma_start3A_101 : memref<208x64xf32, #tpu.memory_space<hbm>>) target_semaphore(%run_scoped3A : memref<!tpu.dma_semaphore, #tpu.memory_space<semaphore_mem>>)
        %dma_wait3A = arith.constant 0 : i32
        %dma_wait3A_104 = tpu.memref_slice %arg6[%add3A_94, %dma_wait3A] : memref<80000x64xf32, #tpu.memory_space<hbm>> -> memref<208x64xf32, #tpu.memory_space<hbm>>
        %dma_wait3A_105 = arith.constant 0 : i32
        %dma_wait3A_106 = tpu.memref_slice %arg15[%add3A_92, %dma_wait3A_105] : memref<20016x64xf32, #tpu.memory_space<vmem_shared>> -> memref<208x64xf32, #tpu.memory_space<vmem_shared>>
        tpu.wait_dma2 semaphore(%run_scoped3A : memref<!tpu.dma_semaphore, #tpu.memory_space<semaphore_mem>>) src(%dma_wait3A_106 : memref<208x64xf32, #tpu.memory_space<vmem_shared>>) dst(%dma_wait3A_104 : memref<208x64xf32, #tpu.memory_space<hbm>>)
        tpu.yield
      }) : () -> ()
      %eq3A_95 = arith.constant 15 : i32
      %eq3A_96 = arith.cmpi eq, %arg1, %eq3A_95 : i32
      %convert_element_type3A_97 = arith.extui %eq3A_96 : i1 to i32
      %cond3A_98 = arith.constant 0 : i32
      %cond3A_99 = arith.cmpi ne, %convert_element_type3A_97, %cond3A_98 : i32
      scf.if %cond3A_99 {
        "tpu.region"() ({
          %run_scoped3A = tpu.sem_alloc : memref<!tpu.dma_semaphore, #tpu.memory_space<semaphore_mem>>
          %dma_start3A = arith.constant 19968 : i32
          %dma_start3A_101 = arith.constant 0 : i32
          %dma_start3A_102 = tpu.memref_slice %arg6[%dma_start3A, %dma_start3A_101] : memref<80000x64xf32, #tpu.memory_space<hbm>> -> memref<32x64xf32, #tpu.memory_space<hbm>>
          %dma_start3A_103 = arith.constant 19968 : i32
          %dma_start3A_104 = arith.constant 0 : i32
          %dma_start3A_105 = tpu.memref_slice %arg15[%dma_start3A_103, %dma_start3A_104] : memref<20016x64xf32, #tpu.memory_space<vmem_shared>> -> memref<32x64xf32, #tpu.memory_space<vmem_shared>>
          tpu.enqueue_dma source(%dma_start3A_105 : memref<32x64xf32, #tpu.memory_space<vmem_shared>>) target(%dma_start3A_102 : memref<32x64xf32, #tpu.memory_space<hbm>>) target_semaphore(%run_scoped3A : memref<!tpu.dma_semaphore, #tpu.memory_space<semaphore_mem>>)
          %dma_wait3A = arith.constant 19968 : i32
          %dma_wait3A_106 = arith.constant 0 : i32
          %dma_wait3A_107 = tpu.memref_slice %arg6[%dma_wait3A, %dma_wait3A_106] : memref<80000x64xf32, #tpu.memory_space<hbm>> -> memref<32x64xf32, #tpu.memory_space<hbm>>
          %dma_wait3A_108 = arith.constant 19968 : i32
          %dma_wait3A_109 = arith.constant 0 : i32
          %dma_wait3A_110 = tpu.memref_slice %arg15[%dma_wait3A_108, %dma_wait3A_109] : memref<20016x64xf32, #tpu.memory_space<vmem_shared>> -> memref<32x64xf32, #tpu.memory_space<vmem_shared>>
          tpu.wait_dma2 semaphore(%run_scoped3A : memref<!tpu.dma_semaphore, #tpu.memory_space<semaphore_mem>>) src(%dma_wait3A_110 : memref<32x64xf32, #tpu.memory_space<vmem_shared>>) dst(%dma_wait3A_107 : memref<32x64xf32, #tpu.memory_space<hbm>>)
          tpu.yield
        }) : () -> ()
      } else {
      }
      %barrier3A_100 = arith.constant 0 : index
      tpu.barrier barrier_id(%barrier3A_100)
    } else {
    }
    %eq3A_8 = arith.constant 1 : i32
    %eq3A_9 = arith.cmpi eq, %arg0, %eq3A_8 : i32
    %convert_element_type3A_10 = arith.extui %eq3A_9 : i1 to i32
    %cond3A_11 = arith.constant 0 : i32
    %cond3A_12 = arith.cmpi ne, %convert_element_type3A_10, %cond3A_11 : i32
    scf.if %cond3A_12 {
      %mul3A = arith.constant 1248 : i32
      %mul3A_23 = arith.muli %arg1, %mul3A : i32
      %add3A = arith.constant 0 : i32
      %add3A_24 = arith.addi %mul3A_23, %add3A : i32
      "tpu.region"() ({
        %run_scoped3A = tpu.sem_alloc : memref<!tpu.dma_semaphore, #tpu.memory_space<semaphore_mem>>
        %dma_start3A = arith.constant 0 : i32
        %dma_start3A_101 = tpu.memref_slice %arg15[%add3A_24, %dma_start3A] : memref<20016x64xf32, #tpu.memory_space<vmem_shared>> -> memref<208x64xf32, #tpu.memory_space<vmem_shared>>
        %dma_start3A_102 = arith.constant 0 : i32
        %dma_start3A_103 = tpu.memref_slice %arg15[%add3A_24, %dma_start3A_102] : memref<20016x64xf32, #tpu.memory_space<vmem_shared>> -> memref<208x64xf32, #tpu.memory_space<vmem_shared>>
        tpu.enqueue_dma source(%arg14 : memref<208x64xf32, #tpu.memory_space<vmem>>) target(%dma_start3A_103 : memref<208x64xf32, #tpu.memory_space<vmem_shared>>) target_semaphore(%run_scoped3A : memref<!tpu.dma_semaphore, #tpu.memory_space<semaphore_mem>>)
        %dma_wait3A = arith.constant 0 : i32
        %dma_wait3A_104 = tpu.memref_slice %arg15[%add3A_24, %dma_wait3A] : memref<20016x64xf32, #tpu.memory_space<vmem_shared>> -> memref<208x64xf32, #tpu.memory_space<vmem_shared>>
        %dma_wait3A_105 = arith.constant 0 : i32
        %dma_wait3A_106 = tpu.memref_slice %arg15[%add3A_24, %dma_wait3A_105] : memref<20016x64xf32, #tpu.memory_space<vmem_shared>> -> memref<208x64xf32, #tpu.memory_space<vmem_shared>>
        tpu.wait_dma2 semaphore(%run_scoped3A : memref<!tpu.dma_semaphore, #tpu.memory_space<semaphore_mem>>) src(%arg14 : memref<208x64xf32, #tpu.memory_space<vmem>>) dst(%dma_wait3A_106 : memref<208x64xf32, #tpu.memory_space<vmem_shared>>)
        tpu.yield
      }) : () -> ()
      %mul3A_25 = arith.constant 1248 : i32
      %mul3A_26 = arith.muli %arg1, %mul3A_25 : i32
      %add3A_27 = arith.constant 208 : i32
      %add3A_28 = arith.addi %mul3A_26, %add3A_27 : i32
      "tpu.region"() ({
        %run_scoped3A = tpu.sem_alloc : memref<!tpu.dma_semaphore, #tpu.memory_space<semaphore_mem>>
        %dma_start3A = arith.constant 0 : i32
        %dma_start3A_101 = tpu.memref_slice %arg15[%add3A_28, %dma_start3A] : memref<20016x64xf32, #tpu.memory_space<vmem_shared>> -> memref<208x64xf32, #tpu.memory_space<vmem_shared>>
        %dma_start3A_102 = arith.constant 0 : i32
        %dma_start3A_103 = tpu.memref_slice %arg15[%add3A_28, %dma_start3A_102] : memref<20016x64xf32, #tpu.memory_space<vmem_shared>> -> memref<208x64xf32, #tpu.memory_space<vmem_shared>>
        tpu.enqueue_dma source(%arg14 : memref<208x64xf32, #tpu.memory_space<vmem>>) target(%dma_start3A_103 : memref<208x64xf32, #tpu.memory_space<vmem_shared>>) target_semaphore(%run_scoped3A : memref<!tpu.dma_semaphore, #tpu.memory_space<semaphore_mem>>)
        %dma_wait3A = arith.constant 0 : i32
        %dma_wait3A_104 = tpu.memref_slice %arg15[%add3A_28, %dma_wait3A] : memref<20016x64xf32, #tpu.memory_space<vmem_shared>> -> memref<208x64xf32, #tpu.memory_space<vmem_shared>>
        %dma_wait3A_105 = arith.constant 0 : i32
        %dma_wait3A_106 = tpu.memref_slice %arg15[%add3A_28, %dma_wait3A_105] : memref<20016x64xf32, #tpu.memory_space<vmem_shared>> -> memref<208x64xf32, #tpu.memory_space<vmem_shared>>
        tpu.wait_dma2 semaphore(%run_scoped3A : memref<!tpu.dma_semaphore, #tpu.memory_space<semaphore_mem>>) src(%arg14 : memref<208x64xf32, #tpu.memory_space<vmem>>) dst(%dma_wait3A_106 : memref<208x64xf32, #tpu.memory_space<vmem_shared>>)
        tpu.yield
      }) : () -> ()
      %mul3A_29 = arith.constant 1248 : i32
      %mul3A_30 = arith.muli %arg1, %mul3A_29 : i32
      %add3A_31 = arith.constant 416 : i32
      %add3A_32 = arith.addi %mul3A_30, %add3A_31 : i32
      "tpu.region"() ({
        %run_scoped3A = tpu.sem_alloc : memref<!tpu.dma_semaphore, #tpu.memory_space<semaphore_mem>>
        %dma_start3A = arith.constant 0 : i32
        %dma_start3A_101 = tpu.memref_slice %arg15[%add3A_32, %dma_start3A] : memref<20016x64xf32, #tpu.memory_space<vmem_shared>> -> memref<208x64xf32, #tpu.memory_space<vmem_shared>>
        %dma_start3A_102 = arith.constant 0 : i32
        %dma_start3A_103 = tpu.memref_slice %arg15[%add3A_32, %dma_start3A_102] : memref<20016x64xf32, #tpu.memory_space<vmem_shared>> -> memref<208x64xf32, #tpu.memory_space<vmem_shared>>
        tpu.enqueue_dma source(%arg14 : memref<208x64xf32, #tpu.memory_space<vmem>>) target(%dma_start3A_103 : memref<208x64xf32, #tpu.memory_space<vmem_shared>>) target_semaphore(%run_scoped3A : memref<!tpu.dma_semaphore, #tpu.memory_space<semaphore_mem>>)
        %dma_wait3A = arith.constant 0 : i32
        %dma_wait3A_104 = tpu.memref_slice %arg15[%add3A_32, %dma_wait3A] : memref<20016x64xf32, #tpu.memory_space<vmem_shared>> -> memref<208x64xf32, #tpu.memory_space<vmem_shared>>
        %dma_wait3A_105 = arith.constant 0 : i32
        %dma_wait3A_106 = tpu.memref_slice %arg15[%add3A_32, %dma_wait3A_105] : memref<20016x64xf32, #tpu.memory_space<vmem_shared>> -> memref<208x64xf32, #tpu.memory_space<vmem_shared>>
        tpu.wait_dma2 semaphore(%run_scoped3A : memref<!tpu.dma_semaphore, #tpu.memory_space<semaphore_mem>>) src(%arg14 : memref<208x64xf32, #tpu.memory_space<vmem>>) dst(%dma_wait3A_106 : memref<208x64xf32, #tpu.memory_space<vmem_shared>>)
        tpu.yield
      }) : () -> ()
      %mul3A_33 = arith.constant 1248 : i32
      %mul3A_34 = arith.muli %arg1, %mul3A_33 : i32
      %add3A_35 = arith.constant 624 : i32
      %add3A_36 = arith.addi %mul3A_34, %add3A_35 : i32
      "tpu.region"() ({
        %run_scoped3A = tpu.sem_alloc : memref<!tpu.dma_semaphore, #tpu.memory_space<semaphore_mem>>
        %dma_start3A = arith.constant 0 : i32
        %dma_start3A_101 = tpu.memref_slice %arg15[%add3A_36, %dma_start3A] : memref<20016x64xf32, #tpu.memory_space<vmem_shared>> -> memref<208x64xf32, #tpu.memory_space<vmem_shared>>
        %dma_start3A_102 = arith.constant 0 : i32
        %dma_start3A_103 = tpu.memref_slice %arg15[%add3A_36, %dma_start3A_102] : memref<20016x64xf32, #tpu.memory_space<vmem_shared>> -> memref<208x64xf32, #tpu.memory_space<vmem_shared>>
        tpu.enqueue_dma source(%arg14 : memref<208x64xf32, #tpu.memory_space<vmem>>) target(%dma_start3A_103 : memref<208x64xf32, #tpu.memory_space<vmem_shared>>) target_semaphore(%run_scoped3A : memref<!tpu.dma_semaphore, #tpu.memory_space<semaphore_mem>>)
        %dma_wait3A = arith.constant 0 : i32
        %dma_wait3A_104 = tpu.memref_slice %arg15[%add3A_36, %dma_wait3A] : memref<20016x64xf32, #tpu.memory_space<vmem_shared>> -> memref<208x64xf32, #tpu.memory_space<vmem_shared>>
        %dma_wait3A_105 = arith.constant 0 : i32
        %dma_wait3A_106 = tpu.memref_slice %arg15[%add3A_36, %dma_wait3A_105] : memref<20016x64xf32, #tpu.memory_space<vmem_shared>> -> memref<208x64xf32, #tpu.memory_space<vmem_shared>>
        tpu.wait_dma2 semaphore(%run_scoped3A : memref<!tpu.dma_semaphore, #tpu.memory_space<semaphore_mem>>) src(%arg14 : memref<208x64xf32, #tpu.memory_space<vmem>>) dst(%dma_wait3A_106 : memref<208x64xf32, #tpu.memory_space<vmem_shared>>)
        tpu.yield
      }) : () -> ()
      %mul3A_37 = arith.constant 1248 : i32
      %mul3A_38 = arith.muli %arg1, %mul3A_37 : i32
      %add3A_39 = arith.constant 832 : i32
      %add3A_40 = arith.addi %mul3A_38, %add3A_39 : i32
      "tpu.region"() ({
        %run_scoped3A = tpu.sem_alloc : memref<!tpu.dma_semaphore, #tpu.memory_space<semaphore_mem>>
        %dma_start3A = arith.constant 0 : i32
        %dma_start3A_101 = tpu.memref_slice %arg15[%add3A_40, %dma_start3A] : memref<20016x64xf32, #tpu.memory_space<vmem_shared>> -> memref<208x64xf32, #tpu.memory_space<vmem_shared>>
        %dma_start3A_102 = arith.constant 0 : i32
        %dma_start3A_103 = tpu.memref_slice %arg15[%add3A_40, %dma_start3A_102] : memref<20016x64xf32, #tpu.memory_space<vmem_shared>> -> memref<208x64xf32, #tpu.memory_space<vmem_shared>>
        tpu.enqueue_dma source(%arg14 : memref<208x64xf32, #tpu.memory_space<vmem>>) target(%dma_start3A_103 : memref<208x64xf32, #tpu.memory_space<vmem_shared>>) target_semaphore(%run_scoped3A : memref<!tpu.dma_semaphore, #tpu.memory_space<semaphore_mem>>)
        %dma_wait3A = arith.constant 0 : i32
        %dma_wait3A_104 = tpu.memref_slice %arg15[%add3A_40, %dma_wait3A] : memref<20016x64xf32, #tpu.memory_space<vmem_shared>> -> memref<208x64xf32, #tpu.memory_space<vmem_shared>>
        %dma_wait3A_105 = arith.constant 0 : i32
        %dma_wait3A_106 = tpu.memref_slice %arg15[%add3A_40, %dma_wait3A_105] : memref<20016x64xf32, #tpu.memory_space<vmem_shared>> -> memref<208x64xf32, #tpu.memory_space<vmem_shared>>
        tpu.wait_dma2 semaphore(%run_scoped3A : memref<!tpu.dma_semaphore, #tpu.memory_space<semaphore_mem>>) src(%arg14 : memref<208x64xf32, #tpu.memory_space<vmem>>) dst(%dma_wait3A_106 : memref<208x64xf32, #tpu.memory_space<vmem_shared>>)
        tpu.yield
      }) : () -> ()
      %mul3A_41 = arith.constant 1248 : i32
      %mul3A_42 = arith.muli %arg1, %mul3A_41 : i32
      %add3A_43 = arith.constant 1040 : i32
      %add3A_44 = arith.addi %mul3A_42, %add3A_43 : i32
      "tpu.region"() ({
        %run_scoped3A = tpu.sem_alloc : memref<!tpu.dma_semaphore, #tpu.memory_space<semaphore_mem>>
        %dma_start3A = arith.constant 0 : i32
        %dma_start3A_101 = tpu.memref_slice %arg15[%add3A_44, %dma_start3A] : memref<20016x64xf32, #tpu.memory_space<vmem_shared>> -> memref<208x64xf32, #tpu.memory_space<vmem_shared>>
        %dma_start3A_102 = arith.constant 0 : i32
        %dma_start3A_103 = tpu.memref_slice %arg15[%add3A_44, %dma_start3A_102] : memref<20016x64xf32, #tpu.memory_space<vmem_shared>> -> memref<208x64xf32, #tpu.memory_space<vmem_shared>>
        tpu.enqueue_dma source(%arg14 : memref<208x64xf32, #tpu.memory_space<vmem>>) target(%dma_start3A_103 : memref<208x64xf32, #tpu.memory_space<vmem_shared>>) target_semaphore(%run_scoped3A : memref<!tpu.dma_semaphore, #tpu.memory_space<semaphore_mem>>)
        %dma_wait3A = arith.constant 0 : i32
        %dma_wait3A_104 = tpu.memref_slice %arg15[%add3A_44, %dma_wait3A] : memref<20016x64xf32, #tpu.memory_space<vmem_shared>> -> memref<208x64xf32, #tpu.memory_space<vmem_shared>>
        %dma_wait3A_105 = arith.constant 0 : i32
        %dma_wait3A_106 = tpu.memref_slice %arg15[%add3A_44, %dma_wait3A_105] : memref<20016x64xf32, #tpu.memory_space<vmem_shared>> -> memref<208x64xf32, #tpu.memory_space<vmem_shared>>
        tpu.wait_dma2 semaphore(%run_scoped3A : memref<!tpu.dma_semaphore, #tpu.memory_space<semaphore_mem>>) src(%arg14 : memref<208x64xf32, #tpu.memory_space<vmem>>) dst(%dma_wait3A_106 : memref<208x64xf32, #tpu.memory_space<vmem_shared>>)
        tpu.yield
      }) : () -> ()
      %eq3A_45 = arith.constant 15 : i32
      %eq3A_46 = arith.cmpi eq, %arg1, %eq3A_45 : i32
      %convert_element_type3A_47 = arith.extui %eq3A_46 : i1 to i32
      %cond3A_48 = arith.constant 0 : i32
      %cond3A_49 = arith.cmpi ne, %convert_element_type3A_47, %cond3A_48 : i32
      scf.if %cond3A_49 {
        "tpu.region"() ({
          %run_scoped3A = tpu.sem_alloc : memref<!tpu.dma_semaphore, #tpu.memory_space<semaphore_mem>>
          %dma_start3A = arith.constant 0 : i32
          %dma_start3A_101 = arith.constant 0 : i32
          %dma_start3A_102 = tpu.memref_slice %arg14[%dma_start3A, %dma_start3A_101] : memref<208x64xf32, #tpu.memory_space<vmem>> -> memref<32x64xf32, #tpu.memory_space<vmem>>
          %dma_start3A_103 = arith.constant 19968 : i32
          %dma_start3A_104 = arith.constant 0 : i32
          %dma_start3A_105 = tpu.memref_slice %arg15[%dma_start3A_103, %dma_start3A_104] : memref<20016x64xf32, #tpu.memory_space<vmem_shared>> -> memref<32x64xf32, #tpu.memory_space<vmem_shared>>
          %dma_start3A_106 = arith.constant 19968 : i32
          %dma_start3A_107 = arith.constant 0 : i32
          %dma_start3A_108 = tpu.memref_slice %arg15[%dma_start3A_106, %dma_start3A_107] : memref<20016x64xf32, #tpu.memory_space<vmem_shared>> -> memref<32x64xf32, #tpu.memory_space<vmem_shared>>
          %dma_start3A_109 = arith.constant 0 : i32
          %dma_start3A_110 = arith.constant 0 : i32
          %dma_start3A_111 = tpu.memref_slice %arg14[%dma_start3A_109, %dma_start3A_110] : memref<208x64xf32, #tpu.memory_space<vmem>> -> memref<32x64xf32, #tpu.memory_space<vmem>>
          tpu.enqueue_dma source(%dma_start3A_111 : memref<32x64xf32, #tpu.memory_space<vmem>>) target(%dma_start3A_108 : memref<32x64xf32, #tpu.memory_space<vmem_shared>>) target_semaphore(%run_scoped3A : memref<!tpu.dma_semaphore, #tpu.memory_space<semaphore_mem>>)
          %dma_wait3A = arith.constant 0 : i32
          %dma_wait3A_112 = arith.constant 0 : i32
          %dma_wait3A_113 = tpu.memref_slice %arg14[%dma_wait3A, %dma_wait3A_112] : memref<208x64xf32, #tpu.memory_space<vmem>> -> memref<32x64xf32, #tpu.memory_space<vmem>>
          %dma_wait3A_114 = arith.constant 19968 : i32
          %dma_wait3A_115 = arith.constant 0 : i32
          %dma_wait3A_116 = tpu.memref_slice %arg15[%dma_wait3A_114, %dma_wait3A_115] : memref<20016x64xf32, #tpu.memory_space<vmem_shared>> -> memref<32x64xf32, #tpu.memory_space<vmem_shared>>
          %dma_wait3A_117 = arith.constant 19968 : i32
          %dma_wait3A_118 = arith.constant 0 : i32
          %dma_wait3A_119 = tpu.memref_slice %arg15[%dma_wait3A_117, %dma_wait3A_118] : memref<20016x64xf32, #tpu.memory_space<vmem_shared>> -> memref<32x64xf32, #tpu.memory_space<vmem_shared>>
          %dma_wait3A_120 = arith.constant 0 : i32
          %dma_wait3A_121 = arith.constant 0 : i32
          %dma_wait3A_122 = tpu.memref_slice %arg14[%dma_wait3A_120, %dma_wait3A_121] : memref<208x64xf32, #tpu.memory_space<vmem>> -> memref<32x64xf32, #tpu.memory_space<vmem>>
          tpu.wait_dma2 semaphore(%run_scoped3A : memref<!tpu.dma_semaphore, #tpu.memory_space<semaphore_mem>>) src(%dma_wait3A_122 : memref<32x64xf32, #tpu.memory_space<vmem>>) dst(%dma_wait3A_119 : memref<32x64xf32, #tpu.memory_space<vmem_shared>>)
          tpu.yield
        }) : () -> ()
      } else {
      }
      %barrier3A = arith.constant 0 : index
      tpu.barrier barrier_id(%barrier3A)
      %mul3A_50 = arith.constant 20096 : i32
      %mul3A_51 = arith.muli %arg1, %mul3A_50 : i32
      %scan3A_52 = arith.constant 0 : i32
      %scan3A_53 = arith.constant 0 : i32
      %scan3A_54 = arith.constant 157 : i32
      %scan3A_55 = arith.addi %scan3A_53, %scan3A_54 : i32
      %scan3A_56 = arith.constant 1 : i32
      scf.for %scan3A_101 = %scan3A_53 to %scan3A_55 step %scan3A_56  : i32 {
        %mul3A_102 = arith.constant 128 : i32
        %mul3A_103 = arith.muli %scan3A_101, %mul3A_102 : i32
        %add3A_104 = arith.addi %mul3A_51, %mul3A_103 : i32
        "tpu.region"() ({
          %run_scoped3A = tpu.sem_alloc : memref<!tpu.dma_semaphore, #tpu.memory_space<semaphore_mem>>
          %dma_start3A_409 = tpu.memref_slice %arg4[%add3A_104] : memref<321536xi32, #tpu.memory_space<hbm>> -> memref<128xi32, #tpu.memory_space<hbm>>
          %dma_start3A_410 = tpu.memref_slice %arg4[%add3A_104] : memref<321536xi32, #tpu.memory_space<hbm>> -> memref<128xi32, #tpu.memory_space<hbm>>
          tpu.enqueue_dma source(%dma_start3A_410 : memref<128xi32, #tpu.memory_space<hbm>>) target(%arg7 : memref<128xi32, #tpu.memory_space<vmem>>) target_semaphore(%run_scoped3A : memref<!tpu.dma_semaphore, #tpu.memory_space<semaphore_mem>>)
          %dma_wait3A_411 = tpu.memref_slice %arg4[%add3A_104] : memref<321536xi32, #tpu.memory_space<hbm>> -> memref<128xi32, #tpu.memory_space<hbm>>
          %dma_wait3A_412 = tpu.memref_slice %arg4[%add3A_104] : memref<321536xi32, #tpu.memory_space<hbm>> -> memref<128xi32, #tpu.memory_space<hbm>>
          tpu.wait_dma2 semaphore(%run_scoped3A : memref<!tpu.dma_semaphore, #tpu.memory_space<semaphore_mem>>) src(%dma_wait3A_412 : memref<128xi32, #tpu.memory_space<hbm>>) dst(%arg7 : memref<128xi32, #tpu.memory_space<vmem>>)
          tpu.yield
        }) : () -> ()
        "tpu.region"() ({
          %run_scoped3A = tpu.sem_alloc : memref<!tpu.dma_semaphore, #tpu.memory_space<semaphore_mem>>
          %dma_start3A_409 = tpu.memref_slice %arg5[%add3A_104] : memref<321536xi32, #tpu.memory_space<hbm>> -> memref<128xi32, #tpu.memory_space<hbm>>
          %dma_start3A_410 = tpu.memref_slice %arg5[%add3A_104] : memref<321536xi32, #tpu.memory_space<hbm>> -> memref<128xi32, #tpu.memory_space<hbm>>
          tpu.enqueue_dma source(%dma_start3A_410 : memref<128xi32, #tpu.memory_space<hbm>>) target(%arg8 : memref<128xi32, #tpu.memory_space<vmem>>) target_semaphore(%run_scoped3A : memref<!tpu.dma_semaphore, #tpu.memory_space<semaphore_mem>>)
          %dma_wait3A_411 = tpu.memref_slice %arg5[%add3A_104] : memref<321536xi32, #tpu.memory_space<hbm>> -> memref<128xi32, #tpu.memory_space<hbm>>
          %dma_wait3A_412 = tpu.memref_slice %arg5[%add3A_104] : memref<321536xi32, #tpu.memory_space<hbm>> -> memref<128xi32, #tpu.memory_space<hbm>>
          tpu.wait_dma2 semaphore(%run_scoped3A : memref<!tpu.dma_semaphore, #tpu.memory_space<semaphore_mem>>) src(%dma_wait3A_412 : memref<128xi32, #tpu.memory_space<hbm>>) dst(%arg8 : memref<128xi32, #tpu.memory_space<vmem>>)
          tpu.yield
        }) : () -> ()
        %get3A = arith.constant 0 : index
        %get3A_105 = tpu.vector_load %arg7[%get3A] {strides = array<i32>} : memref<128xi32, #tpu.memory_space<vmem>>, vector<16xi32>,
        %get3A_106 = vector.shape_cast %get3A_105 : vector<16xi32> to vector<16xi32>
        %get3A_107 = arith.constant 0 : index
        %get3A_108 = tpu.vector_load %arg8[%get3A_107] {strides = array<i32>} : memref<128xi32, #tpu.memory_space<vmem>>, vector<16xi32>,
        %get3A_109 = vector.shape_cast %get3A_108 : vector<16xi32> to vector<16xi32>
        %convert_element_type3A_110 = arith.sitofp %get3A_106 : vector<16xi32> to vector<16xf32>
        %mul3A_111 = arith.constant 0.0370370373 : f32
        %mul3A_112 = vector.broadcast %mul3A_111 : f32 to vector<16xf32>
        %mul3A_113 = arith.mulf %convert_element_type3A_110, %mul3A_112 : vector<16xf32>
        %add3A_114 = arith.constant 0.00999999977 : f32
        %add3A_115 = vector.broadcast %add3A_114 : f32 to vector<16xf32>
        %add3A_116 = arith.addf %mul3A_113, %add3A_115 : vector<16xf32>
        %convert_element_type3A_117 = arith.fptosi %add3A_116 : vector<16xf32> to vector<16xi32>
        %mul3A_118 = arith.constant 27 : i32
        %mul3A_119 = vector.broadcast %mul3A_118 : i32 to vector<16xi32>
        %mul3A_120 = arith.muli %convert_element_type3A_117, %mul3A_119 : vector<16xi32>
        %sub3A = arith.subi %get3A_106, %mul3A_120 : vector<16xi32>
        %mul3A_121 = arith.constant 27 : i32
        %mul3A_122 = vector.broadcast %mul3A_121 : i32 to vector<16xi32>
        %mul3A_123 = arith.muli %get3A_109, %mul3A_122 : vector<16xi32>
        %add3A_124 = arith.addi %mul3A_123, %sub3A : vector<16xi32>
        %min3A = arith.constant 539999 : i32
        %min3A_125 = vector.broadcast %min3A : i32 to vector<16xi32>
        %min3A_126 = arith.minsi %add3A_124, %min3A_125 : vector<16xi32>
        %swap3A = arith.constant 0 : index
        %swap3A_127 = tpu.vector_load %arg9[%swap3A] {strides = array<i32>} : memref<128xi32, #tpu.memory_space<vmem>>, vector<16xi32>,
        %swap3A_128 = vector.shape_cast %swap3A_127 : vector<16xi32> to vector<16xi32>
        %swap3A_129 = vector.shape_cast %min3A_126 : vector<16xi32> to vector<16xi32>
        tpu.vector_store %arg9[%swap3A], %swap3A_129 {strides = array<i32>} : memref<128xi32, #tpu.memory_space<vmem>>, vector<16xi32>,
        %add3A_130 = arith.constant 20000 : i32
        %add3A_131 = vector.broadcast %add3A_130 : i32 to vector<16xi32>
        %add3A_132 = arith.addi %convert_element_type3A_117, %add3A_131 : vector<16xi32>
        %swap3A_133 = arith.constant 0 : index
        %swap3A_134 = tpu.vector_load %arg10[%swap3A_133] {strides = array<i32>} : memref<128xi32, #tpu.memory_space<vmem>>, vector<16xi32>,
        %swap3A_135 = vector.shape_cast %swap3A_134 : vector<16xi32> to vector<16xi32>
        %swap3A_136 = vector.shape_cast %add3A_132 : vector<16xi32> to vector<16xi32>
        tpu.vector_store %arg10[%swap3A_133], %swap3A_136 {strides = array<i32>} : memref<128xi32, #tpu.memory_space<vmem>>, vector<16xi32>,
        %get3A_137 = arith.constant 16 : index
        %get3A_138 = tpu.vector_load %arg7[%get3A_137] {strides = array<i32>} : memref<128xi32, #tpu.memory_space<vmem>>, vector<16xi32>,
        %get3A_139 = vector.shape_cast %get3A_138 : vector<16xi32> to vector<16xi32>
        %get3A_140 = arith.constant 16 : index
        %get3A_141 = tpu.vector_load %arg8[%get3A_140] {strides = array<i32>} : memref<128xi32, #tpu.memory_space<vmem>>, vector<16xi32>,
        %get3A_142 = vector.shape_cast %get3A_141 : vector<16xi32> to vector<16xi32>
        %convert_element_type3A_143 = arith.sitofp %get3A_139 : vector<16xi32> to vector<16xf32>
        %mul3A_144 = arith.constant 0.0370370373 : f32
        %mul3A_145 = vector.broadcast %mul3A_144 : f32 to vector<16xf32>
        %mul3A_146 = arith.mulf %convert_element_type3A_143, %mul3A_145 : vector<16xf32>
        %add3A_147 = arith.constant 0.00999999977 : f32
        %add3A_148 = vector.broadcast %add3A_147 : f32 to vector<16xf32>
        %add3A_149 = arith.addf %mul3A_146, %add3A_148 : vector<16xf32>
        %convert_element_type3A_150 = arith.fptosi %add3A_149 : vector<16xf32> to vector<16xi32>
        %mul3A_151 = arith.constant 27 : i32
        %mul3A_152 = vector.broadcast %mul3A_151 : i32 to vector<16xi32>
        %mul3A_153 = arith.muli %convert_element_type3A_150, %mul3A_152 : vector<16xi32>
        %sub3A_154 = arith.subi %get3A_139, %mul3A_153 : vector<16xi32>
        %mul3A_155 = arith.constant 27 : i32
        %mul3A_156 = vector.broadcast %mul3A_155 : i32 to vector<16xi32>
        %mul3A_157 = arith.muli %get3A_142, %mul3A_156 : vector<16xi32>
        %add3A_158 = arith.addi %mul3A_157, %sub3A_154 : vector<16xi32>
        %min3A_159 = arith.constant 539999 : i32
        %min3A_160 = vector.broadcast %min3A_159 : i32 to vector<16xi32>
        %min3A_161 = arith.minsi %add3A_158, %min3A_160 : vector<16xi32>
        %swap3A_162 = arith.constant 16 : index
        %swap3A_163 = tpu.vector_load %arg9[%swap3A_162] {strides = array<i32>} : memref<128xi32, #tpu.memory_space<vmem>>, vector<16xi32>,
        %swap3A_164 = vector.shape_cast %swap3A_163 : vector<16xi32> to vector<16xi32>
        %swap3A_165 = vector.shape_cast %min3A_161 : vector<16xi32> to vector<16xi32>
        tpu.vector_store %arg9[%swap3A_162], %swap3A_165 {strides = array<i32>} : memref<128xi32, #tpu.memory_space<vmem>>, vector<16xi32>,
        %add3A_166 = arith.constant 20000 : i32
        %add3A_167 = vector.broadcast %add3A_166 : i32 to vector<16xi32>
        %add3A_168 = arith.addi %convert_element_type3A_150, %add3A_167 : vector<16xi32>
        %swap3A_169 = arith.constant 16 : index
        %swap3A_170 = tpu.vector_load %arg10[%swap3A_169] {strides = array<i32>} : memref<128xi32, #tpu.memory_space<vmem>>, vector<16xi32>,
        %swap3A_171 = vector.shape_cast %swap3A_170 : vector<16xi32> to vector<16xi32>
        %swap3A_172 = vector.shape_cast %add3A_168 : vector<16xi32> to vector<16xi32>
        tpu.vector_store %arg10[%swap3A_169], %swap3A_172 {strides = array<i32>} : memref<128xi32, #tpu.memory_space<vmem>>, vector<16xi32>,
        %get3A_173 = arith.constant 32 : index
        %get3A_174 = tpu.vector_load %arg7[%get3A_173] {strides = array<i32>} : memref<128xi32, #tpu.memory_space<vmem>>, vector<16xi32>,
        %get3A_175 = vector.shape_cast %get3A_174 : vector<16xi32> to vector<16xi32>
        %get3A_176 = arith.constant 32 : index
        %get3A_177 = tpu.vector_load %arg8[%get3A_176] {strides = array<i32>} : memref<128xi32, #tpu.memory_space<vmem>>, vector<16xi32>,
        %get3A_178 = vector.shape_cast %get3A_177 : vector<16xi32> to vector<16xi32>
        %convert_element_type3A_179 = arith.sitofp %get3A_175 : vector<16xi32> to vector<16xf32>
        %mul3A_180 = arith.constant 0.0370370373 : f32
        %mul3A_181 = vector.broadcast %mul3A_180 : f32 to vector<16xf32>
        %mul3A_182 = arith.mulf %convert_element_type3A_179, %mul3A_181 : vector<16xf32>
        %add3A_183 = arith.constant 0.00999999977 : f32
        %add3A_184 = vector.broadcast %add3A_183 : f32 to vector<16xf32>
        %add3A_185 = arith.addf %mul3A_182, %add3A_184 : vector<16xf32>
        %convert_element_type3A_186 = arith.fptosi %add3A_185 : vector<16xf32> to vector<16xi32>
        %mul3A_187 = arith.constant 27 : i32
        %mul3A_188 = vector.broadcast %mul3A_187 : i32 to vector<16xi32>
        %mul3A_189 = arith.muli %convert_element_type3A_186, %mul3A_188 : vector<16xi32>
        %sub3A_190 = arith.subi %get3A_175, %mul3A_189 : vector<16xi32>
        %mul3A_191 = arith.constant 27 : i32
        %mul3A_192 = vector.broadcast %mul3A_191 : i32 to vector<16xi32>
        %mul3A_193 = arith.muli %get3A_178, %mul3A_192 : vector<16xi32>
        %add3A_194 = arith.addi %mul3A_193, %sub3A_190 : vector<16xi32>
        %min3A_195 = arith.constant 539999 : i32
        %min3A_196 = vector.broadcast %min3A_195 : i32 to vector<16xi32>
        %min3A_197 = arith.minsi %add3A_194, %min3A_196 : vector<16xi32>
        %swap3A_198 = arith.constant 32 : index
        %swap3A_199 = tpu.vector_load %arg9[%swap3A_198] {strides = array<i32>} : memref<128xi32, #tpu.memory_space<vmem>>, vector<16xi32>,
        %swap3A_200 = vector.shape_cast %swap3A_199 : vector<16xi32> to vector<16xi32>
        %swap3A_201 = vector.shape_cast %min3A_197 : vector<16xi32> to vector<16xi32>
        tpu.vector_store %arg9[%swap3A_198], %swap3A_201 {strides = array<i32>} : memref<128xi32, #tpu.memory_space<vmem>>, vector<16xi32>,
        %add3A_202 = arith.constant 20000 : i32
        %add3A_203 = vector.broadcast %add3A_202 : i32 to vector<16xi32>
        %add3A_204 = arith.addi %convert_element_type3A_186, %add3A_203 : vector<16xi32>
        %swap3A_205 = arith.constant 32 : index
        %swap3A_206 = tpu.vector_load %arg10[%swap3A_205] {strides = array<i32>} : memref<128xi32, #tpu.memory_space<vmem>>, vector<16xi32>,
        %swap3A_207 = vector.shape_cast %swap3A_206 : vector<16xi32> to vector<16xi32>
        %swap3A_208 = vector.shape_cast %add3A_204 : vector<16xi32> to vector<16xi32>
        tpu.vector_store %arg10[%swap3A_205], %swap3A_208 {strides = array<i32>} : memref<128xi32, #tpu.memory_space<vmem>>, vector<16xi32>,
        %get3A_209 = arith.constant 48 : index
        %get3A_210 = tpu.vector_load %arg7[%get3A_209] {strides = array<i32>} : memref<128xi32, #tpu.memory_space<vmem>>, vector<16xi32>,
        %get3A_211 = vector.shape_cast %get3A_210 : vector<16xi32> to vector<16xi32>
        %get3A_212 = arith.constant 48 : index
        %get3A_213 = tpu.vector_load %arg8[%get3A_212] {strides = array<i32>} : memref<128xi32, #tpu.memory_space<vmem>>, vector<16xi32>,
        %get3A_214 = vector.shape_cast %get3A_213 : vector<16xi32> to vector<16xi32>
        %convert_element_type3A_215 = arith.sitofp %get3A_211 : vector<16xi32> to vector<16xf32>
        %mul3A_216 = arith.constant 0.0370370373 : f32
        %mul3A_217 = vector.broadcast %mul3A_216 : f32 to vector<16xf32>
        %mul3A_218 = arith.mulf %convert_element_type3A_215, %mul3A_217 : vector<16xf32>
        %add3A_219 = arith.constant 0.00999999977 : f32
        %add3A_220 = vector.broadcast %add3A_219 : f32 to vector<16xf32>
        %add3A_221 = arith.addf %mul3A_218, %add3A_220 : vector<16xf32>
        %convert_element_type3A_222 = arith.fptosi %add3A_221 : vector<16xf32> to vector<16xi32>
        %mul3A_223 = arith.constant 27 : i32
        %mul3A_224 = vector.broadcast %mul3A_223 : i32 to vector<16xi32>
        %mul3A_225 = arith.muli %convert_element_type3A_222, %mul3A_224 : vector<16xi32>
        %sub3A_226 = arith.subi %get3A_211, %mul3A_225 : vector<16xi32>
        %mul3A_227 = arith.constant 27 : i32
        %mul3A_228 = vector.broadcast %mul3A_227 : i32 to vector<16xi32>
        %mul3A_229 = arith.muli %get3A_214, %mul3A_228 : vector<16xi32>
        %add3A_230 = arith.addi %mul3A_229, %sub3A_226 : vector<16xi32>
        %min3A_231 = arith.constant 539999 : i32
        %min3A_232 = vector.broadcast %min3A_231 : i32 to vector<16xi32>
        %min3A_233 = arith.minsi %add3A_230, %min3A_232 : vector<16xi32>
        %swap3A_234 = arith.constant 48 : index
        %swap3A_235 = tpu.vector_load %arg9[%swap3A_234] {strides = array<i32>} : memref<128xi32, #tpu.memory_space<vmem>>, vector<16xi32>,
        %swap3A_236 = vector.shape_cast %swap3A_235 : vector<16xi32> to vector<16xi32>
        %swap3A_237 = vector.shape_cast %min3A_233 : vector<16xi32> to vector<16xi32>
        tpu.vector_store %arg9[%swap3A_234], %swap3A_237 {strides = array<i32>} : memref<128xi32, #tpu.memory_space<vmem>>, vector<16xi32>,
        %add3A_238 = arith.constant 20000 : i32
        %add3A_239 = vector.broadcast %add3A_238 : i32 to vector<16xi32>
        %add3A_240 = arith.addi %convert_element_type3A_222, %add3A_239 : vector<16xi32>
        %swap3A_241 = arith.constant 48 : index
        %swap3A_242 = tpu.vector_load %arg10[%swap3A_241] {strides = array<i32>} : memref<128xi32, #tpu.memory_space<vmem>>, vector<16xi32>,
        %swap3A_243 = vector.shape_cast %swap3A_242 : vector<16xi32> to vector<16xi32>
        %swap3A_244 = vector.shape_cast %add3A_240 : vector<16xi32> to vector<16xi32>
        tpu.vector_store %arg10[%swap3A_241], %swap3A_244 {strides = array<i32>} : memref<128xi32, #tpu.memory_space<vmem>>, vector<16xi32>,
        %get3A_245 = arith.constant 64 : index
        %get3A_246 = tpu.vector_load %arg7[%get3A_245] {strides = array<i32>} : memref<128xi32, #tpu.memory_space<vmem>>, vector<16xi32>,
        %get3A_247 = vector.shape_cast %get3A_246 : vector<16xi32> to vector<16xi32>
        %get3A_248 = arith.constant 64 : index
        %get3A_249 = tpu.vector_load %arg8[%get3A_248] {strides = array<i32>} : memref<128xi32, #tpu.memory_space<vmem>>, vector<16xi32>,
        %get3A_250 = vector.shape_cast %get3A_249 : vector<16xi32> to vector<16xi32>
        %convert_element_type3A_251 = arith.sitofp %get3A_247 : vector<16xi32> to vector<16xf32>
        %mul3A_252 = arith.constant 0.0370370373 : f32
        %mul3A_253 = vector.broadcast %mul3A_252 : f32 to vector<16xf32>
        %mul3A_254 = arith.mulf %convert_element_type3A_251, %mul3A_253 : vector<16xf32>
        %add3A_255 = arith.constant 0.00999999977 : f32
        %add3A_256 = vector.broadcast %add3A_255 : f32 to vector<16xf32>
        %add3A_257 = arith.addf %mul3A_254, %add3A_256 : vector<16xf32>
        %convert_element_type3A_258 = arith.fptosi %add3A_257 : vector<16xf32> to vector<16xi32>
        %mul3A_259 = arith.constant 27 : i32
        %mul3A_260 = vector.broadcast %mul3A_259 : i32 to vector<16xi32>
        %mul3A_261 = arith.muli %convert_element_type3A_258, %mul3A_260 : vector<16xi32>
        %sub3A_262 = arith.subi %get3A_247, %mul3A_261 : vector<16xi32>
        %mul3A_263 = arith.constant 27 : i32
        %mul3A_264 = vector.broadcast %mul3A_263 : i32 to vector<16xi32>
        %mul3A_265 = arith.muli %get3A_250, %mul3A_264 : vector<16xi32>
        %add3A_266 = arith.addi %mul3A_265, %sub3A_262 : vector<16xi32>
        %min3A_267 = arith.constant 539999 : i32
        %min3A_268 = vector.broadcast %min3A_267 : i32 to vector<16xi32>
        %min3A_269 = arith.minsi %add3A_266, %min3A_268 : vector<16xi32>
        %swap3A_270 = arith.constant 64 : index
        %swap3A_271 = tpu.vector_load %arg9[%swap3A_270] {strides = array<i32>} : memref<128xi32, #tpu.memory_space<vmem>>, vector<16xi32>,
        %swap3A_272 = vector.shape_cast %swap3A_271 : vector<16xi32> to vector<16xi32>
        %swap3A_273 = vector.shape_cast %min3A_269 : vector<16xi32> to vector<16xi32>
        tpu.vector_store %arg9[%swap3A_270], %swap3A_273 {strides = array<i32>} : memref<128xi32, #tpu.memory_space<vmem>>, vector<16xi32>,
        %add3A_274 = arith.constant 20000 : i32
        %add3A_275 = vector.broadcast %add3A_274 : i32 to vector<16xi32>
        %add3A_276 = arith.addi %convert_element_type3A_258, %add3A_275 : vector<16xi32>
        %swap3A_277 = arith.constant 64 : index
        %swap3A_278 = tpu.vector_load %arg10[%swap3A_277] {strides = array<i32>} : memref<128xi32, #tpu.memory_space<vmem>>, vector<16xi32>,
        %swap3A_279 = vector.shape_cast %swap3A_278 : vector<16xi32> to vector<16xi32>
        %swap3A_280 = vector.shape_cast %add3A_276 : vector<16xi32> to vector<16xi32>
        tpu.vector_store %arg10[%swap3A_277], %swap3A_280 {strides = array<i32>} : memref<128xi32, #tpu.memory_space<vmem>>, vector<16xi32>,
        %get3A_281 = arith.constant 80 : index
        %get3A_282 = tpu.vector_load %arg7[%get3A_281] {strides = array<i32>} : memref<128xi32, #tpu.memory_space<vmem>>, vector<16xi32>,
        %get3A_283 = vector.shape_cast %get3A_282 : vector<16xi32> to vector<16xi32>
        %get3A_284 = arith.constant 80 : index
        %get3A_285 = tpu.vector_load %arg8[%get3A_284] {strides = array<i32>} : memref<128xi32, #tpu.memory_space<vmem>>, vector<16xi32>,
        %get3A_286 = vector.shape_cast %get3A_285 : vector<16xi32> to vector<16xi32>
        %convert_element_type3A_287 = arith.sitofp %get3A_283 : vector<16xi32> to vector<16xf32>
        %mul3A_288 = arith.constant 0.0370370373 : f32
        %mul3A_289 = vector.broadcast %mul3A_288 : f32 to vector<16xf32>
        %mul3A_290 = arith.mulf %convert_element_type3A_287, %mul3A_289 : vector<16xf32>
        %add3A_291 = arith.constant 0.00999999977 : f32
        %add3A_292 = vector.broadcast %add3A_291 : f32 to vector<16xf32>
        %add3A_293 = arith.addf %mul3A_290, %add3A_292 : vector<16xf32>
        %convert_element_type3A_294 = arith.fptosi %add3A_293 : vector<16xf32> to vector<16xi32>
        %mul3A_295 = arith.constant 27 : i32
        %mul3A_296 = vector.broadcast %mul3A_295 : i32 to vector<16xi32>
        %mul3A_297 = arith.muli %convert_element_type3A_294, %mul3A_296 : vector<16xi32>
        %sub3A_298 = arith.subi %get3A_283, %mul3A_297 : vector<16xi32>
        %mul3A_299 = arith.constant 27 : i32
        %mul3A_300 = vector.broadcast %mul3A_299 : i32 to vector<16xi32>
        %mul3A_301 = arith.muli %get3A_286, %mul3A_300 : vector<16xi32>
        %add3A_302 = arith.addi %mul3A_301, %sub3A_298 : vector<16xi32>
        %min3A_303 = arith.constant 539999 : i32
        %min3A_304 = vector.broadcast %min3A_303 : i32 to vector<16xi32>
        %min3A_305 = arith.minsi %add3A_302, %min3A_304 : vector<16xi32>
        %swap3A_306 = arith.constant 80 : index
        %swap3A_307 = tpu.vector_load %arg9[%swap3A_306] {strides = array<i32>} : memref<128xi32, #tpu.memory_space<vmem>>, vector<16xi32>,
        %swap3A_308 = vector.shape_cast %swap3A_307 : vector<16xi32> to vector<16xi32>
        %swap3A_309 = vector.shape_cast %min3A_305 : vector<16xi32> to vector<16xi32>
        tpu.vector_store %arg9[%swap3A_306], %swap3A_309 {strides = array<i32>} : memref<128xi32, #tpu.memory_space<vmem>>, vector<16xi32>,
        %add3A_310 = arith.constant 20000 : i32
        %add3A_311 = vector.broadcast %add3A_310 : i32 to vector<16xi32>
        %add3A_312 = arith.addi %convert_element_type3A_294, %add3A_311 : vector<16xi32>
        %swap3A_313 = arith.constant 80 : index
        %swap3A_314 = tpu.vector_load %arg10[%swap3A_313] {strides = array<i32>} : memref<128xi32, #tpu.memory_space<vmem>>, vector<16xi32>,
        %swap3A_315 = vector.shape_cast %swap3A_314 : vector<16xi32> to vector<16xi32>
        %swap3A_316 = vector.shape_cast %add3A_312 : vector<16xi32> to vector<16xi32>
        tpu.vector_store %arg10[%swap3A_313], %swap3A_316 {strides = array<i32>} : memref<128xi32, #tpu.memory_space<vmem>>, vector<16xi32>,
        %get3A_317 = arith.constant 96 : index
        %get3A_318 = tpu.vector_load %arg7[%get3A_317] {strides = array<i32>} : memref<128xi32, #tpu.memory_space<vmem>>, vector<16xi32>,
        %get3A_319 = vector.shape_cast %get3A_318 : vector<16xi32> to vector<16xi32>
        %get3A_320 = arith.constant 96 : index
        %get3A_321 = tpu.vector_load %arg8[%get3A_320] {strides = array<i32>} : memref<128xi32, #tpu.memory_space<vmem>>, vector<16xi32>,
        %get3A_322 = vector.shape_cast %get3A_321 : vector<16xi32> to vector<16xi32>
        %convert_element_type3A_323 = arith.sitofp %get3A_319 : vector<16xi32> to vector<16xf32>
        %mul3A_324 = arith.constant 0.0370370373 : f32
        %mul3A_325 = vector.broadcast %mul3A_324 : f32 to vector<16xf32>
        %mul3A_326 = arith.mulf %convert_element_type3A_323, %mul3A_325 : vector<16xf32>
        %add3A_327 = arith.constant 0.00999999977 : f32
        %add3A_328 = vector.broadcast %add3A_327 : f32 to vector<16xf32>
        %add3A_329 = arith.addf %mul3A_326, %add3A_328 : vector<16xf32>
        %convert_element_type3A_330 = arith.fptosi %add3A_329 : vector<16xf32> to vector<16xi32>
        %mul3A_331 = arith.constant 27 : i32
        %mul3A_332 = vector.broadcast %mul3A_331 : i32 to vector<16xi32>
        %mul3A_333 = arith.muli %convert_element_type3A_330, %mul3A_332 : vector<16xi32>
        %sub3A_334 = arith.subi %get3A_319, %mul3A_333 : vector<16xi32>
        %mul3A_335 = arith.constant 27 : i32
        %mul3A_336 = vector.broadcast %mul3A_335 : i32 to vector<16xi32>
        %mul3A_337 = arith.muli %get3A_322, %mul3A_336 : vector<16xi32>
        %add3A_338 = arith.addi %mul3A_337, %sub3A_334 : vector<16xi32>
        %min3A_339 = arith.constant 539999 : i32
        %min3A_340 = vector.broadcast %min3A_339 : i32 to vector<16xi32>
        %min3A_341 = arith.minsi %add3A_338, %min3A_340 : vector<16xi32>
        %swap3A_342 = arith.constant 96 : index
        %swap3A_343 = tpu.vector_load %arg9[%swap3A_342] {strides = array<i32>} : memref<128xi32, #tpu.memory_space<vmem>>, vector<16xi32>,
        %swap3A_344 = vector.shape_cast %swap3A_343 : vector<16xi32> to vector<16xi32>
        %swap3A_345 = vector.shape_cast %min3A_341 : vector<16xi32> to vector<16xi32>
        tpu.vector_store %arg9[%swap3A_342], %swap3A_345 {strides = array<i32>} : memref<128xi32, #tpu.memory_space<vmem>>, vector<16xi32>,
        %add3A_346 = arith.constant 20000 : i32
        %add3A_347 = vector.broadcast %add3A_346 : i32 to vector<16xi32>
        %add3A_348 = arith.addi %convert_element_type3A_330, %add3A_347 : vector<16xi32>
        %swap3A_349 = arith.constant 96 : index
        %swap3A_350 = tpu.vector_load %arg10[%swap3A_349] {strides = array<i32>} : memref<128xi32, #tpu.memory_space<vmem>>, vector<16xi32>,
        %swap3A_351 = vector.shape_cast %swap3A_350 : vector<16xi32> to vector<16xi32>
        %swap3A_352 = vector.shape_cast %add3A_348 : vector<16xi32> to vector<16xi32>
        tpu.vector_store %arg10[%swap3A_349], %swap3A_352 {strides = array<i32>} : memref<128xi32, #tpu.memory_space<vmem>>, vector<16xi32>,
        %get3A_353 = arith.constant 112 : index
        %get3A_354 = tpu.vector_load %arg7[%get3A_353] {strides = array<i32>} : memref<128xi32, #tpu.memory_space<vmem>>, vector<16xi32>,
        %get3A_355 = vector.shape_cast %get3A_354 : vector<16xi32> to vector<16xi32>
        %get3A_356 = arith.constant 112 : index
        %get3A_357 = tpu.vector_load %arg8[%get3A_356] {strides = array<i32>} : memref<128xi32, #tpu.memory_space<vmem>>, vector<16xi32>,
        %get3A_358 = vector.shape_cast %get3A_357 : vector<16xi32> to vector<16xi32>
        %convert_element_type3A_359 = arith.sitofp %get3A_355 : vector<16xi32> to vector<16xf32>
        %mul3A_360 = arith.constant 0.0370370373 : f32
        %mul3A_361 = vector.broadcast %mul3A_360 : f32 to vector<16xf32>
        %mul3A_362 = arith.mulf %convert_element_type3A_359, %mul3A_361 : vector<16xf32>
        %add3A_363 = arith.constant 0.00999999977 : f32
        %add3A_364 = vector.broadcast %add3A_363 : f32 to vector<16xf32>
        %add3A_365 = arith.addf %mul3A_362, %add3A_364 : vector<16xf32>
        %convert_element_type3A_366 = arith.fptosi %add3A_365 : vector<16xf32> to vector<16xi32>
        %mul3A_367 = arith.constant 27 : i32
        %mul3A_368 = vector.broadcast %mul3A_367 : i32 to vector<16xi32>
        %mul3A_369 = arith.muli %convert_element_type3A_366, %mul3A_368 : vector<16xi32>
        %sub3A_370 = arith.subi %get3A_355, %mul3A_369 : vector<16xi32>
        %mul3A_371 = arith.constant 27 : i32
        %mul3A_372 = vector.broadcast %mul3A_371 : i32 to vector<16xi32>
        %mul3A_373 = arith.muli %get3A_358, %mul3A_372 : vector<16xi32>
        %add3A_374 = arith.addi %mul3A_373, %sub3A_370 : vector<16xi32>
        %min3A_375 = arith.constant 539999 : i32
        %min3A_376 = vector.broadcast %min3A_375 : i32 to vector<16xi32>
        %min3A_377 = arith.minsi %add3A_374, %min3A_376 : vector<16xi32>
        %swap3A_378 = arith.constant 112 : index
        %swap3A_379 = tpu.vector_load %arg9[%swap3A_378] {strides = array<i32>} : memref<128xi32, #tpu.memory_space<vmem>>, vector<16xi32>,
        %swap3A_380 = vector.shape_cast %swap3A_379 : vector<16xi32> to vector<16xi32>
        %swap3A_381 = vector.shape_cast %min3A_377 : vector<16xi32> to vector<16xi32>
        tpu.vector_store %arg9[%swap3A_378], %swap3A_381 {strides = array<i32>} : memref<128xi32, #tpu.memory_space<vmem>>, vector<16xi32>,
        %add3A_382 = arith.constant 20000 : i32
        %add3A_383 = vector.broadcast %add3A_382 : i32 to vector<16xi32>
        %add3A_384 = arith.addi %convert_element_type3A_366, %add3A_383 : vector<16xi32>
        %swap3A_385 = arith.constant 112 : index
        %swap3A_386 = tpu.vector_load %arg10[%swap3A_385] {strides = array<i32>} : memref<128xi32, #tpu.memory_space<vmem>>, vector<16xi32>,
        %swap3A_387 = vector.shape_cast %swap3A_386 : vector<16xi32> to vector<16xi32>
        %swap3A_388 = vector.shape_cast %add3A_384 : vector<16xi32> to vector<16xi32>
        tpu.vector_store %arg10[%swap3A_385], %swap3A_388 {strides = array<i32>} : memref<128xi32, #tpu.memory_space<vmem>>, vector<16xi32>,
        %dma_start3A = arith.constant 0 : i32
        %dma_start3A_389 = arith.constant 0 : i32
        %dma_start3A_390 = tpu.memref_slice %arg2[%dma_start3A, %dma_start3A_389] : memref<540000x16xf32, #tpu.memory_space<hbm>> -> memref<540000x16xf32, #tpu.memory_space<hbm>>
        tpu.enqueue_indirect_dma source(%dma_start3A_390 : memref<540000x16xf32, #tpu.memory_space<hbm>>) target(%arg11 : memref<128x16xf32, #tpu.memory_space<vmem>>) offsets(%arg9 : memref<128xi32, #tpu.memory_space<vmem>>) semaphore(%arg16 : memref<!tpu.dma_semaphore, #tpu.memory_space<semaphore_mem>>)
        %dma_start3A_391 = arith.constant 0 : i32
        %dma_start3A_392 = arith.constant 0 : i32
        %dma_start3A_393 = tpu.memref_slice %arg3[%dma_start3A_391, %dma_start3A_392] : memref<80000x64xf32, #tpu.memory_space<hbm>> -> memref<80000x64xf32, #tpu.memory_space<hbm>>
        tpu.enqueue_indirect_dma source(%dma_start3A_393 : memref<80000x64xf32, #tpu.memory_space<hbm>>) target(%arg12 : memref<128x64xf32, #tpu.memory_space<vmem>>) offsets(%arg10 : memref<128xi32, #tpu.memory_space<vmem>>) semaphore(%arg17 : memref<!tpu.dma_semaphore, #tpu.memory_space<semaphore_mem>>)
        %dma_wait3A = arith.constant 0 : i32
        %dma_wait3A_394 = arith.constant 0 : i32
        %dma_wait3A_395 = tpu.memref_slice %arg2[%dma_wait3A, %dma_wait3A_394] : memref<540000x16xf32, #tpu.memory_space<hbm>> -> memref<540000x16xf32, #tpu.memory_space<hbm>>
        tpu.wait_indirect_dma semaphore(%arg16 : memref<!tpu.dma_semaphore, #tpu.memory_space<semaphore_mem>>) src(%dma_wait3A_395 : memref<540000x16xf32, #tpu.memory_space<hbm>>) dst(%arg11 : memref<128x16xf32, #tpu.memory_space<vmem>>)
        %dma_wait3A_396 = arith.constant 0 : i32
        %dma_wait3A_397 = arith.constant 0 : i32
        %dma_wait3A_398 = tpu.memref_slice %arg3[%dma_wait3A_396, %dma_wait3A_397] : memref<80000x64xf32, #tpu.memory_space<hbm>> -> memref<80000x64xf32, #tpu.memory_space<hbm>>
        tpu.wait_indirect_dma semaphore(%arg17 : memref<!tpu.dma_semaphore, #tpu.memory_space<semaphore_mem>>) src(%dma_wait3A_398 : memref<80000x64xf32, #tpu.memory_space<hbm>>) dst(%arg12 : memref<128x64xf32, #tpu.memory_space<vmem>>)
        %broadcast_in_dim3A_399 = arith.constant 2 : i32
        %broadcast_in_dim3A_400 = vector.broadcast %broadcast_in_dim3A_399 : i32 to vector<16x1xi32>
        %broadcast_in_dim3A_401 = arith.constant 3 : i32
        %broadcast_in_dim3A_402 = vector.broadcast %broadcast_in_dim3A_401 : i32 to vector<16x1xi32>
        %scan3A_403 = arith.constant 0 : i32
        %scan3A_404 = arith.constant 0 : i32
        %scan3A_405 = arith.constant 128 : i32
        %scan3A_406 = arith.addi %scan3A_404, %scan3A_405 : i32
        %scan3A_407 = arith.constant 1 : i32
        scf.for %scan3A_409 = %scan3A_404 to %scan3A_406 step %scan3A_407  : i32 {
          %get3A_410 = arith.index_cast %scan3A_409 : i32 to index
          %get3A_411 = arith.constant 0 : index
          %get3A_412 = tpu.vector_load %arg11[%get3A_410, %get3A_411] {strides = array<i32>} : memref<128x16xf32, #tpu.memory_space<vmem>>, vector<1x16xf32>,
          %get3A_413 = vector.shape_cast %get3A_412 : vector<1x16xf32> to vector<16xf32>
          %gather3A = vector.shape_cast %broadcast_in_dim3A_400 : vector<16x1xi32> to vector<16xi32>
          %gather3A_414 = tpu.dynamic_gather %get3A_413[%gather3A] in [0] : vector<16xf32>, vector<16xi32> -> vector<16xf32>
          %gather3A_415 = vector.shape_cast %broadcast_in_dim3A_402 : vector<16x1xi32> to vector<16xi32>
          %gather3A_416 = tpu.dynamic_gather %get3A_413[%gather3A_415] in [0] : vector<16xf32>, vector<16xi32> -> vector<16xf32>
          %get3A_417 = arith.index_cast %scan3A_409 : i32 to index
          %get3A_418 = arith.constant 0 : index
          %get3A_419 = tpu.vector_load %arg12[%get3A_417, %get3A_418] {strides = array<i32>} : memref<128x64xf32, #tpu.memory_space<vmem>>, vector<1x16xf32>,
          %get3A_420 = vector.shape_cast %get3A_419 : vector<1x16xf32> to vector<16xf32>
          %mul3A_421 = arith.mulf %get3A_420, %gather3A_414 : vector<16xf32>
          %swap3A_422 = arith.index_cast %scan3A_409 : i32 to index
          %swap3A_423 = arith.constant 0 : index
          %swap3A_424 = tpu.vector_load %arg13[%swap3A_422, %swap3A_423] {strides = array<i32>} : memref<128x64xf32, #tpu.memory_space<vmem>>, vector<1x16xf32>,
          %swap3A_425 = vector.shape_cast %swap3A_424 : vector<1x16xf32> to vector<16xf32>
          %swap3A_426 = vector.shape_cast %mul3A_421 : vector<16xf32> to vector<1x16xf32>
          tpu.vector_store %arg13[%swap3A_422, %swap3A_423], %swap3A_426 {strides = array<i32>} : memref<128x64xf32, #tpu.memory_space<vmem>>, vector<1x16xf32>,
          %get3A_427 = arith.index_cast %scan3A_409 : i32 to index
          %get3A_428 = arith.constant 16 : index
          %get3A_429 = tpu.vector_load %arg12[%get3A_427, %get3A_428] {strides = array<i32>} : memref<128x64xf32, #tpu.memory_space<vmem>>, vector<1x16xf32>,
          %get3A_430 = vector.shape_cast %get3A_429 : vector<1x16xf32> to vector<16xf32>
          %mul3A_431 = arith.mulf %get3A_430, %gather3A_414 : vector<16xf32>
          %swap3A_432 = arith.index_cast %scan3A_409 : i32 to index
          %swap3A_433 = arith.constant 16 : index
          %swap3A_434 = tpu.vector_load %arg13[%swap3A_432, %swap3A_433] {strides = array<i32>} : memref<128x64xf32, #tpu.memory_space<vmem>>, vector<1x16xf32>,
          %swap3A_435 = vector.shape_cast %swap3A_434 : vector<1x16xf32> to vector<16xf32>
          %swap3A_436 = vector.shape_cast %mul3A_431 : vector<16xf32> to vector<1x16xf32>
          tpu.vector_store %arg13[%swap3A_432, %swap3A_433], %swap3A_436 {strides = array<i32>} : memref<128x64xf32, #tpu.memory_space<vmem>>, vector<1x16xf32>,
          %get3A_437 = arith.index_cast %scan3A_409 : i32 to index
          %get3A_438 = arith.constant 32 : index
          %get3A_439 = tpu.vector_load %arg12[%get3A_437, %get3A_438] {strides = array<i32>} : memref<128x64xf32, #tpu.memory_space<vmem>>, vector<1x16xf32>,
          %get3A_440 = vector.shape_cast %get3A_439 : vector<1x16xf32> to vector<16xf32>
          %mul3A_441 = arith.mulf %get3A_440, %gather3A_416 : vector<16xf32>
          %swap3A_442 = arith.index_cast %scan3A_409 : i32 to index
          %swap3A_443 = arith.constant 32 : index
          %swap3A_444 = tpu.vector_load %arg13[%swap3A_442, %swap3A_443] {strides = array<i32>} : memref<128x64xf32, #tpu.memory_space<vmem>>, vector<1x16xf32>,
          %swap3A_445 = vector.shape_cast %swap3A_444 : vector<1x16xf32> to vector<16xf32>
          %swap3A_446 = vector.shape_cast %mul3A_441 : vector<16xf32> to vector<1x16xf32>
          tpu.vector_store %arg13[%swap3A_442, %swap3A_443], %swap3A_446 {strides = array<i32>} : memref<128x64xf32, #tpu.memory_space<vmem>>, vector<1x16xf32>,
          %get3A_447 = arith.index_cast %scan3A_409 : i32 to index
          %get3A_448 = arith.constant 48 : index
          %get3A_449 = tpu.vector_load %arg12[%get3A_447, %get3A_448] {strides = array<i32>} : memref<128x64xf32, #tpu.memory_space<vmem>>, vector<1x16xf32>,
          %get3A_450 = vector.shape_cast %get3A_449 : vector<1x16xf32> to vector<16xf32>
          %mul3A_451 = arith.mulf %get3A_450, %gather3A_416 : vector<16xf32>
          %swap3A_452 = arith.index_cast %scan3A_409 : i32 to index
          %swap3A_453 = arith.constant 48 : index
          %swap3A_454 = tpu.vector_load %arg13[%swap3A_452, %swap3A_453] {strides = array<i32>} : memref<128x64xf32, #tpu.memory_space<vmem>>, vector<1x16xf32>,
          %swap3A_455 = vector.shape_cast %swap3A_454 : vector<1x16xf32> to vector<16xf32>
          %swap3A_456 = vector.shape_cast %mul3A_451 : vector<16xf32> to vector<1x16xf32>
          tpu.vector_store %arg13[%swap3A_452, %swap3A_453], %swap3A_456 {strides = array<i32>} : memref<128x64xf32, #tpu.memory_space<vmem>>, vector<1x16xf32>,
        }
        %scan3A_408 = arith.constant 128 : i32
        "tpu.region"() ({
          %run_scoped3A = tpu.sem_alloc : memref<!tpu.dma_semaphore, #tpu.memory_space<semaphore_mem>>
          %dma_start3A_409 = arith.constant 0 : i32
          %dma_start3A_410 = arith.constant 0 : i32
          %dma_start3A_411 = tpu.memref_slice %arg15[%dma_start3A_409, %dma_start3A_410] : memref<20016x64xf32, #tpu.memory_space<vmem_shared>> -> memref<20016x64xf32, #tpu.memory_space<vmem_shared>>
          tpu.enqueue_indirect_dma source(%arg13 : memref<128x64xf32, #tpu.memory_space<vmem>>) target(%dma_start3A_411 : memref<20016x64xf32, #tpu.memory_space<vmem_shared>>) offsets(%arg8 : memref<128xi32, #tpu.memory_space<vmem>>) semaphore(%run_scoped3A : memref<!tpu.dma_semaphore, #tpu.memory_space<semaphore_mem>>) {add = true}
          %dma_wait3A_412 = arith.constant 0 : i32
          %dma_wait3A_413 = arith.constant 0 : i32
          %dma_wait3A_414 = tpu.memref_slice %arg15[%dma_wait3A_412, %dma_wait3A_413] : memref<20016x64xf32, #tpu.memory_space<vmem_shared>> -> memref<20016x64xf32, #tpu.memory_space<vmem_shared>>
          tpu.wait_indirect_dma semaphore(%run_scoped3A : memref<!tpu.dma_semaphore, #tpu.memory_space<semaphore_mem>>) src(%arg13 : memref<128x64xf32, #tpu.memory_space<vmem>>) dst(%dma_wait3A_414 : memref<20016x64xf32, #tpu.memory_space<vmem_shared>>)
          tpu.yield
        }) : () -> ()
      }
      %scan3A_57 = arith.constant 157 : i32
      %barrier3A_58 = arith.constant 0 : index
      tpu.barrier barrier_id(%barrier3A_58)
      %mul3A_59 = arith.constant 1248 : i32
      %mul3A_60 = arith.muli %arg1, %mul3A_59 : i32
      %add3A_61 = arith.constant 0 : i32
      %add3A_62 = arith.addi %mul3A_60, %add3A_61 : i32
      %add3A_63 = arith.constant 20000 : i32
      %add3A_64 = arith.addi %add3A_63, %add3A_62 : i32
      "tpu.region"() ({
        %run_scoped3A = tpu.sem_alloc : memref<!tpu.dma_semaphore, #tpu.memory_space<semaphore_mem>>
        %dma_start3A = arith.constant 0 : i32
        %dma_start3A_101 = tpu.memref_slice %arg6[%add3A_64, %dma_start3A] : memref<80000x64xf32, #tpu.memory_space<hbm>> -> memref<208x64xf32, #tpu.memory_space<hbm>>
        %dma_start3A_102 = arith.constant 0 : i32
        %dma_start3A_103 = tpu.memref_slice %arg15[%add3A_62, %dma_start3A_102] : memref<20016x64xf32, #tpu.memory_space<vmem_shared>> -> memref<208x64xf32, #tpu.memory_space<vmem_shared>>
        tpu.enqueue_dma source(%dma_start3A_103 : memref<208x64xf32, #tpu.memory_space<vmem_shared>>) target(%dma_start3A_101 : memref<208x64xf32, #tpu.memory_space<hbm>>) target_semaphore(%run_scoped3A : memref<!tpu.dma_semaphore, #tpu.memory_space<semaphore_mem>>)
        %dma_wait3A = arith.constant 0 : i32
        %dma_wait3A_104 = tpu.memref_slice %arg6[%add3A_64, %dma_wait3A] : memref<80000x64xf32, #tpu.memory_space<hbm>> -> memref<208x64xf32, #tpu.memory_space<hbm>>
        %dma_wait3A_105 = arith.constant 0 : i32
        %dma_wait3A_106 = tpu.memref_slice %arg15[%add3A_62, %dma_wait3A_105] : memref<20016x64xf32, #tpu.memory_space<vmem_shared>> -> memref<208x64xf32, #tpu.memory_space<vmem_shared>>
        tpu.wait_dma2 semaphore(%run_scoped3A : memref<!tpu.dma_semaphore, #tpu.memory_space<semaphore_mem>>) src(%dma_wait3A_106 : memref<208x64xf32, #tpu.memory_space<vmem_shared>>) dst(%dma_wait3A_104 : memref<208x64xf32, #tpu.memory_space<hbm>>)
        tpu.yield
      }) : () -> ()
      %mul3A_65 = arith.constant 1248 : i32
      %mul3A_66 = arith.muli %arg1, %mul3A_65 : i32
      %add3A_67 = arith.constant 208 : i32
      %add3A_68 = arith.addi %mul3A_66, %add3A_67 : i32
      %add3A_69 = arith.constant 20000 : i32
      %add3A_70 = arith.addi %add3A_69, %add3A_68 : i32
      "tpu.region"() ({
        %run_scoped3A = tpu.sem_alloc : memref<!tpu.dma_semaphore, #tpu.memory_space<semaphore_mem>>
        %dma_start3A = arith.constant 0 : i32
        %dma_start3A_101 = tpu.memref_slice %arg6[%add3A_70, %dma_start3A] : memref<80000x64xf32, #tpu.memory_space<hbm>> -> memref<208x64xf32, #tpu.memory_space<hbm>>
        %dma_start3A_102 = arith.constant 0 : i32
        %dma_start3A_103 = tpu.memref_slice %arg15[%add3A_68, %dma_start3A_102] : memref<20016x64xf32, #tpu.memory_space<vmem_shared>> -> memref<208x64xf32, #tpu.memory_space<vmem_shared>>
        tpu.enqueue_dma source(%dma_start3A_103 : memref<208x64xf32, #tpu.memory_space<vmem_shared>>) target(%dma_start3A_101 : memref<208x64xf32, #tpu.memory_space<hbm>>) target_semaphore(%run_scoped3A : memref<!tpu.dma_semaphore, #tpu.memory_space<semaphore_mem>>)
        %dma_wait3A = arith.constant 0 : i32
        %dma_wait3A_104 = tpu.memref_slice %arg6[%add3A_70, %dma_wait3A] : memref<80000x64xf32, #tpu.memory_space<hbm>> -> memref<208x64xf32, #tpu.memory_space<hbm>>
        %dma_wait3A_105 = arith.constant 0 : i32
        %dma_wait3A_106 = tpu.memref_slice %arg15[%add3A_68, %dma_wait3A_105] : memref<20016x64xf32, #tpu.memory_space<vmem_shared>> -> memref<208x64xf32, #tpu.memory_space<vmem_shared>>
        tpu.wait_dma2 semaphore(%run_scoped3A : memref<!tpu.dma_semaphore, #tpu.memory_space<semaphore_mem>>) src(%dma_wait3A_106 : memref<208x64xf32, #tpu.memory_space<vmem_shared>>) dst(%dma_wait3A_104 : memref<208x64xf32, #tpu.memory_space<hbm>>)
        tpu.yield
      }) : () -> ()
      %mul3A_71 = arith.constant 1248 : i32
      %mul3A_72 = arith.muli %arg1, %mul3A_71 : i32
      %add3A_73 = arith.constant 416 : i32
      %add3A_74 = arith.addi %mul3A_72, %add3A_73 : i32
      %add3A_75 = arith.constant 20000 : i32
      %add3A_76 = arith.addi %add3A_75, %add3A_74 : i32
      "tpu.region"() ({
        %run_scoped3A = tpu.sem_alloc : memref<!tpu.dma_semaphore, #tpu.memory_space<semaphore_mem>>
        %dma_start3A = arith.constant 0 : i32
        %dma_start3A_101 = tpu.memref_slice %arg6[%add3A_76, %dma_start3A] : memref<80000x64xf32, #tpu.memory_space<hbm>> -> memref<208x64xf32, #tpu.memory_space<hbm>>
        %dma_start3A_102 = arith.constant 0 : i32
        %dma_start3A_103 = tpu.memref_slice %arg15[%add3A_74, %dma_start3A_102] : memref<20016x64xf32, #tpu.memory_space<vmem_shared>> -> memref<208x64xf32, #tpu.memory_space<vmem_shared>>
        tpu.enqueue_dma source(%dma_start3A_103 : memref<208x64xf32, #tpu.memory_space<vmem_shared>>) target(%dma_start3A_101 : memref<208x64xf32, #tpu.memory_space<hbm>>) target_semaphore(%run_scoped3A : memref<!tpu.dma_semaphore, #tpu.memory_space<semaphore_mem>>)
        %dma_wait3A = arith.constant 0 : i32
        %dma_wait3A_104 = tpu.memref_slice %arg6[%add3A_76, %dma_wait3A] : memref<80000x64xf32, #tpu.memory_space<hbm>> -> memref<208x64xf32, #tpu.memory_space<hbm>>
        %dma_wait3A_105 = arith.constant 0 : i32
        %dma_wait3A_106 = tpu.memref_slice %arg15[%add3A_74, %dma_wait3A_105] : memref<20016x64xf32, #tpu.memory_space<vmem_shared>> -> memref<208x64xf32, #tpu.memory_space<vmem_shared>>
        tpu.wait_dma2 semaphore(%run_scoped3A : memref<!tpu.dma_semaphore, #tpu.memory_space<semaphore_mem>>) src(%dma_wait3A_106 : memref<208x64xf32, #tpu.memory_space<vmem_shared>>) dst(%dma_wait3A_104 : memref<208x64xf32, #tpu.memory_space<hbm>>)
        tpu.yield
      }) : () -> ()
      %mul3A_77 = arith.constant 1248 : i32
      %mul3A_78 = arith.muli %arg1, %mul3A_77 : i32
      %add3A_79 = arith.constant 624 : i32
      %add3A_80 = arith.addi %mul3A_78, %add3A_79 : i32
      %add3A_81 = arith.constant 20000 : i32
      %add3A_82 = arith.addi %add3A_81, %add3A_80 : i32
      "tpu.region"() ({
        %run_scoped3A = tpu.sem_alloc : memref<!tpu.dma_semaphore, #tpu.memory_space<semaphore_mem>>
        %dma_start3A = arith.constant 0 : i32
        %dma_start3A_101 = tpu.memref_slice %arg6[%add3A_82, %dma_start3A] : memref<80000x64xf32, #tpu.memory_space<hbm>> -> memref<208x64xf32, #tpu.memory_space<hbm>>
        %dma_start3A_102 = arith.constant 0 : i32
        %dma_start3A_103 = tpu.memref_slice %arg15[%add3A_80, %dma_start3A_102] : memref<20016x64xf32, #tpu.memory_space<vmem_shared>> -> memref<208x64xf32, #tpu.memory_space<vmem_shared>>
        tpu.enqueue_dma source(%dma_start3A_103 : memref<208x64xf32, #tpu.memory_space<vmem_shared>>) target(%dma_start3A_101 : memref<208x64xf32, #tpu.memory_space<hbm>>) target_semaphore(%run_scoped3A : memref<!tpu.dma_semaphore, #tpu.memory_space<semaphore_mem>>)
        %dma_wait3A = arith.constant 0 : i32
        %dma_wait3A_104 = tpu.memref_slice %arg6[%add3A_82, %dma_wait3A] : memref<80000x64xf32, #tpu.memory_space<hbm>> -> memref<208x64xf32, #tpu.memory_space<hbm>>
        %dma_wait3A_105 = arith.constant 0 : i32
        %dma_wait3A_106 = tpu.memref_slice %arg15[%add3A_80, %dma_wait3A_105] : memref<20016x64xf32, #tpu.memory_space<vmem_shared>> -> memref<208x64xf32, #tpu.memory_space<vmem_shared>>
        tpu.wait_dma2 semaphore(%run_scoped3A : memref<!tpu.dma_semaphore, #tpu.memory_space<semaphore_mem>>) src(%dma_wait3A_106 : memref<208x64xf32, #tpu.memory_space<vmem_shared>>) dst(%dma_wait3A_104 : memref<208x64xf32, #tpu.memory_space<hbm>>)
        tpu.yield
      }) : () -> ()
      %mul3A_83 = arith.constant 1248 : i32
      %mul3A_84 = arith.muli %arg1, %mul3A_83 : i32
      %add3A_85 = arith.constant 832 : i32
      %add3A_86 = arith.addi %mul3A_84, %add3A_85 : i32
      %add3A_87 = arith.constant 20000 : i32
      %add3A_88 = arith.addi %add3A_87, %add3A_86 : i32
      "tpu.region"() ({
        %run_scoped3A = tpu.sem_alloc : memref<!tpu.dma_semaphore, #tpu.memory_space<semaphore_mem>>
        %dma_start3A = arith.constant 0 : i32
        %dma_start3A_101 = tpu.memref_slice %arg6[%add3A_88, %dma_start3A] : memref<80000x64xf32, #tpu.memory_space<hbm>> -> memref<208x64xf32, #tpu.memory_space<hbm>>
        %dma_start3A_102 = arith.constant 0 : i32
        %dma_start3A_103 = tpu.memref_slice %arg15[%add3A_86, %dma_start3A_102] : memref<20016x64xf32, #tpu.memory_space<vmem_shared>> -> memref<208x64xf32, #tpu.memory_space<vmem_shared>>
        tpu.enqueue_dma source(%dma_start3A_103 : memref<208x64xf32, #tpu.memory_space<vmem_shared>>) target(%dma_start3A_101 : memref<208x64xf32, #tpu.memory_space<hbm>>) target_semaphore(%run_scoped3A : memref<!tpu.dma_semaphore, #tpu.memory_space<semaphore_mem>>)
        %dma_wait3A = arith.constant 0 : i32
        %dma_wait3A_104 = tpu.memref_slice %arg6[%add3A_88, %dma_wait3A] : memref<80000x64xf32, #tpu.memory_space<hbm>> -> memref<208x64xf32, #tpu.memory_space<hbm>>
        %dma_wait3A_105 = arith.constant 0 : i32
        %dma_wait3A_106 = tpu.memref_slice %arg15[%add3A_86, %dma_wait3A_105] : memref<20016x64xf32, #tpu.memory_space<vmem_shared>> -> memref<208x64xf32, #tpu.memory_space<vmem_shared>>
        tpu.wait_dma2 semaphore(%run_scoped3A : memref<!tpu.dma_semaphore, #tpu.memory_space<semaphore_mem>>) src(%dma_wait3A_106 : memref<208x64xf32, #tpu.memory_space<vmem_shared>>) dst(%dma_wait3A_104 : memref<208x64xf32, #tpu.memory_space<hbm>>)
        tpu.yield
      }) : () -> ()
      %mul3A_89 = arith.constant 1248 : i32
      %mul3A_90 = arith.muli %arg1, %mul3A_89 : i32
      %add3A_91 = arith.constant 1040 : i32
      %add3A_92 = arith.addi %mul3A_90, %add3A_91 : i32
      %add3A_93 = arith.constant 20000 : i32
      %add3A_94 = arith.addi %add3A_93, %add3A_92 : i32
      "tpu.region"() ({
        %run_scoped3A = tpu.sem_alloc : memref<!tpu.dma_semaphore, #tpu.memory_space<semaphore_mem>>
        %dma_start3A = arith.constant 0 : i32
        %dma_start3A_101 = tpu.memref_slice %arg6[%add3A_94, %dma_start3A] : memref<80000x64xf32, #tpu.memory_space<hbm>> -> memref<208x64xf32, #tpu.memory_space<hbm>>
        %dma_start3A_102 = arith.constant 0 : i32
        %dma_start3A_103 = tpu.memref_slice %arg15[%add3A_92, %dma_start3A_102] : memref<20016x64xf32, #tpu.memory_space<vmem_shared>> -> memref<208x64xf32, #tpu.memory_space<vmem_shared>>
        tpu.enqueue_dma source(%dma_start3A_103 : memref<208x64xf32, #tpu.memory_space<vmem_shared>>) target(%dma_start3A_101 : memref<208x64xf32, #tpu.memory_space<hbm>>) target_semaphore(%run_scoped3A : memref<!tpu.dma_semaphore, #tpu.memory_space<semaphore_mem>>)
        %dma_wait3A = arith.constant 0 : i32
        %dma_wait3A_104 = tpu.memref_slice %arg6[%add3A_94, %dma_wait3A] : memref<80000x64xf32, #tpu.memory_space<hbm>> -> memref<208x64xf32, #tpu.memory_space<hbm>>
        %dma_wait3A_105 = arith.constant 0 : i32
        %dma_wait3A_106 = tpu.memref_slice %arg15[%add3A_92, %dma_wait3A_105] : memref<20016x64xf32, #tpu.memory_space<vmem_shared>> -> memref<208x64xf32, #tpu.memory_space<vmem_shared>>
        tpu.wait_dma2 semaphore(%run_scoped3A : memref<!tpu.dma_semaphore, #tpu.memory_space<semaphore_mem>>) src(%dma_wait3A_106 : memref<208x64xf32, #tpu.memory_space<vmem_shared>>) dst(%dma_wait3A_104 : memref<208x64xf32, #tpu.memory_space<hbm>>)
        tpu.yield
      }) : () -> ()
      %eq3A_95 = arith.constant 15 : i32
      %eq3A_96 = arith.cmpi eq, %arg1, %eq3A_95 : i32
      %convert_element_type3A_97 = arith.extui %eq3A_96 : i1 to i32
      %cond3A_98 = arith.constant 0 : i32
      %cond3A_99 = arith.cmpi ne, %convert_element_type3A_97, %cond3A_98 : i32
      scf.if %cond3A_99 {
        "tpu.region"() ({
          %run_scoped3A = tpu.sem_alloc : memref<!tpu.dma_semaphore, #tpu.memory_space<semaphore_mem>>
          %dma_start3A = arith.constant 39968 : i32
          %dma_start3A_101 = arith.constant 0 : i32
          %dma_start3A_102 = tpu.memref_slice %arg6[%dma_start3A, %dma_start3A_101] : memref<80000x64xf32, #tpu.memory_space<hbm>> -> memref<32x64xf32, #tpu.memory_space<hbm>>
          %dma_start3A_103 = arith.constant 19968 : i32
          %dma_start3A_104 = arith.constant 0 : i32
          %dma_start3A_105 = tpu.memref_slice %arg15[%dma_start3A_103, %dma_start3A_104] : memref<20016x64xf32, #tpu.memory_space<vmem_shared>> -> memref<32x64xf32, #tpu.memory_space<vmem_shared>>
          tpu.enqueue_dma source(%dma_start3A_105 : memref<32x64xf32, #tpu.memory_space<vmem_shared>>) target(%dma_start3A_102 : memref<32x64xf32, #tpu.memory_space<hbm>>) target_semaphore(%run_scoped3A : memref<!tpu.dma_semaphore, #tpu.memory_space<semaphore_mem>>)
          %dma_wait3A = arith.constant 39968 : i32
          %dma_wait3A_106 = arith.constant 0 : i32
          %dma_wait3A_107 = tpu.memref_slice %arg6[%dma_wait3A, %dma_wait3A_106] : memref<80000x64xf32, #tpu.memory_space<hbm>> -> memref<32x64xf32, #tpu.memory_space<hbm>>
          %dma_wait3A_108 = arith.constant 19968 : i32
          %dma_wait3A_109 = arith.constant 0 : i32
          %dma_wait3A_110 = tpu.memref_slice %arg15[%dma_wait3A_108, %dma_wait3A_109] : memref<20016x64xf32, #tpu.memory_space<vmem_shared>> -> memref<32x64xf32, #tpu.memory_space<vmem_shared>>
          tpu.wait_dma2 semaphore(%run_scoped3A : memref<!tpu.dma_semaphore, #tpu.memory_space<semaphore_mem>>) src(%dma_wait3A_110 : memref<32x64xf32, #tpu.memory_space<vmem_shared>>) dst(%dma_wait3A_107 : memref<32x64xf32, #tpu.memory_space<hbm>>)
          tpu.yield
        }) : () -> ()
      } else {
      }
      %barrier3A_100 = arith.constant 0 : index
      tpu.barrier barrier_id(%barrier3A_100)
    } else {
    }
    %eq3A_13 = arith.constant 0 : i32
    %eq3A_14 = arith.cmpi eq, %arg0, %eq3A_13 : i32
    %convert_element_type3A_15 = arith.extui %eq3A_14 : i1 to i32
    %cond3A_16 = arith.constant 0 : i32
    %cond3A_17 = arith.cmpi ne, %convert_element_type3A_15, %cond3A_16 : i32
    scf.if %cond3A_17 {
      %mul3A = arith.constant 1248 : i32
      %mul3A_23 = arith.muli %arg1, %mul3A : i32
      %add3A = arith.constant 0 : i32
      %add3A_24 = arith.addi %mul3A_23, %add3A : i32
      "tpu.region"() ({
        %run_scoped3A = tpu.sem_alloc : memref<!tpu.dma_semaphore, #tpu.memory_space<semaphore_mem>>
        %dma_start3A = arith.constant 0 : i32
        %dma_start3A_101 = tpu.memref_slice %arg15[%add3A_24, %dma_start3A] : memref<20016x64xf32, #tpu.memory_space<vmem_shared>> -> memref<208x64xf32, #tpu.memory_space<vmem_shared>>
        %dma_start3A_102 = arith.constant 0 : i32
        %dma_start3A_103 = tpu.memref_slice %arg15[%add3A_24, %dma_start3A_102] : memref<20016x64xf32, #tpu.memory_space<vmem_shared>> -> memref<208x64xf32, #tpu.memory_space<vmem_shared>>
        tpu.enqueue_dma source(%arg14 : memref<208x64xf32, #tpu.memory_space<vmem>>) target(%dma_start3A_103 : memref<208x64xf32, #tpu.memory_space<vmem_shared>>) target_semaphore(%run_scoped3A : memref<!tpu.dma_semaphore, #tpu.memory_space<semaphore_mem>>)
        %dma_wait3A = arith.constant 0 : i32
        %dma_wait3A_104 = tpu.memref_slice %arg15[%add3A_24, %dma_wait3A] : memref<20016x64xf32, #tpu.memory_space<vmem_shared>> -> memref<208x64xf32, #tpu.memory_space<vmem_shared>>
        %dma_wait3A_105 = arith.constant 0 : i32
        %dma_wait3A_106 = tpu.memref_slice %arg15[%add3A_24, %dma_wait3A_105] : memref<20016x64xf32, #tpu.memory_space<vmem_shared>> -> memref<208x64xf32, #tpu.memory_space<vmem_shared>>
        tpu.wait_dma2 semaphore(%run_scoped3A : memref<!tpu.dma_semaphore, #tpu.memory_space<semaphore_mem>>) src(%arg14 : memref<208x64xf32, #tpu.memory_space<vmem>>) dst(%dma_wait3A_106 : memref<208x64xf32, #tpu.memory_space<vmem_shared>>)
        tpu.yield
      }) : () -> ()
      %mul3A_25 = arith.constant 1248 : i32
      %mul3A_26 = arith.muli %arg1, %mul3A_25 : i32
      %add3A_27 = arith.constant 208 : i32
      %add3A_28 = arith.addi %mul3A_26, %add3A_27 : i32
      "tpu.region"() ({
        %run_scoped3A = tpu.sem_alloc : memref<!tpu.dma_semaphore, #tpu.memory_space<semaphore_mem>>
        %dma_start3A = arith.constant 0 : i32
        %dma_start3A_101 = tpu.memref_slice %arg15[%add3A_28, %dma_start3A] : memref<20016x64xf32, #tpu.memory_space<vmem_shared>> -> memref<208x64xf32, #tpu.memory_space<vmem_shared>>
        %dma_start3A_102 = arith.constant 0 : i32
        %dma_start3A_103 = tpu.memref_slice %arg15[%add3A_28, %dma_start3A_102] : memref<20016x64xf32, #tpu.memory_space<vmem_shared>> -> memref<208x64xf32, #tpu.memory_space<vmem_shared>>
        tpu.enqueue_dma source(%arg14 : memref<208x64xf32, #tpu.memory_space<vmem>>) target(%dma_start3A_103 : memref<208x64xf32, #tpu.memory_space<vmem_shared>>) target_semaphore(%run_scoped3A : memref<!tpu.dma_semaphore, #tpu.memory_space<semaphore_mem>>)
        %dma_wait3A = arith.constant 0 : i32
        %dma_wait3A_104 = tpu.memref_slice %arg15[%add3A_28, %dma_wait3A] : memref<20016x64xf32, #tpu.memory_space<vmem_shared>> -> memref<208x64xf32, #tpu.memory_space<vmem_shared>>
        %dma_wait3A_105 = arith.constant 0 : i32
        %dma_wait3A_106 = tpu.memref_slice %arg15[%add3A_28, %dma_wait3A_105] : memref<20016x64xf32, #tpu.memory_space<vmem_shared>> -> memref<208x64xf32, #tpu.memory_space<vmem_shared>>
        tpu.wait_dma2 semaphore(%run_scoped3A : memref<!tpu.dma_semaphore, #tpu.memory_space<semaphore_mem>>) src(%arg14 : memref<208x64xf32, #tpu.memory_space<vmem>>) dst(%dma_wait3A_106 : memref<208x64xf32, #tpu.memory_space<vmem_shared>>)
        tpu.yield
      }) : () -> ()
      %mul3A_29 = arith.constant 1248 : i32
      %mul3A_30 = arith.muli %arg1, %mul3A_29 : i32
      %add3A_31 = arith.constant 416 : i32
      %add3A_32 = arith.addi %mul3A_30, %add3A_31 : i32
      "tpu.region"() ({
        %run_scoped3A = tpu.sem_alloc : memref<!tpu.dma_semaphore, #tpu.memory_space<semaphore_mem>>
        %dma_start3A = arith.constant 0 : i32
        %dma_start3A_101 = tpu.memref_slice %arg15[%add3A_32, %dma_start3A] : memref<20016x64xf32, #tpu.memory_space<vmem_shared>> -> memref<208x64xf32, #tpu.memory_space<vmem_shared>>
        %dma_start3A_102 = arith.constant 0 : i32
        %dma_start3A_103 = tpu.memref_slice %arg15[%add3A_32, %dma_start3A_102] : memref<20016x64xf32, #tpu.memory_space<vmem_shared>> -> memref<208x64xf32, #tpu.memory_space<vmem_shared>>
        tpu.enqueue_dma source(%arg14 : memref<208x64xf32, #tpu.memory_space<vmem>>) target(%dma_start3A_103 : memref<208x64xf32, #tpu.memory_space<vmem_shared>>) target_semaphore(%run_scoped3A : memref<!tpu.dma_semaphore, #tpu.memory_space<semaphore_mem>>)
        %dma_wait3A = arith.constant 0 : i32
        %dma_wait3A_104 = tpu.memref_slice %arg15[%add3A_32, %dma_wait3A] : memref<20016x64xf32, #tpu.memory_space<vmem_shared>> -> memref<208x64xf32, #tpu.memory_space<vmem_shared>>
        %dma_wait3A_105 = arith.constant 0 : i32
        %dma_wait3A_106 = tpu.memref_slice %arg15[%add3A_32, %dma_wait3A_105] : memref<20016x64xf32, #tpu.memory_space<vmem_shared>> -> memref<208x64xf32, #tpu.memory_space<vmem_shared>>
        tpu.wait_dma2 semaphore(%run_scoped3A : memref<!tpu.dma_semaphore, #tpu.memory_space<semaphore_mem>>) src(%arg14 : memref<208x64xf32, #tpu.memory_space<vmem>>) dst(%dma_wait3A_106 : memref<208x64xf32, #tpu.memory_space<vmem_shared>>)
        tpu.yield
      }) : () -> ()
      %mul3A_33 = arith.constant 1248 : i32
      %mul3A_34 = arith.muli %arg1, %mul3A_33 : i32
      %add3A_35 = arith.constant 624 : i32
      %add3A_36 = arith.addi %mul3A_34, %add3A_35 : i32
      "tpu.region"() ({
        %run_scoped3A = tpu.sem_alloc : memref<!tpu.dma_semaphore, #tpu.memory_space<semaphore_mem>>
        %dma_start3A = arith.constant 0 : i32
        %dma_start3A_101 = tpu.memref_slice %arg15[%add3A_36, %dma_start3A] : memref<20016x64xf32, #tpu.memory_space<vmem_shared>> -> memref<208x64xf32, #tpu.memory_space<vmem_shared>>
        %dma_start3A_102 = arith.constant 0 : i32
        %dma_start3A_103 = tpu.memref_slice %arg15[%add3A_36, %dma_start3A_102] : memref<20016x64xf32, #tpu.memory_space<vmem_shared>> -> memref<208x64xf32, #tpu.memory_space<vmem_shared>>
        tpu.enqueue_dma source(%arg14 : memref<208x64xf32, #tpu.memory_space<vmem>>) target(%dma_start3A_103 : memref<208x64xf32, #tpu.memory_space<vmem_shared>>) target_semaphore(%run_scoped3A : memref<!tpu.dma_semaphore, #tpu.memory_space<semaphore_mem>>)
        %dma_wait3A = arith.constant 0 : i32
        %dma_wait3A_104 = tpu.memref_slice %arg15[%add3A_36, %dma_wait3A] : memref<20016x64xf32, #tpu.memory_space<vmem_shared>> -> memref<208x64xf32, #tpu.memory_space<vmem_shared>>
        %dma_wait3A_105 = arith.constant 0 : i32
        %dma_wait3A_106 = tpu.memref_slice %arg15[%add3A_36, %dma_wait3A_105] : memref<20016x64xf32, #tpu.memory_space<vmem_shared>> -> memref<208x64xf32, #tpu.memory_space<vmem_shared>>
        tpu.wait_dma2 semaphore(%run_scoped3A : memref<!tpu.dma_semaphore, #tpu.memory_space<semaphore_mem>>) src(%arg14 : memref<208x64xf32, #tpu.memory_space<vmem>>) dst(%dma_wait3A_106 : memref<208x64xf32, #tpu.memory_space<vmem_shared>>)
        tpu.yield
      }) : () -> ()
      %mul3A_37 = arith.constant 1248 : i32
      %mul3A_38 = arith.muli %arg1, %mul3A_37 : i32
      %add3A_39 = arith.constant 832 : i32
      %add3A_40 = arith.addi %mul3A_38, %add3A_39 : i32
      "tpu.region"() ({
        %run_scoped3A = tpu.sem_alloc : memref<!tpu.dma_semaphore, #tpu.memory_space<semaphore_mem>>
        %dma_start3A = arith.constant 0 : i32
        %dma_start3A_101 = tpu.memref_slice %arg15[%add3A_40, %dma_start3A] : memref<20016x64xf32, #tpu.memory_space<vmem_shared>> -> memref<208x64xf32, #tpu.memory_space<vmem_shared>>
        %dma_start3A_102 = arith.constant 0 : i32
        %dma_start3A_103 = tpu.memref_slice %arg15[%add3A_40, %dma_start3A_102] : memref<20016x64xf32, #tpu.memory_space<vmem_shared>> -> memref<208x64xf32, #tpu.memory_space<vmem_shared>>
        tpu.enqueue_dma source(%arg14 : memref<208x64xf32, #tpu.memory_space<vmem>>) target(%dma_start3A_103 : memref<208x64xf32, #tpu.memory_space<vmem_shared>>) target_semaphore(%run_scoped3A : memref<!tpu.dma_semaphore, #tpu.memory_space<semaphore_mem>>)
        %dma_wait3A = arith.constant 0 : i32
        %dma_wait3A_104 = tpu.memref_slice %arg15[%add3A_40, %dma_wait3A] : memref<20016x64xf32, #tpu.memory_space<vmem_shared>> -> memref<208x64xf32, #tpu.memory_space<vmem_shared>>
        %dma_wait3A_105 = arith.constant 0 : i32
        %dma_wait3A_106 = tpu.memref_slice %arg15[%add3A_40, %dma_wait3A_105] : memref<20016x64xf32, #tpu.memory_space<vmem_shared>> -> memref<208x64xf32, #tpu.memory_space<vmem_shared>>
        tpu.wait_dma2 semaphore(%run_scoped3A : memref<!tpu.dma_semaphore, #tpu.memory_space<semaphore_mem>>) src(%arg14 : memref<208x64xf32, #tpu.memory_space<vmem>>) dst(%dma_wait3A_106 : memref<208x64xf32, #tpu.memory_space<vmem_shared>>)
        tpu.yield
      }) : () -> ()
      %mul3A_41 = arith.constant 1248 : i32
      %mul3A_42 = arith.muli %arg1, %mul3A_41 : i32
      %add3A_43 = arith.constant 1040 : i32
      %add3A_44 = arith.addi %mul3A_42, %add3A_43 : i32
      "tpu.region"() ({
        %run_scoped3A = tpu.sem_alloc : memref<!tpu.dma_semaphore, #tpu.memory_space<semaphore_mem>>
        %dma_start3A = arith.constant 0 : i32
        %dma_start3A_101 = tpu.memref_slice %arg15[%add3A_44, %dma_start3A] : memref<20016x64xf32, #tpu.memory_space<vmem_shared>> -> memref<208x64xf32, #tpu.memory_space<vmem_shared>>
        %dma_start3A_102 = arith.constant 0 : i32
        %dma_start3A_103 = tpu.memref_slice %arg15[%add3A_44, %dma_start3A_102] : memref<20016x64xf32, #tpu.memory_space<vmem_shared>> -> memref<208x64xf32, #tpu.memory_space<vmem_shared>>
        tpu.enqueue_dma source(%arg14 : memref<208x64xf32, #tpu.memory_space<vmem>>) target(%dma_start3A_103 : memref<208x64xf32, #tpu.memory_space<vmem_shared>>) target_semaphore(%run_scoped3A : memref<!tpu.dma_semaphore, #tpu.memory_space<semaphore_mem>>)
        %dma_wait3A = arith.constant 0 : i32
        %dma_wait3A_104 = tpu.memref_slice %arg15[%add3A_44, %dma_wait3A] : memref<20016x64xf32, #tpu.memory_space<vmem_shared>> -> memref<208x64xf32, #tpu.memory_space<vmem_shared>>
        %dma_wait3A_105 = arith.constant 0 : i32
        %dma_wait3A_106 = tpu.memref_slice %arg15[%add3A_44, %dma_wait3A_105] : memref<20016x64xf32, #tpu.memory_space<vmem_shared>> -> memref<208x64xf32, #tpu.memory_space<vmem_shared>>
        tpu.wait_dma2 semaphore(%run_scoped3A : memref<!tpu.dma_semaphore, #tpu.memory_space<semaphore_mem>>) src(%arg14 : memref<208x64xf32, #tpu.memory_space<vmem>>) dst(%dma_wait3A_106 : memref<208x64xf32, #tpu.memory_space<vmem_shared>>)
        tpu.yield
      }) : () -> ()
      %eq3A_45 = arith.constant 15 : i32
      %eq3A_46 = arith.cmpi eq, %arg1, %eq3A_45 : i32
      %convert_element_type3A_47 = arith.extui %eq3A_46 : i1 to i32
      %cond3A_48 = arith.constant 0 : i32
      %cond3A_49 = arith.cmpi ne, %convert_element_type3A_47, %cond3A_48 : i32
      scf.if %cond3A_49 {
        "tpu.region"() ({
          %run_scoped3A = tpu.sem_alloc : memref<!tpu.dma_semaphore, #tpu.memory_space<semaphore_mem>>
          %dma_start3A = arith.constant 0 : i32
          %dma_start3A_101 = arith.constant 0 : i32
          %dma_start3A_102 = tpu.memref_slice %arg14[%dma_start3A, %dma_start3A_101] : memref<208x64xf32, #tpu.memory_space<vmem>> -> memref<32x64xf32, #tpu.memory_space<vmem>>
          %dma_start3A_103 = arith.constant 19968 : i32
          %dma_start3A_104 = arith.constant 0 : i32
          %dma_start3A_105 = tpu.memref_slice %arg15[%dma_start3A_103, %dma_start3A_104] : memref<20016x64xf32, #tpu.memory_space<vmem_shared>> -> memref<32x64xf32, #tpu.memory_space<vmem_shared>>
          %dma_start3A_106 = arith.constant 19968 : i32
          %dma_start3A_107 = arith.constant 0 : i32
          %dma_start3A_108 = tpu.memref_slice %arg15[%dma_start3A_106, %dma_start3A_107] : memref<20016x64xf32, #tpu.memory_space<vmem_shared>> -> memref<32x64xf32, #tpu.memory_space<vmem_shared>>
          %dma_start3A_109 = arith.constant 0 : i32
          %dma_start3A_110 = arith.constant 0 : i32
          %dma_start3A_111 = tpu.memref_slice %arg14[%dma_start3A_109, %dma_start3A_110] : memref<208x64xf32, #tpu.memory_space<vmem>> -> memref<32x64xf32, #tpu.memory_space<vmem>>
          tpu.enqueue_dma source(%dma_start3A_111 : memref<32x64xf32, #tpu.memory_space<vmem>>) target(%dma_start3A_108 : memref<32x64xf32, #tpu.memory_space<vmem_shared>>) target_semaphore(%run_scoped3A : memref<!tpu.dma_semaphore, #tpu.memory_space<semaphore_mem>>)
          %dma_wait3A = arith.constant 0 : i32
          %dma_wait3A_112 = arith.constant 0 : i32
          %dma_wait3A_113 = tpu.memref_slice %arg14[%dma_wait3A, %dma_wait3A_112] : memref<208x64xf32, #tpu.memory_space<vmem>> -> memref<32x64xf32, #tpu.memory_space<vmem>>
          %dma_wait3A_114 = arith.constant 19968 : i32
          %dma_wait3A_115 = arith.constant 0 : i32
          %dma_wait3A_116 = tpu.memref_slice %arg15[%dma_wait3A_114, %dma_wait3A_115] : memref<20016x64xf32, #tpu.memory_space<vmem_shared>> -> memref<32x64xf32, #tpu.memory_space<vmem_shared>>
          %dma_wait3A_117 = arith.constant 19968 : i32
          %dma_wait3A_118 = arith.constant 0 : i32
          %dma_wait3A_119 = tpu.memref_slice %arg15[%dma_wait3A_117, %dma_wait3A_118] : memref<20016x64xf32, #tpu.memory_space<vmem_shared>> -> memref<32x64xf32, #tpu.memory_space<vmem_shared>>
          %dma_wait3A_120 = arith.constant 0 : i32
          %dma_wait3A_121 = arith.constant 0 : i32
          %dma_wait3A_122 = tpu.memref_slice %arg14[%dma_wait3A_120, %dma_wait3A_121] : memref<208x64xf32, #tpu.memory_space<vmem>> -> memref<32x64xf32, #tpu.memory_space<vmem>>
          tpu.wait_dma2 semaphore(%run_scoped3A : memref<!tpu.dma_semaphore, #tpu.memory_space<semaphore_mem>>) src(%dma_wait3A_122 : memref<32x64xf32, #tpu.memory_space<vmem>>) dst(%dma_wait3A_119 : memref<32x64xf32, #tpu.memory_space<vmem_shared>>)
          tpu.yield
        }) : () -> ()
      } else {
      }
      %barrier3A = arith.constant 0 : index
      tpu.barrier barrier_id(%barrier3A)
      %mul3A_50 = arith.constant 20096 : i32
      %mul3A_51 = arith.muli %arg1, %mul3A_50 : i32
      %scan3A_52 = arith.constant 0 : i32
      %scan3A_53 = arith.constant 0 : i32
      %scan3A_54 = arith.constant 157 : i32
      %scan3A_55 = arith.addi %scan3A_53, %scan3A_54 : i32
      %scan3A_56 = arith.constant 1 : i32
      scf.for %scan3A_101 = %scan3A_53 to %scan3A_55 step %scan3A_56  : i32 {
        %mul3A_102 = arith.constant 128 : i32
        %mul3A_103 = arith.muli %scan3A_101, %mul3A_102 : i32
        %add3A_104 = arith.addi %mul3A_51, %mul3A_103 : i32
        "tpu.region"() ({
          %run_scoped3A = tpu.sem_alloc : memref<!tpu.dma_semaphore, #tpu.memory_space<semaphore_mem>>
          %dma_start3A_409 = tpu.memref_slice %arg4[%add3A_104] : memref<321536xi32, #tpu.memory_space<hbm>> -> memref<128xi32, #tpu.memory_space<hbm>>
          %dma_start3A_410 = tpu.memref_slice %arg4[%add3A_104] : memref<321536xi32, #tpu.memory_space<hbm>> -> memref<128xi32, #tpu.memory_space<hbm>>
          tpu.enqueue_dma source(%dma_start3A_410 : memref<128xi32, #tpu.memory_space<hbm>>) target(%arg7 : memref<128xi32, #tpu.memory_space<vmem>>) target_semaphore(%run_scoped3A : memref<!tpu.dma_semaphore, #tpu.memory_space<semaphore_mem>>)
          %dma_wait3A_411 = tpu.memref_slice %arg4[%add3A_104] : memref<321536xi32, #tpu.memory_space<hbm>> -> memref<128xi32, #tpu.memory_space<hbm>>
          %dma_wait3A_412 = tpu.memref_slice %arg4[%add3A_104] : memref<321536xi32, #tpu.memory_space<hbm>> -> memref<128xi32, #tpu.memory_space<hbm>>
          tpu.wait_dma2 semaphore(%run_scoped3A : memref<!tpu.dma_semaphore, #tpu.memory_space<semaphore_mem>>) src(%dma_wait3A_412 : memref<128xi32, #tpu.memory_space<hbm>>) dst(%arg7 : memref<128xi32, #tpu.memory_space<vmem>>)
          tpu.yield
        }) : () -> ()
        "tpu.region"() ({
          %run_scoped3A = tpu.sem_alloc : memref<!tpu.dma_semaphore, #tpu.memory_space<semaphore_mem>>
          %dma_start3A_409 = tpu.memref_slice %arg5[%add3A_104] : memref<321536xi32, #tpu.memory_space<hbm>> -> memref<128xi32, #tpu.memory_space<hbm>>
          %dma_start3A_410 = tpu.memref_slice %arg5[%add3A_104] : memref<321536xi32, #tpu.memory_space<hbm>> -> memref<128xi32, #tpu.memory_space<hbm>>
          tpu.enqueue_dma source(%dma_start3A_410 : memref<128xi32, #tpu.memory_space<hbm>>) target(%arg8 : memref<128xi32, #tpu.memory_space<vmem>>) target_semaphore(%run_scoped3A : memref<!tpu.dma_semaphore, #tpu.memory_space<semaphore_mem>>)
          %dma_wait3A_411 = tpu.memref_slice %arg5[%add3A_104] : memref<321536xi32, #tpu.memory_space<hbm>> -> memref<128xi32, #tpu.memory_space<hbm>>
          %dma_wait3A_412 = tpu.memref_slice %arg5[%add3A_104] : memref<321536xi32, #tpu.memory_space<hbm>> -> memref<128xi32, #tpu.memory_space<hbm>>
          tpu.wait_dma2 semaphore(%run_scoped3A : memref<!tpu.dma_semaphore, #tpu.memory_space<semaphore_mem>>) src(%dma_wait3A_412 : memref<128xi32, #tpu.memory_space<hbm>>) dst(%arg8 : memref<128xi32, #tpu.memory_space<vmem>>)
          tpu.yield
        }) : () -> ()
        %get3A = arith.constant 0 : index
        %get3A_105 = tpu.vector_load %arg7[%get3A] {strides = array<i32>} : memref<128xi32, #tpu.memory_space<vmem>>, vector<16xi32>,
        %get3A_106 = vector.shape_cast %get3A_105 : vector<16xi32> to vector<16xi32>
        %get3A_107 = arith.constant 0 : index
        %get3A_108 = tpu.vector_load %arg8[%get3A_107] {strides = array<i32>} : memref<128xi32, #tpu.memory_space<vmem>>, vector<16xi32>,
        %get3A_109 = vector.shape_cast %get3A_108 : vector<16xi32> to vector<16xi32>
        %convert_element_type3A_110 = arith.sitofp %get3A_106 : vector<16xi32> to vector<16xf32>
        %mul3A_111 = arith.constant 0.0370370373 : f32
        %mul3A_112 = vector.broadcast %mul3A_111 : f32 to vector<16xf32>
        %mul3A_113 = arith.mulf %convert_element_type3A_110, %mul3A_112 : vector<16xf32>
        %add3A_114 = arith.constant 0.00999999977 : f32
        %add3A_115 = vector.broadcast %add3A_114 : f32 to vector<16xf32>
        %add3A_116 = arith.addf %mul3A_113, %add3A_115 : vector<16xf32>
        %convert_element_type3A_117 = arith.fptosi %add3A_116 : vector<16xf32> to vector<16xi32>
        %mul3A_118 = arith.constant 27 : i32
        %mul3A_119 = vector.broadcast %mul3A_118 : i32 to vector<16xi32>
        %mul3A_120 = arith.muli %convert_element_type3A_117, %mul3A_119 : vector<16xi32>
        %sub3A = arith.subi %get3A_106, %mul3A_120 : vector<16xi32>
        %mul3A_121 = arith.constant 27 : i32
        %mul3A_122 = vector.broadcast %mul3A_121 : i32 to vector<16xi32>
        %mul3A_123 = arith.muli %get3A_109, %mul3A_122 : vector<16xi32>
        %add3A_124 = arith.addi %mul3A_123, %sub3A : vector<16xi32>
        %min3A = arith.constant 539999 : i32
        %min3A_125 = vector.broadcast %min3A : i32 to vector<16xi32>
        %min3A_126 = arith.minsi %add3A_124, %min3A_125 : vector<16xi32>
        %swap3A = arith.constant 0 : index
        %swap3A_127 = tpu.vector_load %arg9[%swap3A] {strides = array<i32>} : memref<128xi32, #tpu.memory_space<vmem>>, vector<16xi32>,
        %swap3A_128 = vector.shape_cast %swap3A_127 : vector<16xi32> to vector<16xi32>
        %swap3A_129 = vector.shape_cast %min3A_126 : vector<16xi32> to vector<16xi32>
        tpu.vector_store %arg9[%swap3A], %swap3A_129 {strides = array<i32>} : memref<128xi32, #tpu.memory_space<vmem>>, vector<16xi32>,
        %add3A_130 = arith.constant 40000 : i32
        %add3A_131 = vector.broadcast %add3A_130 : i32 to vector<16xi32>
        %add3A_132 = arith.addi %convert_element_type3A_117, %add3A_131 : vector<16xi32>
        %swap3A_133 = arith.constant 0 : index
        %swap3A_134 = tpu.vector_load %arg10[%swap3A_133] {strides = array<i32>} : memref<128xi32, #tpu.memory_space<vmem>>, vector<16xi32>,
        %swap3A_135 = vector.shape_cast %swap3A_134 : vector<16xi32> to vector<16xi32>
        %swap3A_136 = vector.shape_cast %add3A_132 : vector<16xi32> to vector<16xi32>
        tpu.vector_store %arg10[%swap3A_133], %swap3A_136 {strides = array<i32>} : memref<128xi32, #tpu.memory_space<vmem>>, vector<16xi32>,
        %get3A_137 = arith.constant 16 : index
        %get3A_138 = tpu.vector_load %arg7[%get3A_137] {strides = array<i32>} : memref<128xi32, #tpu.memory_space<vmem>>, vector<16xi32>,
        %get3A_139 = vector.shape_cast %get3A_138 : vector<16xi32> to vector<16xi32>
        %get3A_140 = arith.constant 16 : index
        %get3A_141 = tpu.vector_load %arg8[%get3A_140] {strides = array<i32>} : memref<128xi32, #tpu.memory_space<vmem>>, vector<16xi32>,
        %get3A_142 = vector.shape_cast %get3A_141 : vector<16xi32> to vector<16xi32>
        %convert_element_type3A_143 = arith.sitofp %get3A_139 : vector<16xi32> to vector<16xf32>
        %mul3A_144 = arith.constant 0.0370370373 : f32
        %mul3A_145 = vector.broadcast %mul3A_144 : f32 to vector<16xf32>
        %mul3A_146 = arith.mulf %convert_element_type3A_143, %mul3A_145 : vector<16xf32>
        %add3A_147 = arith.constant 0.00999999977 : f32
        %add3A_148 = vector.broadcast %add3A_147 : f32 to vector<16xf32>
        %add3A_149 = arith.addf %mul3A_146, %add3A_148 : vector<16xf32>
        %convert_element_type3A_150 = arith.fptosi %add3A_149 : vector<16xf32> to vector<16xi32>
        %mul3A_151 = arith.constant 27 : i32
        %mul3A_152 = vector.broadcast %mul3A_151 : i32 to vector<16xi32>
        %mul3A_153 = arith.muli %convert_element_type3A_150, %mul3A_152 : vector<16xi32>
        %sub3A_154 = arith.subi %get3A_139, %mul3A_153 : vector<16xi32>
        %mul3A_155 = arith.constant 27 : i32
        %mul3A_156 = vector.broadcast %mul3A_155 : i32 to vector<16xi32>
        %mul3A_157 = arith.muli %get3A_142, %mul3A_156 : vector<16xi32>
        %add3A_158 = arith.addi %mul3A_157, %sub3A_154 : vector<16xi32>
        %min3A_159 = arith.constant 539999 : i32
        %min3A_160 = vector.broadcast %min3A_159 : i32 to vector<16xi32>
        %min3A_161 = arith.minsi %add3A_158, %min3A_160 : vector<16xi32>
        %swap3A_162 = arith.constant 16 : index
        %swap3A_163 = tpu.vector_load %arg9[%swap3A_162] {strides = array<i32>} : memref<128xi32, #tpu.memory_space<vmem>>, vector<16xi32>,
        %swap3A_164 = vector.shape_cast %swap3A_163 : vector<16xi32> to vector<16xi32>
        %swap3A_165 = vector.shape_cast %min3A_161 : vector<16xi32> to vector<16xi32>
        tpu.vector_store %arg9[%swap3A_162], %swap3A_165 {strides = array<i32>} : memref<128xi32, #tpu.memory_space<vmem>>, vector<16xi32>,
        %add3A_166 = arith.constant 40000 : i32
        %add3A_167 = vector.broadcast %add3A_166 : i32 to vector<16xi32>
        %add3A_168 = arith.addi %convert_element_type3A_150, %add3A_167 : vector<16xi32>
        %swap3A_169 = arith.constant 16 : index
        %swap3A_170 = tpu.vector_load %arg10[%swap3A_169] {strides = array<i32>} : memref<128xi32, #tpu.memory_space<vmem>>, vector<16xi32>,
        %swap3A_171 = vector.shape_cast %swap3A_170 : vector<16xi32> to vector<16xi32>
        %swap3A_172 = vector.shape_cast %add3A_168 : vector<16xi32> to vector<16xi32>
        tpu.vector_store %arg10[%swap3A_169], %swap3A_172 {strides = array<i32>} : memref<128xi32, #tpu.memory_space<vmem>>, vector<16xi32>,
        %get3A_173 = arith.constant 32 : index
        %get3A_174 = tpu.vector_load %arg7[%get3A_173] {strides = array<i32>} : memref<128xi32, #tpu.memory_space<vmem>>, vector<16xi32>,
        %get3A_175 = vector.shape_cast %get3A_174 : vector<16xi32> to vector<16xi32>
        %get3A_176 = arith.constant 32 : index
        %get3A_177 = tpu.vector_load %arg8[%get3A_176] {strides = array<i32>} : memref<128xi32, #tpu.memory_space<vmem>>, vector<16xi32>,
        %get3A_178 = vector.shape_cast %get3A_177 : vector<16xi32> to vector<16xi32>
        %convert_element_type3A_179 = arith.sitofp %get3A_175 : vector<16xi32> to vector<16xf32>
        %mul3A_180 = arith.constant 0.0370370373 : f32
        %mul3A_181 = vector.broadcast %mul3A_180 : f32 to vector<16xf32>
        %mul3A_182 = arith.mulf %convert_element_type3A_179, %mul3A_181 : vector<16xf32>
        %add3A_183 = arith.constant 0.00999999977 : f32
        %add3A_184 = vector.broadcast %add3A_183 : f32 to vector<16xf32>
        %add3A_185 = arith.addf %mul3A_182, %add3A_184 : vector<16xf32>
        %convert_element_type3A_186 = arith.fptosi %add3A_185 : vector<16xf32> to vector<16xi32>
        %mul3A_187 = arith.constant 27 : i32
        %mul3A_188 = vector.broadcast %mul3A_187 : i32 to vector<16xi32>
        %mul3A_189 = arith.muli %convert_element_type3A_186, %mul3A_188 : vector<16xi32>
        %sub3A_190 = arith.subi %get3A_175, %mul3A_189 : vector<16xi32>
        %mul3A_191 = arith.constant 27 : i32
        %mul3A_192 = vector.broadcast %mul3A_191 : i32 to vector<16xi32>
        %mul3A_193 = arith.muli %get3A_178, %mul3A_192 : vector<16xi32>
        %add3A_194 = arith.addi %mul3A_193, %sub3A_190 : vector<16xi32>
        %min3A_195 = arith.constant 539999 : i32
        %min3A_196 = vector.broadcast %min3A_195 : i32 to vector<16xi32>
        %min3A_197 = arith.minsi %add3A_194, %min3A_196 : vector<16xi32>
        %swap3A_198 = arith.constant 32 : index
        %swap3A_199 = tpu.vector_load %arg9[%swap3A_198] {strides = array<i32>} : memref<128xi32, #tpu.memory_space<vmem>>, vector<16xi32>,
        %swap3A_200 = vector.shape_cast %swap3A_199 : vector<16xi32> to vector<16xi32>
        %swap3A_201 = vector.shape_cast %min3A_197 : vector<16xi32> to vector<16xi32>
        tpu.vector_store %arg9[%swap3A_198], %swap3A_201 {strides = array<i32>} : memref<128xi32, #tpu.memory_space<vmem>>, vector<16xi32>,
        %add3A_202 = arith.constant 40000 : i32
        %add3A_203 = vector.broadcast %add3A_202 : i32 to vector<16xi32>
        %add3A_204 = arith.addi %convert_element_type3A_186, %add3A_203 : vector<16xi32>
        %swap3A_205 = arith.constant 32 : index
        %swap3A_206 = tpu.vector_load %arg10[%swap3A_205] {strides = array<i32>} : memref<128xi32, #tpu.memory_space<vmem>>, vector<16xi32>,
        %swap3A_207 = vector.shape_cast %swap3A_206 : vector<16xi32> to vector<16xi32>
        %swap3A_208 = vector.shape_cast %add3A_204 : vector<16xi32> to vector<16xi32>
        tpu.vector_store %arg10[%swap3A_205], %swap3A_208 {strides = array<i32>} : memref<128xi32, #tpu.memory_space<vmem>>, vector<16xi32>,
        %get3A_209 = arith.constant 48 : index
        %get3A_210 = tpu.vector_load %arg7[%get3A_209] {strides = array<i32>} : memref<128xi32, #tpu.memory_space<vmem>>, vector<16xi32>,
        %get3A_211 = vector.shape_cast %get3A_210 : vector<16xi32> to vector<16xi32>
        %get3A_212 = arith.constant 48 : index
        %get3A_213 = tpu.vector_load %arg8[%get3A_212] {strides = array<i32>} : memref<128xi32, #tpu.memory_space<vmem>>, vector<16xi32>,
        %get3A_214 = vector.shape_cast %get3A_213 : vector<16xi32> to vector<16xi32>
        %convert_element_type3A_215 = arith.sitofp %get3A_211 : vector<16xi32> to vector<16xf32>
        %mul3A_216 = arith.constant 0.0370370373 : f32
        %mul3A_217 = vector.broadcast %mul3A_216 : f32 to vector<16xf32>
        %mul3A_218 = arith.mulf %convert_element_type3A_215, %mul3A_217 : vector<16xf32>
        %add3A_219 = arith.constant 0.00999999977 : f32
        %add3A_220 = vector.broadcast %add3A_219 : f32 to vector<16xf32>
        %add3A_221 = arith.addf %mul3A_218, %add3A_220 : vector<16xf32>
        %convert_element_type3A_222 = arith.fptosi %add3A_221 : vector<16xf32> to vector<16xi32>
        %mul3A_223 = arith.constant 27 : i32
        %mul3A_224 = vector.broadcast %mul3A_223 : i32 to vector<16xi32>
        %mul3A_225 = arith.muli %convert_element_type3A_222, %mul3A_224 : vector<16xi32>
        %sub3A_226 = arith.subi %get3A_211, %mul3A_225 : vector<16xi32>
        %mul3A_227 = arith.constant 27 : i32
        %mul3A_228 = vector.broadcast %mul3A_227 : i32 to vector<16xi32>
        %mul3A_229 = arith.muli %get3A_214, %mul3A_228 : vector<16xi32>
        %add3A_230 = arith.addi %mul3A_229, %sub3A_226 : vector<16xi32>
        %min3A_231 = arith.constant 539999 : i32
        %min3A_232 = vector.broadcast %min3A_231 : i32 to vector<16xi32>
        %min3A_233 = arith.minsi %add3A_230, %min3A_232 : vector<16xi32>
        %swap3A_234 = arith.constant 48 : index
        %swap3A_235 = tpu.vector_load %arg9[%swap3A_234] {strides = array<i32>} : memref<128xi32, #tpu.memory_space<vmem>>, vector<16xi32>,
        %swap3A_236 = vector.shape_cast %swap3A_235 : vector<16xi32> to vector<16xi32>
        %swap3A_237 = vector.shape_cast %min3A_233 : vector<16xi32> to vector<16xi32>
        tpu.vector_store %arg9[%swap3A_234], %swap3A_237 {strides = array<i32>} : memref<128xi32, #tpu.memory_space<vmem>>, vector<16xi32>,
        %add3A_238 = arith.constant 40000 : i32
        %add3A_239 = vector.broadcast %add3A_238 : i32 to vector<16xi32>
        %add3A_240 = arith.addi %convert_element_type3A_222, %add3A_239 : vector<16xi32>
        %swap3A_241 = arith.constant 48 : index
        %swap3A_242 = tpu.vector_load %arg10[%swap3A_241] {strides = array<i32>} : memref<128xi32, #tpu.memory_space<vmem>>, vector<16xi32>,
        %swap3A_243 = vector.shape_cast %swap3A_242 : vector<16xi32> to vector<16xi32>
        %swap3A_244 = vector.shape_cast %add3A_240 : vector<16xi32> to vector<16xi32>
        tpu.vector_store %arg10[%swap3A_241], %swap3A_244 {strides = array<i32>} : memref<128xi32, #tpu.memory_space<vmem>>, vector<16xi32>,
        %get3A_245 = arith.constant 64 : index
        %get3A_246 = tpu.vector_load %arg7[%get3A_245] {strides = array<i32>} : memref<128xi32, #tpu.memory_space<vmem>>, vector<16xi32>,
        %get3A_247 = vector.shape_cast %get3A_246 : vector<16xi32> to vector<16xi32>
        %get3A_248 = arith.constant 64 : index
        %get3A_249 = tpu.vector_load %arg8[%get3A_248] {strides = array<i32>} : memref<128xi32, #tpu.memory_space<vmem>>, vector<16xi32>,
        %get3A_250 = vector.shape_cast %get3A_249 : vector<16xi32> to vector<16xi32>
        %convert_element_type3A_251 = arith.sitofp %get3A_247 : vector<16xi32> to vector<16xf32>
        %mul3A_252 = arith.constant 0.0370370373 : f32
        %mul3A_253 = vector.broadcast %mul3A_252 : f32 to vector<16xf32>
        %mul3A_254 = arith.mulf %convert_element_type3A_251, %mul3A_253 : vector<16xf32>
        %add3A_255 = arith.constant 0.00999999977 : f32
        %add3A_256 = vector.broadcast %add3A_255 : f32 to vector<16xf32>
        %add3A_257 = arith.addf %mul3A_254, %add3A_256 : vector<16xf32>
        %convert_element_type3A_258 = arith.fptosi %add3A_257 : vector<16xf32> to vector<16xi32>
        %mul3A_259 = arith.constant 27 : i32
        %mul3A_260 = vector.broadcast %mul3A_259 : i32 to vector<16xi32>
        %mul3A_261 = arith.muli %convert_element_type3A_258, %mul3A_260 : vector<16xi32>
        %sub3A_262 = arith.subi %get3A_247, %mul3A_261 : vector<16xi32>
        %mul3A_263 = arith.constant 27 : i32
        %mul3A_264 = vector.broadcast %mul3A_263 : i32 to vector<16xi32>
        %mul3A_265 = arith.muli %get3A_250, %mul3A_264 : vector<16xi32>
        %add3A_266 = arith.addi %mul3A_265, %sub3A_262 : vector<16xi32>
        %min3A_267 = arith.constant 539999 : i32
        %min3A_268 = vector.broadcast %min3A_267 : i32 to vector<16xi32>
        %min3A_269 = arith.minsi %add3A_266, %min3A_268 : vector<16xi32>
        %swap3A_270 = arith.constant 64 : index
        %swap3A_271 = tpu.vector_load %arg9[%swap3A_270] {strides = array<i32>} : memref<128xi32, #tpu.memory_space<vmem>>, vector<16xi32>,
        %swap3A_272 = vector.shape_cast %swap3A_271 : vector<16xi32> to vector<16xi32>
        %swap3A_273 = vector.shape_cast %min3A_269 : vector<16xi32> to vector<16xi32>
        tpu.vector_store %arg9[%swap3A_270], %swap3A_273 {strides = array<i32>} : memref<128xi32, #tpu.memory_space<vmem>>, vector<16xi32>,
        %add3A_274 = arith.constant 40000 : i32
        %add3A_275 = vector.broadcast %add3A_274 : i32 to vector<16xi32>
        %add3A_276 = arith.addi %convert_element_type3A_258, %add3A_275 : vector<16xi32>
        %swap3A_277 = arith.constant 64 : index
        %swap3A_278 = tpu.vector_load %arg10[%swap3A_277] {strides = array<i32>} : memref<128xi32, #tpu.memory_space<vmem>>, vector<16xi32>,
        %swap3A_279 = vector.shape_cast %swap3A_278 : vector<16xi32> to vector<16xi32>
        %swap3A_280 = vector.shape_cast %add3A_276 : vector<16xi32> to vector<16xi32>
        tpu.vector_store %arg10[%swap3A_277], %swap3A_280 {strides = array<i32>} : memref<128xi32, #tpu.memory_space<vmem>>, vector<16xi32>,
        %get3A_281 = arith.constant 80 : index
        %get3A_282 = tpu.vector_load %arg7[%get3A_281] {strides = array<i32>} : memref<128xi32, #tpu.memory_space<vmem>>, vector<16xi32>,
        %get3A_283 = vector.shape_cast %get3A_282 : vector<16xi32> to vector<16xi32>
        %get3A_284 = arith.constant 80 : index
        %get3A_285 = tpu.vector_load %arg8[%get3A_284] {strides = array<i32>} : memref<128xi32, #tpu.memory_space<vmem>>, vector<16xi32>,
        %get3A_286 = vector.shape_cast %get3A_285 : vector<16xi32> to vector<16xi32>
        %convert_element_type3A_287 = arith.sitofp %get3A_283 : vector<16xi32> to vector<16xf32>
        %mul3A_288 = arith.constant 0.0370370373 : f32
        %mul3A_289 = vector.broadcast %mul3A_288 : f32 to vector<16xf32>
        %mul3A_290 = arith.mulf %convert_element_type3A_287, %mul3A_289 : vector<16xf32>
        %add3A_291 = arith.constant 0.00999999977 : f32
        %add3A_292 = vector.broadcast %add3A_291 : f32 to vector<16xf32>
        %add3A_293 = arith.addf %mul3A_290, %add3A_292 : vector<16xf32>
        %convert_element_type3A_294 = arith.fptosi %add3A_293 : vector<16xf32> to vector<16xi32>
        %mul3A_295 = arith.constant 27 : i32
        %mul3A_296 = vector.broadcast %mul3A_295 : i32 to vector<16xi32>
        %mul3A_297 = arith.muli %convert_element_type3A_294, %mul3A_296 : vector<16xi32>
        %sub3A_298 = arith.subi %get3A_283, %mul3A_297 : vector<16xi32>
        %mul3A_299 = arith.constant 27 : i32
        %mul3A_300 = vector.broadcast %mul3A_299 : i32 to vector<16xi32>
        %mul3A_301 = arith.muli %get3A_286, %mul3A_300 : vector<16xi32>
        %add3A_302 = arith.addi %mul3A_301, %sub3A_298 : vector<16xi32>
        %min3A_303 = arith.constant 539999 : i32
        %min3A_304 = vector.broadcast %min3A_303 : i32 to vector<16xi32>
        %min3A_305 = arith.minsi %add3A_302, %min3A_304 : vector<16xi32>
        %swap3A_306 = arith.constant 80 : index
        %swap3A_307 = tpu.vector_load %arg9[%swap3A_306] {strides = array<i32>} : memref<128xi32, #tpu.memory_space<vmem>>, vector<16xi32>,
        %swap3A_308 = vector.shape_cast %swap3A_307 : vector<16xi32> to vector<16xi32>
        %swap3A_309 = vector.shape_cast %min3A_305 : vector<16xi32> to vector<16xi32>
        tpu.vector_store %arg9[%swap3A_306], %swap3A_309 {strides = array<i32>} : memref<128xi32, #tpu.memory_space<vmem>>, vector<16xi32>,
        %add3A_310 = arith.constant 40000 : i32
        %add3A_311 = vector.broadcast %add3A_310 : i32 to vector<16xi32>
        %add3A_312 = arith.addi %convert_element_type3A_294, %add3A_311 : vector<16xi32>
        %swap3A_313 = arith.constant 80 : index
        %swap3A_314 = tpu.vector_load %arg10[%swap3A_313] {strides = array<i32>} : memref<128xi32, #tpu.memory_space<vmem>>, vector<16xi32>,
        %swap3A_315 = vector.shape_cast %swap3A_314 : vector<16xi32> to vector<16xi32>
        %swap3A_316 = vector.shape_cast %add3A_312 : vector<16xi32> to vector<16xi32>
        tpu.vector_store %arg10[%swap3A_313], %swap3A_316 {strides = array<i32>} : memref<128xi32, #tpu.memory_space<vmem>>, vector<16xi32>,
        %get3A_317 = arith.constant 96 : index
        %get3A_318 = tpu.vector_load %arg7[%get3A_317] {strides = array<i32>} : memref<128xi32, #tpu.memory_space<vmem>>, vector<16xi32>,
        %get3A_319 = vector.shape_cast %get3A_318 : vector<16xi32> to vector<16xi32>
        %get3A_320 = arith.constant 96 : index
        %get3A_321 = tpu.vector_load %arg8[%get3A_320] {strides = array<i32>} : memref<128xi32, #tpu.memory_space<vmem>>, vector<16xi32>,
        %get3A_322 = vector.shape_cast %get3A_321 : vector<16xi32> to vector<16xi32>
        %convert_element_type3A_323 = arith.sitofp %get3A_319 : vector<16xi32> to vector<16xf32>
        %mul3A_324 = arith.constant 0.0370370373 : f32
        %mul3A_325 = vector.broadcast %mul3A_324 : f32 to vector<16xf32>
        %mul3A_326 = arith.mulf %convert_element_type3A_323, %mul3A_325 : vector<16xf32>
        %add3A_327 = arith.constant 0.00999999977 : f32
        %add3A_328 = vector.broadcast %add3A_327 : f32 to vector<16xf32>
        %add3A_329 = arith.addf %mul3A_326, %add3A_328 : vector<16xf32>
        %convert_element_type3A_330 = arith.fptosi %add3A_329 : vector<16xf32> to vector<16xi32>
        %mul3A_331 = arith.constant 27 : i32
        %mul3A_332 = vector.broadcast %mul3A_331 : i32 to vector<16xi32>
        %mul3A_333 = arith.muli %convert_element_type3A_330, %mul3A_332 : vector<16xi32>
        %sub3A_334 = arith.subi %get3A_319, %mul3A_333 : vector<16xi32>
        %mul3A_335 = arith.constant 27 : i32
        %mul3A_336 = vector.broadcast %mul3A_335 : i32 to vector<16xi32>
        %mul3A_337 = arith.muli %get3A_322, %mul3A_336 : vector<16xi32>
        %add3A_338 = arith.addi %mul3A_337, %sub3A_334 : vector<16xi32>
        %min3A_339 = arith.constant 539999 : i32
        %min3A_340 = vector.broadcast %min3A_339 : i32 to vector<16xi32>
        %min3A_341 = arith.minsi %add3A_338, %min3A_340 : vector<16xi32>
        %swap3A_342 = arith.constant 96 : index
        %swap3A_343 = tpu.vector_load %arg9[%swap3A_342] {strides = array<i32>} : memref<128xi32, #tpu.memory_space<vmem>>, vector<16xi32>,
        %swap3A_344 = vector.shape_cast %swap3A_343 : vector<16xi32> to vector<16xi32>
        %swap3A_345 = vector.shape_cast %min3A_341 : vector<16xi32> to vector<16xi32>
        tpu.vector_store %arg9[%swap3A_342], %swap3A_345 {strides = array<i32>} : memref<128xi32, #tpu.memory_space<vmem>>, vector<16xi32>,
        %add3A_346 = arith.constant 40000 : i32
        %add3A_347 = vector.broadcast %add3A_346 : i32 to vector<16xi32>
        %add3A_348 = arith.addi %convert_element_type3A_330, %add3A_347 : vector<16xi32>
        %swap3A_349 = arith.constant 96 : index
        %swap3A_350 = tpu.vector_load %arg10[%swap3A_349] {strides = array<i32>} : memref<128xi32, #tpu.memory_space<vmem>>, vector<16xi32>,
        %swap3A_351 = vector.shape_cast %swap3A_350 : vector<16xi32> to vector<16xi32>
        %swap3A_352 = vector.shape_cast %add3A_348 : vector<16xi32> to vector<16xi32>
        tpu.vector_store %arg10[%swap3A_349], %swap3A_352 {strides = array<i32>} : memref<128xi32, #tpu.memory_space<vmem>>, vector<16xi32>,
        %get3A_353 = arith.constant 112 : index
        %get3A_354 = tpu.vector_load %arg7[%get3A_353] {strides = array<i32>} : memref<128xi32, #tpu.memory_space<vmem>>, vector<16xi32>,
        %get3A_355 = vector.shape_cast %get3A_354 : vector<16xi32> to vector<16xi32>
        %get3A_356 = arith.constant 112 : index
        %get3A_357 = tpu.vector_load %arg8[%get3A_356] {strides = array<i32>} : memref<128xi32, #tpu.memory_space<vmem>>, vector<16xi32>,
        %get3A_358 = vector.shape_cast %get3A_357 : vector<16xi32> to vector<16xi32>
        %convert_element_type3A_359 = arith.sitofp %get3A_355 : vector<16xi32> to vector<16xf32>
        %mul3A_360 = arith.constant 0.0370370373 : f32
        %mul3A_361 = vector.broadcast %mul3A_360 : f32 to vector<16xf32>
        %mul3A_362 = arith.mulf %convert_element_type3A_359, %mul3A_361 : vector<16xf32>
        %add3A_363 = arith.constant 0.00999999977 : f32
        %add3A_364 = vector.broadcast %add3A_363 : f32 to vector<16xf32>
        %add3A_365 = arith.addf %mul3A_362, %add3A_364 : vector<16xf32>
        %convert_element_type3A_366 = arith.fptosi %add3A_365 : vector<16xf32> to vector<16xi32>
        %mul3A_367 = arith.constant 27 : i32
        %mul3A_368 = vector.broadcast %mul3A_367 : i32 to vector<16xi32>
        %mul3A_369 = arith.muli %convert_element_type3A_366, %mul3A_368 : vector<16xi32>
        %sub3A_370 = arith.subi %get3A_355, %mul3A_369 : vector<16xi32>
        %mul3A_371 = arith.constant 27 : i32
        %mul3A_372 = vector.broadcast %mul3A_371 : i32 to vector<16xi32>
        %mul3A_373 = arith.muli %get3A_358, %mul3A_372 : vector<16xi32>
        %add3A_374 = arith.addi %mul3A_373, %sub3A_370 : vector<16xi32>
        %min3A_375 = arith.constant 539999 : i32
        %min3A_376 = vector.broadcast %min3A_375 : i32 to vector<16xi32>
        %min3A_377 = arith.minsi %add3A_374, %min3A_376 : vector<16xi32>
        %swap3A_378 = arith.constant 112 : index
        %swap3A_379 = tpu.vector_load %arg9[%swap3A_378] {strides = array<i32>} : memref<128xi32, #tpu.memory_space<vmem>>, vector<16xi32>,
        %swap3A_380 = vector.shape_cast %swap3A_379 : vector<16xi32> to vector<16xi32>
        %swap3A_381 = vector.shape_cast %min3A_377 : vector<16xi32> to vector<16xi32>
        tpu.vector_store %arg9[%swap3A_378], %swap3A_381 {strides = array<i32>} : memref<128xi32, #tpu.memory_space<vmem>>, vector<16xi32>,
        %add3A_382 = arith.constant 40000 : i32
        %add3A_383 = vector.broadcast %add3A_382 : i32 to vector<16xi32>
        %add3A_384 = arith.addi %convert_element_type3A_366, %add3A_383 : vector<16xi32>
        %swap3A_385 = arith.constant 112 : index
        %swap3A_386 = tpu.vector_load %arg10[%swap3A_385] {strides = array<i32>} : memref<128xi32, #tpu.memory_space<vmem>>, vector<16xi32>,
        %swap3A_387 = vector.shape_cast %swap3A_386 : vector<16xi32> to vector<16xi32>
        %swap3A_388 = vector.shape_cast %add3A_384 : vector<16xi32> to vector<16xi32>
        tpu.vector_store %arg10[%swap3A_385], %swap3A_388 {strides = array<i32>} : memref<128xi32, #tpu.memory_space<vmem>>, vector<16xi32>,
        %dma_start3A = arith.constant 0 : i32
        %dma_start3A_389 = arith.constant 0 : i32
        %dma_start3A_390 = tpu.memref_slice %arg2[%dma_start3A, %dma_start3A_389] : memref<540000x16xf32, #tpu.memory_space<hbm>> -> memref<540000x16xf32, #tpu.memory_space<hbm>>
        tpu.enqueue_indirect_dma source(%dma_start3A_390 : memref<540000x16xf32, #tpu.memory_space<hbm>>) target(%arg11 : memref<128x16xf32, #tpu.memory_space<vmem>>) offsets(%arg9 : memref<128xi32, #tpu.memory_space<vmem>>) semaphore(%arg16 : memref<!tpu.dma_semaphore, #tpu.memory_space<semaphore_mem>>)
        %dma_start3A_391 = arith.constant 0 : i32
        %dma_start3A_392 = arith.constant 0 : i32
        %dma_start3A_393 = tpu.memref_slice %arg3[%dma_start3A_391, %dma_start3A_392] : memref<80000x64xf32, #tpu.memory_space<hbm>> -> memref<80000x64xf32, #tpu.memory_space<hbm>>
        tpu.enqueue_indirect_dma source(%dma_start3A_393 : memref<80000x64xf32, #tpu.memory_space<hbm>>) target(%arg12 : memref<128x64xf32, #tpu.memory_space<vmem>>) offsets(%arg10 : memref<128xi32, #tpu.memory_space<vmem>>) semaphore(%arg17 : memref<!tpu.dma_semaphore, #tpu.memory_space<semaphore_mem>>)
        %dma_wait3A = arith.constant 0 : i32
        %dma_wait3A_394 = arith.constant 0 : i32
        %dma_wait3A_395 = tpu.memref_slice %arg2[%dma_wait3A, %dma_wait3A_394] : memref<540000x16xf32, #tpu.memory_space<hbm>> -> memref<540000x16xf32, #tpu.memory_space<hbm>>
        tpu.wait_indirect_dma semaphore(%arg16 : memref<!tpu.dma_semaphore, #tpu.memory_space<semaphore_mem>>) src(%dma_wait3A_395 : memref<540000x16xf32, #tpu.memory_space<hbm>>) dst(%arg11 : memref<128x16xf32, #tpu.memory_space<vmem>>)
        %dma_wait3A_396 = arith.constant 0 : i32
        %dma_wait3A_397 = arith.constant 0 : i32
        %dma_wait3A_398 = tpu.memref_slice %arg3[%dma_wait3A_396, %dma_wait3A_397] : memref<80000x64xf32, #tpu.memory_space<hbm>> -> memref<80000x64xf32, #tpu.memory_space<hbm>>
        tpu.wait_indirect_dma semaphore(%arg17 : memref<!tpu.dma_semaphore, #tpu.memory_space<semaphore_mem>>) src(%dma_wait3A_398 : memref<80000x64xf32, #tpu.memory_space<hbm>>) dst(%arg12 : memref<128x64xf32, #tpu.memory_space<vmem>>)
        %broadcast_in_dim3A_399 = arith.constant 4 : i32
        %broadcast_in_dim3A_400 = vector.broadcast %broadcast_in_dim3A_399 : i32 to vector<16x1xi32>
        %broadcast_in_dim3A_401 = arith.constant 5 : i32
        %broadcast_in_dim3A_402 = vector.broadcast %broadcast_in_dim3A_401 : i32 to vector<16x1xi32>
        %scan3A_403 = arith.constant 0 : i32
        %scan3A_404 = arith.constant 0 : i32
        %scan3A_405 = arith.constant 128 : i32
        %scan3A_406 = arith.addi %scan3A_404, %scan3A_405 : i32
        %scan3A_407 = arith.constant 1 : i32
        scf.for %scan3A_409 = %scan3A_404 to %scan3A_406 step %scan3A_407  : i32 {
          %get3A_410 = arith.index_cast %scan3A_409 : i32 to index
          %get3A_411 = arith.constant 0 : index
          %get3A_412 = tpu.vector_load %arg11[%get3A_410, %get3A_411] {strides = array<i32>} : memref<128x16xf32, #tpu.memory_space<vmem>>, vector<1x16xf32>,
          %get3A_413 = vector.shape_cast %get3A_412 : vector<1x16xf32> to vector<16xf32>
          %gather3A = vector.shape_cast %broadcast_in_dim3A_400 : vector<16x1xi32> to vector<16xi32>
          %gather3A_414 = tpu.dynamic_gather %get3A_413[%gather3A] in [0] : vector<16xf32>, vector<16xi32> -> vector<16xf32>
          %gather3A_415 = vector.shape_cast %broadcast_in_dim3A_402 : vector<16x1xi32> to vector<16xi32>
          %gather3A_416 = tpu.dynamic_gather %get3A_413[%gather3A_415] in [0] : vector<16xf32>, vector<16xi32> -> vector<16xf32>
          %get3A_417 = arith.index_cast %scan3A_409 : i32 to index
          %get3A_418 = arith.constant 0 : index
          %get3A_419 = tpu.vector_load %arg12[%get3A_417, %get3A_418] {strides = array<i32>} : memref<128x64xf32, #tpu.memory_space<vmem>>, vector<1x16xf32>,
          %get3A_420 = vector.shape_cast %get3A_419 : vector<1x16xf32> to vector<16xf32>
          %mul3A_421 = arith.mulf %get3A_420, %gather3A_414 : vector<16xf32>
          %swap3A_422 = arith.index_cast %scan3A_409 : i32 to index
          %swap3A_423 = arith.constant 0 : index
          %swap3A_424 = tpu.vector_load %arg13[%swap3A_422, %swap3A_423] {strides = array<i32>} : memref<128x64xf32, #tpu.memory_space<vmem>>, vector<1x16xf32>,
          %swap3A_425 = vector.shape_cast %swap3A_424 : vector<1x16xf32> to vector<16xf32>
          %swap3A_426 = vector.shape_cast %mul3A_421 : vector<16xf32> to vector<1x16xf32>
          tpu.vector_store %arg13[%swap3A_422, %swap3A_423], %swap3A_426 {strides = array<i32>} : memref<128x64xf32, #tpu.memory_space<vmem>>, vector<1x16xf32>,
          %get3A_427 = arith.index_cast %scan3A_409 : i32 to index
          %get3A_428 = arith.constant 16 : index
          %get3A_429 = tpu.vector_load %arg12[%get3A_427, %get3A_428] {strides = array<i32>} : memref<128x64xf32, #tpu.memory_space<vmem>>, vector<1x16xf32>,
          %get3A_430 = vector.shape_cast %get3A_429 : vector<1x16xf32> to vector<16xf32>
          %mul3A_431 = arith.mulf %get3A_430, %gather3A_414 : vector<16xf32>
          %swap3A_432 = arith.index_cast %scan3A_409 : i32 to index
          %swap3A_433 = arith.constant 16 : index
          %swap3A_434 = tpu.vector_load %arg13[%swap3A_432, %swap3A_433] {strides = array<i32>} : memref<128x64xf32, #tpu.memory_space<vmem>>, vector<1x16xf32>,
          %swap3A_435 = vector.shape_cast %swap3A_434 : vector<1x16xf32> to vector<16xf32>
          %swap3A_436 = vector.shape_cast %mul3A_431 : vector<16xf32> to vector<1x16xf32>
          tpu.vector_store %arg13[%swap3A_432, %swap3A_433], %swap3A_436 {strides = array<i32>} : memref<128x64xf32, #tpu.memory_space<vmem>>, vector<1x16xf32>,
          %get3A_437 = arith.index_cast %scan3A_409 : i32 to index
          %get3A_438 = arith.constant 32 : index
          %get3A_439 = tpu.vector_load %arg12[%get3A_437, %get3A_438] {strides = array<i32>} : memref<128x64xf32, #tpu.memory_space<vmem>>, vector<1x16xf32>,
          %get3A_440 = vector.shape_cast %get3A_439 : vector<1x16xf32> to vector<16xf32>
          %mul3A_441 = arith.mulf %get3A_440, %gather3A_416 : vector<16xf32>
          %swap3A_442 = arith.index_cast %scan3A_409 : i32 to index
          %swap3A_443 = arith.constant 32 : index
          %swap3A_444 = tpu.vector_load %arg13[%swap3A_442, %swap3A_443] {strides = array<i32>} : memref<128x64xf32, #tpu.memory_space<vmem>>, vector<1x16xf32>,
          %swap3A_445 = vector.shape_cast %swap3A_444 : vector<1x16xf32> to vector<16xf32>
          %swap3A_446 = vector.shape_cast %mul3A_441 : vector<16xf32> to vector<1x16xf32>
          tpu.vector_store %arg13[%swap3A_442, %swap3A_443], %swap3A_446 {strides = array<i32>} : memref<128x64xf32, #tpu.memory_space<vmem>>, vector<1x16xf32>,
          %get3A_447 = arith.index_cast %scan3A_409 : i32 to index
          %get3A_448 = arith.constant 48 : index
          %get3A_449 = tpu.vector_load %arg12[%get3A_447, %get3A_448] {strides = array<i32>} : memref<128x64xf32, #tpu.memory_space<vmem>>, vector<1x16xf32>,
          %get3A_450 = vector.shape_cast %get3A_449 : vector<1x16xf32> to vector<16xf32>
          %mul3A_451 = arith.mulf %get3A_450, %gather3A_416 : vector<16xf32>
          %swap3A_452 = arith.index_cast %scan3A_409 : i32 to index
          %swap3A_453 = arith.constant 48 : index
          %swap3A_454 = tpu.vector_load %arg13[%swap3A_452, %swap3A_453] {strides = array<i32>} : memref<128x64xf32, #tpu.memory_space<vmem>>, vector<1x16xf32>,
          %swap3A_455 = vector.shape_cast %swap3A_454 : vector<1x16xf32> to vector<16xf32>
          %swap3A_456 = vector.shape_cast %mul3A_451 : vector<16xf32> to vector<1x16xf32>
          tpu.vector_store %arg13[%swap3A_452, %swap3A_453], %swap3A_456 {strides = array<i32>} : memref<128x64xf32, #tpu.memory_space<vmem>>, vector<1x16xf32>,
        }
        %scan3A_408 = arith.constant 128 : i32
        "tpu.region"() ({
          %run_scoped3A = tpu.sem_alloc : memref<!tpu.dma_semaphore, #tpu.memory_space<semaphore_mem>>
          %dma_start3A_409 = arith.constant 0 : i32
          %dma_start3A_410 = arith.constant 0 : i32
          %dma_start3A_411 = tpu.memref_slice %arg15[%dma_start3A_409, %dma_start3A_410] : memref<20016x64xf32, #tpu.memory_space<vmem_shared>> -> memref<20016x64xf32, #tpu.memory_space<vmem_shared>>
          tpu.enqueue_indirect_dma source(%arg13 : memref<128x64xf32, #tpu.memory_space<vmem>>) target(%dma_start3A_411 : memref<20016x64xf32, #tpu.memory_space<vmem_shared>>) offsets(%arg8 : memref<128xi32, #tpu.memory_space<vmem>>) semaphore(%run_scoped3A : memref<!tpu.dma_semaphore, #tpu.memory_space<semaphore_mem>>) {add = true}
          %dma_wait3A_412 = arith.constant 0 : i32
          %dma_wait3A_413 = arith.constant 0 : i32
          %dma_wait3A_414 = tpu.memref_slice %arg15[%dma_wait3A_412, %dma_wait3A_413] : memref<20016x64xf32, #tpu.memory_space<vmem_shared>> -> memref<20016x64xf32, #tpu.memory_space<vmem_shared>>
          tpu.wait_indirect_dma semaphore(%run_scoped3A : memref<!tpu.dma_semaphore, #tpu.memory_space<semaphore_mem>>) src(%arg13 : memref<128x64xf32, #tpu.memory_space<vmem>>) dst(%dma_wait3A_414 : memref<20016x64xf32, #tpu.memory_space<vmem_shared>>)
          tpu.yield
        }) : () -> ()
      }
      %scan3A_57 = arith.constant 157 : i32
      %barrier3A_58 = arith.constant 0 : index
      tpu.barrier barrier_id(%barrier3A_58)
      %mul3A_59 = arith.constant 1248 : i32
      %mul3A_60 = arith.muli %arg1, %mul3A_59 : i32
      %add3A_61 = arith.constant 0 : i32
      %add3A_62 = arith.addi %mul3A_60, %add3A_61 : i32
      %add3A_63 = arith.constant 40000 : i32
      %add3A_64 = arith.addi %add3A_63, %add3A_62 : i32
      "tpu.region"() ({
        %run_scoped3A = tpu.sem_alloc : memref<!tpu.dma_semaphore, #tpu.memory_space<semaphore_mem>>
        %dma_start3A = arith.constant 0 : i32
        %dma_start3A_101 = tpu.memref_slice %arg6[%add3A_64, %dma_start3A] : memref<80000x64xf32, #tpu.memory_space<hbm>> -> memref<208x64xf32, #tpu.memory_space<hbm>>
        %dma_start3A_102 = arith.constant 0 : i32
        %dma_start3A_103 = tpu.memref_slice %arg15[%add3A_62, %dma_start3A_102] : memref<20016x64xf32, #tpu.memory_space<vmem_shared>> -> memref<208x64xf32, #tpu.memory_space<vmem_shared>>
        tpu.enqueue_dma source(%dma_start3A_103 : memref<208x64xf32, #tpu.memory_space<vmem_shared>>) target(%dma_start3A_101 : memref<208x64xf32, #tpu.memory_space<hbm>>) target_semaphore(%run_scoped3A : memref<!tpu.dma_semaphore, #tpu.memory_space<semaphore_mem>>)
        %dma_wait3A = arith.constant 0 : i32
        %dma_wait3A_104 = tpu.memref_slice %arg6[%add3A_64, %dma_wait3A] : memref<80000x64xf32, #tpu.memory_space<hbm>> -> memref<208x64xf32, #tpu.memory_space<hbm>>
        %dma_wait3A_105 = arith.constant 0 : i32
        %dma_wait3A_106 = tpu.memref_slice %arg15[%add3A_62, %dma_wait3A_105] : memref<20016x64xf32, #tpu.memory_space<vmem_shared>> -> memref<208x64xf32, #tpu.memory_space<vmem_shared>>
        tpu.wait_dma2 semaphore(%run_scoped3A : memref<!tpu.dma_semaphore, #tpu.memory_space<semaphore_mem>>) src(%dma_wait3A_106 : memref<208x64xf32, #tpu.memory_space<vmem_shared>>) dst(%dma_wait3A_104 : memref<208x64xf32, #tpu.memory_space<hbm>>)
        tpu.yield
      }) : () -> ()
      %mul3A_65 = arith.constant 1248 : i32
      %mul3A_66 = arith.muli %arg1, %mul3A_65 : i32
      %add3A_67 = arith.constant 208 : i32
      %add3A_68 = arith.addi %mul3A_66, %add3A_67 : i32
      %add3A_69 = arith.constant 40000 : i32
      %add3A_70 = arith.addi %add3A_69, %add3A_68 : i32
      "tpu.region"() ({
        %run_scoped3A = tpu.sem_alloc : memref<!tpu.dma_semaphore, #tpu.memory_space<semaphore_mem>>
        %dma_start3A = arith.constant 0 : i32
        %dma_start3A_101 = tpu.memref_slice %arg6[%add3A_70, %dma_start3A] : memref<80000x64xf32, #tpu.memory_space<hbm>> -> memref<208x64xf32, #tpu.memory_space<hbm>>
        %dma_start3A_102 = arith.constant 0 : i32
        %dma_start3A_103 = tpu.memref_slice %arg15[%add3A_68, %dma_start3A_102] : memref<20016x64xf32, #tpu.memory_space<vmem_shared>> -> memref<208x64xf32, #tpu.memory_space<vmem_shared>>
        tpu.enqueue_dma source(%dma_start3A_103 : memref<208x64xf32, #tpu.memory_space<vmem_shared>>) target(%dma_start3A_101 : memref<208x64xf32, #tpu.memory_space<hbm>>) target_semaphore(%run_scoped3A : memref<!tpu.dma_semaphore, #tpu.memory_space<semaphore_mem>>)
        %dma_wait3A = arith.constant 0 : i32
        %dma_wait3A_104 = tpu.memref_slice %arg6[%add3A_70, %dma_wait3A] : memref<80000x64xf32, #tpu.memory_space<hbm>> -> memref<208x64xf32, #tpu.memory_space<hbm>>
        %dma_wait3A_105 = arith.constant 0 : i32
        %dma_wait3A_106 = tpu.memref_slice %arg15[%add3A_68, %dma_wait3A_105] : memref<20016x64xf32, #tpu.memory_space<vmem_shared>> -> memref<208x64xf32, #tpu.memory_space<vmem_shared>>
        tpu.wait_dma2 semaphore(%run_scoped3A : memref<!tpu.dma_semaphore, #tpu.memory_space<semaphore_mem>>) src(%dma_wait3A_106 : memref<208x64xf32, #tpu.memory_space<vmem_shared>>) dst(%dma_wait3A_104 : memref<208x64xf32, #tpu.memory_space<hbm>>)
        tpu.yield
      }) : () -> ()
      %mul3A_71 = arith.constant 1248 : i32
      %mul3A_72 = arith.muli %arg1, %mul3A_71 : i32
      %add3A_73 = arith.constant 416 : i32
      %add3A_74 = arith.addi %mul3A_72, %add3A_73 : i32
      %add3A_75 = arith.constant 40000 : i32
      %add3A_76 = arith.addi %add3A_75, %add3A_74 : i32
      "tpu.region"() ({
        %run_scoped3A = tpu.sem_alloc : memref<!tpu.dma_semaphore, #tpu.memory_space<semaphore_mem>>
        %dma_start3A = arith.constant 0 : i32
        %dma_start3A_101 = tpu.memref_slice %arg6[%add3A_76, %dma_start3A] : memref<80000x64xf32, #tpu.memory_space<hbm>> -> memref<208x64xf32, #tpu.memory_space<hbm>>
        %dma_start3A_102 = arith.constant 0 : i32
        %dma_start3A_103 = tpu.memref_slice %arg15[%add3A_74, %dma_start3A_102] : memref<20016x64xf32, #tpu.memory_space<vmem_shared>> -> memref<208x64xf32, #tpu.memory_space<vmem_shared>>
        tpu.enqueue_dma source(%dma_start3A_103 : memref<208x64xf32, #tpu.memory_space<vmem_shared>>) target(%dma_start3A_101 : memref<208x64xf32, #tpu.memory_space<hbm>>) target_semaphore(%run_scoped3A : memref<!tpu.dma_semaphore, #tpu.memory_space<semaphore_mem>>)
        %dma_wait3A = arith.constant 0 : i32
        %dma_wait3A_104 = tpu.memref_slice %arg6[%add3A_76, %dma_wait3A] : memref<80000x64xf32, #tpu.memory_space<hbm>> -> memref<208x64xf32, #tpu.memory_space<hbm>>
        %dma_wait3A_105 = arith.constant 0 : i32
        %dma_wait3A_106 = tpu.memref_slice %arg15[%add3A_74, %dma_wait3A_105] : memref<20016x64xf32, #tpu.memory_space<vmem_shared>> -> memref<208x64xf32, #tpu.memory_space<vmem_shared>>
        tpu.wait_dma2 semaphore(%run_scoped3A : memref<!tpu.dma_semaphore, #tpu.memory_space<semaphore_mem>>) src(%dma_wait3A_106 : memref<208x64xf32, #tpu.memory_space<vmem_shared>>) dst(%dma_wait3A_104 : memref<208x64xf32, #tpu.memory_space<hbm>>)
        tpu.yield
      }) : () -> ()
      %mul3A_77 = arith.constant 1248 : i32
      %mul3A_78 = arith.muli %arg1, %mul3A_77 : i32
      %add3A_79 = arith.constant 624 : i32
      %add3A_80 = arith.addi %mul3A_78, %add3A_79 : i32
      %add3A_81 = arith.constant 40000 : i32
      %add3A_82 = arith.addi %add3A_81, %add3A_80 : i32
      "tpu.region"() ({
        %run_scoped3A = tpu.sem_alloc : memref<!tpu.dma_semaphore, #tpu.memory_space<semaphore_mem>>
        %dma_start3A = arith.constant 0 : i32
        %dma_start3A_101 = tpu.memref_slice %arg6[%add3A_82, %dma_start3A] : memref<80000x64xf32, #tpu.memory_space<hbm>> -> memref<208x64xf32, #tpu.memory_space<hbm>>
        %dma_start3A_102 = arith.constant 0 : i32
        %dma_start3A_103 = tpu.memref_slice %arg15[%add3A_80, %dma_start3A_102] : memref<20016x64xf32, #tpu.memory_space<vmem_shared>> -> memref<208x64xf32, #tpu.memory_space<vmem_shared>>
        tpu.enqueue_dma source(%dma_start3A_103 : memref<208x64xf32, #tpu.memory_space<vmem_shared>>) target(%dma_start3A_101 : memref<208x64xf32, #tpu.memory_space<hbm>>) target_semaphore(%run_scoped3A : memref<!tpu.dma_semaphore, #tpu.memory_space<semaphore_mem>>)
        %dma_wait3A = arith.constant 0 : i32
        %dma_wait3A_104 = tpu.memref_slice %arg6[%add3A_82, %dma_wait3A] : memref<80000x64xf32, #tpu.memory_space<hbm>> -> memref<208x64xf32, #tpu.memory_space<hbm>>
        %dma_wait3A_105 = arith.constant 0 : i32
        %dma_wait3A_106 = tpu.memref_slice %arg15[%add3A_80, %dma_wait3A_105] : memref<20016x64xf32, #tpu.memory_space<vmem_shared>> -> memref<208x64xf32, #tpu.memory_space<vmem_shared>>
        tpu.wait_dma2 semaphore(%run_scoped3A : memref<!tpu.dma_semaphore, #tpu.memory_space<semaphore_mem>>) src(%dma_wait3A_106 : memref<208x64xf32, #tpu.memory_space<vmem_shared>>) dst(%dma_wait3A_104 : memref<208x64xf32, #tpu.memory_space<hbm>>)
        tpu.yield
      }) : () -> ()
      %mul3A_83 = arith.constant 1248 : i32
      %mul3A_84 = arith.muli %arg1, %mul3A_83 : i32
      %add3A_85 = arith.constant 832 : i32
      %add3A_86 = arith.addi %mul3A_84, %add3A_85 : i32
      %add3A_87 = arith.constant 40000 : i32
      %add3A_88 = arith.addi %add3A_87, %add3A_86 : i32
      "tpu.region"() ({
        %run_scoped3A = tpu.sem_alloc : memref<!tpu.dma_semaphore, #tpu.memory_space<semaphore_mem>>
        %dma_start3A = arith.constant 0 : i32
        %dma_start3A_101 = tpu.memref_slice %arg6[%add3A_88, %dma_start3A] : memref<80000x64xf32, #tpu.memory_space<hbm>> -> memref<208x64xf32, #tpu.memory_space<hbm>>
        %dma_start3A_102 = arith.constant 0 : i32
        %dma_start3A_103 = tpu.memref_slice %arg15[%add3A_86, %dma_start3A_102] : memref<20016x64xf32, #tpu.memory_space<vmem_shared>> -> memref<208x64xf32, #tpu.memory_space<vmem_shared>>
        tpu.enqueue_dma source(%dma_start3A_103 : memref<208x64xf32, #tpu.memory_space<vmem_shared>>) target(%dma_start3A_101 : memref<208x64xf32, #tpu.memory_space<hbm>>) target_semaphore(%run_scoped3A : memref<!tpu.dma_semaphore, #tpu.memory_space<semaphore_mem>>)
        %dma_wait3A = arith.constant 0 : i32
        %dma_wait3A_104 = tpu.memref_slice %arg6[%add3A_88, %dma_wait3A] : memref<80000x64xf32, #tpu.memory_space<hbm>> -> memref<208x64xf32, #tpu.memory_space<hbm>>
        %dma_wait3A_105 = arith.constant 0 : i32
        %dma_wait3A_106 = tpu.memref_slice %arg15[%add3A_86, %dma_wait3A_105] : memref<20016x64xf32, #tpu.memory_space<vmem_shared>> -> memref<208x64xf32, #tpu.memory_space<vmem_shared>>
        tpu.wait_dma2 semaphore(%run_scoped3A : memref<!tpu.dma_semaphore, #tpu.memory_space<semaphore_mem>>) src(%dma_wait3A_106 : memref<208x64xf32, #tpu.memory_space<vmem_shared>>) dst(%dma_wait3A_104 : memref<208x64xf32, #tpu.memory_space<hbm>>)
        tpu.yield
      }) : () -> ()
      %mul3A_89 = arith.constant 1248 : i32
      %mul3A_90 = arith.muli %arg1, %mul3A_89 : i32
      %add3A_91 = arith.constant 1040 : i32
      %add3A_92 = arith.addi %mul3A_90, %add3A_91 : i32
      %add3A_93 = arith.constant 40000 : i32
      %add3A_94 = arith.addi %add3A_93, %add3A_92 : i32
      "tpu.region"() ({
        %run_scoped3A = tpu.sem_alloc : memref<!tpu.dma_semaphore, #tpu.memory_space<semaphore_mem>>
        %dma_start3A = arith.constant 0 : i32
        %dma_start3A_101 = tpu.memref_slice %arg6[%add3A_94, %dma_start3A] : memref<80000x64xf32, #tpu.memory_space<hbm>> -> memref<208x64xf32, #tpu.memory_space<hbm>>
        %dma_start3A_102 = arith.constant 0 : i32
        %dma_start3A_103 = tpu.memref_slice %arg15[%add3A_92, %dma_start3A_102] : memref<20016x64xf32, #tpu.memory_space<vmem_shared>> -> memref<208x64xf32, #tpu.memory_space<vmem_shared>>
        tpu.enqueue_dma source(%dma_start3A_103 : memref<208x64xf32, #tpu.memory_space<vmem_shared>>) target(%dma_start3A_101 : memref<208x64xf32, #tpu.memory_space<hbm>>) target_semaphore(%run_scoped3A : memref<!tpu.dma_semaphore, #tpu.memory_space<semaphore_mem>>)
        %dma_wait3A = arith.constant 0 : i32
        %dma_wait3A_104 = tpu.memref_slice %arg6[%add3A_94, %dma_wait3A] : memref<80000x64xf32, #tpu.memory_space<hbm>> -> memref<208x64xf32, #tpu.memory_space<hbm>>
        %dma_wait3A_105 = arith.constant 0 : i32
        %dma_wait3A_106 = tpu.memref_slice %arg15[%add3A_92, %dma_wait3A_105] : memref<20016x64xf32, #tpu.memory_space<vmem_shared>> -> memref<208x64xf32, #tpu.memory_space<vmem_shared>>
        tpu.wait_dma2 semaphore(%run_scoped3A : memref<!tpu.dma_semaphore, #tpu.memory_space<semaphore_mem>>) src(%dma_wait3A_106 : memref<208x64xf32, #tpu.memory_space<vmem_shared>>) dst(%dma_wait3A_104 : memref<208x64xf32, #tpu.memory_space<hbm>>)
        tpu.yield
      }) : () -> ()
      %eq3A_95 = arith.constant 15 : i32
      %eq3A_96 = arith.cmpi eq, %arg1, %eq3A_95 : i32
      %convert_element_type3A_97 = arith.extui %eq3A_96 : i1 to i32
      %cond3A_98 = arith.constant 0 : i32
      %cond3A_99 = arith.cmpi ne, %convert_element_type3A_97, %cond3A_98 : i32
      scf.if %cond3A_99 {
        "tpu.region"() ({
          %run_scoped3A = tpu.sem_alloc : memref<!tpu.dma_semaphore, #tpu.memory_space<semaphore_mem>>
          %dma_start3A = arith.constant 59968 : i32
          %dma_start3A_101 = arith.constant 0 : i32
          %dma_start3A_102 = tpu.memref_slice %arg6[%dma_start3A, %dma_start3A_101] : memref<80000x64xf32, #tpu.memory_space<hbm>> -> memref<32x64xf32, #tpu.memory_space<hbm>>
          %dma_start3A_103 = arith.constant 19968 : i32
          %dma_start3A_104 = arith.constant 0 : i32
          %dma_start3A_105 = tpu.memref_slice %arg15[%dma_start3A_103, %dma_start3A_104] : memref<20016x64xf32, #tpu.memory_space<vmem_shared>> -> memref<32x64xf32, #tpu.memory_space<vmem_shared>>
          tpu.enqueue_dma source(%dma_start3A_105 : memref<32x64xf32, #tpu.memory_space<vmem_shared>>) target(%dma_start3A_102 : memref<32x64xf32, #tpu.memory_space<hbm>>) target_semaphore(%run_scoped3A : memref<!tpu.dma_semaphore, #tpu.memory_space<semaphore_mem>>)
          %dma_wait3A = arith.constant 59968 : i32
          %dma_wait3A_106 = arith.constant 0 : i32
          %dma_wait3A_107 = tpu.memref_slice %arg6[%dma_wait3A, %dma_wait3A_106] : memref<80000x64xf32, #tpu.memory_space<hbm>> -> memref<32x64xf32, #tpu.memory_space<hbm>>
          %dma_wait3A_108 = arith.constant 19968 : i32
          %dma_wait3A_109 = arith.constant 0 : i32
          %dma_wait3A_110 = tpu.memref_slice %arg15[%dma_wait3A_108, %dma_wait3A_109] : memref<20016x64xf32, #tpu.memory_space<vmem_shared>> -> memref<32x64xf32, #tpu.memory_space<vmem_shared>>
          tpu.wait_dma2 semaphore(%run_scoped3A : memref<!tpu.dma_semaphore, #tpu.memory_space<semaphore_mem>>) src(%dma_wait3A_110 : memref<32x64xf32, #tpu.memory_space<vmem_shared>>) dst(%dma_wait3A_107 : memref<32x64xf32, #tpu.memory_space<hbm>>)
          tpu.yield
        }) : () -> ()
      } else {
      }
      %barrier3A_100 = arith.constant 0 : index
      tpu.barrier barrier_id(%barrier3A_100)
    } else {
    }
    %eq3A_18 = arith.constant 1 : i32
    %eq3A_19 = arith.cmpi eq, %arg0, %eq3A_18 : i32
    %convert_element_type3A_20 = arith.extui %eq3A_19 : i1 to i32
    %cond3A_21 = arith.constant 0 : i32
    %cond3A_22 = arith.cmpi ne, %convert_element_type3A_20, %cond3A_21 : i32
    scf.if %cond3A_22 {
      %mul3A = arith.constant 1248 : i32
      %mul3A_23 = arith.muli %arg1, %mul3A : i32
      %add3A = arith.constant 0 : i32
      %add3A_24 = arith.addi %mul3A_23, %add3A : i32
      "tpu.region"() ({
        %run_scoped3A = tpu.sem_alloc : memref<!tpu.dma_semaphore, #tpu.memory_space<semaphore_mem>>
        %dma_start3A = arith.constant 0 : i32
        %dma_start3A_101 = tpu.memref_slice %arg15[%add3A_24, %dma_start3A] : memref<20016x64xf32, #tpu.memory_space<vmem_shared>> -> memref<208x64xf32, #tpu.memory_space<vmem_shared>>
        %dma_start3A_102 = arith.constant 0 : i32
        %dma_start3A_103 = tpu.memref_slice %arg15[%add3A_24, %dma_start3A_102] : memref<20016x64xf32, #tpu.memory_space<vmem_shared>> -> memref<208x64xf32, #tpu.memory_space<vmem_shared>>
        tpu.enqueue_dma source(%arg14 : memref<208x64xf32, #tpu.memory_space<vmem>>) target(%dma_start3A_103 : memref<208x64xf32, #tpu.memory_space<vmem_shared>>) target_semaphore(%run_scoped3A : memref<!tpu.dma_semaphore, #tpu.memory_space<semaphore_mem>>)
        %dma_wait3A = arith.constant 0 : i32
        %dma_wait3A_104 = tpu.memref_slice %arg15[%add3A_24, %dma_wait3A] : memref<20016x64xf32, #tpu.memory_space<vmem_shared>> -> memref<208x64xf32, #tpu.memory_space<vmem_shared>>
        %dma_wait3A_105 = arith.constant 0 : i32
        %dma_wait3A_106 = tpu.memref_slice %arg15[%add3A_24, %dma_wait3A_105] : memref<20016x64xf32, #tpu.memory_space<vmem_shared>> -> memref<208x64xf32, #tpu.memory_space<vmem_shared>>
        tpu.wait_dma2 semaphore(%run_scoped3A : memref<!tpu.dma_semaphore, #tpu.memory_space<semaphore_mem>>) src(%arg14 : memref<208x64xf32, #tpu.memory_space<vmem>>) dst(%dma_wait3A_106 : memref<208x64xf32, #tpu.memory_space<vmem_shared>>)
        tpu.yield
      }) : () -> ()
      %mul3A_25 = arith.constant 1248 : i32
      %mul3A_26 = arith.muli %arg1, %mul3A_25 : i32
      %add3A_27 = arith.constant 208 : i32
      %add3A_28 = arith.addi %mul3A_26, %add3A_27 : i32
      "tpu.region"() ({
        %run_scoped3A = tpu.sem_alloc : memref<!tpu.dma_semaphore, #tpu.memory_space<semaphore_mem>>
        %dma_start3A = arith.constant 0 : i32
        %dma_start3A_101 = tpu.memref_slice %arg15[%add3A_28, %dma_start3A] : memref<20016x64xf32, #tpu.memory_space<vmem_shared>> -> memref<208x64xf32, #tpu.memory_space<vmem_shared>>
        %dma_start3A_102 = arith.constant 0 : i32
        %dma_start3A_103 = tpu.memref_slice %arg15[%add3A_28, %dma_start3A_102] : memref<20016x64xf32, #tpu.memory_space<vmem_shared>> -> memref<208x64xf32, #tpu.memory_space<vmem_shared>>
        tpu.enqueue_dma source(%arg14 : memref<208x64xf32, #tpu.memory_space<vmem>>) target(%dma_start3A_103 : memref<208x64xf32, #tpu.memory_space<vmem_shared>>) target_semaphore(%run_scoped3A : memref<!tpu.dma_semaphore, #tpu.memory_space<semaphore_mem>>)
        %dma_wait3A = arith.constant 0 : i32
        %dma_wait3A_104 = tpu.memref_slice %arg15[%add3A_28, %dma_wait3A] : memref<20016x64xf32, #tpu.memory_space<vmem_shared>> -> memref<208x64xf32, #tpu.memory_space<vmem_shared>>
        %dma_wait3A_105 = arith.constant 0 : i32
        %dma_wait3A_106 = tpu.memref_slice %arg15[%add3A_28, %dma_wait3A_105] : memref<20016x64xf32, #tpu.memory_space<vmem_shared>> -> memref<208x64xf32, #tpu.memory_space<vmem_shared>>
        tpu.wait_dma2 semaphore(%run_scoped3A : memref<!tpu.dma_semaphore, #tpu.memory_space<semaphore_mem>>) src(%arg14 : memref<208x64xf32, #tpu.memory_space<vmem>>) dst(%dma_wait3A_106 : memref<208x64xf32, #tpu.memory_space<vmem_shared>>)
        tpu.yield
      }) : () -> ()
      %mul3A_29 = arith.constant 1248 : i32
      %mul3A_30 = arith.muli %arg1, %mul3A_29 : i32
      %add3A_31 = arith.constant 416 : i32
      %add3A_32 = arith.addi %mul3A_30, %add3A_31 : i32
      "tpu.region"() ({
        %run_scoped3A = tpu.sem_alloc : memref<!tpu.dma_semaphore, #tpu.memory_space<semaphore_mem>>
        %dma_start3A = arith.constant 0 : i32
        %dma_start3A_101 = tpu.memref_slice %arg15[%add3A_32, %dma_start3A] : memref<20016x64xf32, #tpu.memory_space<vmem_shared>> -> memref<208x64xf32, #tpu.memory_space<vmem_shared>>
        %dma_start3A_102 = arith.constant 0 : i32
        %dma_start3A_103 = tpu.memref_slice %arg15[%add3A_32, %dma_start3A_102] : memref<20016x64xf32, #tpu.memory_space<vmem_shared>> -> memref<208x64xf32, #tpu.memory_space<vmem_shared>>
        tpu.enqueue_dma source(%arg14 : memref<208x64xf32, #tpu.memory_space<vmem>>) target(%dma_start3A_103 : memref<208x64xf32, #tpu.memory_space<vmem_shared>>) target_semaphore(%run_scoped3A : memref<!tpu.dma_semaphore, #tpu.memory_space<semaphore_mem>>)
        %dma_wait3A = arith.constant 0 : i32
        %dma_wait3A_104 = tpu.memref_slice %arg15[%add3A_32, %dma_wait3A] : memref<20016x64xf32, #tpu.memory_space<vmem_shared>> -> memref<208x64xf32, #tpu.memory_space<vmem_shared>>
        %dma_wait3A_105 = arith.constant 0 : i32
        %dma_wait3A_106 = tpu.memref_slice %arg15[%add3A_32, %dma_wait3A_105] : memref<20016x64xf32, #tpu.memory_space<vmem_shared>> -> memref<208x64xf32, #tpu.memory_space<vmem_shared>>
        tpu.wait_dma2 semaphore(%run_scoped3A : memref<!tpu.dma_semaphore, #tpu.memory_space<semaphore_mem>>) src(%arg14 : memref<208x64xf32, #tpu.memory_space<vmem>>) dst(%dma_wait3A_106 : memref<208x64xf32, #tpu.memory_space<vmem_shared>>)
        tpu.yield
      }) : () -> ()
      %mul3A_33 = arith.constant 1248 : i32
      %mul3A_34 = arith.muli %arg1, %mul3A_33 : i32
      %add3A_35 = arith.constant 624 : i32
      %add3A_36 = arith.addi %mul3A_34, %add3A_35 : i32
      "tpu.region"() ({
        %run_scoped3A = tpu.sem_alloc : memref<!tpu.dma_semaphore, #tpu.memory_space<semaphore_mem>>
        %dma_start3A = arith.constant 0 : i32
        %dma_start3A_101 = tpu.memref_slice %arg15[%add3A_36, %dma_start3A] : memref<20016x64xf32, #tpu.memory_space<vmem_shared>> -> memref<208x64xf32, #tpu.memory_space<vmem_shared>>
        %dma_start3A_102 = arith.constant 0 : i32
        %dma_start3A_103 = tpu.memref_slice %arg15[%add3A_36, %dma_start3A_102] : memref<20016x64xf32, #tpu.memory_space<vmem_shared>> -> memref<208x64xf32, #tpu.memory_space<vmem_shared>>
        tpu.enqueue_dma source(%arg14 : memref<208x64xf32, #tpu.memory_space<vmem>>) target(%dma_start3A_103 : memref<208x64xf32, #tpu.memory_space<vmem_shared>>) target_semaphore(%run_scoped3A : memref<!tpu.dma_semaphore, #tpu.memory_space<semaphore_mem>>)
        %dma_wait3A = arith.constant 0 : i32
        %dma_wait3A_104 = tpu.memref_slice %arg15[%add3A_36, %dma_wait3A] : memref<20016x64xf32, #tpu.memory_space<vmem_shared>> -> memref<208x64xf32, #tpu.memory_space<vmem_shared>>
        %dma_wait3A_105 = arith.constant 0 : i32
        %dma_wait3A_106 = tpu.memref_slice %arg15[%add3A_36, %dma_wait3A_105] : memref<20016x64xf32, #tpu.memory_space<vmem_shared>> -> memref<208x64xf32, #tpu.memory_space<vmem_shared>>
        tpu.wait_dma2 semaphore(%run_scoped3A : memref<!tpu.dma_semaphore, #tpu.memory_space<semaphore_mem>>) src(%arg14 : memref<208x64xf32, #tpu.memory_space<vmem>>) dst(%dma_wait3A_106 : memref<208x64xf32, #tpu.memory_space<vmem_shared>>)
        tpu.yield
      }) : () -> ()
      %mul3A_37 = arith.constant 1248 : i32
      %mul3A_38 = arith.muli %arg1, %mul3A_37 : i32
      %add3A_39 = arith.constant 832 : i32
      %add3A_40 = arith.addi %mul3A_38, %add3A_39 : i32
      "tpu.region"() ({
        %run_scoped3A = tpu.sem_alloc : memref<!tpu.dma_semaphore, #tpu.memory_space<semaphore_mem>>
        %dma_start3A = arith.constant 0 : i32
        %dma_start3A_101 = tpu.memref_slice %arg15[%add3A_40, %dma_start3A] : memref<20016x64xf32, #tpu.memory_space<vmem_shared>> -> memref<208x64xf32, #tpu.memory_space<vmem_shared>>
        %dma_start3A_102 = arith.constant 0 : i32
        %dma_start3A_103 = tpu.memref_slice %arg15[%add3A_40, %dma_start3A_102] : memref<20016x64xf32, #tpu.memory_space<vmem_shared>> -> memref<208x64xf32, #tpu.memory_space<vmem_shared>>
        tpu.enqueue_dma source(%arg14 : memref<208x64xf32, #tpu.memory_space<vmem>>) target(%dma_start3A_103 : memref<208x64xf32, #tpu.memory_space<vmem_shared>>) target_semaphore(%run_scoped3A : memref<!tpu.dma_semaphore, #tpu.memory_space<semaphore_mem>>)
        %dma_wait3A = arith.constant 0 : i32
        %dma_wait3A_104 = tpu.memref_slice %arg15[%add3A_40, %dma_wait3A] : memref<20016x64xf32, #tpu.memory_space<vmem_shared>> -> memref<208x64xf32, #tpu.memory_space<vmem_shared>>
        %dma_wait3A_105 = arith.constant 0 : i32
        %dma_wait3A_106 = tpu.memref_slice %arg15[%add3A_40, %dma_wait3A_105] : memref<20016x64xf32, #tpu.memory_space<vmem_shared>> -> memref<208x64xf32, #tpu.memory_space<vmem_shared>>
        tpu.wait_dma2 semaphore(%run_scoped3A : memref<!tpu.dma_semaphore, #tpu.memory_space<semaphore_mem>>) src(%arg14 : memref<208x64xf32, #tpu.memory_space<vmem>>) dst(%dma_wait3A_106 : memref<208x64xf32, #tpu.memory_space<vmem_shared>>)
        tpu.yield
      }) : () -> ()
      %mul3A_41 = arith.constant 1248 : i32
      %mul3A_42 = arith.muli %arg1, %mul3A_41 : i32
      %add3A_43 = arith.constant 1040 : i32
      %add3A_44 = arith.addi %mul3A_42, %add3A_43 : i32
      "tpu.region"() ({
        %run_scoped3A = tpu.sem_alloc : memref<!tpu.dma_semaphore, #tpu.memory_space<semaphore_mem>>
        %dma_start3A = arith.constant 0 : i32
        %dma_start3A_101 = tpu.memref_slice %arg15[%add3A_44, %dma_start3A] : memref<20016x64xf32, #tpu.memory_space<vmem_shared>> -> memref<208x64xf32, #tpu.memory_space<vmem_shared>>
        %dma_start3A_102 = arith.constant 0 : i32
        %dma_start3A_103 = tpu.memref_slice %arg15[%add3A_44, %dma_start3A_102] : memref<20016x64xf32, #tpu.memory_space<vmem_shared>> -> memref<208x64xf32, #tpu.memory_space<vmem_shared>>
        tpu.enqueue_dma source(%arg14 : memref<208x64xf32, #tpu.memory_space<vmem>>) target(%dma_start3A_103 : memref<208x64xf32, #tpu.memory_space<vmem_shared>>) target_semaphore(%run_scoped3A : memref<!tpu.dma_semaphore, #tpu.memory_space<semaphore_mem>>)
        %dma_wait3A = arith.constant 0 : i32
        %dma_wait3A_104 = tpu.memref_slice %arg15[%add3A_44, %dma_wait3A] : memref<20016x64xf32, #tpu.memory_space<vmem_shared>> -> memref<208x64xf32, #tpu.memory_space<vmem_shared>>
        %dma_wait3A_105 = arith.constant 0 : i32
        %dma_wait3A_106 = tpu.memref_slice %arg15[%add3A_44, %dma_wait3A_105] : memref<20016x64xf32, #tpu.memory_space<vmem_shared>> -> memref<208x64xf32, #tpu.memory_space<vmem_shared>>
        tpu.wait_dma2 semaphore(%run_scoped3A : memref<!tpu.dma_semaphore, #tpu.memory_space<semaphore_mem>>) src(%arg14 : memref<208x64xf32, #tpu.memory_space<vmem>>) dst(%dma_wait3A_106 : memref<208x64xf32, #tpu.memory_space<vmem_shared>>)
        tpu.yield
      }) : () -> ()
      %eq3A_45 = arith.constant 15 : i32
      %eq3A_46 = arith.cmpi eq, %arg1, %eq3A_45 : i32
      %convert_element_type3A_47 = arith.extui %eq3A_46 : i1 to i32
      %cond3A_48 = arith.constant 0 : i32
      %cond3A_49 = arith.cmpi ne, %convert_element_type3A_47, %cond3A_48 : i32
      scf.if %cond3A_49 {
        "tpu.region"() ({
          %run_scoped3A = tpu.sem_alloc : memref<!tpu.dma_semaphore, #tpu.memory_space<semaphore_mem>>
          %dma_start3A = arith.constant 0 : i32
          %dma_start3A_101 = arith.constant 0 : i32
          %dma_start3A_102 = tpu.memref_slice %arg14[%dma_start3A, %dma_start3A_101] : memref<208x64xf32, #tpu.memory_space<vmem>> -> memref<32x64xf32, #tpu.memory_space<vmem>>
          %dma_start3A_103 = arith.constant 19968 : i32
          %dma_start3A_104 = arith.constant 0 : i32
          %dma_start3A_105 = tpu.memref_slice %arg15[%dma_start3A_103, %dma_start3A_104] : memref<20016x64xf32, #tpu.memory_space<vmem_shared>> -> memref<32x64xf32, #tpu.memory_space<vmem_shared>>
          %dma_start3A_106 = arith.constant 19968 : i32
          %dma_start3A_107 = arith.constant 0 : i32
          %dma_start3A_108 = tpu.memref_slice %arg15[%dma_start3A_106, %dma_start3A_107] : memref<20016x64xf32, #tpu.memory_space<vmem_shared>> -> memref<32x64xf32, #tpu.memory_space<vmem_shared>>
          %dma_start3A_109 = arith.constant 0 : i32
          %dma_start3A_110 = arith.constant 0 : i32
          %dma_start3A_111 = tpu.memref_slice %arg14[%dma_start3A_109, %dma_start3A_110] : memref<208x64xf32, #tpu.memory_space<vmem>> -> memref<32x64xf32, #tpu.memory_space<vmem>>
          tpu.enqueue_dma source(%dma_start3A_111 : memref<32x64xf32, #tpu.memory_space<vmem>>) target(%dma_start3A_108 : memref<32x64xf32, #tpu.memory_space<vmem_shared>>) target_semaphore(%run_scoped3A : memref<!tpu.dma_semaphore, #tpu.memory_space<semaphore_mem>>)
          %dma_wait3A = arith.constant 0 : i32
          %dma_wait3A_112 = arith.constant 0 : i32
          %dma_wait3A_113 = tpu.memref_slice %arg14[%dma_wait3A, %dma_wait3A_112] : memref<208x64xf32, #tpu.memory_space<vmem>> -> memref<32x64xf32, #tpu.memory_space<vmem>>
          %dma_wait3A_114 = arith.constant 19968 : i32
          %dma_wait3A_115 = arith.constant 0 : i32
          %dma_wait3A_116 = tpu.memref_slice %arg15[%dma_wait3A_114, %dma_wait3A_115] : memref<20016x64xf32, #tpu.memory_space<vmem_shared>> -> memref<32x64xf32, #tpu.memory_space<vmem_shared>>
          %dma_wait3A_117 = arith.constant 19968 : i32
          %dma_wait3A_118 = arith.constant 0 : i32
          %dma_wait3A_119 = tpu.memref_slice %arg15[%dma_wait3A_117, %dma_wait3A_118] : memref<20016x64xf32, #tpu.memory_space<vmem_shared>> -> memref<32x64xf32, #tpu.memory_space<vmem_shared>>
          %dma_wait3A_120 = arith.constant 0 : i32
          %dma_wait3A_121 = arith.constant 0 : i32
          %dma_wait3A_122 = tpu.memref_slice %arg14[%dma_wait3A_120, %dma_wait3A_121] : memref<208x64xf32, #tpu.memory_space<vmem>> -> memref<32x64xf32, #tpu.memory_space<vmem>>
          tpu.wait_dma2 semaphore(%run_scoped3A : memref<!tpu.dma_semaphore, #tpu.memory_space<semaphore_mem>>) src(%dma_wait3A_122 : memref<32x64xf32, #tpu.memory_space<vmem>>) dst(%dma_wait3A_119 : memref<32x64xf32, #tpu.memory_space<vmem_shared>>)
          tpu.yield
        }) : () -> ()
      } else {
      }
      %barrier3A = arith.constant 0 : index
      tpu.barrier barrier_id(%barrier3A)
      %mul3A_50 = arith.constant 20096 : i32
      %mul3A_51 = arith.muli %arg1, %mul3A_50 : i32
      %scan3A_52 = arith.constant 0 : i32
      %scan3A_53 = arith.constant 0 : i32
      %scan3A_54 = arith.constant 157 : i32
      %scan3A_55 = arith.addi %scan3A_53, %scan3A_54 : i32
      %scan3A_56 = arith.constant 1 : i32
      scf.for %scan3A_101 = %scan3A_53 to %scan3A_55 step %scan3A_56  : i32 {
        %mul3A_102 = arith.constant 128 : i32
        %mul3A_103 = arith.muli %scan3A_101, %mul3A_102 : i32
        %add3A_104 = arith.addi %mul3A_51, %mul3A_103 : i32
        "tpu.region"() ({
          %run_scoped3A = tpu.sem_alloc : memref<!tpu.dma_semaphore, #tpu.memory_space<semaphore_mem>>
          %dma_start3A_409 = tpu.memref_slice %arg4[%add3A_104] : memref<321536xi32, #tpu.memory_space<hbm>> -> memref<128xi32, #tpu.memory_space<hbm>>
          %dma_start3A_410 = tpu.memref_slice %arg4[%add3A_104] : memref<321536xi32, #tpu.memory_space<hbm>> -> memref<128xi32, #tpu.memory_space<hbm>>
          tpu.enqueue_dma source(%dma_start3A_410 : memref<128xi32, #tpu.memory_space<hbm>>) target(%arg7 : memref<128xi32, #tpu.memory_space<vmem>>) target_semaphore(%run_scoped3A : memref<!tpu.dma_semaphore, #tpu.memory_space<semaphore_mem>>)
          %dma_wait3A_411 = tpu.memref_slice %arg4[%add3A_104] : memref<321536xi32, #tpu.memory_space<hbm>> -> memref<128xi32, #tpu.memory_space<hbm>>
          %dma_wait3A_412 = tpu.memref_slice %arg4[%add3A_104] : memref<321536xi32, #tpu.memory_space<hbm>> -> memref<128xi32, #tpu.memory_space<hbm>>
          tpu.wait_dma2 semaphore(%run_scoped3A : memref<!tpu.dma_semaphore, #tpu.memory_space<semaphore_mem>>) src(%dma_wait3A_412 : memref<128xi32, #tpu.memory_space<hbm>>) dst(%arg7 : memref<128xi32, #tpu.memory_space<vmem>>)
          tpu.yield
        }) : () -> ()
        "tpu.region"() ({
          %run_scoped3A = tpu.sem_alloc : memref<!tpu.dma_semaphore, #tpu.memory_space<semaphore_mem>>
          %dma_start3A_409 = tpu.memref_slice %arg5[%add3A_104] : memref<321536xi32, #tpu.memory_space<hbm>> -> memref<128xi32, #tpu.memory_space<hbm>>
          %dma_start3A_410 = tpu.memref_slice %arg5[%add3A_104] : memref<321536xi32, #tpu.memory_space<hbm>> -> memref<128xi32, #tpu.memory_space<hbm>>
          tpu.enqueue_dma source(%dma_start3A_410 : memref<128xi32, #tpu.memory_space<hbm>>) target(%arg8 : memref<128xi32, #tpu.memory_space<vmem>>) target_semaphore(%run_scoped3A : memref<!tpu.dma_semaphore, #tpu.memory_space<semaphore_mem>>)
          %dma_wait3A_411 = tpu.memref_slice %arg5[%add3A_104] : memref<321536xi32, #tpu.memory_space<hbm>> -> memref<128xi32, #tpu.memory_space<hbm>>
          %dma_wait3A_412 = tpu.memref_slice %arg5[%add3A_104] : memref<321536xi32, #tpu.memory_space<hbm>> -> memref<128xi32, #tpu.memory_space<hbm>>
          tpu.wait_dma2 semaphore(%run_scoped3A : memref<!tpu.dma_semaphore, #tpu.memory_space<semaphore_mem>>) src(%dma_wait3A_412 : memref<128xi32, #tpu.memory_space<hbm>>) dst(%arg8 : memref<128xi32, #tpu.memory_space<vmem>>)
          tpu.yield
        }) : () -> ()
        %get3A = arith.constant 0 : index
        %get3A_105 = tpu.vector_load %arg7[%get3A] {strides = array<i32>} : memref<128xi32, #tpu.memory_space<vmem>>, vector<16xi32>,
        %get3A_106 = vector.shape_cast %get3A_105 : vector<16xi32> to vector<16xi32>
        %get3A_107 = arith.constant 0 : index
        %get3A_108 = tpu.vector_load %arg8[%get3A_107] {strides = array<i32>} : memref<128xi32, #tpu.memory_space<vmem>>, vector<16xi32>,
        %get3A_109 = vector.shape_cast %get3A_108 : vector<16xi32> to vector<16xi32>
        %convert_element_type3A_110 = arith.sitofp %get3A_106 : vector<16xi32> to vector<16xf32>
        %mul3A_111 = arith.constant 0.0370370373 : f32
        %mul3A_112 = vector.broadcast %mul3A_111 : f32 to vector<16xf32>
        %mul3A_113 = arith.mulf %convert_element_type3A_110, %mul3A_112 : vector<16xf32>
        %add3A_114 = arith.constant 0.00999999977 : f32
        %add3A_115 = vector.broadcast %add3A_114 : f32 to vector<16xf32>
        %add3A_116 = arith.addf %mul3A_113, %add3A_115 : vector<16xf32>
        %convert_element_type3A_117 = arith.fptosi %add3A_116 : vector<16xf32> to vector<16xi32>
        %mul3A_118 = arith.constant 27 : i32
        %mul3A_119 = vector.broadcast %mul3A_118 : i32 to vector<16xi32>
        %mul3A_120 = arith.muli %convert_element_type3A_117, %mul3A_119 : vector<16xi32>
        %sub3A = arith.subi %get3A_106, %mul3A_120 : vector<16xi32>
        %mul3A_121 = arith.constant 27 : i32
        %mul3A_122 = vector.broadcast %mul3A_121 : i32 to vector<16xi32>
        %mul3A_123 = arith.muli %get3A_109, %mul3A_122 : vector<16xi32>
        %add3A_124 = arith.addi %mul3A_123, %sub3A : vector<16xi32>
        %min3A = arith.constant 539999 : i32
        %min3A_125 = vector.broadcast %min3A : i32 to vector<16xi32>
        %min3A_126 = arith.minsi %add3A_124, %min3A_125 : vector<16xi32>
        %swap3A = arith.constant 0 : index
        %swap3A_127 = tpu.vector_load %arg9[%swap3A] {strides = array<i32>} : memref<128xi32, #tpu.memory_space<vmem>>, vector<16xi32>,
        %swap3A_128 = vector.shape_cast %swap3A_127 : vector<16xi32> to vector<16xi32>
        %swap3A_129 = vector.shape_cast %min3A_126 : vector<16xi32> to vector<16xi32>
        tpu.vector_store %arg9[%swap3A], %swap3A_129 {strides = array<i32>} : memref<128xi32, #tpu.memory_space<vmem>>, vector<16xi32>,
        %add3A_130 = arith.constant 60000 : i32
        %add3A_131 = vector.broadcast %add3A_130 : i32 to vector<16xi32>
        %add3A_132 = arith.addi %convert_element_type3A_117, %add3A_131 : vector<16xi32>
        %swap3A_133 = arith.constant 0 : index
        %swap3A_134 = tpu.vector_load %arg10[%swap3A_133] {strides = array<i32>} : memref<128xi32, #tpu.memory_space<vmem>>, vector<16xi32>,
        %swap3A_135 = vector.shape_cast %swap3A_134 : vector<16xi32> to vector<16xi32>
        %swap3A_136 = vector.shape_cast %add3A_132 : vector<16xi32> to vector<16xi32>
        tpu.vector_store %arg10[%swap3A_133], %swap3A_136 {strides = array<i32>} : memref<128xi32, #tpu.memory_space<vmem>>, vector<16xi32>,
        %get3A_137 = arith.constant 16 : index
        %get3A_138 = tpu.vector_load %arg7[%get3A_137] {strides = array<i32>} : memref<128xi32, #tpu.memory_space<vmem>>, vector<16xi32>,
        %get3A_139 = vector.shape_cast %get3A_138 : vector<16xi32> to vector<16xi32>
        %get3A_140 = arith.constant 16 : index
        %get3A_141 = tpu.vector_load %arg8[%get3A_140] {strides = array<i32>} : memref<128xi32, #tpu.memory_space<vmem>>, vector<16xi32>,
        %get3A_142 = vector.shape_cast %get3A_141 : vector<16xi32> to vector<16xi32>
        %convert_element_type3A_143 = arith.sitofp %get3A_139 : vector<16xi32> to vector<16xf32>
        %mul3A_144 = arith.constant 0.0370370373 : f32
        %mul3A_145 = vector.broadcast %mul3A_144 : f32 to vector<16xf32>
        %mul3A_146 = arith.mulf %convert_element_type3A_143, %mul3A_145 : vector<16xf32>
        %add3A_147 = arith.constant 0.00999999977 : f32
        %add3A_148 = vector.broadcast %add3A_147 : f32 to vector<16xf32>
        %add3A_149 = arith.addf %mul3A_146, %add3A_148 : vector<16xf32>
        %convert_element_type3A_150 = arith.fptosi %add3A_149 : vector<16xf32> to vector<16xi32>
        %mul3A_151 = arith.constant 27 : i32
        %mul3A_152 = vector.broadcast %mul3A_151 : i32 to vector<16xi32>
        %mul3A_153 = arith.muli %convert_element_type3A_150, %mul3A_152 : vector<16xi32>
        %sub3A_154 = arith.subi %get3A_139, %mul3A_153 : vector<16xi32>
        %mul3A_155 = arith.constant 27 : i32
        %mul3A_156 = vector.broadcast %mul3A_155 : i32 to vector<16xi32>
        %mul3A_157 = arith.muli %get3A_142, %mul3A_156 : vector<16xi32>
        %add3A_158 = arith.addi %mul3A_157, %sub3A_154 : vector<16xi32>
        %min3A_159 = arith.constant 539999 : i32
        %min3A_160 = vector.broadcast %min3A_159 : i32 to vector<16xi32>
        %min3A_161 = arith.minsi %add3A_158, %min3A_160 : vector<16xi32>
        %swap3A_162 = arith.constant 16 : index
        %swap3A_163 = tpu.vector_load %arg9[%swap3A_162] {strides = array<i32>} : memref<128xi32, #tpu.memory_space<vmem>>, vector<16xi32>,
        %swap3A_164 = vector.shape_cast %swap3A_163 : vector<16xi32> to vector<16xi32>
        %swap3A_165 = vector.shape_cast %min3A_161 : vector<16xi32> to vector<16xi32>
        tpu.vector_store %arg9[%swap3A_162], %swap3A_165 {strides = array<i32>} : memref<128xi32, #tpu.memory_space<vmem>>, vector<16xi32>,
        %add3A_166 = arith.constant 60000 : i32
        %add3A_167 = vector.broadcast %add3A_166 : i32 to vector<16xi32>
        %add3A_168 = arith.addi %convert_element_type3A_150, %add3A_167 : vector<16xi32>
        %swap3A_169 = arith.constant 16 : index
        %swap3A_170 = tpu.vector_load %arg10[%swap3A_169] {strides = array<i32>} : memref<128xi32, #tpu.memory_space<vmem>>, vector<16xi32>,
        %swap3A_171 = vector.shape_cast %swap3A_170 : vector<16xi32> to vector<16xi32>
        %swap3A_172 = vector.shape_cast %add3A_168 : vector<16xi32> to vector<16xi32>
        tpu.vector_store %arg10[%swap3A_169], %swap3A_172 {strides = array<i32>} : memref<128xi32, #tpu.memory_space<vmem>>, vector<16xi32>,
        %get3A_173 = arith.constant 32 : index
        %get3A_174 = tpu.vector_load %arg7[%get3A_173] {strides = array<i32>} : memref<128xi32, #tpu.memory_space<vmem>>, vector<16xi32>,
        %get3A_175 = vector.shape_cast %get3A_174 : vector<16xi32> to vector<16xi32>
        %get3A_176 = arith.constant 32 : index
        %get3A_177 = tpu.vector_load %arg8[%get3A_176] {strides = array<i32>} : memref<128xi32, #tpu.memory_space<vmem>>, vector<16xi32>,
        %get3A_178 = vector.shape_cast %get3A_177 : vector<16xi32> to vector<16xi32>
        %convert_element_type3A_179 = arith.sitofp %get3A_175 : vector<16xi32> to vector<16xf32>
        %mul3A_180 = arith.constant 0.0370370373 : f32
        %mul3A_181 = vector.broadcast %mul3A_180 : f32 to vector<16xf32>
        %mul3A_182 = arith.mulf %convert_element_type3A_179, %mul3A_181 : vector<16xf32>
        %add3A_183 = arith.constant 0.00999999977 : f32
        %add3A_184 = vector.broadcast %add3A_183 : f32 to vector<16xf32>
        %add3A_185 = arith.addf %mul3A_182, %add3A_184 : vector<16xf32>
        %convert_element_type3A_186 = arith.fptosi %add3A_185 : vector<16xf32> to vector<16xi32>
        %mul3A_187 = arith.constant 27 : i32
        %mul3A_188 = vector.broadcast %mul3A_187 : i32 to vector<16xi32>
        %mul3A_189 = arith.muli %convert_element_type3A_186, %mul3A_188 : vector<16xi32>
        %sub3A_190 = arith.subi %get3A_175, %mul3A_189 : vector<16xi32>
        %mul3A_191 = arith.constant 27 : i32
        %mul3A_192 = vector.broadcast %mul3A_191 : i32 to vector<16xi32>
        %mul3A_193 = arith.muli %get3A_178, %mul3A_192 : vector<16xi32>
        %add3A_194 = arith.addi %mul3A_193, %sub3A_190 : vector<16xi32>
        %min3A_195 = arith.constant 539999 : i32
        %min3A_196 = vector.broadcast %min3A_195 : i32 to vector<16xi32>
        %min3A_197 = arith.minsi %add3A_194, %min3A_196 : vector<16xi32>
        %swap3A_198 = arith.constant 32 : index
        %swap3A_199 = tpu.vector_load %arg9[%swap3A_198] {strides = array<i32>} : memref<128xi32, #tpu.memory_space<vmem>>, vector<16xi32>,
        %swap3A_200 = vector.shape_cast %swap3A_199 : vector<16xi32> to vector<16xi32>
        %swap3A_201 = vector.shape_cast %min3A_197 : vector<16xi32> to vector<16xi32>
        tpu.vector_store %arg9[%swap3A_198], %swap3A_201 {strides = array<i32>} : memref<128xi32, #tpu.memory_space<vmem>>, vector<16xi32>,
        %add3A_202 = arith.constant 60000 : i32
        %add3A_203 = vector.broadcast %add3A_202 : i32 to vector<16xi32>
        %add3A_204 = arith.addi %convert_element_type3A_186, %add3A_203 : vector<16xi32>
        %swap3A_205 = arith.constant 32 : index
        %swap3A_206 = tpu.vector_load %arg10[%swap3A_205] {strides = array<i32>} : memref<128xi32, #tpu.memory_space<vmem>>, vector<16xi32>,
        %swap3A_207 = vector.shape_cast %swap3A_206 : vector<16xi32> to vector<16xi32>
        %swap3A_208 = vector.shape_cast %add3A_204 : vector<16xi32> to vector<16xi32>
        tpu.vector_store %arg10[%swap3A_205], %swap3A_208 {strides = array<i32>} : memref<128xi32, #tpu.memory_space<vmem>>, vector<16xi32>,
        %get3A_209 = arith.constant 48 : index
        %get3A_210 = tpu.vector_load %arg7[%get3A_209] {strides = array<i32>} : memref<128xi32, #tpu.memory_space<vmem>>, vector<16xi32>,
        %get3A_211 = vector.shape_cast %get3A_210 : vector<16xi32> to vector<16xi32>
        %get3A_212 = arith.constant 48 : index
        %get3A_213 = tpu.vector_load %arg8[%get3A_212] {strides = array<i32>} : memref<128xi32, #tpu.memory_space<vmem>>, vector<16xi32>,
        %get3A_214 = vector.shape_cast %get3A_213 : vector<16xi32> to vector<16xi32>
        %convert_element_type3A_215 = arith.sitofp %get3A_211 : vector<16xi32> to vector<16xf32>
        %mul3A_216 = arith.constant 0.0370370373 : f32
        %mul3A_217 = vector.broadcast %mul3A_216 : f32 to vector<16xf32>
        %mul3A_218 = arith.mulf %convert_element_type3A_215, %mul3A_217 : vector<16xf32>
        %add3A_219 = arith.constant 0.00999999977 : f32
        %add3A_220 = vector.broadcast %add3A_219 : f32 to vector<16xf32>
        %add3A_221 = arith.addf %mul3A_218, %add3A_220 : vector<16xf32>
        %convert_element_type3A_222 = arith.fptosi %add3A_221 : vector<16xf32> to vector<16xi32>
        %mul3A_223 = arith.constant 27 : i32
        %mul3A_224 = vector.broadcast %mul3A_223 : i32 to vector<16xi32>
        %mul3A_225 = arith.muli %convert_element_type3A_222, %mul3A_224 : vector<16xi32>
        %sub3A_226 = arith.subi %get3A_211, %mul3A_225 : vector<16xi32>
        %mul3A_227 = arith.constant 27 : i32
        %mul3A_228 = vector.broadcast %mul3A_227 : i32 to vector<16xi32>
        %mul3A_229 = arith.muli %get3A_214, %mul3A_228 : vector<16xi32>
        %add3A_230 = arith.addi %mul3A_229, %sub3A_226 : vector<16xi32>
        %min3A_231 = arith.constant 539999 : i32
        %min3A_232 = vector.broadcast %min3A_231 : i32 to vector<16xi32>
        %min3A_233 = arith.minsi %add3A_230, %min3A_232 : vector<16xi32>
        %swap3A_234 = arith.constant 48 : index
        %swap3A_235 = tpu.vector_load %arg9[%swap3A_234] {strides = array<i32>} : memref<128xi32, #tpu.memory_space<vmem>>, vector<16xi32>,
        %swap3A_236 = vector.shape_cast %swap3A_235 : vector<16xi32> to vector<16xi32>
        %swap3A_237 = vector.shape_cast %min3A_233 : vector<16xi32> to vector<16xi32>
        tpu.vector_store %arg9[%swap3A_234], %swap3A_237 {strides = array<i32>} : memref<128xi32, #tpu.memory_space<vmem>>, vector<16xi32>,
        %add3A_238 = arith.constant 60000 : i32
        %add3A_239 = vector.broadcast %add3A_238 : i32 to vector<16xi32>
        %add3A_240 = arith.addi %convert_element_type3A_222, %add3A_239 : vector<16xi32>
        %swap3A_241 = arith.constant 48 : index
        %swap3A_242 = tpu.vector_load %arg10[%swap3A_241] {strides = array<i32>} : memref<128xi32, #tpu.memory_space<vmem>>, vector<16xi32>,
        %swap3A_243 = vector.shape_cast %swap3A_242 : vector<16xi32> to vector<16xi32>
        %swap3A_244 = vector.shape_cast %add3A_240 : vector<16xi32> to vector<16xi32>
        tpu.vector_store %arg10[%swap3A_241], %swap3A_244 {strides = array<i32>} : memref<128xi32, #tpu.memory_space<vmem>>, vector<16xi32>,
        %get3A_245 = arith.constant 64 : index
        %get3A_246 = tpu.vector_load %arg7[%get3A_245] {strides = array<i32>} : memref<128xi32, #tpu.memory_space<vmem>>, vector<16xi32>,
        %get3A_247 = vector.shape_cast %get3A_246 : vector<16xi32> to vector<16xi32>
        %get3A_248 = arith.constant 64 : index
        %get3A_249 = tpu.vector_load %arg8[%get3A_248] {strides = array<i32>} : memref<128xi32, #tpu.memory_space<vmem>>, vector<16xi32>,
        %get3A_250 = vector.shape_cast %get3A_249 : vector<16xi32> to vector<16xi32>
        %convert_element_type3A_251 = arith.sitofp %get3A_247 : vector<16xi32> to vector<16xf32>
        %mul3A_252 = arith.constant 0.0370370373 : f32
        %mul3A_253 = vector.broadcast %mul3A_252 : f32 to vector<16xf32>
        %mul3A_254 = arith.mulf %convert_element_type3A_251, %mul3A_253 : vector<16xf32>
        %add3A_255 = arith.constant 0.00999999977 : f32
        %add3A_256 = vector.broadcast %add3A_255 : f32 to vector<16xf32>
        %add3A_257 = arith.addf %mul3A_254, %add3A_256 : vector<16xf32>
        %convert_element_type3A_258 = arith.fptosi %add3A_257 : vector<16xf32> to vector<16xi32>
        %mul3A_259 = arith.constant 27 : i32
        %mul3A_260 = vector.broadcast %mul3A_259 : i32 to vector<16xi32>
        %mul3A_261 = arith.muli %convert_element_type3A_258, %mul3A_260 : vector<16xi32>
        %sub3A_262 = arith.subi %get3A_247, %mul3A_261 : vector<16xi32>
        %mul3A_263 = arith.constant 27 : i32
        %mul3A_264 = vector.broadcast %mul3A_263 : i32 to vector<16xi32>
        %mul3A_265 = arith.muli %get3A_250, %mul3A_264 : vector<16xi32>
        %add3A_266 = arith.addi %mul3A_265, %sub3A_262 : vector<16xi32>
        %min3A_267 = arith.constant 539999 : i32
        %min3A_268 = vector.broadcast %min3A_267 : i32 to vector<16xi32>
        %min3A_269 = arith.minsi %add3A_266, %min3A_268 : vector<16xi32>
        %swap3A_270 = arith.constant 64 : index
        %swap3A_271 = tpu.vector_load %arg9[%swap3A_270] {strides = array<i32>} : memref<128xi32, #tpu.memory_space<vmem>>, vector<16xi32>,
        %swap3A_272 = vector.shape_cast %swap3A_271 : vector<16xi32> to vector<16xi32>
        %swap3A_273 = vector.shape_cast %min3A_269 : vector<16xi32> to vector<16xi32>
        tpu.vector_store %arg9[%swap3A_270], %swap3A_273 {strides = array<i32>} : memref<128xi32, #tpu.memory_space<vmem>>, vector<16xi32>,
        %add3A_274 = arith.constant 60000 : i32
        %add3A_275 = vector.broadcast %add3A_274 : i32 to vector<16xi32>
        %add3A_276 = arith.addi %convert_element_type3A_258, %add3A_275 : vector<16xi32>
        %swap3A_277 = arith.constant 64 : index
        %swap3A_278 = tpu.vector_load %arg10[%swap3A_277] {strides = array<i32>} : memref<128xi32, #tpu.memory_space<vmem>>, vector<16xi32>,
        %swap3A_279 = vector.shape_cast %swap3A_278 : vector<16xi32> to vector<16xi32>
        %swap3A_280 = vector.shape_cast %add3A_276 : vector<16xi32> to vector<16xi32>
        tpu.vector_store %arg10[%swap3A_277], %swap3A_280 {strides = array<i32>} : memref<128xi32, #tpu.memory_space<vmem>>, vector<16xi32>,
        %get3A_281 = arith.constant 80 : index
        %get3A_282 = tpu.vector_load %arg7[%get3A_281] {strides = array<i32>} : memref<128xi32, #tpu.memory_space<vmem>>, vector<16xi32>,
        %get3A_283 = vector.shape_cast %get3A_282 : vector<16xi32> to vector<16xi32>
        %get3A_284 = arith.constant 80 : index
        %get3A_285 = tpu.vector_load %arg8[%get3A_284] {strides = array<i32>} : memref<128xi32, #tpu.memory_space<vmem>>, vector<16xi32>,
        %get3A_286 = vector.shape_cast %get3A_285 : vector<16xi32> to vector<16xi32>
        %convert_element_type3A_287 = arith.sitofp %get3A_283 : vector<16xi32> to vector<16xf32>
        %mul3A_288 = arith.constant 0.0370370373 : f32
        %mul3A_289 = vector.broadcast %mul3A_288 : f32 to vector<16xf32>
        %mul3A_290 = arith.mulf %convert_element_type3A_287, %mul3A_289 : vector<16xf32>
        %add3A_291 = arith.constant 0.00999999977 : f32
        %add3A_292 = vector.broadcast %add3A_291 : f32 to vector<16xf32>
        %add3A_293 = arith.addf %mul3A_290, %add3A_292 : vector<16xf32>
        %convert_element_type3A_294 = arith.fptosi %add3A_293 : vector<16xf32> to vector<16xi32>
        %mul3A_295 = arith.constant 27 : i32
        %mul3A_296 = vector.broadcast %mul3A_295 : i32 to vector<16xi32>
        %mul3A_297 = arith.muli %convert_element_type3A_294, %mul3A_296 : vector<16xi32>
        %sub3A_298 = arith.subi %get3A_283, %mul3A_297 : vector<16xi32>
        %mul3A_299 = arith.constant 27 : i32
        %mul3A_300 = vector.broadcast %mul3A_299 : i32 to vector<16xi32>
        %mul3A_301 = arith.muli %get3A_286, %mul3A_300 : vector<16xi32>
        %add3A_302 = arith.addi %mul3A_301, %sub3A_298 : vector<16xi32>
        %min3A_303 = arith.constant 539999 : i32
        %min3A_304 = vector.broadcast %min3A_303 : i32 to vector<16xi32>
        %min3A_305 = arith.minsi %add3A_302, %min3A_304 : vector<16xi32>
        %swap3A_306 = arith.constant 80 : index
        %swap3A_307 = tpu.vector_load %arg9[%swap3A_306] {strides = array<i32>} : memref<128xi32, #tpu.memory_space<vmem>>, vector<16xi32>,
        %swap3A_308 = vector.shape_cast %swap3A_307 : vector<16xi32> to vector<16xi32>
        %swap3A_309 = vector.shape_cast %min3A_305 : vector<16xi32> to vector<16xi32>
        tpu.vector_store %arg9[%swap3A_306], %swap3A_309 {strides = array<i32>} : memref<128xi32, #tpu.memory_space<vmem>>, vector<16xi32>,
        %add3A_310 = arith.constant 60000 : i32
        %add3A_311 = vector.broadcast %add3A_310 : i32 to vector<16xi32>
        %add3A_312 = arith.addi %convert_element_type3A_294, %add3A_311 : vector<16xi32>
        %swap3A_313 = arith.constant 80 : index
        %swap3A_314 = tpu.vector_load %arg10[%swap3A_313] {strides = array<i32>} : memref<128xi32, #tpu.memory_space<vmem>>, vector<16xi32>,
        %swap3A_315 = vector.shape_cast %swap3A_314 : vector<16xi32> to vector<16xi32>
        %swap3A_316 = vector.shape_cast %add3A_312 : vector<16xi32> to vector<16xi32>
        tpu.vector_store %arg10[%swap3A_313], %swap3A_316 {strides = array<i32>} : memref<128xi32, #tpu.memory_space<vmem>>, vector<16xi32>,
        %get3A_317 = arith.constant 96 : index
        %get3A_318 = tpu.vector_load %arg7[%get3A_317] {strides = array<i32>} : memref<128xi32, #tpu.memory_space<vmem>>, vector<16xi32>,
        %get3A_319 = vector.shape_cast %get3A_318 : vector<16xi32> to vector<16xi32>
        %get3A_320 = arith.constant 96 : index
        %get3A_321 = tpu.vector_load %arg8[%get3A_320] {strides = array<i32>} : memref<128xi32, #tpu.memory_space<vmem>>, vector<16xi32>,
        %get3A_322 = vector.shape_cast %get3A_321 : vector<16xi32> to vector<16xi32>
        %convert_element_type3A_323 = arith.sitofp %get3A_319 : vector<16xi32> to vector<16xf32>
        %mul3A_324 = arith.constant 0.0370370373 : f32
        %mul3A_325 = vector.broadcast %mul3A_324 : f32 to vector<16xf32>
        %mul3A_326 = arith.mulf %convert_element_type3A_323, %mul3A_325 : vector<16xf32>
        %add3A_327 = arith.constant 0.00999999977 : f32
        %add3A_328 = vector.broadcast %add3A_327 : f32 to vector<16xf32>
        %add3A_329 = arith.addf %mul3A_326, %add3A_328 : vector<16xf32>
        %convert_element_type3A_330 = arith.fptosi %add3A_329 : vector<16xf32> to vector<16xi32>
        %mul3A_331 = arith.constant 27 : i32
        %mul3A_332 = vector.broadcast %mul3A_331 : i32 to vector<16xi32>
        %mul3A_333 = arith.muli %convert_element_type3A_330, %mul3A_332 : vector<16xi32>
        %sub3A_334 = arith.subi %get3A_319, %mul3A_333 : vector<16xi32>
        %mul3A_335 = arith.constant 27 : i32
        %mul3A_336 = vector.broadcast %mul3A_335 : i32 to vector<16xi32>
        %mul3A_337 = arith.muli %get3A_322, %mul3A_336 : vector<16xi32>
        %add3A_338 = arith.addi %mul3A_337, %sub3A_334 : vector<16xi32>
        %min3A_339 = arith.constant 539999 : i32
        %min3A_340 = vector.broadcast %min3A_339 : i32 to vector<16xi32>
        %min3A_341 = arith.minsi %add3A_338, %min3A_340 : vector<16xi32>
        %swap3A_342 = arith.constant 96 : index
        %swap3A_343 = tpu.vector_load %arg9[%swap3A_342] {strides = array<i32>} : memref<128xi32, #tpu.memory_space<vmem>>, vector<16xi32>,
        %swap3A_344 = vector.shape_cast %swap3A_343 : vector<16xi32> to vector<16xi32>
        %swap3A_345 = vector.shape_cast %min3A_341 : vector<16xi32> to vector<16xi32>
        tpu.vector_store %arg9[%swap3A_342], %swap3A_345 {strides = array<i32>} : memref<128xi32, #tpu.memory_space<vmem>>, vector<16xi32>,
        %add3A_346 = arith.constant 60000 : i32
        %add3A_347 = vector.broadcast %add3A_346 : i32 to vector<16xi32>
        %add3A_348 = arith.addi %convert_element_type3A_330, %add3A_347 : vector<16xi32>
        %swap3A_349 = arith.constant 96 : index
        %swap3A_350 = tpu.vector_load %arg10[%swap3A_349] {strides = array<i32>} : memref<128xi32, #tpu.memory_space<vmem>>, vector<16xi32>,
        %swap3A_351 = vector.shape_cast %swap3A_350 : vector<16xi32> to vector<16xi32>
        %swap3A_352 = vector.shape_cast %add3A_348 : vector<16xi32> to vector<16xi32>
        tpu.vector_store %arg10[%swap3A_349], %swap3A_352 {strides = array<i32>} : memref<128xi32, #tpu.memory_space<vmem>>, vector<16xi32>,
        %get3A_353 = arith.constant 112 : index
        %get3A_354 = tpu.vector_load %arg7[%get3A_353] {strides = array<i32>} : memref<128xi32, #tpu.memory_space<vmem>>, vector<16xi32>,
        %get3A_355 = vector.shape_cast %get3A_354 : vector<16xi32> to vector<16xi32>
        %get3A_356 = arith.constant 112 : index
        %get3A_357 = tpu.vector_load %arg8[%get3A_356] {strides = array<i32>} : memref<128xi32, #tpu.memory_space<vmem>>, vector<16xi32>,
        %get3A_358 = vector.shape_cast %get3A_357 : vector<16xi32> to vector<16xi32>
        %convert_element_type3A_359 = arith.sitofp %get3A_355 : vector<16xi32> to vector<16xf32>
        %mul3A_360 = arith.constant 0.0370370373 : f32
        %mul3A_361 = vector.broadcast %mul3A_360 : f32 to vector<16xf32>
        %mul3A_362 = arith.mulf %convert_element_type3A_359, %mul3A_361 : vector<16xf32>
        %add3A_363 = arith.constant 0.00999999977 : f32
        %add3A_364 = vector.broadcast %add3A_363 : f32 to vector<16xf32>
        %add3A_365 = arith.addf %mul3A_362, %add3A_364 : vector<16xf32>
        %convert_element_type3A_366 = arith.fptosi %add3A_365 : vector<16xf32> to vector<16xi32>
        %mul3A_367 = arith.constant 27 : i32
        %mul3A_368 = vector.broadcast %mul3A_367 : i32 to vector<16xi32>
        %mul3A_369 = arith.muli %convert_element_type3A_366, %mul3A_368 : vector<16xi32>
        %sub3A_370 = arith.subi %get3A_355, %mul3A_369 : vector<16xi32>
        %mul3A_371 = arith.constant 27 : i32
        %mul3A_372 = vector.broadcast %mul3A_371 : i32 to vector<16xi32>
        %mul3A_373 = arith.muli %get3A_358, %mul3A_372 : vector<16xi32>
        %add3A_374 = arith.addi %mul3A_373, %sub3A_370 : vector<16xi32>
        %min3A_375 = arith.constant 539999 : i32
        %min3A_376 = vector.broadcast %min3A_375 : i32 to vector<16xi32>
        %min3A_377 = arith.minsi %add3A_374, %min3A_376 : vector<16xi32>
        %swap3A_378 = arith.constant 112 : index
        %swap3A_379 = tpu.vector_load %arg9[%swap3A_378] {strides = array<i32>} : memref<128xi32, #tpu.memory_space<vmem>>, vector<16xi32>,
        %swap3A_380 = vector.shape_cast %swap3A_379 : vector<16xi32> to vector<16xi32>
        %swap3A_381 = vector.shape_cast %min3A_377 : vector<16xi32> to vector<16xi32>
        tpu.vector_store %arg9[%swap3A_378], %swap3A_381 {strides = array<i32>} : memref<128xi32, #tpu.memory_space<vmem>>, vector<16xi32>,
        %add3A_382 = arith.constant 60000 : i32
        %add3A_383 = vector.broadcast %add3A_382 : i32 to vector<16xi32>
        %add3A_384 = arith.addi %convert_element_type3A_366, %add3A_383 : vector<16xi32>
        %swap3A_385 = arith.constant 112 : index
        %swap3A_386 = tpu.vector_load %arg10[%swap3A_385] {strides = array<i32>} : memref<128xi32, #tpu.memory_space<vmem>>, vector<16xi32>,
        %swap3A_387 = vector.shape_cast %swap3A_386 : vector<16xi32> to vector<16xi32>
        %swap3A_388 = vector.shape_cast %add3A_384 : vector<16xi32> to vector<16xi32>
        tpu.vector_store %arg10[%swap3A_385], %swap3A_388 {strides = array<i32>} : memref<128xi32, #tpu.memory_space<vmem>>, vector<16xi32>,
        %dma_start3A = arith.constant 0 : i32
        %dma_start3A_389 = arith.constant 0 : i32
        %dma_start3A_390 = tpu.memref_slice %arg2[%dma_start3A, %dma_start3A_389] : memref<540000x16xf32, #tpu.memory_space<hbm>> -> memref<540000x16xf32, #tpu.memory_space<hbm>>
        tpu.enqueue_indirect_dma source(%dma_start3A_390 : memref<540000x16xf32, #tpu.memory_space<hbm>>) target(%arg11 : memref<128x16xf32, #tpu.memory_space<vmem>>) offsets(%arg9 : memref<128xi32, #tpu.memory_space<vmem>>) semaphore(%arg16 : memref<!tpu.dma_semaphore, #tpu.memory_space<semaphore_mem>>)
        %dma_start3A_391 = arith.constant 0 : i32
        %dma_start3A_392 = arith.constant 0 : i32
        %dma_start3A_393 = tpu.memref_slice %arg3[%dma_start3A_391, %dma_start3A_392] : memref<80000x64xf32, #tpu.memory_space<hbm>> -> memref<80000x64xf32, #tpu.memory_space<hbm>>
        tpu.enqueue_indirect_dma source(%dma_start3A_393 : memref<80000x64xf32, #tpu.memory_space<hbm>>) target(%arg12 : memref<128x64xf32, #tpu.memory_space<vmem>>) offsets(%arg10 : memref<128xi32, #tpu.memory_space<vmem>>) semaphore(%arg17 : memref<!tpu.dma_semaphore, #tpu.memory_space<semaphore_mem>>)
        %dma_wait3A = arith.constant 0 : i32
        %dma_wait3A_394 = arith.constant 0 : i32
        %dma_wait3A_395 = tpu.memref_slice %arg2[%dma_wait3A, %dma_wait3A_394] : memref<540000x16xf32, #tpu.memory_space<hbm>> -> memref<540000x16xf32, #tpu.memory_space<hbm>>
        tpu.wait_indirect_dma semaphore(%arg16 : memref<!tpu.dma_semaphore, #tpu.memory_space<semaphore_mem>>) src(%dma_wait3A_395 : memref<540000x16xf32, #tpu.memory_space<hbm>>) dst(%arg11 : memref<128x16xf32, #tpu.memory_space<vmem>>)
        %dma_wait3A_396 = arith.constant 0 : i32
        %dma_wait3A_397 = arith.constant 0 : i32
        %dma_wait3A_398 = tpu.memref_slice %arg3[%dma_wait3A_396, %dma_wait3A_397] : memref<80000x64xf32, #tpu.memory_space<hbm>> -> memref<80000x64xf32, #tpu.memory_space<hbm>>
        tpu.wait_indirect_dma semaphore(%arg17 : memref<!tpu.dma_semaphore, #tpu.memory_space<semaphore_mem>>) src(%dma_wait3A_398 : memref<80000x64xf32, #tpu.memory_space<hbm>>) dst(%arg12 : memref<128x64xf32, #tpu.memory_space<vmem>>)
        %broadcast_in_dim3A_399 = arith.constant 6 : i32
        %broadcast_in_dim3A_400 = vector.broadcast %broadcast_in_dim3A_399 : i32 to vector<16x1xi32>
        %broadcast_in_dim3A_401 = arith.constant 7 : i32
        %broadcast_in_dim3A_402 = vector.broadcast %broadcast_in_dim3A_401 : i32 to vector<16x1xi32>
        %scan3A_403 = arith.constant 0 : i32
        %scan3A_404 = arith.constant 0 : i32
        %scan3A_405 = arith.constant 128 : i32
        %scan3A_406 = arith.addi %scan3A_404, %scan3A_405 : i32
        %scan3A_407 = arith.constant 1 : i32
        scf.for %scan3A_409 = %scan3A_404 to %scan3A_406 step %scan3A_407  : i32 {
          %get3A_410 = arith.index_cast %scan3A_409 : i32 to index
          %get3A_411 = arith.constant 0 : index
          %get3A_412 = tpu.vector_load %arg11[%get3A_410, %get3A_411] {strides = array<i32>} : memref<128x16xf32, #tpu.memory_space<vmem>>, vector<1x16xf32>,
          %get3A_413 = vector.shape_cast %get3A_412 : vector<1x16xf32> to vector<16xf32>
          %gather3A = vector.shape_cast %broadcast_in_dim3A_400 : vector<16x1xi32> to vector<16xi32>
          %gather3A_414 = tpu.dynamic_gather %get3A_413[%gather3A] in [0] : vector<16xf32>, vector<16xi32> -> vector<16xf32>
          %gather3A_415 = vector.shape_cast %broadcast_in_dim3A_402 : vector<16x1xi32> to vector<16xi32>
          %gather3A_416 = tpu.dynamic_gather %get3A_413[%gather3A_415] in [0] : vector<16xf32>, vector<16xi32> -> vector<16xf32>
          %get3A_417 = arith.index_cast %scan3A_409 : i32 to index
          %get3A_418 = arith.constant 0 : index
          %get3A_419 = tpu.vector_load %arg12[%get3A_417, %get3A_418] {strides = array<i32>} : memref<128x64xf32, #tpu.memory_space<vmem>>, vector<1x16xf32>,
          %get3A_420 = vector.shape_cast %get3A_419 : vector<1x16xf32> to vector<16xf32>
          %mul3A_421 = arith.mulf %get3A_420, %gather3A_414 : vector<16xf32>
          %swap3A_422 = arith.index_cast %scan3A_409 : i32 to index
          %swap3A_423 = arith.constant 0 : index
          %swap3A_424 = tpu.vector_load %arg13[%swap3A_422, %swap3A_423] {strides = array<i32>} : memref<128x64xf32, #tpu.memory_space<vmem>>, vector<1x16xf32>,
          %swap3A_425 = vector.shape_cast %swap3A_424 : vector<1x16xf32> to vector<16xf32>
          %swap3A_426 = vector.shape_cast %mul3A_421 : vector<16xf32> to vector<1x16xf32>
          tpu.vector_store %arg13[%swap3A_422, %swap3A_423], %swap3A_426 {strides = array<i32>} : memref<128x64xf32, #tpu.memory_space<vmem>>, vector<1x16xf32>,
          %get3A_427 = arith.index_cast %scan3A_409 : i32 to index
          %get3A_428 = arith.constant 16 : index
          %get3A_429 = tpu.vector_load %arg12[%get3A_427, %get3A_428] {strides = array<i32>} : memref<128x64xf32, #tpu.memory_space<vmem>>, vector<1x16xf32>,
          %get3A_430 = vector.shape_cast %get3A_429 : vector<1x16xf32> to vector<16xf32>
          %mul3A_431 = arith.mulf %get3A_430, %gather3A_414 : vector<16xf32>
          %swap3A_432 = arith.index_cast %scan3A_409 : i32 to index
          %swap3A_433 = arith.constant 16 : index
          %swap3A_434 = tpu.vector_load %arg13[%swap3A_432, %swap3A_433] {strides = array<i32>} : memref<128x64xf32, #tpu.memory_space<vmem>>, vector<1x16xf32>,
          %swap3A_435 = vector.shape_cast %swap3A_434 : vector<1x16xf32> to vector<16xf32>
          %swap3A_436 = vector.shape_cast %mul3A_431 : vector<16xf32> to vector<1x16xf32>
          tpu.vector_store %arg13[%swap3A_432, %swap3A_433], %swap3A_436 {strides = array<i32>} : memref<128x64xf32, #tpu.memory_space<vmem>>, vector<1x16xf32>,
          %get3A_437 = arith.index_cast %scan3A_409 : i32 to index
          %get3A_438 = arith.constant 32 : index
          %get3A_439 = tpu.vector_load %arg12[%get3A_437, %get3A_438] {strides = array<i32>} : memref<128x64xf32, #tpu.memory_space<vmem>>, vector<1x16xf32>,
          %get3A_440 = vector.shape_cast %get3A_439 : vector<1x16xf32> to vector<16xf32>
          %mul3A_441 = arith.mulf %get3A_440, %gather3A_416 : vector<16xf32>
          %swap3A_442 = arith.index_cast %scan3A_409 : i32 to index
          %swap3A_443 = arith.constant 32 : index
          %swap3A_444 = tpu.vector_load %arg13[%swap3A_442, %swap3A_443] {strides = array<i32>} : memref<128x64xf32, #tpu.memory_space<vmem>>, vector<1x16xf32>,
          %swap3A_445 = vector.shape_cast %swap3A_444 : vector<1x16xf32> to vector<16xf32>
          %swap3A_446 = vector.shape_cast %mul3A_441 : vector<16xf32> to vector<1x16xf32>
          tpu.vector_store %arg13[%swap3A_442, %swap3A_443], %swap3A_446 {strides = array<i32>} : memref<128x64xf32, #tpu.memory_space<vmem>>, vector<1x16xf32>,
          %get3A_447 = arith.index_cast %scan3A_409 : i32 to index
          %get3A_448 = arith.constant 48 : index
          %get3A_449 = tpu.vector_load %arg12[%get3A_447, %get3A_448] {strides = array<i32>} : memref<128x64xf32, #tpu.memory_space<vmem>>, vector<1x16xf32>,
          %get3A_450 = vector.shape_cast %get3A_449 : vector<1x16xf32> to vector<16xf32>
          %mul3A_451 = arith.mulf %get3A_450, %gather3A_416 : vector<16xf32>
          %swap3A_452 = arith.index_cast %scan3A_409 : i32 to index
          %swap3A_453 = arith.constant 48 : index
          %swap3A_454 = tpu.vector_load %arg13[%swap3A_452, %swap3A_453] {strides = array<i32>} : memref<128x64xf32, #tpu.memory_space<vmem>>, vector<1x16xf32>,
          %swap3A_455 = vector.shape_cast %swap3A_454 : vector<1x16xf32> to vector<16xf32>
          %swap3A_456 = vector.shape_cast %mul3A_451 : vector<16xf32> to vector<1x16xf32>
          tpu.vector_store %arg13[%swap3A_452, %swap3A_453], %swap3A_456 {strides = array<i32>} : memref<128x64xf32, #tpu.memory_space<vmem>>, vector<1x16xf32>,
        }
        %scan3A_408 = arith.constant 128 : i32
        "tpu.region"() ({
          %run_scoped3A = tpu.sem_alloc : memref<!tpu.dma_semaphore, #tpu.memory_space<semaphore_mem>>
          %dma_start3A_409 = arith.constant 0 : i32
          %dma_start3A_410 = arith.constant 0 : i32
          %dma_start3A_411 = tpu.memref_slice %arg15[%dma_start3A_409, %dma_start3A_410] : memref<20016x64xf32, #tpu.memory_space<vmem_shared>> -> memref<20016x64xf32, #tpu.memory_space<vmem_shared>>
          tpu.enqueue_indirect_dma source(%arg13 : memref<128x64xf32, #tpu.memory_space<vmem>>) target(%dma_start3A_411 : memref<20016x64xf32, #tpu.memory_space<vmem_shared>>) offsets(%arg8 : memref<128xi32, #tpu.memory_space<vmem>>) semaphore(%run_scoped3A : memref<!tpu.dma_semaphore, #tpu.memory_space<semaphore_mem>>) {add = true}
          %dma_wait3A_412 = arith.constant 0 : i32
          %dma_wait3A_413 = arith.constant 0 : i32
          %dma_wait3A_414 = tpu.memref_slice %arg15[%dma_wait3A_412, %dma_wait3A_413] : memref<20016x64xf32, #tpu.memory_space<vmem_shared>> -> memref<20016x64xf32, #tpu.memory_space<vmem_shared>>
          tpu.wait_indirect_dma semaphore(%run_scoped3A : memref<!tpu.dma_semaphore, #tpu.memory_space<semaphore_mem>>) src(%arg13 : memref<128x64xf32, #tpu.memory_space<vmem>>) dst(%dma_wait3A_414 : memref<20016x64xf32, #tpu.memory_space<vmem_shared>>)
          tpu.yield
        }) : () -> ()
      }
      %scan3A_57 = arith.constant 157 : i32
      %barrier3A_58 = arith.constant 0 : index
      tpu.barrier barrier_id(%barrier3A_58)
      %mul3A_59 = arith.constant 1248 : i32
      %mul3A_60 = arith.muli %arg1, %mul3A_59 : i32
      %add3A_61 = arith.constant 0 : i32
      %add3A_62 = arith.addi %mul3A_60, %add3A_61 : i32
      %add3A_63 = arith.constant 60000 : i32
      %add3A_64 = arith.addi %add3A_63, %add3A_62 : i32
      "tpu.region"() ({
        %run_scoped3A = tpu.sem_alloc : memref<!tpu.dma_semaphore, #tpu.memory_space<semaphore_mem>>
        %dma_start3A = arith.constant 0 : i32
        %dma_start3A_101 = tpu.memref_slice %arg6[%add3A_64, %dma_start3A] : memref<80000x64xf32, #tpu.memory_space<hbm>> -> memref<208x64xf32, #tpu.memory_space<hbm>>
        %dma_start3A_102 = arith.constant 0 : i32
        %dma_start3A_103 = tpu.memref_slice %arg15[%add3A_62, %dma_start3A_102] : memref<20016x64xf32, #tpu.memory_space<vmem_shared>> -> memref<208x64xf32, #tpu.memory_space<vmem_shared>>
        tpu.enqueue_dma source(%dma_start3A_103 : memref<208x64xf32, #tpu.memory_space<vmem_shared>>) target(%dma_start3A_101 : memref<208x64xf32, #tpu.memory_space<hbm>>) target_semaphore(%run_scoped3A : memref<!tpu.dma_semaphore, #tpu.memory_space<semaphore_mem>>)
        %dma_wait3A = arith.constant 0 : i32
        %dma_wait3A_104 = tpu.memref_slice %arg6[%add3A_64, %dma_wait3A] : memref<80000x64xf32, #tpu.memory_space<hbm>> -> memref<208x64xf32, #tpu.memory_space<hbm>>
        %dma_wait3A_105 = arith.constant 0 : i32
        %dma_wait3A_106 = tpu.memref_slice %arg15[%add3A_62, %dma_wait3A_105] : memref<20016x64xf32, #tpu.memory_space<vmem_shared>> -> memref<208x64xf32, #tpu.memory_space<vmem_shared>>
        tpu.wait_dma2 semaphore(%run_scoped3A : memref<!tpu.dma_semaphore, #tpu.memory_space<semaphore_mem>>) src(%dma_wait3A_106 : memref<208x64xf32, #tpu.memory_space<vmem_shared>>) dst(%dma_wait3A_104 : memref<208x64xf32, #tpu.memory_space<hbm>>)
        tpu.yield
      }) : () -> ()
      %mul3A_65 = arith.constant 1248 : i32
      %mul3A_66 = arith.muli %arg1, %mul3A_65 : i32
      %add3A_67 = arith.constant 208 : i32
      %add3A_68 = arith.addi %mul3A_66, %add3A_67 : i32
      %add3A_69 = arith.constant 60000 : i32
      %add3A_70 = arith.addi %add3A_69, %add3A_68 : i32
      "tpu.region"() ({
        %run_scoped3A = tpu.sem_alloc : memref<!tpu.dma_semaphore, #tpu.memory_space<semaphore_mem>>
        %dma_start3A = arith.constant 0 : i32
        %dma_start3A_101 = tpu.memref_slice %arg6[%add3A_70, %dma_start3A] : memref<80000x64xf32, #tpu.memory_space<hbm>> -> memref<208x64xf32, #tpu.memory_space<hbm>>
        %dma_start3A_102 = arith.constant 0 : i32
        %dma_start3A_103 = tpu.memref_slice %arg15[%add3A_68, %dma_start3A_102] : memref<20016x64xf32, #tpu.memory_space<vmem_shared>> -> memref<208x64xf32, #tpu.memory_space<vmem_shared>>
        tpu.enqueue_dma source(%dma_start3A_103 : memref<208x64xf32, #tpu.memory_space<vmem_shared>>) target(%dma_start3A_101 : memref<208x64xf32, #tpu.memory_space<hbm>>) target_semaphore(%run_scoped3A : memref<!tpu.dma_semaphore, #tpu.memory_space<semaphore_mem>>)
        %dma_wait3A = arith.constant 0 : i32
        %dma_wait3A_104 = tpu.memref_slice %arg6[%add3A_70, %dma_wait3A] : memref<80000x64xf32, #tpu.memory_space<hbm>> -> memref<208x64xf32, #tpu.memory_space<hbm>>
        %dma_wait3A_105 = arith.constant 0 : i32
        %dma_wait3A_106 = tpu.memref_slice %arg15[%add3A_68, %dma_wait3A_105] : memref<20016x64xf32, #tpu.memory_space<vmem_shared>> -> memref<208x64xf32, #tpu.memory_space<vmem_shared>>
        tpu.wait_dma2 semaphore(%run_scoped3A : memref<!tpu.dma_semaphore, #tpu.memory_space<semaphore_mem>>) src(%dma_wait3A_106 : memref<208x64xf32, #tpu.memory_space<vmem_shared>>) dst(%dma_wait3A_104 : memref<208x64xf32, #tpu.memory_space<hbm>>)
        tpu.yield
      }) : () -> ()
      %mul3A_71 = arith.constant 1248 : i32
      %mul3A_72 = arith.muli %arg1, %mul3A_71 : i32
      %add3A_73 = arith.constant 416 : i32
      %add3A_74 = arith.addi %mul3A_72, %add3A_73 : i32
      %add3A_75 = arith.constant 60000 : i32
      %add3A_76 = arith.addi %add3A_75, %add3A_74 : i32
      "tpu.region"() ({
        %run_scoped3A = tpu.sem_alloc : memref<!tpu.dma_semaphore, #tpu.memory_space<semaphore_mem>>
        %dma_start3A = arith.constant 0 : i32
        %dma_start3A_101 = tpu.memref_slice %arg6[%add3A_76, %dma_start3A] : memref<80000x64xf32, #tpu.memory_space<hbm>> -> memref<208x64xf32, #tpu.memory_space<hbm>>
        %dma_start3A_102 = arith.constant 0 : i32
        %dma_start3A_103 = tpu.memref_slice %arg15[%add3A_74, %dma_start3A_102] : memref<20016x64xf32, #tpu.memory_space<vmem_shared>> -> memref<208x64xf32, #tpu.memory_space<vmem_shared>>
        tpu.enqueue_dma source(%dma_start3A_103 : memref<208x64xf32, #tpu.memory_space<vmem_shared>>) target(%dma_start3A_101 : memref<208x64xf32, #tpu.memory_space<hbm>>) target_semaphore(%run_scoped3A : memref<!tpu.dma_semaphore, #tpu.memory_space<semaphore_mem>>)
        %dma_wait3A = arith.constant 0 : i32
        %dma_wait3A_104 = tpu.memref_slice %arg6[%add3A_76, %dma_wait3A] : memref<80000x64xf32, #tpu.memory_space<hbm>> -> memref<208x64xf32, #tpu.memory_space<hbm>>
        %dma_wait3A_105 = arith.constant 0 : i32
        %dma_wait3A_106 = tpu.memref_slice %arg15[%add3A_74, %dma_wait3A_105] : memref<20016x64xf32, #tpu.memory_space<vmem_shared>> -> memref<208x64xf32, #tpu.memory_space<vmem_shared>>
        tpu.wait_dma2 semaphore(%run_scoped3A : memref<!tpu.dma_semaphore, #tpu.memory_space<semaphore_mem>>) src(%dma_wait3A_106 : memref<208x64xf32, #tpu.memory_space<vmem_shared>>) dst(%dma_wait3A_104 : memref<208x64xf32, #tpu.memory_space<hbm>>)
        tpu.yield
      }) : () -> ()
      %mul3A_77 = arith.constant 1248 : i32
      %mul3A_78 = arith.muli %arg1, %mul3A_77 : i32
      %add3A_79 = arith.constant 624 : i32
      %add3A_80 = arith.addi %mul3A_78, %add3A_79 : i32
      %add3A_81 = arith.constant 60000 : i32
      %add3A_82 = arith.addi %add3A_81, %add3A_80 : i32
      "tpu.region"() ({
        %run_scoped3A = tpu.sem_alloc : memref<!tpu.dma_semaphore, #tpu.memory_space<semaphore_mem>>
        %dma_start3A = arith.constant 0 : i32
        %dma_start3A_101 = tpu.memref_slice %arg6[%add3A_82, %dma_start3A] : memref<80000x64xf32, #tpu.memory_space<hbm>> -> memref<208x64xf32, #tpu.memory_space<hbm>>
        %dma_start3A_102 = arith.constant 0 : i32
        %dma_start3A_103 = tpu.memref_slice %arg15[%add3A_80, %dma_start3A_102] : memref<20016x64xf32, #tpu.memory_space<vmem_shared>> -> memref<208x64xf32, #tpu.memory_space<vmem_shared>>
        tpu.enqueue_dma source(%dma_start3A_103 : memref<208x64xf32, #tpu.memory_space<vmem_shared>>) target(%dma_start3A_101 : memref<208x64xf32, #tpu.memory_space<hbm>>) target_semaphore(%run_scoped3A : memref<!tpu.dma_semaphore, #tpu.memory_space<semaphore_mem>>)
        %dma_wait3A = arith.constant 0 : i32
        %dma_wait3A_104 = tpu.memref_slice %arg6[%add3A_82, %dma_wait3A] : memref<80000x64xf32, #tpu.memory_space<hbm>> -> memref<208x64xf32, #tpu.memory_space<hbm>>
        %dma_wait3A_105 = arith.constant 0 : i32
        %dma_wait3A_106 = tpu.memref_slice %arg15[%add3A_80, %dma_wait3A_105] : memref<20016x64xf32, #tpu.memory_space<vmem_shared>> -> memref<208x64xf32, #tpu.memory_space<vmem_shared>>
        tpu.wait_dma2 semaphore(%run_scoped3A : memref<!tpu.dma_semaphore, #tpu.memory_space<semaphore_mem>>) src(%dma_wait3A_106 : memref<208x64xf32, #tpu.memory_space<vmem_shared>>) dst(%dma_wait3A_104 : memref<208x64xf32, #tpu.memory_space<hbm>>)
        tpu.yield
      }) : () -> ()
      %mul3A_83 = arith.constant 1248 : i32
      %mul3A_84 = arith.muli %arg1, %mul3A_83 : i32
      %add3A_85 = arith.constant 832 : i32
      %add3A_86 = arith.addi %mul3A_84, %add3A_85 : i32
      %add3A_87 = arith.constant 60000 : i32
      %add3A_88 = arith.addi %add3A_87, %add3A_86 : i32
      "tpu.region"() ({
        %run_scoped3A = tpu.sem_alloc : memref<!tpu.dma_semaphore, #tpu.memory_space<semaphore_mem>>
        %dma_start3A = arith.constant 0 : i32
        %dma_start3A_101 = tpu.memref_slice %arg6[%add3A_88, %dma_start3A] : memref<80000x64xf32, #tpu.memory_space<hbm>> -> memref<208x64xf32, #tpu.memory_space<hbm>>
        %dma_start3A_102 = arith.constant 0 : i32
        %dma_start3A_103 = tpu.memref_slice %arg15[%add3A_86, %dma_start3A_102] : memref<20016x64xf32, #tpu.memory_space<vmem_shared>> -> memref<208x64xf32, #tpu.memory_space<vmem_shared>>
        tpu.enqueue_dma source(%dma_start3A_103 : memref<208x64xf32, #tpu.memory_space<vmem_shared>>) target(%dma_start3A_101 : memref<208x64xf32, #tpu.memory_space<hbm>>) target_semaphore(%run_scoped3A : memref<!tpu.dma_semaphore, #tpu.memory_space<semaphore_mem>>)
        %dma_wait3A = arith.constant 0 : i32
        %dma_wait3A_104 = tpu.memref_slice %arg6[%add3A_88, %dma_wait3A] : memref<80000x64xf32, #tpu.memory_space<hbm>> -> memref<208x64xf32, #tpu.memory_space<hbm>>
        %dma_wait3A_105 = arith.constant 0 : i32
        %dma_wait3A_106 = tpu.memref_slice %arg15[%add3A_86, %dma_wait3A_105] : memref<20016x64xf32, #tpu.memory_space<vmem_shared>> -> memref<208x64xf32, #tpu.memory_space<vmem_shared>>
        tpu.wait_dma2 semaphore(%run_scoped3A : memref<!tpu.dma_semaphore, #tpu.memory_space<semaphore_mem>>) src(%dma_wait3A_106 : memref<208x64xf32, #tpu.memory_space<vmem_shared>>) dst(%dma_wait3A_104 : memref<208x64xf32, #tpu.memory_space<hbm>>)
        tpu.yield
      }) : () -> ()
      %mul3A_89 = arith.constant 1248 : i32
      %mul3A_90 = arith.muli %arg1, %mul3A_89 : i32
      %add3A_91 = arith.constant 1040 : i32
      %add3A_92 = arith.addi %mul3A_90, %add3A_91 : i32
      %add3A_93 = arith.constant 60000 : i32
      %add3A_94 = arith.addi %add3A_93, %add3A_92 : i32
      "tpu.region"() ({
        %run_scoped3A = tpu.sem_alloc : memref<!tpu.dma_semaphore, #tpu.memory_space<semaphore_mem>>
        %dma_start3A = arith.constant 0 : i32
        %dma_start3A_101 = tpu.memref_slice %arg6[%add3A_94, %dma_start3A] : memref<80000x64xf32, #tpu.memory_space<hbm>> -> memref<208x64xf32, #tpu.memory_space<hbm>>
        %dma_start3A_102 = arith.constant 0 : i32
        %dma_start3A_103 = tpu.memref_slice %arg15[%add3A_92, %dma_start3A_102] : memref<20016x64xf32, #tpu.memory_space<vmem_shared>> -> memref<208x64xf32, #tpu.memory_space<vmem_shared>>
        tpu.enqueue_dma source(%dma_start3A_103 : memref<208x64xf32, #tpu.memory_space<vmem_shared>>) target(%dma_start3A_101 : memref<208x64xf32, #tpu.memory_space<hbm>>) target_semaphore(%run_scoped3A : memref<!tpu.dma_semaphore, #tpu.memory_space<semaphore_mem>>)
        %dma_wait3A = arith.constant 0 : i32
        %dma_wait3A_104 = tpu.memref_slice %arg6[%add3A_94, %dma_wait3A] : memref<80000x64xf32, #tpu.memory_space<hbm>> -> memref<208x64xf32, #tpu.memory_space<hbm>>
        %dma_wait3A_105 = arith.constant 0 : i32
        %dma_wait3A_106 = tpu.memref_slice %arg15[%add3A_92, %dma_wait3A_105] : memref<20016x64xf32, #tpu.memory_space<vmem_shared>> -> memref<208x64xf32, #tpu.memory_space<vmem_shared>>
        tpu.wait_dma2 semaphore(%run_scoped3A : memref<!tpu.dma_semaphore, #tpu.memory_space<semaphore_mem>>) src(%dma_wait3A_106 : memref<208x64xf32, #tpu.memory_space<vmem_shared>>) dst(%dma_wait3A_104 : memref<208x64xf32, #tpu.memory_space<hbm>>)
        tpu.yield
      }) : () -> ()
      %eq3A_95 = arith.constant 15 : i32
      %eq3A_96 = arith.cmpi eq, %arg1, %eq3A_95 : i32
      %convert_element_type3A_97 = arith.extui %eq3A_96 : i1 to i32
      %cond3A_98 = arith.constant 0 : i32
      %cond3A_99 = arith.cmpi ne, %convert_element_type3A_97, %cond3A_98 : i32
      scf.if %cond3A_99 {
        "tpu.region"() ({
          %run_scoped3A = tpu.sem_alloc : memref<!tpu.dma_semaphore, #tpu.memory_space<semaphore_mem>>
          %dma_start3A = arith.constant 79968 : i32
          %dma_start3A_101 = arith.constant 0 : i32
          %dma_start3A_102 = tpu.memref_slice %arg6[%dma_start3A, %dma_start3A_101] : memref<80000x64xf32, #tpu.memory_space<hbm>> -> memref<32x64xf32, #tpu.memory_space<hbm>>
          %dma_start3A_103 = arith.constant 19968 : i32
          %dma_start3A_104 = arith.constant 0 : i32
          %dma_start3A_105 = tpu.memref_slice %arg15[%dma_start3A_103, %dma_start3A_104] : memref<20016x64xf32, #tpu.memory_space<vmem_shared>> -> memref<32x64xf32, #tpu.memory_space<vmem_shared>>
          tpu.enqueue_dma source(%dma_start3A_105 : memref<32x64xf32, #tpu.memory_space<vmem_shared>>) target(%dma_start3A_102 : memref<32x64xf32, #tpu.memory_space<hbm>>) target_semaphore(%run_scoped3A : memref<!tpu.dma_semaphore, #tpu.memory_space<semaphore_mem>>)
          %dma_wait3A = arith.constant 79968 : i32
          %dma_wait3A_106 = arith.constant 0 : i32
          %dma_wait3A_107 = tpu.memref_slice %arg6[%dma_wait3A, %dma_wait3A_106] : memref<80000x64xf32, #tpu.memory_space<hbm>> -> memref<32x64xf32, #tpu.memory_space<hbm>>
          %dma_wait3A_108 = arith.constant 19968 : i32
          %dma_wait3A_109 = arith.constant 0 : i32
          %dma_wait3A_110 = tpu.memref_slice %arg15[%dma_wait3A_108, %dma_wait3A_109] : memref<20016x64xf32, #tpu.memory_space<vmem_shared>> -> memref<32x64xf32, #tpu.memory_space<vmem_shared>>
          tpu.wait_dma2 semaphore(%run_scoped3A : memref<!tpu.dma_semaphore, #tpu.memory_space<semaphore_mem>>) src(%dma_wait3A_110 : memref<32x64xf32, #tpu.memory_space<vmem_shared>>) dst(%dma_wait3A_107 : memref<32x64xf32, #tpu.memory_space<hbm>>)
          tpu.yield
        }) : () -> ()
      } else {
      }
      %barrier3A_100 = arith.constant 0 : index
      tpu.barrier barrier_id(%barrier3A_100)
    } else {
    }
    return
  }
}

module attributes {stable_mosaic.version = 14 : i64} {
  func.func @_k1_body(%arg0: memref<20000x3xf32, #tpu.memory_space<vmem>>, %arg1: memref<3x3xf32, #tpu.memory_space<vmem>>, %arg2: memref<1x3xf32, #tpu.memory_space<vmem>>, %arg3: memref<1x3xf32, #tpu.memory_space<vmem>>, %arg4: memref<3x256xf32, #tpu.memory_space<vmem>>, %arg5: memref<1x256xf32, #tpu.memory_space<vmem>>, %arg6: memref<1x256xf32, #tpu.memory_space<vmem>>, %arg7: memref<20000x3xf32, #tpu.memory_space<vmem>>, %arg8: memref<1x256xf32, #tpu.memory_space<vmem>>, %arg9: memref<1x256xf32, #tpu.memory_space<vmem>>) attributes {dimension_semantics = [], scalar_prefetch = 0 : i64, scratch_operands = 0 : i64, tpu.core_type = #tpu.core_type<tc>} {
    %get3A = arith.constant 0 : index
    %get3A_0 = arith.constant 0 : index
    %get3A_1 = vector.load %arg0[%get3A, %get3A_0] : memref<20000x3xf32, #tpu.memory_space<vmem>>, vector<20000x3xf32>
    %get3A_2 = arith.constant 0 : index
    %get3A_3 = arith.constant 0 : index
    %get3A_4 = vector.load %arg1[%get3A_2, %get3A_3] : memref<3x3xf32, #tpu.memory_space<vmem>>, vector<3x3xf32>
    %dot_general3A = arith.constant dense<0.000000e+00> : vector<20000x3xf32>
    %dot_general3A_5 = tpu.matmul %get3A_1, %get3A_4, %dot_general3A {dimension_numbers = #tpu.dot_dimension_numbers<[1], [0], [0], [1], [0, 0, 1, 1], [], []>, transpose_lhs_hint = false} : vector<20000x3xf32>, vector<3x3xf32>, vector<20000x3xf32> -> vector<20000x3xf32>
    %reduce_sum3A = arith.constant dense<0.000000e+00> : vector<3xf32>
    %reduce_sum3A_6 = vector.multi_reduction <add>, %dot_general3A_5, %reduce_sum3A [0] : vector<20000x3xf32> to vector<3xf32>
    %broadcast_in_dim3A = vector.shape_cast %reduce_sum3A_6 : vector<3xf32> to vector<1x3xf32>
    %div3A = arith.constant 2.000000e+04 : f32
    %div3A_7 = vector.broadcast %div3A : f32 to vector<1x3xf32>
    %div3A_8 = arith.divf %broadcast_in_dim3A, %div3A_7 : vector<1x3xf32>
    %sub3A = vector.broadcast %div3A_8 : vector<1x3xf32> to vector<20000x3xf32>
    %sub3A_9 = arith.subf %dot_general3A_5, %sub3A : vector<20000x3xf32>
    %integer_pow3A = arith.mulf %sub3A_9, %sub3A_9 : vector<20000x3xf32>
    %reduce_sum3A_10 = arith.constant dense<0.000000e+00> : vector<3xf32>
    %reduce_sum3A_11 = vector.multi_reduction <add>, %integer_pow3A, %reduce_sum3A_10 [0] : vector<20000x3xf32> to vector<3xf32>
    %broadcast_in_dim3A_12 = vector.shape_cast %reduce_sum3A_11 : vector<3xf32> to vector<1x3xf32>
    %div3A_13 = arith.constant 2.000000e+04 : f32
    %div3A_14 = vector.broadcast %div3A_13 : f32 to vector<1x3xf32>
    %div3A_15 = arith.divf %broadcast_in_dim3A_12, %div3A_14 : vector<1x3xf32>
    %sub3A_16 = vector.broadcast %div3A_8 : vector<1x3xf32> to vector<20000x3xf32>
    %sub3A_17 = arith.subf %dot_general3A_5, %sub3A_16 : vector<20000x3xf32>
    %add3A = arith.constant 9.99999974E-6 : f32
    %add3A_18 = vector.broadcast %add3A : f32 to vector<1x3xf32>
    %add3A_19 = arith.addf %div3A_15, %add3A_18 : vector<1x3xf32>
    %sqrt3A = math.sqrt %add3A_19 : vector<1x3xf32>
    %div3A_20 = vector.broadcast %sqrt3A : vector<1x3xf32> to vector<20000x3xf32>
    %div3A_21 = arith.divf %sub3A_17, %div3A_20 : vector<20000x3xf32>
    %get3A_22 = arith.constant 0 : index
    %get3A_23 = arith.constant 0 : index
    %get3A_24 = vector.load %arg2[%get3A_22, %get3A_23] : memref<1x3xf32, #tpu.memory_space<vmem>>, vector<1x3xf32>
    %mul3A = vector.broadcast %get3A_24 : vector<1x3xf32> to vector<20000x3xf32>
    %mul3A_25 = arith.mulf %div3A_21, %mul3A : vector<20000x3xf32>
    %get3A_26 = arith.constant 0 : index
    %get3A_27 = arith.constant 0 : index
    %get3A_28 = vector.load %arg3[%get3A_26, %get3A_27] : memref<1x3xf32, #tpu.memory_space<vmem>>, vector<1x3xf32>
    %add3A_29 = vector.broadcast %get3A_28 : vector<1x3xf32> to vector<20000x3xf32>
    %add3A_30 = arith.addf %mul3A_25, %add3A_29 : vector<20000x3xf32>
    %max3A = arith.constant 0.000000e+00 : f32
    %max3A_31 = vector.broadcast %max3A : f32 to vector<20000x3xf32>
    %max3A_32 = arith.maximumf %add3A_30, %max3A_31 : vector<20000x3xf32>
    %swap3A = arith.constant 0 : index
    %swap3A_33 = arith.constant 0 : index
    %swap3A_34 = vector.load %arg7[%swap3A, %swap3A_33] : memref<20000x3xf32, #tpu.memory_space<vmem>>, vector<20000x3xf32>
    tpu.vector_store %arg7[%swap3A, %swap3A_33], %max3A_32 {strides = array<i32>} : memref<20000x3xf32, #tpu.memory_space<vmem>>, vector<20000x3xf32>,
    %reduce_sum3A_35 = arith.constant dense<0.000000e+00> : vector<3xf32>
    %reduce_sum3A_36 = vector.multi_reduction <add>, %max3A_32, %reduce_sum3A_35 [0] : vector<20000x3xf32> to vector<3xf32>
    %broadcast_in_dim3A_37 = vector.shape_cast %reduce_sum3A_36 : vector<3xf32> to vector<1x3xf32>
    %div3A_38 = arith.constant 2.000000e+04 : f32
    %div3A_39 = vector.broadcast %div3A_38 : f32 to vector<1x3xf32>
    %div3A_40 = arith.divf %broadcast_in_dim3A_37, %div3A_39 : vector<1x3xf32>
    %sub3A_41 = vector.broadcast %div3A_40 : vector<1x3xf32> to vector<20000x3xf32>
    %sub3A_42 = arith.subf %max3A_32, %sub3A_41 : vector<20000x3xf32>
    %dot_general3A_43 = arith.constant dense<0.000000e+00> : vector<3x3xf32>
    %dot_general3A_44 = tpu.matmul %sub3A_42, %sub3A_42, %dot_general3A_43 {dimension_numbers = #tpu.dot_dimension_numbers<[0], [0], [1], [1], [0, 1, 1, 1], [], []>, transpose_lhs_hint = false} : vector<20000x3xf32>, vector<20000x3xf32>, vector<3x3xf32> -> vector<3x3xf32>
    %div3A_45 = arith.constant 2.000000e+04 : f32
    %div3A_46 = vector.broadcast %div3A_45 : f32 to vector<3x3xf32>
    %div3A_47 = arith.divf %dot_general3A_44, %div3A_46 : vector<3x3xf32>
    %get3A_48 = arith.constant 0 : index
    %get3A_49 = arith.constant 0 : index
    %get3A_50 = vector.load %arg4[%get3A_48, %get3A_49] : memref<3x256xf32, #tpu.memory_space<vmem>>, vector<3x256xf32>
    %dot_general3A_51 = arith.constant dense<0.000000e+00> : vector<1x256xf32>
    %dot_general3A_52 = tpu.matmul %div3A_40, %get3A_50, %dot_general3A_51 {dimension_numbers = #tpu.dot_dimension_numbers<[1], [0], [0], [1], [0, 0, 1, 1], [], []>, transpose_lhs_hint = false} : vector<1x3xf32>, vector<3x256xf32>, vector<1x256xf32> -> vector<1x256xf32>
    %dot_general3A_53 = arith.constant dense<0.000000e+00> : vector<3x256xf32>
    %dot_general3A_54 = tpu.matmul %div3A_47, %get3A_50, %dot_general3A_53 {dimension_numbers = #tpu.dot_dimension_numbers<[1], [0], [0], [1], [0, 0, 1, 1], [], []>, transpose_lhs_hint = false} : vector<3x3xf32>, vector<3x256xf32>, vector<3x256xf32> -> vector<3x256xf32>
    %mul3A_55 = arith.mulf %get3A_50, %dot_general3A_54 : vector<3x256xf32>
    %reduce_sum3A_56 = arith.constant dense<0.000000e+00> : vector<256xf32>
    %reduce_sum3A_57 = vector.multi_reduction <add>, %mul3A_55, %reduce_sum3A_56 [0] : vector<3x256xf32> to vector<256xf32>
    %broadcast_in_dim3A_58 = vector.shape_cast %reduce_sum3A_57 : vector<256xf32> to vector<1x256xf32>
    %get3A_59 = arith.constant 0 : index
    %get3A_60 = arith.constant 0 : index
    %get3A_61 = vector.load %arg5[%get3A_59, %get3A_60] : memref<1x256xf32, #tpu.memory_space<vmem>>, vector<1x256xf32>
    %add3A_62 = arith.constant 9.99999974E-6 : f32
    %add3A_63 = vector.broadcast %add3A_62 : f32 to vector<1x256xf32>
    %add3A_64 = arith.addf %broadcast_in_dim3A_58, %add3A_63 : vector<1x256xf32>
    %sqrt3A_65 = math.sqrt %add3A_64 : vector<1x256xf32>
    %div3A_66 = arith.divf %get3A_61, %sqrt3A_65 : vector<1x256xf32>
    %get3A_67 = arith.constant 0 : index
    %get3A_68 = arith.constant 0 : index
    %get3A_69 = vector.load %arg6[%get3A_67, %get3A_68] : memref<1x256xf32, #tpu.memory_space<vmem>>, vector<1x256xf32>
    %mul3A_70 = arith.mulf %dot_general3A_52, %div3A_66 : vector<1x256xf32>
    %sub3A_71 = arith.subf %get3A_69, %mul3A_70 : vector<1x256xf32>
    %swap3A_72 = arith.constant 0 : index
    %swap3A_73 = arith.constant 0 : index
    %swap3A_74 = vector.load %arg8[%swap3A_72, %swap3A_73] : memref<1x256xf32, #tpu.memory_space<vmem>>, vector<1x256xf32>
    tpu.vector_store %arg8[%swap3A_72, %swap3A_73], %div3A_66 {strides = array<i32>} : memref<1x256xf32, #tpu.memory_space<vmem>>, vector<1x256xf32>,
    %swap3A_75 = arith.constant 0 : index
    %swap3A_76 = arith.constant 0 : index
    %swap3A_77 = vector.load %arg9[%swap3A_75, %swap3A_76] : memref<1x256xf32, #tpu.memory_space<vmem>>, vector<1x256xf32>
    tpu.vector_store %arg9[%swap3A_75, %swap3A_76], %sub3A_71 {strides = array<i32>} : memref<1x256xf32, #tpu.memory_space<vmem>>, vector<1x256xf32>,
    return
  }
}

module attributes {stable_mosaic.version = 14 : i64} {
  func.func @_k2_body(%arg0: i32, %arg1: memref<2000x3xf32, #tpu.memory_space<vmem>>, %arg2: memref<2000x256xf32, #tpu.memory_space<vmem>>, %arg3: memref<1x256xf32, #tpu.memory_space<vmem>>, %arg4: memref<1x256xf32, #tpu.memory_space<vmem>>, %arg5: memref<3x256xf32, #tpu.memory_space<vmem>>, %arg6: memref<256x256xf32, #tpu.memory_space<vmem>>, %arg7: memref<1x256xf32, #tpu.memory_space<vmem>>, %arg8: memref<256x256xf32, #tpu.memory_space<vmem>>, %arg9: memref<1x256xf32, #tpu.memory_space<vmem>>, %arg10: memref<256x256xf32, #tpu.memory_space<vmem>>, %arg11: memref<1x256xf32, #tpu.memory_space<vmem>>, %arg12: memref<256x432xf32, #tpu.memory_space<vmem>>, %arg13: memref<256x8xf32, #tpu.memory_space<vmem>>, %arg14: memref<8x256xf32, #tpu.memory_space<vmem>>, %arg15: memref<2000x432xf32, #tpu.memory_space<vmem>>, %arg16: memref<4x2000x64xf32, #tpu.memory_space<vmem>>) attributes {dimension_semantics = [#tpu.dimension_semantics<arbitrary>], iteration_bounds = array<i64: 10>, scalar_prefetch = 0 : i64, scratch_operands = 0 : i64, tpu.core_type = #tpu.core_type<tc>, window_params = [{transform_indices = @transform_0, window_bounds = array<i64: 2000, 3>}, {transform_indices = @transform_1, window_bounds = array<i64: 2000, 256>}, {pipeline_mode = #tpu.pipeline_mode<synchronous>, transform_indices = @transform_2, window_bounds = array<i64: 1, 256>}, {pipeline_mode = #tpu.pipeline_mode<synchronous>, transform_indices = @transform_3, window_bounds = array<i64: 1, 256>}, {pipeline_mode = #tpu.pipeline_mode<synchronous>, transform_indices = @transform_4, window_bounds = array<i64: 3, 256>}, {pipeline_mode = #tpu.pipeline_mode<synchronous>, transform_indices = @transform_5, window_bounds = array<i64: 256, 256>}, {pipeline_mode = #tpu.pipeline_mode<synchronous>, transform_indices = @transform_6, window_bounds = array<i64: 1, 256>}, {pipeline_mode = #tpu.pipeline_mode<synchronous>, transform_indices = @transform_7, window_bounds = array<i64: 256, 256>}, {pipeline_mode = #tpu.pipeline_mode<synchronous>, transform_indices = @transform_8, window_bounds = array<i64: 1, 256>}, {pipeline_mode = #tpu.pipeline_mode<synchronous>, transform_indices = @transform_9, window_bounds = array<i64: 256, 256>}, {pipeline_mode = #tpu.pipeline_mode<synchronous>, transform_indices = @transform_10, window_bounds = array<i64: 1, 256>}, {pipeline_mode = #tpu.pipeline_mode<synchronous>, transform_indices = @transform_11, window_bounds = array<i64: 256, 432>}, {pipeline_mode = #tpu.pipeline_mode<synchronous>, transform_indices = @transform_12, window_bounds = array<i64: 256, 8>}, {pipeline_mode = #tpu.pipeline_mode<synchronous>, transform_indices = @transform_13, window_bounds = array<i64: 8, 256>}, {transform_indices = @transform_14, window_bounds = array<i64: 2000, 432>}, {transform_indices = @transform_15, window_bounds = array<i64: 4, 2000, 64>}]} {
    %get3A = arith.constant 0 : index
    %get3A_0 = arith.constant 0 : index
    %get3A_1 = vector.load %arg1[%get3A, %get3A_0] : memref<2000x3xf32, #tpu.memory_space<vmem>>, vector<2000x3xf32>
    %get3A_2 = arith.constant 0 : index
    %get3A_3 = arith.constant 0 : index
    %get3A_4 = vector.load %arg5[%get3A_2, %get3A_3] : memref<3x256xf32, #tpu.memory_space<vmem>>, vector<3x256xf32>
    %dot_general3A = arith.constant dense<0.000000e+00> : vector<2000x256xf32>
    %dot_general3A_5 = tpu.matmul %get3A_1, %get3A_4, %dot_general3A {dimension_numbers = #tpu.dot_dimension_numbers<[1], [0], [0], [1], [0, 0, 1, 1], [], []>, transpose_lhs_hint = false} : vector<2000x3xf32>, vector<3x256xf32>, vector<2000x256xf32> -> vector<2000x256xf32>
    %get3A_6 = arith.constant 0 : index
    %get3A_7 = arith.constant 0 : index
    %get3A_8 = vector.load %arg3[%get3A_6, %get3A_7] : memref<1x256xf32, #tpu.memory_space<vmem>>, vector<1x256xf32>
    %mul3A = vector.broadcast %get3A_8 : vector<1x256xf32> to vector<2000x256xf32>
    %mul3A_9 = arith.mulf %dot_general3A_5, %mul3A : vector<2000x256xf32>
    %get3A_10 = arith.constant 0 : index
    %get3A_11 = arith.constant 0 : index
    %get3A_12 = vector.load %arg4[%get3A_10, %get3A_11] : memref<1x256xf32, #tpu.memory_space<vmem>>, vector<1x256xf32>
    %add3A = vector.broadcast %get3A_12 : vector<1x256xf32> to vector<2000x256xf32>
    %add3A_13 = arith.addf %mul3A_9, %add3A : vector<2000x256xf32>
    %max3A = arith.constant 0.000000e+00 : f32
    %max3A_14 = vector.broadcast %max3A : f32 to vector<2000x256xf32>
    %max3A_15 = arith.maximumf %add3A_13, %max3A_14 : vector<2000x256xf32>
    %get3A_16 = arith.constant 0 : index
    %get3A_17 = arith.constant 0 : index
    %get3A_18 = vector.load %arg6[%get3A_16, %get3A_17] : memref<256x256xf32, #tpu.memory_space<vmem>>, vector<256x256xf32>
    %dot_general3A_19 = arith.constant dense<0.000000e+00> : vector<2000x256xf32>
    %dot_general3A_20 = tpu.matmul %max3A_15, %get3A_18, %dot_general3A_19 {dimension_numbers = #tpu.dot_dimension_numbers<[1], [0], [0], [1], [0, 0, 1, 1], [], []>, transpose_lhs_hint = false} : vector<2000x256xf32>, vector<256x256xf32>, vector<2000x256xf32> -> vector<2000x256xf32>
    %get3A_21 = arith.constant 0 : index
    %get3A_22 = arith.constant 0 : index
    %get3A_23 = vector.load %arg7[%get3A_21, %get3A_22] : memref<1x256xf32, #tpu.memory_space<vmem>>, vector<1x256xf32>
    %add3A_24 = vector.broadcast %get3A_23 : vector<1x256xf32> to vector<2000x256xf32>
    %add3A_25 = arith.addf %dot_general3A_20, %add3A_24 : vector<2000x256xf32>
    %get3A_26 = arith.constant 0 : index
    %get3A_27 = arith.constant 0 : index
    %get3A_28 = vector.load %arg2[%get3A_26, %get3A_27] : memref<2000x256xf32, #tpu.memory_space<vmem>>, vector<2000x256xf32>
    %add3A_29 = arith.addf %get3A_28, %add3A_25 : vector<2000x256xf32>
    %get3A_30 = arith.constant 0 : index
    %get3A_31 = arith.constant 0 : index
    %get3A_32 = vector.load %arg8[%get3A_30, %get3A_31] : memref<256x256xf32, #tpu.memory_space<vmem>>, vector<256x256xf32>
    %dot_general3A_33 = arith.constant dense<0.000000e+00> : vector<2000x256xf32>
    %dot_general3A_34 = tpu.matmul %add3A_29, %get3A_32, %dot_general3A_33 {dimension_numbers = #tpu.dot_dimension_numbers<[1], [0], [0], [1], [0, 0, 1, 1], [], []>, transpose_lhs_hint = false} : vector<2000x256xf32>, vector<256x256xf32>, vector<2000x256xf32> -> vector<2000x256xf32>
    %get3A_35 = arith.constant 0 : index
    %get3A_36 = arith.constant 0 : index
    %get3A_37 = vector.load %arg9[%get3A_35, %get3A_36] : memref<1x256xf32, #tpu.memory_space<vmem>>, vector<1x256xf32>
    %add3A_38 = vector.broadcast %get3A_37 : vector<1x256xf32> to vector<2000x256xf32>
    %add3A_39 = arith.addf %dot_general3A_34, %add3A_38 : vector<2000x256xf32>
    %mul3A_40 = arith.mulf %add3A_39, %add3A_39 : vector<2000x256xf32>
    %get3A_41 = arith.constant 0 : index
    %get3A_42 = arith.constant 0 : index
    %get3A_43 = vector.load %arg13[%get3A_41, %get3A_42] : memref<256x8xf32, #tpu.memory_space<vmem>>, vector<256x8xf32>
    %dot_general3A_44 = arith.constant dense<0.000000e+00> : vector<2000x8xf32>
    %dot_general3A_45 = tpu.matmul %mul3A_40, %get3A_43, %dot_general3A_44 {dimension_numbers = #tpu.dot_dimension_numbers<[1], [0], [0], [1], [0, 0, 1, 1], [], []>, transpose_lhs_hint = false} : vector<2000x256xf32>, vector<256x8xf32>, vector<2000x8xf32> -> vector<2000x8xf32>
    %sqrt3A = math.sqrt %dot_general3A_45 : vector<2000x8xf32>
    %max3A_46 = arith.constant 9.99999996E-13 : f32
    %max3A_47 = vector.broadcast %max3A_46 : f32 to vector<2000x8xf32>
    %max3A_48 = arith.maximumf %sqrt3A, %max3A_47 : vector<2000x8xf32>
    %div3A = arith.constant 1.000000e+00 : f32
    %div3A_49 = vector.broadcast %div3A : f32 to vector<2000x8xf32>
    %div3A_50 = arith.divf %div3A_49, %max3A_48 : vector<2000x8xf32>
    %get3A_51 = arith.constant 0 : index
    %get3A_52 = arith.constant 0 : index
    %get3A_53 = vector.load %arg14[%get3A_51, %get3A_52] : memref<8x256xf32, #tpu.memory_space<vmem>>, vector<8x256xf32>
    %dot_general3A_54 = arith.constant dense<0.000000e+00> : vector<2000x256xf32>
    %dot_general3A_55 = tpu.matmul %div3A_50, %get3A_53, %dot_general3A_54 {dimension_numbers = #tpu.dot_dimension_numbers<[1], [0], [0], [1], [0, 0, 1, 1], [], []>, transpose_lhs_hint = false} : vector<2000x8xf32>, vector<8x256xf32>, vector<2000x256xf32> -> vector<2000x256xf32>
    %mul3A_56 = arith.mulf %add3A_39, %dot_general3A_55 : vector<2000x256xf32>
    %get3A_57 = arith.constant 0 : index
    %get3A_58 = arith.constant 0 : index
    %get3A_59 = vector.load %arg12[%get3A_57, %get3A_58] : memref<256x432xf32, #tpu.memory_space<vmem>>, vector<256x432xf32>
    %dot_general3A_60 = arith.constant dense<0.000000e+00> : vector<2000x432xf32>
    %dot_general3A_61 = tpu.matmul %mul3A_56, %get3A_59, %dot_general3A_60 {dimension_numbers = #tpu.dot_dimension_numbers<[1], [0], [0], [1], [0, 0, 1, 1], [], []>, transpose_lhs_hint = false} : vector<2000x256xf32>, vector<256x432xf32>, vector<2000x432xf32> -> vector<2000x432xf32>
    %swap3A = arith.constant 0 : index
    %swap3A_62 = arith.constant 0 : index
    %swap3A_63 = vector.load %arg15[%swap3A, %swap3A_62] : memref<2000x432xf32, #tpu.memory_space<vmem>>, vector<2000x432xf32>
    tpu.vector_store %arg15[%swap3A, %swap3A_62], %dot_general3A_61 {strides = array<i32>} : memref<2000x432xf32, #tpu.memory_space<vmem>>, vector<2000x432xf32>,
    %get3A_64 = arith.constant 0 : index
    %get3A_65 = arith.constant 0 : index
    %get3A_66 = vector.load %arg10[%get3A_64, %get3A_65] : memref<256x256xf32, #tpu.memory_space<vmem>>, vector<256x256xf32>
    %dot_general3A_67 = arith.constant dense<0.000000e+00> : vector<2000x256xf32>
    %dot_general3A_68 = tpu.matmul %add3A_29, %get3A_66, %dot_general3A_67 {dimension_numbers = #tpu.dot_dimension_numbers<[1], [0], [0], [1], [0, 0, 1, 1], [], []>, transpose_lhs_hint = false} : vector<2000x256xf32>, vector<256x256xf32>, vector<2000x256xf32> -> vector<2000x256xf32>
    %get3A_69 = arith.constant 0 : index
    %get3A_70 = arith.constant 0 : index
    %get3A_71 = vector.load %arg11[%get3A_69, %get3A_70] : memref<1x256xf32, #tpu.memory_space<vmem>>, vector<1x256xf32>
    %add3A_72 = vector.broadcast %get3A_71 : vector<1x256xf32> to vector<2000x256xf32>
    %add3A_73 = arith.addf %dot_general3A_68, %add3A_72 : vector<2000x256xf32>
    %slice3A = vector.extract_strided_slice %add3A_73 {offsets = [0, 0], sizes = [2000, 64], strides = [1, 1]} : vector<2000x256xf32> to vector<2000x64xf32>
    %swap3A_74 = arith.constant 0 : index
    %swap3A_75 = arith.constant 0 : index
    %swap3A_76 = arith.constant 0 : index
    %swap3A_77 = vector.load %arg16[%swap3A_74, %swap3A_75, %swap3A_76] : memref<4x2000x64xf32, #tpu.memory_space<vmem>>, vector<1x2000x64xf32>
    %swap3A_78 = vector.shape_cast %swap3A_77 : vector<1x2000x64xf32> to vector<2000x64xf32>
    %swap3A_79 = vector.shape_cast %slice3A : vector<2000x64xf32> to vector<1x2000x64xf32>
    tpu.vector_store %arg16[%swap3A_74, %swap3A_75, %swap3A_76], %swap3A_79 {strides = array<i32>} : memref<4x2000x64xf32, #tpu.memory_space<vmem>>, vector<1x2000x64xf32>,
    %slice3A_80 = vector.extract_strided_slice %add3A_73 {offsets = [0, 64], sizes = [2000, 64], strides = [1, 1]} : vector<2000x256xf32> to vector<2000x64xf32>
    %swap3A_81 = arith.constant 1 : index
    %swap3A_82 = arith.constant 0 : index
    %swap3A_83 = arith.constant 0 : index
    %swap3A_84 = vector.load %arg16[%swap3A_81, %swap3A_82, %swap3A_83] : memref<4x2000x64xf32, #tpu.memory_space<vmem>>, vector<1x2000x64xf32>
    %swap3A_85 = vector.shape_cast %swap3A_84 : vector<1x2000x64xf32> to vector<2000x64xf32>
    %swap3A_86 = vector.shape_cast %slice3A_80 : vector<2000x64xf32> to vector<1x2000x64xf32>
    tpu.vector_store %arg16[%swap3A_81, %swap3A_82, %swap3A_83], %swap3A_86 {strides = array<i32>} : memref<4x2000x64xf32, #tpu.memory_space<vmem>>, vector<1x2000x64xf32>,
    %slice3A_87 = vector.extract_strided_slice %add3A_73 {offsets = [0, 128], sizes = [2000, 64], strides = [1, 1]} : vector<2000x256xf32> to vector<2000x64xf32>
    %swap3A_88 = arith.constant 2 : index
    %swap3A_89 = arith.constant 0 : index
    %swap3A_90 = arith.constant 0 : index
    %swap3A_91 = vector.load %arg16[%swap3A_88, %swap3A_89, %swap3A_90] : memref<4x2000x64xf32, #tpu.memory_space<vmem>>, vector<1x2000x64xf32>
    %swap3A_92 = vector.shape_cast %swap3A_91 : vector<1x2000x64xf32> to vector<2000x64xf32>
    %swap3A_93 = vector.shape_cast %slice3A_87 : vector<2000x64xf32> to vector<1x2000x64xf32>
    tpu.vector_store %arg16[%swap3A_88, %swap3A_89, %swap3A_90], %swap3A_93 {strides = array<i32>} : memref<4x2000x64xf32, #tpu.memory_space<vmem>>, vector<1x2000x64xf32>,
    %slice3A_94 = vector.extract_strided_slice %add3A_73 {offsets = [0, 192], sizes = [2000, 64], strides = [1, 1]} : vector<2000x256xf32> to vector<2000x64xf32>
    %swap3A_95 = arith.constant 3 : index
    %swap3A_96 = arith.constant 0 : index
    %swap3A_97 = arith.constant 0 : index
    %swap3A_98 = vector.load %arg16[%swap3A_95, %swap3A_96, %swap3A_97] : memref<4x2000x64xf32, #tpu.memory_space<vmem>>, vector<1x2000x64xf32>
    %swap3A_99 = vector.shape_cast %swap3A_98 : vector<1x2000x64xf32> to vector<2000x64xf32>
    %swap3A_100 = vector.shape_cast %slice3A_94 : vector<2000x64xf32> to vector<1x2000x64xf32>
    tpu.vector_store %arg16[%swap3A_95, %swap3A_96, %swap3A_97], %swap3A_100 {strides = array<i32>} : memref<4x2000x64xf32, #tpu.memory_space<vmem>>, vector<1x2000x64xf32>,
    return
  }
  func.func @transform_0(%arg0: i32) -> (i32, i32) {
    %c0_i32 = arith.constant 0 : i32
    %c0_i32_0 = arith.constant 0 : i32
    return %arg0, %c0_i32 : i32, i32
  }
  func.func @transform_1(%arg0: i32) -> (i32, i32) {
    %c0_i32 = arith.constant 0 : i32
    %c0_i32_0 = arith.constant 0 : i32
    return %arg0, %c0_i32 : i32, i32
  }
  func.func @transform_2(%arg0: i32) -> (i32, i32) {
    %c0_i32 = arith.constant 0 : i32
    %c0_i32_0 = arith.constant 0 : i32
    %c0_i32_1 = arith.constant 0 : i32
    return %c0_i32, %c0_i32_0 : i32, i32
  }
  func.func @transform_3(%arg0: i32) -> (i32, i32) {
    %c0_i32 = arith.constant 0 : i32
    %c0_i32_0 = arith.constant 0 : i32
    %c0_i32_1 = arith.constant 0 : i32
    return %c0_i32, %c0_i32_0 : i32, i32
  }
  func.func @transform_4(%arg0: i32) -> (i32, i32) {
    %c0_i32 = arith.constant 0 : i32
    %c0_i32_0 = arith.constant 0 : i32
    %c0_i32_1 = arith.constant 0 : i32
    return %c0_i32, %c0_i32_0 : i32, i32
  }
  func.func @transform_5(%arg0: i32) -> (i32, i32) {
    %c0_i32 = arith.constant 0 : i32
    %c0_i32_0 = arith.constant 0 : i32
    %c0_i32_1 = arith.constant 0 : i32
    return %c0_i32, %c0_i32_0 : i32, i32
  }
  func.func @transform_6(%arg0: i32) -> (i32, i32) {
    %c0_i32 = arith.constant 0 : i32
    %c0_i32_0 = arith.constant 0 : i32
    %c0_i32_1 = arith.constant 0 : i32
    return %c0_i32, %c0_i32_0 : i32, i32
  }
  func.func @transform_7(%arg0: i32) -> (i32, i32) {
    %c0_i32 = arith.constant 0 : i32
    %c0_i32_0 = arith.constant 0 : i32
    %c0_i32_1 = arith.constant 0 : i32
    return %c0_i32, %c0_i32_0 : i32, i32
  }
  func.func @transform_8(%arg0: i32) -> (i32, i32) {
    %c0_i32 = arith.constant 0 : i32
    %c0_i32_0 = arith.constant 0 : i32
    %c0_i32_1 = arith.constant 0 : i32
    return %c0_i32, %c0_i32_0 : i32, i32
  }
  func.func @transform_9(%arg0: i32) -> (i32, i32) {
    %c0_i32 = arith.constant 0 : i32
    %c0_i32_0 = arith.constant 0 : i32
    %c0_i32_1 = arith.constant 0 : i32
    return %c0_i32, %c0_i32_0 : i32, i32
  }
  func.func @transform_10(%arg0: i32) -> (i32, i32) {
    %c0_i32 = arith.constant 0 : i32
    %c0_i32_0 = arith.constant 0 : i32
    %c0_i32_1 = arith.constant 0 : i32
    return %c0_i32, %c0_i32_0 : i32, i32
  }
  func.func @transform_11(%arg0: i32) -> (i32, i32) {
    %c0_i32 = arith.constant 0 : i32
    %c0_i32_0 = arith.constant 0 : i32
    %c0_i32_1 = arith.constant 0 : i32
    return %c0_i32, %c0_i32_0 : i32, i32
  }
  func.func @transform_12(%arg0: i32) -> (i32, i32) {
    %c0_i32 = arith.constant 0 : i32
    %c0_i32_0 = arith.constant 0 : i32
    %c0_i32_1 = arith.constant 0 : i32
    return %c0_i32, %c0_i32_0 : i32, i32
  }
  func.func @transform_13(%arg0: i32) -> (i32, i32) {
    %c0_i32 = arith.constant 0 : i32
    %c0_i32_0 = arith.constant 0 : i32
    %c0_i32_1 = arith.constant 0 : i32
    return %c0_i32, %c0_i32_0 : i32, i32
  }
  func.func @transform_14(%arg0: i32) -> (i32, i32) {
    %c0_i32 = arith.constant 0 : i32
    %c0_i32_0 = arith.constant 0 : i32
    return %arg0, %c0_i32 : i32, i32
  }
  func.func @transform_15(%arg0: i32) -> (i32, i32, i32) {
    %c0_i32 = arith.constant 0 : i32
    %c0_i32_0 = arith.constant 0 : i32
    %c0_i32_1 = arith.constant 0 : i32
    return %c0_i32, %arg0, %c0_i32_0 : i32, i32, i32
  }
}

module attributes {stable_mosaic.version = 14 : i64} {
  func.func @_k4_body(%arg0: i32, %arg1: memref<4x2000x64xf32, #tpu.memory_space<vmem>>, %arg2: memref<256x256xf32, #tpu.memory_space<vmem>>, %arg3: memref<1x256xf32, #tpu.memory_space<vmem>>, %arg4: memref<2000x256xf32, #tpu.memory_space<vmem>>) attributes {dimension_semantics = [#tpu.dimension_semantics<arbitrary>], iteration_bounds = array<i64: 10>, scalar_prefetch = 0 : i64, scratch_operands = 0 : i64, tpu.core_type = #tpu.core_type<tc>, window_params = [{transform_indices = @transform_0, window_bounds = array<i64: 4, 2000, 64>}, {pipeline_mode = #tpu.pipeline_mode<synchronous>, transform_indices = @transform_1, window_bounds = array<i64: 256, 256>}, {pipeline_mode = #tpu.pipeline_mode<synchronous>, transform_indices = @transform_2, window_bounds = array<i64: 1, 256>}, {transform_indices = @transform_3, window_bounds = array<i64: 2000, 256>}]} {
    %get3A = arith.constant 0 : index
    %get3A_0 = arith.constant 0 : index
    %get3A_1 = arith.constant 0 : index
    %get3A_2 = vector.load %arg1[%get3A, %get3A_0, %get3A_1] : memref<4x2000x64xf32, #tpu.memory_space<vmem>>, vector<1x2000x64xf32>
    %get3A_3 = vector.shape_cast %get3A_2 : vector<1x2000x64xf32> to vector<2000x64xf32>
    %get3A_4 = arith.constant 1 : index
    %get3A_5 = arith.constant 0 : index
    %get3A_6 = arith.constant 0 : index
    %get3A_7 = vector.load %arg1[%get3A_4, %get3A_5, %get3A_6] : memref<4x2000x64xf32, #tpu.memory_space<vmem>>, vector<1x2000x64xf32>
    %get3A_8 = vector.shape_cast %get3A_7 : vector<1x2000x64xf32> to vector<2000x64xf32>
    %get3A_9 = arith.constant 2 : index
    %get3A_10 = arith.constant 0 : index
    %get3A_11 = arith.constant 0 : index
    %get3A_12 = vector.load %arg1[%get3A_9, %get3A_10, %get3A_11] : memref<4x2000x64xf32, #tpu.memory_space<vmem>>, vector<1x2000x64xf32>
    %get3A_13 = vector.shape_cast %get3A_12 : vector<1x2000x64xf32> to vector<2000x64xf32>
    %get3A_14 = arith.constant 3 : index
    %get3A_15 = arith.constant 0 : index
    %get3A_16 = arith.constant 0 : index
    %get3A_17 = vector.load %arg1[%get3A_14, %get3A_15, %get3A_16] : memref<4x2000x64xf32, #tpu.memory_space<vmem>>, vector<1x2000x64xf32>
    %get3A_18 = vector.shape_cast %get3A_17 : vector<1x2000x64xf32> to vector<2000x64xf32>
    %concatenate3A = tpu.concatenate %get3A_3, %get3A_8, %get3A_13, %get3A_18 in 1 : vector<2000x64xf32>, vector<2000x64xf32>, vector<2000x64xf32>, vector<2000x64xf32> -> vector<2000x256xf32>
    %get3A_19 = arith.constant 0 : index
    %get3A_20 = arith.constant 0 : index
    %get3A_21 = vector.load %arg2[%get3A_19, %get3A_20] : memref<256x256xf32, #tpu.memory_space<vmem>>, vector<256x256xf32>
    %dot_general3A = arith.constant dense<0.000000e+00> : vector<2000x256xf32>
    %dot_general3A_22 = tpu.matmul %concatenate3A, %get3A_21, %dot_general3A {dimension_numbers = #tpu.dot_dimension_numbers<[1], [0], [0], [1], [0, 0, 1, 1], [], []>, transpose_lhs_hint = false} : vector<2000x256xf32>, vector<256x256xf32>, vector<2000x256xf32> -> vector<2000x256xf32>
    %get3A_23 = arith.constant 0 : index
    %get3A_24 = arith.constant 0 : index
    %get3A_25 = vector.load %arg3[%get3A_23, %get3A_24] : memref<1x256xf32, #tpu.memory_space<vmem>>, vector<1x256xf32>
    %add3A = vector.broadcast %get3A_25 : vector<1x256xf32> to vector<2000x256xf32>
    %add3A_26 = arith.addf %dot_general3A_22, %add3A : vector<2000x256xf32>
    %swap3A = arith.constant 0 : index
    %swap3A_27 = arith.constant 0 : index
    %swap3A_28 = vector.load %arg4[%swap3A, %swap3A_27] : memref<2000x256xf32, #tpu.memory_space<vmem>>, vector<2000x256xf32>
    tpu.vector_store %arg4[%swap3A, %swap3A_27], %add3A_26 {strides = array<i32>} : memref<2000x256xf32, #tpu.memory_space<vmem>>, vector<2000x256xf32>,
    return
  }
  func.func @transform_0(%arg0: i32) -> (i32, i32, i32) {
    %c0_i32 = arith.constant 0 : i32
    %c0_i32_0 = arith.constant 0 : i32
    %c0_i32_1 = arith.constant 0 : i32
    return %c0_i32, %arg0, %c0_i32_0 : i32, i32, i32
  }
  func.func @transform_1(%arg0: i32) -> (i32, i32) {
    %c0_i32 = arith.constant 0 : i32
    %c0_i32_0 = arith.constant 0 : i32
    %c0_i32_1 = arith.constant 0 : i32
    return %c0_i32, %c0_i32_0 : i32, i32
  }
  func.func @transform_2(%arg0: i32) -> (i32, i32) {
    %c0_i32 = arith.constant 0 : i32
    %c0_i32_0 = arith.constant 0 : i32
    %c0_i32_1 = arith.constant 0 : i32
    return %c0_i32, %c0_i32_0 : i32, i32
  }
  func.func @transform_3(%arg0: i32) -> (i32, i32) {
    %c0_i32 = arith.constant 0 : i32
    %c0_i32_0 = arith.constant 0 : i32
    return %arg0, %c0_i32 : i32, i32
  }
}

</mosaic_0001>

<sc_bundles>
// kernel: kernel.6.cloned.1.call-start
scs
__scs_entry_jumppad:
0x0: {  	(pc) =	sbr.rel $0x88, $3  }
0x1: {  	(tag) =	ssettag $0x0;
	lr =	simm.s32 $0x1  }
0x2: {  	[smem:$0x3F8E] =	sst lr;
	_ =	strace $0xD0000000  }
0x3: {  	_ = 	snop  }
0x4: {  	_ = 	snop  }
0x5: {  	_ = 	snop  }
0x6: {  	_ = 	snop  }
0x7: {  	_ = 	snop  }
__scs_overlays_trampoline_lowered:
0x8: {  	[smem:$0x3F9D] =	sst s0  }
0x9: {  	[smem:$0x3F9E] =	sst s1  }
0xa: {  	[smem:$0x3F9F] =	sst s2  }
0xb: {  	[smem:$0x3FA0] =	sst s3  }
0xc: {  	[smem:$0x3FA1] =	sst s4  }
0xd: {  	[smem:$0x3FA2] =	sst s5  }
0xe: {  	[smem:$0x3FA3] =	sst s6  }
0xf: {  	[smem:$0x3FA4] =	sst s7  }
0x10: {  	[smem:$0x3FA5] =	sst s8  }
0x11: {  	[smem:$0x3FA6] =	sst s9;
	s0 =	simm.s32 @!p0 $0x0  }
0x12: {  	s1 =	sld [smem:$0x3F8C];
	s0 =	simm.s32 @p0 $0x1  }
0x13: {  	[smem:$0x3FA7] =	sst s0;
	s0 =	simm.s32 @!p1 $0x0  }
0x14: {  	s2 =	sld [smem:$0x3F8B];
	s0 =	simm.s32 @p1 $0x1  }
0x15: {  	[smem:$0x3FA8] =	sst s0;
	s0 =	simm.s32 @!p2 $0x0  }
0x16: {  	s3 =	sld [smem:$0x3FDB];
	s0 =	simm.s32 @p2 $0x1  }
0x17: {  	s4 =	simm.s32 $0x1BF5;
	[smem:$0x3FAA] =	sst s0  }
0x18: {  	s0 =	sld [smem:$0x3F8D];
	_ =	swait.ge [sflag:s4], $0x0  }
0x19: {  	s7 =	sld [smem:$0x3F8E]  }
0x1a: {  	s8 =	sadd.s32 $0xFFFFE003, lr  }
0x1b: {  	s9 =	sadd.s32 $0xFFFFFEF7, lr;
	s5 =	simm.s32 $0xFFFFFFFF;
	p2 =	slt.u32 s8, $0xFFFFF086  }
0x1c: {  	p1 =	slt.u32 s9, $0xF7A;
	s5 =	simm.s32 @!p2 $0x0  }
0x1d: {  	s5 =	simm.s32 @p1 $0x1;
	p0 =	seq.s32 s7, s2  }
0x1e: {  	s7 =	smul.u32 @!p0 $0xF7A, s2;
	p2 =	seq.s32 @!p0 s5, $0x0  }
0x1f: {  	s9 =	smul.u32 $0xF7A, s1;
	s8 =	simm.s32 @!p0 $0x1BF5;
	p2 =	por !p2, p0  }
0x20: {  	[sflag:s8] =	ssyncset.s32 @!p0 $0xFFFFF086;
	s6 =	sadd.s32 @!p0 s3, s7;
	s7 =	simm.s32 @!p0 $0x108  }
0x21: {  	s3 =	sadd.s32 s3, s9;
	s6 =	sadd.s32 @!p0 $0x88, s6;
	s7 =	simm.s32 @p2 $0x1082  }
0x22: {  	[simem:s7], [sflag:s8] =	dma.local @!p0 [hbm:s6], $0xF7A  }
0x23: {  	s9 =	sor.u32 $0xD0000000, s2;
	s6 =	simm.s32 $0x108;
	_ =	swait.ge @!p0 [sflag:s8], $0x0  }
0x24: {  	s3 =	sadd.s32 $0x88, s3;
	s6 =	simm.s32 @!p1 $0x1082;
	[sflag:s4] =	ssyncset.s32 $0xFFFFF086  }
0x25: {  	[simem:s6], [sflag:s4] =	dma.local [hbm:s3], $0xF7A  }
0x26: {  	[smem:$0x3F8E] =	sst s1;
	(tag) =	ssettag s2;
	_ =	strace s9  }
0x27: {  	s1 =	sld [smem:$0x3F9E]  }
0x28: {  	s2 =	sld [smem:$0x3F9F]  }
0x29: {  	s4 =	sld [smem:$0x3FA1]  }
0x2a: {  	p0 =	seq.s32 s5, $0x0;
	s5 =	sld [smem:$0x3FA2]  }
0x2b: {  	s6 =	sld [smem:$0x3FA3]  }
0x2c: {  	s7 =	sld [smem:$0x3FA4]  }
0x2d: {  	s3 =	simm.s32 $0x108;
	s8 =	sld [smem:$0x3FA5]  }
0x2e: {  	s3 =	simm.s32 @!p0 $0x1082;
	s9 =	sld [smem:$0x3FA6]  }
0x2f: {  	lr =	sadd.s32 s0, s3;
	s0 =	sld [smem:$0x3F9D]  }
0x30: {  	s3 =	sld [smem:$0x3FA0]  }
0x31: {  	[smem:$0x3FA9] =	sst s10  }
0x32: {  	s10 =	sld [smem:$0x3FA7];
	_ =	sdelay $0x3  }
0x33: {  	p0 =	seq.s32 s10, $0x1;
	s10 =	sld [smem:$0x3FA9];
	_ =	sdelay $0x3  }
0x34: {  	[smem:$0x3FA9] =	sst s10  }
0x35: {  	s10 =	sld [smem:$0x3FA8];
	_ =	sdelay $0x3  }
0x36: {  	p1 =	seq.s32 s10, $0x1;
	s10 =	sld [smem:$0x3FA9];
	_ =	sdelay $0x3  }
0x37: {  	[smem:$0x3FA9] =	sst s10  }
0x38: {  	s10 =	sld [smem:$0x3FAA]  }
0x39: {  	_ = 	snop;
	(pc) =	sbr.ind lr, $3  }
0x3a: {  	_ = 	snop  }
0x3b: {  	_ = 	snop  }
0x3c: {  	p2 =	seq.s32 s10, $0x1;
	s10 =	sld [smem:$0x3FA9]  }
0x3d: {  	_ =	shalt  }
0x3e: {  	_ =	shalt  }
0x3f: {  	_ =	shalt  }
0x40: {  	_ =	shalt  }
0x41: {  	_ =	shalt  }
0x42: {  	_ =	shalt  }
0x43: {  	_ =	shalt  }
0x44: {  	_ =	shalt  }
0x45: {  	_ =	shalt  }
0x46: {  	_ =	shalt  }
0x47: {  	_ =	shalt  }
0x48: {  	_ =	shalt  }
0x49: {  	_ =	shalt  }
0x4a: {  	_ =	shalt  }
0x4b: {  	_ =	shalt  }
0x4c: {  	_ =	shalt  }
0x4d: {  	_ =	shalt  }
0x4e: {  	_ =	shalt  }
0x4f: {  	_ =	shalt  }
0x50: {  	_ =	shalt  }
0x51: {  	_ =	shalt  }
0x52: {  	_ =	shalt  }
0x53: {  	_ =	shalt  }
0x54: {  	_ =	shalt  }
0x55: {  	_ =	shalt  }
0x56: {  	_ =	shalt  }
0x57: {  	_ =	shalt  }
0x58: {  	_ =	shalt  }
0x59: {  	_ =	shalt  }
0x5a: {  	_ =	shalt  }
0x5b: {  	_ =	shalt  }
0x5c: {  	_ =	shalt  }
0x5d: {  	_ =	shalt  }
0x5e: {  	_ =	shalt  }
0x5f: {  	_ =	shalt  }
0x60: {  	_ =	shalt  }
0x61: {  	_ =	shalt  }
0x62: {  	_ =	shalt  }
0x63: {  	_ =	shalt  }
0x64: {  	_ =	shalt  }
0x65: {  	_ =	shalt  }
0x66: {  	_ =	shalt  }
0x67: {  	_ =	shalt  }
0x68: {  	_ =	shalt  }
0x69: {  	_ =	shalt  }
0x6a: {  	_ =	shalt  }
0x6b: {  	_ =	shalt  }
0x6c: {  	_ =	shalt  }
0x6d: {  	_ =	shalt  }
0x6e: {  	_ =	shalt  }
0x6f: {  	_ =	shalt  }
0x70: {  	_ =	shalt  }
0x71: {  	_ =	shalt  }
0x72: {  	_ =	shalt  }
0x73: {  	_ =	shalt  }
0x74: {  	_ =	shalt  }
0x75: {  	_ =	shalt  }
0x76: {  	_ =	shalt  }
0x77: {  	_ =	shalt  }
0x78: {  	_ =	shalt  }
0x79: {  	_ =	shalt  }
0x7a: {  	_ =	shalt  }
0x7b: {  	_ =	shalt  }
0x7c: {  	_ =	shalt  }
0x7d: {  	_ =	shalt  }
0x7e: {  	_ =	shalt  }
0x7f: {  	_ =	shalt  }
0x80: {  	_ =	shalt  }
0x81: {  	_ =	shalt  }
0x82: {  	_ =	shalt  }
0x83: {  	_ =	shalt  }
0x84: {  	_ =	shalt  }
0x85: {  	_ =	shalt  }
0x86: {  	_ =	shalt  }
0x87: {  	_ =	shalt  }
.Lfunc_end0:
.L_simem_size_0:
called_computation_lowered:
.L_overlay_start_0:
0x88: {  	s2 =	sld [smem:$0x3FD9]  }
0x89: {  	s3 =	sld [smem:$0x3FFE];
	_ =	sdelay $0x1  }
0x8a: {  	s1 =	srdreg.scid  }
0x8b: {  	s0 =	sand.u32 $0x1, s1  }
0x8c: {  	s17 =	sshll.u32 s0, $0xA;
	s2 =	sadd.s32 s3, s2  }
0x8d: {  	s2 =	sadd.s32 s2, s17  }
0x8e: {  	[smem:$0x3FB5] =	sst s2  }
0x8f: {  	_ = 	snop  }
0x90: {  	s2 =	sld [smem:$0x3FD0];
	(tm) =	ssettm $0x1  }
0x91: {  	s18 =	sld [smem:$0x3FFB];
	_ =	sdelay $0x3  }
0x92: {  	_ =	strace s18  }
0x93: {  	s3 =	sld [smem:$0x3FFC];
	_ =	sdelay $0x3  }
0x94: {  	_ =	strace s3  }
0x95: {  	s3 =	sld [smem:$0x3FFD];
	_ =	sdelay $0x3  }
0x96: {  	_ =	strace s3  }
0x97: {  	_ =	strace $0x8FFFFFFF  }
0x98: {  	s19 =	sld [smem:$0x3FDB];
	_ =	sdelay $0x1  }
0x99: {  	s4 =	simm.s32 $_scs_section_size  }
0x9a: {  	s5 =	simm.s32 $_size__tile_overlayer_lowered;
	s6 =	simm.s32 $_tile_overlayer_lowered  }
0x9b: {  	s22 =	simm.s32 $0x1BFF;
	s21 =	sshll.u32 s6, $0x1;
	s3 =	sadd.s32 s4, s19  }
0x9c: {  	s7 =	simm.s32 $0x0;
	s20 =	sshll.u32 s5, $0x1;
	s5 =	sadd.s32 s21, s3  }
0x9d: {  	[timem:s7], [sflag:s22] =	dma.local [hbm:s5], s20  }
0x9e: {  	_ =	swait.ge [sflag:s22], s20  }
0x9f: {  	s4 =	ssub.s32 $0x0, s20;
	[sflag:s22] =	ssyncset.done $0x0  }
0xa0: {  	[sflag:s22] =	ssyncadd.s32 s4;
	_ =	sdelay $0x1  }
0xa1: {  	s23 =	simm.s32 $0x1B8B  }
0xa2: {  	_ =	swait.ge [sflag:s23], $0x1  }
0xa3: {  	[sflag:s23] =	ssyncset.done $0x0  }
0xa4: {  	s25 =	simm.s32 $0x1B8E;
	s24 =	sld [smem:$0x3FFE];
	[sflag:s23] =	ssyncadd.s32 $0xFFFFFFFF  }
0xa5: {  	s26 =	simm.s32 $execute0_lowered;
	[smem:$0x3FD2] =	sst s25  }
0xa6: {  	s5 =	sshll.u32 s26, $0x1;
	_ =	strace $0x80000046;
	[dreg:$0x1] =	wrdreg $0xFFFFFFFF  }
0xa7: {  	s28 =	simm.s32 $_size_execute0_lowered;
	s3 =	sadd.s32 s3, s5;
	[dreg:$0x0] =	wrdreg $0x0  }
0xa8: {  	s5 =	sshll.u32 s28, $0x1;
	[dreg:$0x2] =	wrdreg s3  }
0xa9: {  	[dreg:$0x3] =	wrdreg s5  }
0xaa: {  	[dreg:$0x4] =	wrdreg $0xC0  }
0xab: {  	_ =	task [dreg:s7], $0x5FFFF  }
0xac: {  	[dreg:$0x1] =	wrdreg $0xFFFFFFFF  }
0xad: {  	[dreg:$0x0] =	wrdreg $0x60  }
0xae: {  	[dreg:$0x2] =	wrdreg s24  }
0xaf: {  	[dreg:$0x3] =	wrdreg s2  }
0xb0: {  	[dreg:$0x4] =	wrdreg $0x7E000  }
0xb1: {  	[dreg:$0x5] =	wrdreg $0x9  }
0xb2: {  	_ =	task.clear_ibuf [dreg:s7], $0x6FFFF;
	_ =	strace $0x90000046  }
0xb3: {  	s29 =	simm.s32 $0x9;
	_ =	strace $0x80000048  }
0xb4: {  	_ =	swait.ge [sflag:s29], $0x1  }
0xb5: {  	[sflag:s29] =	ssyncadd.s32 $0xFFFFFFFF  }
0xb6: {  	_ =	strace $0x90000048  }
0xb7: {  	_ =	sfence  }
0xb8: {  	s30 =	sld [smem:$0x0];
	_ =	sdelay $0x2  }
0xb9: {  	s31 =	sshll.u32 s1, $0xD;
	s1 =	sshrl.u32 s1, $0x2  }
0xba: {  	s3 =	sand.u32 $0x4000, s31;
	s1 =	sadd.s32 s1, s30  }
0xbb: {  	s0 =	sor.u32 s3, s0;
	s1 =	sshll.u32 s1, $0x11  }
0xbc: {  	s0 =	sor.u32 s1, s0  }
0xbd: {  	s0 =	sadd.s32 $0x8F2B, s0  }
0xbe: {  	[sflag:s0] =	ssyncadd.remote.s32 $0x1  }
0xbf: {  	_ =	sfence.sel $0xFFFF  }
0xc0: {  	[dreg:$0x0] =	wrdreg $0xFFFFFFFF;
	(pc) =	sbr.abs _section_cstart, $3  }
0xc1: {  	[dreg:$0x1] =	wrdreg $0xFFFFFFFF  }
0xc2: {  	_ =	task.clear_ibuf [dreg:s7], $0x2FFFF;
	_ =	strace $0x9FFFFFFF  }
0xc3: {  	(tm) =	ssettm $0x7FFFFFFF  }
tec
execute0_lowered:
.L_overlay_start_1:
0x0: {  	(tag) =	ssettag $0x1  }
0x1: {  	s0 =	rddreg [dreg:$0x0]  }
0x2: {  	s1 =	rddreg [dreg:$0x1]  }
0x3: {  	s2 =	rddreg [dreg:$0x2]  }
0x4: {  	s4 =	simm.s32 $0x0;
	s25 =	stileid.u32;
	s3 =	srdreg.scid  }
0x5: {  	[smem:$0x7FF] =	sst s4;
	s9 =	smul.u32 $0x13800, s25  }
0x6: {  	s8 =	smul.u32 $0x4E000, s25;
	s3 =	sand.u32 $0x1, s3;
	s18 =	sadd.s32 $0x63300, s0  }
0x7: {  	_ =	strace $0x80000047;
	[dreg:$0x5] =	wrdreg s18;
	s13 =	sshrl.u32 s9, $0x3  }
0x8: {  	s26 =	sadd.s32 s9, s2;
	s19 =	sadd.s32 $0x3400, s9;
	s20 =	sadd.s32 $0x6800, s9  }
0x9: {  	s14 =	sadd.s32 $0x9C00, s9;
	s15 =	sadd.s32 $0xD000, s9;
	s9 =	sadd.s32 $0x10400, s9  }
0xa: {  	s10 =	sadd.s32 $0x15200, s0;
	s17 =	sadd.s32 s9, s2;
	[dreg:$0x19] =	wrdreg s26  }
0xb: {  	s16 =	sadd.s32 s10, s13;
	s13 =	sadd.s32 $0x8A400, s0;
	[dreg:$0xa] =	wrdreg s17  }
0xc: {  	s11 =	ssub.s32 $0x2, s3;
	s8 =	sshrl.u32 s8, $0x2;
	[dreg:$0x11] =	wrdreg s13  }
0xd: {  	s28 =	sadd.s32 s8, s2;
	s8 =	sadd.s32 s19, s2;
	[dreg:$0x4] =	wrdreg s16  }
0xe: {  	s12 =	sshrl.u32 s11, $0x1;
	s29 =	sadd.s32 s20, s2;
	[dreg:$0x6] =	wrdreg s8  }
0xf: {  	s11 =	ssub.s32 s11, s12;
	s30 =	sadd.s32 s14, s2;
	[dreg:$0x7] =	wrdreg s29  }
0x10: {  	s31 =	sadd.s32 s15, s2;
	s12 =	sshrl.u32 s19, $0x3;
	[dreg:$0x8] =	wrdreg s30  }
0x11: {  	s23 =	sshrl.u32 s15, $0x3;
	s12 =	sadd.s32 s10, s12;
	[dreg:$0x9] =	wrdreg s31  }
0x12: {  	s9 =	sshrl.u32 s9, $0x3;
	s24 =	sadd.s32 s10, s23;
	[dreg:$0xb] =	wrdreg s12  }
0x13: {  	s9 =	sadd.s32 s10, s9;
	[dreg:$0xe] =	wrdreg s24  }
0x14: {  	s22 =	sshrl.u32 s14, $0x3;
	s14 =	smax.u32 s11, $0x1;
	[dreg:$0xf] =	wrdreg s9  }
0x15: {  	s15 =	sadd.s32 $0x6800, s28;
	[dreg:$0x13] =	wrdreg s14  }
0x16: {  	s17 =	sadd.s32 $0x9C00, s28;
	[dreg:$0x15] =	wrdreg s15  }
0x17: {  	s18 =	sadd.s32 $0xD000, s28;
	[dreg:$0x16] =	wrdreg s17  }
0x18: {  	s19 =	sadd.s32 $0x27100, s16;
	[dreg:$0x17] =	wrdreg s18  }
0x19: {  	s21 =	sshrl.u32 s20, $0x3;
	s20 =	sadd.s32 $0x27780, s16;
	[dreg:$0x1b] =	wrdreg s19  }
0x1a: {  	s23 =	sadd.s32 $0x28B00, s16;
	[dreg:$0x1c] =	wrdreg s20  }
0x1b: {  	s11 =	sadd.s32 $0x4E880, s16;
	[dreg:$0x1f] =	wrdreg s23  }
0x1c: {  	s13 =	sadd.s32 $0x10400, s28;
	[smem:$0x7F3] =	sst s11  }
0x1d: {  	s12 =	sadd.s32 s10, s21;
	[dreg:$0x18] =	wrdreg s13  }
0x1e: {  	s21 =	sadd.s32 $0x27E00, s16;
	[dreg:$0xc] =	wrdreg s12  }
0x1f: {  	s24 =	sadd.s32 $0x29180, s16;
	[dreg:$0x1d] =	wrdreg s21  }
0x20: {  	s9 =	sadd.s32 $0x4E200, s16;
	[smem:$0x7F1] =	sst s24  }
0x21: {  	s15 =	sadd.s32 $0x4F580, s16;
	[smem:$0x7F2] =	sst s9  }
0x22: {  	s5 =	sadd.s32 $0x272600, s0;
	s17 =	sadd.s32 $0x4FC00, s16;
	[smem:$0x7F5] =	sst s15  }
0x23: {  	s6 =	sadd.s32 $0xB400, s0;
	s18 =	sadd.s32 $0x50280, s16;
	[smem:$0x7F6] =	sst s17  }
0x24: {  	s7 =	sadd.s32 $0x1600, s0;
	s19 =	sadd.s32 $0x75300, s16;
	[smem:$0x7F7] =	sst s18  }
0x25: {  	p1 =	sne.s32 s25, $0xF;
	s20 =	sadd.s32 $0x75980, s16;
	[smem:$0x7F8] =	sst s19  }
0x26: {  	p2 =	seq.s32 s25, $0xF;
	s23 =	sadd.s32 $0x76D00, s16;
	[smem:$0x7F9] =	sst s20  }
0x27: {  	p0 =	sne.s32 s3, $0x0;
	s14 =	sadd.s32 $0x138000, s2;
	[smem:$0x7FC] =	sst s23  }
0x28: {  	s3 =	simm.s32 $0x2A00;
	s12 =	sadd.s32 s10, s22;
	[dreg:$0x1a] =	wrdreg s14  }
0x29: {  	s10 =	smul.u32 $0x4E80, s25;
	s22 =	sadd.s32 $0x28480, s16;
	[dreg:$0xd] =	wrdreg s12  }
0x2a: {  	s21 =	sadd.s32 $0x76000, s16;
	s24 =	sadd.s32 $0x77380, s16;
	[dreg:$0x1e] =	wrdreg s22  }
0x2b: {  	s19 =	simm.s32 $0x4A00;
	s20 =	simm.s32 $0x3;
	[smem:$0x7FA] =	sst s21  }
0x2c: {  	s17 =	simm.s32 $0x180;
	s12 =	sadd.s32 $0x3C200, s0;
	[smem:$0x7FD] =	sst s24  }
.Ltmp0:
0x2d: {  	s0 =	sadd.s32 $0xB1500, s0;
	[dreg:$0x10] =	wrdreg s12;
	(pc) =	sbr.rel .LBB2_1-.Ltmp0, $4  }
0x2e: {  	s23 =	simm.s32 $0xA00;
	s22 =	sadd.s32 $0x76680, s16;
	[dreg:$0x12] =	wrdreg s0  }
0x2f: {  	v0 =	vimm.f32 $0.0e+00;
	v1 =	vimm.s32 $0x0;
	v2 =	vimm.s32 $0x1;
	s18 =	simm.s32 $0x1;
	s12 =	sadd.s32 $0x4EF00, s16;
	[smem:$0x7FB] =	sst s22  }
0x30: {  	v3 =	vimm.s32 $0x4;
	v4 =	vimm.s32 $0x5;
	v5 =	vimm.s32 $0x2;
	s21 =	simm.s32 $0x80;
	s0 =	sadd.s32 $0x3400, s28;
	[smem:$0x7F4] =	sst s12  }
0x31: {  	v6 =	vimm.s32 $0x3;
	v7 =	vimm.s32 $0x6;
	v8 =	vimm.s32 $0x7;
	s24 =	simm.s32 $0x2;
	s22 =	simm.s32 $0x100;
	[dreg:$0x14] =	wrdreg s0  }
.LBB2_22:
0x32: {  	s12 =	sshrl.u32 s14, $0x3  }
0x33: {  	[hbm:s9], [sflag:s11] =	dma.local [spmem:s12], $0x100  }
0x34: {  	_ =	swait.ge [sflag:s20], $0x100  }
0x35: {  	[sflag:s20] =	ssyncset.done $0x0  }
0x36: {  	[sflag:s20] =	ssyncadd.s32 $0xFFFFFF00  }
.LBB2_23:
0x37: {  	s4 =	sadd.s32 $0x1, s4;
	s0 =	rddreg [dreg:$0x13]  }
0x38: {  	p3 =	sne.s32 s4, s0  }
.Ltmp1:
0x39: {  	_ = 	snop;
	(pc) =	sbr.rel @!p3 .LBB2_24-.Ltmp1, $3  }
0x3a: {  	_ =	sdelay $0x1  }
0x3b: {  	[bflag:$0x0] =	sbarrier.arrive $0xFFFF  }
0x3c: {  	s0 =	rddreg [dreg:$0x14]  }
.LBB2_1:
0x3d: {  	s11 =	simm.s32 $0x100;
	s9 =	simm.s32 $0x0  }
.LBB2_2:
0x3e: {  	p3 =	sne.s32 s11, $0xCF00;
	[tilespmem:s9+$0x4A30] =	vst v0;
	s12 =	smov.u32 s11;
	s11 =	sadd.s32 $0x100, s11  }
.Ltmp2:
0x3f: {  	[tilespmem:s9+$0x4A20] =	vst v0;
	(pc) =	sbr.rel @p3 .LBB2_2-.Ltmp2, $3  }
0x40: {  	[tilespmem:s9+$0x4A00] =	vst v0  }
0x41: {  	[tilespmem:s9+$0x4A10] =	vst v0;
	_ =	sdelay $0x1  }
0x42: {  	s9 =	sshra.s32 s12, $0x2  }
.Ltmp3:
0x43: {  	(pc) =	sbr.rel @p0 .LBB2_13-.Ltmp3, $4  }
0x44: {  	[tilespmem:s9+$0x4A30] =	vst v0  }
0x45: {  	[tilespmem:s9+$0x4A20] =	vst v0  }
0x46: {  	[tilespmem:s9+$0x4A00] =	vst v0  }
0x47: {  	[tilespmem:s9+$0x4A10] =	vst v0;
	s12 =	sshrl.u32 @!p1 s14, $0x3  }
0x48: {  	[spmem:s26] =	stream.linear.scatter [tilespmem:s19], [sflag:$0x3], $0x3400, $0x38;
	[tilespmem:$0x1B6C0] =	vst v63  }
0x49: {  	_ =	swait.ge [sflag:s20], $0x3400  }
0x4a: {  	[sflag:s20] =	ssyncset.done $0x0  }
0x4b: {  	[sflag:s20] =	ssyncadd.s32 $0xFFFFCC00  }
0x4c: {  	[spmem:s8] =	stream.linear.scatter [tilespmem:s19], [sflag:$0x3], $0x3400, $0x38;
	[tilespmem:$0x1B6C0] =	vst v63  }
0x4d: {  	_ =	swait.ge [sflag:s20], $0x3400  }
0x4e: {  	[sflag:s20] =	ssyncset.done $0x0  }
0x4f: {  	[sflag:s20] =	ssyncadd.s32 $0xFFFFCC00  }
0x50: {  	[spmem:s29] =	stream.linear.scatter [tilespmem:s19], [sflag:$0x3], $0x3400, $0x38;
	[tilespmem:$0x1B6C0] =	vst v63  }
0x51: {  	_ =	swait.ge [sflag:s20], $0x3400  }
0x52: {  	[sflag:s20] =	ssyncset.done $0x0  }
0x53: {  	[sflag:s20] =	ssyncadd.s32 $0xFFFFCC00  }
0x54: {  	[spmem:s30] =	stream.linear.scatter [tilespmem:s19], [sflag:$0x3], $0x3400, $0x38;
	[tilespmem:$0x1B6C0] =	vst v63  }
0x55: {  	_ =	swait.ge [sflag:s20], $0x3400  }
0x56: {  	[sflag:s20] =	ssyncset.done $0x0  }
0x57: {  	[sflag:s20] =	ssyncadd.s32 $0xFFFFCC00  }
0x58: {  	[spmem:s31] =	stream.linear.scatter [tilespmem:s19], [sflag:$0x3], $0x3400, $0x38;
	[tilespmem:$0x1B6C0] =	vst v63  }
0x59: {  	_ =	swait.ge [sflag:s20], $0x3400  }
0x5a: {  	[sflag:s20] =	ssyncset.done $0x0  }
0x5b: {  	s0 =	rddreg [dreg:$0xa];
	[sflag:s20] =	ssyncadd.s32 $0xFFFFCC00  }
0x5c: {  	[spmem:s0] =	stream.linear.scatter [tilespmem:s19], [sflag:$0x3], $0x3400, $0x38;
	[tilespmem:$0x1B6C0] =	vst v63  }
0x5d: {  	_ =	swait.ge [sflag:s20], $0x3400  }
0x5e: {  	[sflag:s20] =	ssyncset.done $0x0  }
0x5f: {  	s9 =	simm.s32 @!p1 $0x4A00;
	[sflag:s20] =	ssyncadd.s32 $0xFFFFCC00  }
0x60: {  	[spmem:s14] =	stream.linear.scatter @!p1 [tilespmem:s9], [sflag:$0x3], $0x800, $0x38;
	[tilespmem:$0x1B6C0] =	vst v63  }
0x61: {  	s9 =	simm.s32 @!p1 $0x3  }
0x62: {  	_ =	swait.ge @!p1 [sflag:s9], $0x800  }
0x63: {  	[sflag:s9] =	ssyncset.done @!p1 $0x0  }
0x64: {  	[sflag:s9] =	ssyncadd.s32 @!p1 $0xFFFFF800  }
0x65: {  	s11 =	simm.s32 $0x0;
	s9 =	simm.s32 $0x0;
	[bflag:$0x0] =	sbarrier.arrive $0xFFFF  }
.LBB2_5:
0x66: {  	s13 =	sshll.u32 s11, $0x7  }
0x67: {  	s13 =	sadd.s32 s10, s13  }
0x68: {  	s13 =	sshrl.u32 s13, $0x3  }
0x69: {  	s14 =	sadd.s32 s6, s13  }
0x6a: {  	[tilespmem:s9], [sflag:$0x3] =	stream.linear.gather [hbm4b:s14+s9], $0x80, $0x38;
	[tilespmem:$0x1B6C0] =	vst v63  }
0x6b: {  	_ =	swait.ge [sflag:s20], $0x80  }
0x6c: {  	[sflag:s20] =	ssyncset.done $0x0  }
0x6d: {  	s13 =	sadd.s32 s7, s13;
	[sflag:s20] =	ssyncadd.s32 $0xFFFFFF80  }
0x6e: {  	[tilespmem:s21], [sflag:$0x3] =	stream.linear.gather [hbm4b:s13+s9], $0x80, $0x38;
	[tilespmem:$0x1B6C0] =	vst v63  }
0x6f: {  	_ =	swait.ge [sflag:s20], $0x80  }
0x70: {  	[sflag:s20] =	ssyncset.done $0x0  }
0x71: {  	[sflag:s20] =	ssyncadd.s32 $0xFFFFFF80  }
0x72: {  	v9 =	vld [tilespmem:$0x0]  }
0x73: {  	v10 =	vld [tilespmem:$0x10]  }
0x74: {  	v13 =	vld [tilespmem:$0x20]  }
0x75: {  	v14 =	vld [tilespmem:$0x80]  }
0x76: {  	v15 =	vld [tilespmem:$0x90]  }
0x77: {  	v16 =	vld [tilespmem:$0x30]  }
0x78: {  	v18 =	vld [tilespmem:$0x40]  }
0x79: {  	v20 =	vld [tilespmem:$0xA0]  }
0x7a: {  	v42 =	vld [tilespmem:$0x50]  }
0x7b: {  	v23 =	vld [tilespmem:$0x60]  }
0x7c: {  	v44 =	vld [tilespmem:$0x70]  }
0x7d: {  	v46 =	vld [tilespmem:$0xD0]  }
0x7e: {  	v52 =	vld [tilespmem:$0xE0]  }
0x7f: {  	v56 =	vld [tilespmem:$0xF0];
	v11 =	vcvt.s32.f32 v9  }
0x80: {  	v12 =	vcvt.s32.f32 v10;
	v17 =	vcvt.s32.f32 v13;
	v14 =	vmul.u32 $0x1B, v14  }
0x81: {  	v15 =	vmul.u32 $0x1B, v15;
	v21 =	vcvt.s32.f32 v16;
	v41 =	vcvt.s32.f32 v18  }
0x82: {  	v20 =	vmul.u32 $0x1B, v20;
	v25 =	vcvt.s32.f32 v42;
	v48 =	vcvt.s32.f32 v23  }
0x83: {  	v50 =	vcvt.s32.f32 v44;
	v55 =	vmul.u32 $0x1B, v46;
	v60 =	vmul.u32 $0x1B, v52  }
0x84: {  	v62 =	vmul.u32 $0x1B, v56;
	v11 =	vmul.f32 $3.703703730e-02, v11;
	v12 =	vmul.f32 $3.703703730e-02, v12  }
0x85: {  	v43 =	vld [tilespmem:$0xC0];
	v17 =	vmul.f32 $3.703703730e-02, v17;
	v9 =	vadd.s32 v9, v14;
	v10 =	vadd.s32 v10, v15  }
0x86: {  	v38 =	vmul.f32 $3.703703730e-02, v21;
	v47 =	vmul.f32 $3.703703730e-02, v25;
	v11 =	vadd.f32 $9.999999770e-03, v11  }
0x87: {  	v49 =	vmul.f32 $3.703703730e-02, v48;
	v12 =	vadd.f32 $9.999999770e-03, v12;
	v17 =	vadd.f32 $9.999999770e-03, v17  }
0x88: {  	v40 =	vld [tilespmem:$0xB0];
	v53 =	vmul.f32 $3.703703730e-02, v50;
	v15 =	vadd.f32 $9.999999770e-03, v38;
	v11 =	vtrunc.f32 v11  }
0x89: {  	v13 =	vadd.s32 v13, v20;
	v12 =	vtrunc.f32 v12;
	v39 =	vtrunc.f32 v17  }
0x8a: {  	v20 =	vmul.u32 $0x1B, v43;
	v15 =	vtrunc.f32 v15;
	v11 =	vcvt.f32.s32 v11  }
0x8b: {  	v58 =	vadd.s32 v42, v55;
	v12 =	vcvt.f32.s32 v12;
	v14 =	vcvt.f32.s32 v39  }
0x8c: {  	v57 =	vadd.f32 $9.999999770e-03, v53;
	v15 =	vcvt.f32.s32 v15;
	v19 =	vmul.u32 $0xFFFFFFE5, v11  }
0x8d: {  	v17 =	vmul.u32 $0x1B, v40;
	v37 =	vmul.u32 $0xFFFFFFE5, v12;
	v22 =	vmul.u32 $0xFFFFFFE5, v14  }
0x8e: {  	v24 =	vmul.u32 $0xFFFFFFE5, v15;
	v9 =	vadd.s32 v19, v9;
	v19 =	vmul.f32 $3.703703730e-02, v41  }
0x8f: {  	v16 =	vadd.s32 v16, v17;
	[tilespmem:$0x180] =	vst v11;
	v10 =	vadd.s32 v37, v10;
	v13 =	vadd.s32 v22, v13  }
0x90: {  	[tilespmem:$0x190] =	vst v12;
	v16 =	vadd.s32 v24, v16;
	vm0 =	vlt.s32 v9, $0x83D5F;
	v19 =	vadd.f32 $9.999999770e-03, v19  }
0x91: {  	[tilespmem:$0x1A0] =	vst v14;
	vm9 =	vlt.s32 v10, $0x83D5F;
	vm10 =	vlt.s32 v13, $0x83D5F;
	v9 =	vnsel vm0, $0x83D5F, v9  }
0x92: {  	vm11 =	vlt.s32 v16, $0x83D5F;
	v10 =	vnsel vm9, $0x83D5F, v10;
	[tilespmem:$0x100] =	vst v9;
	v45 =	vtrunc.f32 v19  }
0x93: {  	v13 =	vnsel vm10, $0x83D5F, v13;
	v9 =	vadd.f32 $9.999999770e-03, v47;
	[tilespmem:$0x110] =	vst v10;
	v17 =	vcvt.f32.s32 v45  }
0x94: {  	v11 =	vnsel vm11, $0x83D5F, v16;
	v10 =	vadd.f32 $9.999999770e-03, v49;
	[tilespmem:$0x120] =	vst v13;
	v13 =	vtrunc.f32 v57  }
0x95: {  	[tilespmem:$0x1B0] =	vst v15;
	v13 =	vcvt.f32.s32 v13;
	v9 =	vtrunc.f32 v9;
	v51 =	vmul.u32 $0xFFFFFFE5, v17  }
0x96: {  	v18 =	vadd.s32 v18, v20;
	[tilespmem:$0x130] =	vst v11;
	v10 =	vtrunc.f32 v10;
	v9 =	vcvt.f32.s32 v9  }
0x97: {  	v10 =	vcvt.f32.s32 v10;
	v63 =	vmul.u32 $0xFFFFFFE5, v13;
	[tilespmem:$0x1F0] =	vst v13;
	v54 =	vadd.s32 v51, v18  }
0x98: {  	v12 =	vadd.s32 v44, v62;
	[tilespmem:$0x1C0] =	vst v17;
	v59 =	vmul.u32 $0xFFFFFFE5, v9;
	vm12 =	vlt.s32 v54, $0x83D5F  }
0x99: {  	v61 =	vmul.u32 $0xFFFFFFE5, v10;
	[tilespmem:$0x1D0] =	vst v9;
	v9 =	vadd.s32 v63, v12;
	v11 =	vnsel vm12, $0x83D5F, v54  }
0x9a: {  	vm15 =	vlt.s32 v9, $0x83D5F;
	v14 =	vadd.s32 v59, v58;
	[tilespmem:$0x140] =	vst v11;
	v11 =	vadd.s32 v23, v60  }
0x9b: {  	[tilespmem:$0x1E0] =	vst v10;
	v9 =	vnsel vm15, $0x83D5F, v9;
	vm13 =	vlt.s32 v14, $0x83D5F;
	v11 =	vadd.s32 v61, v11  }
0x9c: {  	[tilespmem:$0x170] =	vst v9;
	v14 =	vnsel vm13, $0x83D5F, v14;
	vm14 =	vlt.s32 v11, $0x83D5F  }
0x9d: {  	[tilespmem:$0x150] =	vst v14;
	v11 =	vnsel vm14, $0x83D5F, v11  }
0x9e: {  	s14 =	simm.s32 $0x200;
	[tilespmem:$0x160] =	vst v11  }
0x9f: {  	[tilespmem:s14], [sflag:$0x1] =	stream.indirect.gather [hbm4b:s5+s21], $0x10, s22, s21, $0xb8;
	[tilespmem:$0x1B6C0] =	vst v63  }
0xa0: {  	_ = 	snop  }
0xa1: {  	[tilespmem:s23], [sflag:$0x2] =	stream.indirect.gather [hbm4b:s1+s21], $0x40, s17, s21, $0xb8;
	[tilespmem:$0x1B6C0] =	vst v63  }
0xa2: {  	_ =	swait.ge [sflag:s18], $0x800  }
0xa3: {  	[sflag:s18] =	ssyncset.done $0x0  }
0xa4: {  	[sflag:s18] =	ssyncadd.s32 $0xFFFFF800  }
0xa5: {  	_ =	swait.ge [sflag:s24], $0x2000  }
0xa6: {  	[sflag:s24] =	ssyncset.done $0x0  }
0xa7: {  	s13 =	simm.s32 $0x0;
	[sflag:s24] =	ssyncadd.s32 $0xFFFFE000  }
0xa8: {  	v9 =	vld [tilespmem:s13+$0xA00]  }
0xa9: {  	s15 =	simm.s32 $0x100;
	v10 =	vld [tilespmem:s14+$0x0]  }
.LBB2_6:
0xaa: {  	p3 =	sne.s32 s15, $0x7F00;
	v11 =	vld [tilespmem:s13+$0xA10]  }
0xab: {  	v12 =	vld [tilespmem:s13+$0xA20]  }
0xac: {  	v13 =	vld [tilespmem:s13+$0xA30];
	_ =	sdelay $0x1  }
0xad: {  	v14 =	vperm.xlane v10, v1;
	v10 =	vperm.xlane v10, v2;
	_ =	sdelay $0x1  }
0xae: {  	v9 =	vmul.f32 v9, v14;
	v11 =	vmul.f32 v11, v14  }
0xaf: {  	v12 =	vmul.f32 v12, v10;
	v10 =	vmul.f32 v13, v10  }
.Ltmp4:
0xb0: {  	[tilespmem:s13+$0x2A00] =	vst v9;
	(pc) =	sbr.rel @p3 .LBB2_6-.Ltmp4, $4  }
0xb1: {  	[tilespmem:s13+$0x2A10] =	vst v11  }
0xb2: {  	s16 =	sshra.s32 s15, $0x2;
	[tilespmem:s13+$0x2A20] =	vst v12  }
0xb3: {  	s14 =	sadd.s32 $0x10, s14;
	v9 =	vld [tilespmem:s16+$0xA00];
	[tilespmem:s13+$0x2A30] =	vst v10;
	s13 =	smov.u32 s16  }
0xb4: {  	s15 =	sadd.s32 $0x100, s15;
	v10 =	vld [tilespmem:s14+$0x0]  }
0xb5: {  	_ =	sdelay $0x1  }
0xb6: {  	v11 =	vld [tilespmem:s13+$0xA10]  }
0xb7: {  	v12 =	vld [tilespmem:s13+$0xA20]  }
0xb8: {  	v13 =	vld [tilespmem:s13+$0xA30];
	v14 =	vperm.xlane v10, v1;
	_ =	sdelay $0x1  }
0xb9: {  	v10 =	vperm.xlane v10, v2;
	v9 =	vmul.f32 v9, v14  }
0xba: {  	v11 =	vmul.f32 v11, v14  }
0xbb: {  	v12 =	vmul.f32 v12, v10;
	[tilespmem:s13+$0x2A00] =	vst v9  }
0xbc: {  	s11 =	sadd.s32 $0x1, s11;
	v9 =	vmul.f32 v13, v10;
	[tilespmem:s13+$0x2A10] =	vst v11  }
0xbd: {  	p3 =	sne.s32 s11, $0x9D;
	[tilespmem:s13+$0x2A20] =	vst v12  }
.Ltmp5:
0xbe: {  	[tilespmem:s13+$0x2A30] =	vst v9;
	(pc) =	sbr.rel @p3 .LBB2_5-.Ltmp5, $4  }
0xbf: {  	[spmem:s2] =	stream.indirect.scatter.add.f32 [tilespmem:s3], [sflag:$0x3], $0x40, s21, s21, $0xb8;
	[tilespmem:$0x1B6C0] =	vst v63  }
0xc0: {  	_ =	swait.ge [sflag:s20], $0x2000  }
0xc1: {  	[sflag:s20] =	ssyncset.done $0x0  }
0xc2: {  	[sflag:s20] =	ssyncadd.s32 $0xFFFFE000  }
0xc3: {  	s9 =	sshll.u32 s25, $0x6;
	[bflag:$0x0] =	sbarrier.arrive $0xFFFF  }
0xc4: {  	s15 =	sshrl.u32 s26, $0x3;
	s11 =	sor.u32 $0x1C03, s9;
	s13 =	rddreg [dreg:$0x4]  }
0xc5: {  	[hbm:s13], [sflag:s11] =	dma.local [spmem:s15], $0x680  }
0xc6: {  	_ =	swait.ge [sflag:s20], $0x680  }
0xc7: {  	[sflag:s20] =	ssyncset.done $0x0  }
0xc8: {  	s16 =	sshrl.u32 s8, $0x3;
	s0 =	rddreg [dreg:$0xb];
	[sflag:s20] =	ssyncadd.s32 $0xFFFFF980  }
0xc9: {  	[hbm:s0], [sflag:s11] =	dma.local [spmem:s16], $0x680  }
0xca: {  	_ =	swait.ge [sflag:s20], $0x680  }
0xcb: {  	[sflag:s20] =	ssyncset.done $0x0  }
0xcc: {  	s13 =	sshrl.u32 s29, $0x3;
	s14 =	rddreg [dreg:$0xc];
	[sflag:s20] =	ssyncadd.s32 $0xFFFFF980  }
0xcd: {  	[hbm:s14], [sflag:s11] =	dma.local [spmem:s13], $0x680  }
0xce: {  	_ =	swait.ge [sflag:s20], $0x680  }
0xcf: {  	[sflag:s20] =	ssyncset.done $0x0  }
0xd0: {  	s15 =	sshrl.u32 s30, $0x3;
	s16 =	rddreg [dreg:$0xd];
	[sflag:s20] =	ssyncadd.s32 $0xFFFFF980  }
0xd1: {  	[hbm:s16], [sflag:s11] =	dma.local [spmem:s15], $0x680  }
0xd2: {  	_ =	swait.ge [sflag:s20], $0x680  }
0xd3: {  	[sflag:s20] =	ssyncset.done $0x0  }
0xd4: {  	s0 =	sshrl.u32 s31, $0x3;
	s13 =	rddreg [dreg:$0xe];
	[sflag:s20] =	ssyncadd.s32 $0xFFFFF980  }
0xd5: {  	[hbm:s13], [sflag:s11] =	dma.local [spmem:s0], $0x680  }
0xd6: {  	_ =	swait.ge [sflag:s20], $0x680  }
0xd7: {  	[sflag:s20] =	ssyncset.done $0x0;
	s14 =	rddreg [dreg:$0xa]  }
0xd8: {  	s16 =	rddreg [dreg:$0xf];
	[sflag:s20] =	ssyncadd.s32 $0xFFFFF980;
	s15 =	sshrl.u32 s14, $0x3  }
0xd9: {  	[hbm:s16], [sflag:s11] =	dma.local [spmem:s15], $0x680  }
0xda: {  	_ =	swait.ge [sflag:s20], $0x680  }
0xdb: {  	[sflag:s20] =	ssyncset.done $0x0  }
0xdc: {  	s9 =	simm.s32 @!p1 $0x3;
	s0 =	rddreg [dreg:$0x10];
	[sflag:s20] =	ssyncadd.s32 $0xFFFFF980  }
0xdd: {  	[hbm:s0], [sflag:s11] =	dma.local @!p1 [spmem:s12], $0x100  }
0xde: {  	_ =	swait.ge @!p1 [sflag:s9], $0x100  }
0xdf: {  	[sflag:s9] =	ssyncset.done @!p1 $0x0  }
0xe0: {  	[sflag:s9] =	ssyncadd.s32 @!p1 $0xFFFFFF00  }
0xe1: {  	[bflag:$0x0] =	sbarrier.arrive $0xFFFF  }
0xe2: {  	[spmem:s28] =	stream.linear.scatter [tilespmem:s19], [sflag:$0x3], $0x3400, $0x38;
	[tilespmem:$0x1B6C0] =	vst v63  }
0xe3: {  	_ =	swait.ge [sflag:s20], $0x3400  }
0xe4: {  	[sflag:s20] =	ssyncset.done $0x0  }
0xe5: {  	s0 =	rddreg [dreg:$0x14];
	[sflag:s20] =	ssyncadd.s32 $0xFFFFCC00  }
0xe6: {  	[spmem:s0] =	stream.linear.scatter [tilespmem:s19], [sflag:$0x3], $0x3400, $0x38;
	[tilespmem:$0x1B6C0] =	vst v63  }
0xe7: {  	_ =	swait.ge [sflag:s20], $0x3400  }
0xe8: {  	[sflag:s20] =	ssyncset.done $0x0  }
0xe9: {  	s13 =	rddreg [dreg:$0x15];
	[sflag:s20] =	ssyncadd.s32 $0xFFFFCC00  }
0xea: {  	[spmem:s13] =	stream.linear.scatter [tilespmem:s19], [sflag:$0x3], $0x3400, $0x38;
	[tilespmem:$0x1B6C0] =	vst v63  }
0xeb: {  	_ =	swait.ge [sflag:s20], $0x3400  }
0xec: {  	[sflag:s20] =	ssyncset.done $0x0  }
0xed: {  	s14 =	rddreg [dreg:$0x16];
	[sflag:s20] =	ssyncadd.s32 $0xFFFFCC00  }
0xee: {  	[spmem:s14] =	stream.linear.scatter [tilespmem:s19], [sflag:$0x3], $0x3400, $0x38;
	[tilespmem:$0x1B6C0] =	vst v63  }
0xef: {  	_ =	swait.ge [sflag:s20], $0x3400  }
0xf0: {  	[sflag:s20] =	ssyncset.done $0x0  }
0xf1: {  	s15 =	rddreg [dreg:$0x17];
	[sflag:s20] =	ssyncadd.s32 $0xFFFFCC00  }
0xf2: {  	[spmem:s15] =	stream.linear.scatter [tilespmem:s19], [sflag:$0x3], $0x3400, $0x38;
	[tilespmem:$0x1B6C0] =	vst v63  }
0xf3: {  	_ =	swait.ge [sflag:s20], $0x3400  }
0xf4: {  	[sflag:s20] =	ssyncset.done $0x0  }
0xf5: {  	s16 =	rddreg [dreg:$0x18];
	[sflag:s20] =	ssyncadd.s32 $0xFFFFCC00  }
0xf6: {  	[spmem:s16] =	stream.linear.scatter [tilespmem:s19], [sflag:$0x3], $0x3400, $0x38;
	[tilespmem:$0x1B6C0] =	vst v63  }
0xf7: {  	_ =	swait.ge [sflag:s20], $0x3400  }
0xf8: {  	[sflag:s20] =	ssyncset.done $0x0  }
0xf9: {  	s9 =	simm.s32 @p2 $0x4A00;
	s12 =	rddreg [dreg:$0x1a];
	[sflag:s20] =	ssyncadd.s32 $0xFFFFCC00  }
0xfa: {  	[spmem:s12] =	stream.linear.scatter @p2 [tilespmem:s9], [sflag:$0x3], $0x800, $0x38;
	[tilespmem:$0x1B6C0] =	vst v63  }
0xfb: {  	s9 =	simm.s32 @p2 $0x3  }
0xfc: {  	_ =	swait.ge @p2 [sflag:s9], $0x800  }
0xfd: {  	[sflag:s9] =	ssyncset.done @p2 $0x0  }
0xfe: {  	[sflag:s9] =	ssyncadd.s32 @p2 $0xFFFFF800  }
0xff: {  	s12 =	simm.s32 $0x0;
	s9 =	simm.s32 $0x0;
	[bflag:$0x0] =	sbarrier.arrive $0xFFFF  }
.LBB2_9:
0x100: {  	s13 =	sshll.u32 s12, $0x7  }
0x101: {  	s13 =	sadd.s32 s10, s13  }
0x102: {  	s13 =	sshrl.u32 s13, $0x3  }
0x103: {  	s14 =	sadd.s32 s6, s13  }
0x104: {  	[tilespmem:s9], [sflag:$0x3] =	stream.linear.gather [hbm4b:s14+s9], $0x80, $0x38;
	[tilespmem:$0x1B6C0] =	vst v63  }
0x105: {  	_ =	swait.ge [sflag:s20], $0x80  }
0x106: {  	[sflag:s20] =	ssyncset.done $0x0  }
0x107: {  	s13 =	sadd.s32 s7, s13;
	[sflag:s20] =	ssyncadd.s32 $0xFFFFFF80  }
0x108: {  	[tilespmem:s21], [sflag:$0x3] =	stream.linear.gather [hbm4b:s13+s9], $0x80, $0x38;
	[tilespmem:$0x1B6C0] =	vst v63  }
0x109: {  	_ =	swait.ge [sflag:s20], $0x80  }
0x10a: {  	[sflag:s20] =	ssyncset.done $0x0  }
0x10b: {  	[sflag:s20] =	ssyncadd.s32 $0xFFFFFF80  }
0x10c: {  	v9 =	vld [tilespmem:$0x0]  }
0x10d: {  	v11 =	vld [tilespmem:$0x10]  }
0x10e: {  	v12 =	vld [tilespmem:$0x20]  }
0x10f: {  	v13 =	vld [tilespmem:$0x80]  }
0x110: {  	v16 =	vld [tilespmem:$0x30]  }
0x111: {  	v17 =	vld [tilespmem:$0x90]  }
0x112: {  	v19 =	vld [tilespmem:$0xA0]  }
0x113: {  	v42 =	vld [tilespmem:$0x40]  }
0x114: {  	v20 =	vld [tilespmem:$0x50]  }
0x115: {  	v22 =	vld [tilespmem:$0xB0]  }
0x116: {  	v46 =	vld [tilespmem:$0xC0]  }
0x117: {  	v23 =	vld [tilespmem:$0x60]  }
0x118: {  	v24 =	vld [tilespmem:$0xD0]  }
0x119: {  	v48 =	vld [tilespmem:$0x70]  }
0x11a: {  	v50 =	vld [tilespmem:$0xE0];
	v10 =	vcvt.s32.f32 v9  }
0x11b: {  	v56 =	vld [tilespmem:$0xF0];
	v14 =	vcvt.s32.f32 v11;
	v15 =	vcvt.s32.f32 v12  }
0x11c: {  	v13 =	vmul.u32 $0x1B, v13;
	v41 =	vcvt.s32.f32 v16;
	v17 =	vmul.u32 $0x1B, v17  }
0x11d: {  	v43 =	vmul.u32 $0x1B, v19;
	v45 =	vcvt.s32.f32 v42;
	v47 =	vcvt.s32.f32 v20  }
0x11e: {  	v22 =	vmul.u32 $0x1B, v22;
	v19 =	vmul.u32 $0x1B, v46;
	v49 =	vcvt.s32.f32 v23  }
0x11f: {  	v24 =	vmul.u32 $0x1B, v24;
	v52 =	vcvt.s32.f32 v48;
	v59 =	vmul.u32 $0x1B, v50  }
0x120: {  	v61 =	vmul.u32 $0x1B, v56;
	v10 =	vmul.f32 $3.703703730e-02, v10;
	v14 =	vmul.f32 $3.703703730e-02, v14  }
0x121: {  	v15 =	vmul.f32 $3.703703730e-02, v15;
	v9 =	vadd.s32 v9, v13;
	v11 =	vadd.s32 v11, v17  }
0x122: {  	v12 =	vadd.s32 v12, v43;
	v17 =	vmul.f32 $3.703703730e-02, v45;
	v51 =	vmul.f32 $3.703703730e-02, v49  }
0x123: {  	v54 =	vmul.f32 $3.703703730e-02, v52;
	v10 =	vadd.f32 $9.999999770e-03, v10;
	v14 =	vadd.f32 $9.999999770e-03, v14  }
0x124: {  	v40 =	vadd.f32 $9.999999770e-03, v15;
	v15 =	vmul.f32 $3.703703730e-02, v41;
	v17 =	vadd.f32 $9.999999770e-03, v17  }
0x125: {  	v16 =	vadd.s32 v16, v22;
	v10 =	vtrunc.f32 v10;
	v39 =	vtrunc.f32 v14  }
0x126: {  	v20 =	vadd.s32 v20, v24;
	v14 =	vtrunc.f32 v40;
	v17 =	vtrunc.f32 v17  }
0x127: {  	v15 =	vadd.f32 $9.999999770e-03, v15;
	v10 =	vcvt.f32.s32 v10;
	v13 =	vcvt.f32.s32 v39  }
0x128: {  	v58 =	vadd.f32 $9.999999770e-03, v54;
	v14 =	vcvt.f32.s32 v14;
	v17 =	vcvt.f32.s32 v17  }
0x129: {  	v15 =	vtrunc.f32 v15;
	v18 =	vmul.u32 $0xFFFFFFE5, v10;
	v21 =	vmul.u32 $0xFFFFFFE5, v13  }
0x12a: {  	v44 =	vmul.u32 $0xFFFFFFE5, v14;
	v15 =	vcvt.f32.s32 v15;
	v10 =	vadd.s32 $0x9C40, v10  }
0x12b: {  	v13 =	vadd.s32 $0x9C40, v13;
	v57 =	vadd.s32 $0x9C40, v14;
	v14 =	vtrunc.f32 v58  }
0x12c: {  	[tilespmem:$0x180] =	vst v10;
	v10 =	vmul.u32 $0xFFFFFFE5, v17;
	v11 =	vadd.s32 v21, v11;
	v21 =	vmul.f32 $3.703703730e-02, v47  }
0x12d: {  	v9 =	vadd.s32 v18, v9;
	v12 =	vadd.s32 v44, v12;
	v25 =	vmul.u32 $0xFFFFFFE5, v15  }
0x12e: {  	vm0 =	vlt.s32 v9, $0x83D5F;
	vm9 =	vlt.s32 v11, $0x83D5F;
	v21 =	vadd.f32 $9.999999770e-03, v21  }
0x12f: {  	[tilespmem:$0x190] =	vst v13;
	vm10 =	vlt.s32 v12, $0x83D5F;
	v9 =	vnsel vm0, $0x83D5F, v9;
	v11 =	vnsel vm9, $0x83D5F, v11  }
0x130: {  	v12 =	vnsel vm10, $0x83D5F, v12;
	[tilespmem:$0x110] =	vst v11;
	v11 =	vadd.f32 $9.999999770e-03, v51;
	v21 =	vtrunc.f32 v21  }
0x131: {  	v16 =	vadd.s32 v25, v16;
	[tilespmem:$0x100] =	vst v9;
	v9 =	vadd.s32 v42, v19;
	v21 =	vcvt.f32.s32 v21  }
0x132: {  	[tilespmem:$0x1A0] =	vst v57;
	vm11 =	vlt.s32 v16, $0x83D5F;
	v9 =	vadd.s32 v10, v9;
	v11 =	vtrunc.f32 v11  }
0x133: {  	[tilespmem:$0x120] =	vst v12;
	v10 =	vnsel vm11, $0x83D5F, v16;
	v11 =	vcvt.f32.s32 v11;
	v53 =	vmul.u32 $0xFFFFFFE5, v21  }
0x134: {  	v14 =	vcvt.f32.s32 v14;
	vm12 =	vlt.s32 v9, $0x83D5F;
	[tilespmem:$0x130] =	vst v10;
	v10 =	vadd.s32 $0x9C40, v15  }
0x135: {  	v9 =	vnsel vm12, $0x83D5F, v9;
	[tilespmem:$0x1B0] =	vst v10;
	v60 =	vmul.u32 $0xFFFFFFE5, v11;
	v55 =	vadd.s32 v53, v20  }
0x136: {  	v10 =	vadd.s32 v23, v59;
	[tilespmem:$0x140] =	vst v9;
	v9 =	vadd.s32 $0x9C40, v17;
	vm13 =	vlt.s32 v55, $0x83D5F  }
0x137: {  	v62 =	vmul.u32 $0xFFFFFFE5, v14;
	[tilespmem:$0x1C0] =	vst v9;
	v10 =	vadd.s32 v60, v10;
	v9 =	vnsel vm13, $0x83D5F, v55  }
0x138: {  	v63 =	vadd.s32 $0x9C40, v21;
	vm14 =	vlt.s32 v10, $0x83D5F;
	[tilespmem:$0x150] =	vst v9;
	v9 =	vadd.s32 v48, v61  }
0x139: {  	[tilespmem:$0x1D0] =	vst v63;
	v10 =	vnsel vm14, $0x83D5F, v10;
	v9 =	vadd.s32 v62, v9  }
0x13a: {  	[tilespmem:$0x160] =	vst v10;
	v10 =	vadd.s32 $0x9C40, v11;
	vm15 =	vlt.s32 v9, $0x83D5F  }
0x13b: {  	[tilespmem:$0x1E0] =	vst v10;
	v9 =	vnsel vm15, $0x83D5F, v9  }
0x13c: {  	[tilespmem:$0x170] =	vst v9;
	v9 =	vadd.s32 $0x9C40, v14  }
0x13d: {  	s14 =	simm.s32 $0x200;
	[tilespmem:$0x1F0] =	vst v9  }
0x13e: {  	[tilespmem:s14], [sflag:$0x1] =	stream.indirect.gather [hbm4b:s5+s21], $0x10, s22, s21, $0xb8;
	[tilespmem:$0x1B6C0] =	vst v63  }
0x13f: {  	_ = 	snop  }
0x140: {  	[tilespmem:s23], [sflag:$0x2] =	stream.indirect.gather [hbm4b:s1+s21], $0x40, s17, s21, $0xb8;
	[tilespmem:$0x1B6C0] =	vst v63  }
0x141: {  	_ =	swait.ge [sflag:s18], $0x800  }
0x142: {  	[sflag:s18] =	ssyncset.done $0x0  }
0x143: {  	[sflag:s18] =	ssyncadd.s32 $0xFFFFF800  }
0x144: {  	_ =	swait.ge [sflag:s24], $0x2000  }
0x145: {  	[sflag:s24] =	ssyncset.done $0x0  }
0x146: {  	s13 =	simm.s32 $0x0;
	[sflag:s24] =	ssyncadd.s32 $0xFFFFE000  }
0x147: {  	v9 =	vld [tilespmem:s13+$0xA00]  }
0x148: {  	s15 =	simm.s32 $0x100;
	v10 =	vld [tilespmem:s14+$0x0]  }
.LBB2_10:
0x149: {  	p3 =	sne.s32 s15, $0x7F00;
	v11 =	vld [tilespmem:s13+$0xA10]  }
0x14a: {  	v12 =	vld [tilespmem:s13+$0xA20]  }
0x14b: {  	v13 =	vld [tilespmem:s13+$0xA30];
	_ =	sdelay $0x1  }
0x14c: {  	v14 =	vperm.xlane v10, v3;
	v10 =	vperm.xlane v10, v4;
	_ =	sdelay $0x1  }
0x14d: {  	v9 =	vmul.f32 v9, v14;
	v11 =	vmul.f32 v11, v14  }
0x14e: {  	v12 =	vmul.f32 v12, v10;
	v10 =	vmul.f32 v13, v10  }
.Ltmp6:
0x14f: {  	[tilespmem:s13+$0x2A00] =	vst v9;
	(pc) =	sbr.rel @p3 .LBB2_10-.Ltmp6, $4  }
0x150: {  	[tilespmem:s13+$0x2A10] =	vst v11  }
0x151: {  	s16 =	sshra.s32 s15, $0x2;
	[tilespmem:s13+$0x2A20] =	vst v12  }
0x152: {  	s14 =	sadd.s32 $0x10, s14;
	v9 =	vld [tilespmem:s16+$0xA00];
	[tilespmem:s13+$0x2A30] =	vst v10;
	s13 =	smov.u32 s16  }
0x153: {  	s15 =	sadd.s32 $0x100, s15;
	v10 =	vld [tilespmem:s14+$0x0]  }
0x154: {  	_ =	sdelay $0x1  }
0x155: {  	v11 =	vld [tilespmem:s13+$0xA10]  }
0x156: {  	v12 =	vld [tilespmem:s13+$0xA20]  }
0x157: {  	v13 =	vld [tilespmem:s13+$0xA30];
	v14 =	vperm.xlane v10, v3;
	_ =	sdelay $0x1  }
0x158: {  	v10 =	vperm.xlane v10, v4;
	v9 =	vmul.f32 v9, v14  }
0x159: {  	v11 =	vmul.f32 v11, v14  }
0x15a: {  	v12 =	vmul.f32 v12, v10;
	[tilespmem:s13+$0x2A00] =	vst v9  }
0x15b: {  	s12 =	sadd.s32 $0x1, s12;
	v9 =	vmul.f32 v13, v10;
	[tilespmem:s13+$0x2A10] =	vst v11  }
0x15c: {  	p3 =	sne.s32 s12, $0x9D;
	[tilespmem:s13+$0x2A20] =	vst v12  }
.Ltmp7:
0x15d: {  	[tilespmem:s13+$0x2A30] =	vst v9;
	(pc) =	sbr.rel @p3 .LBB2_9-.Ltmp7, $4  }
0x15e: {  	[spmem:s2] =	stream.indirect.scatter.add.f32 [tilespmem:s3], [sflag:$0x3], $0x40, s21, s21, $0xb8;
	[tilespmem:$0x1B6C0] =	vst v63  }
0x15f: {  	_ =	swait.ge [sflag:s20], $0x2000  }
0x160: {  	[sflag:s20] =	ssyncset.done $0x0  }
0x161: {  	[sflag:s20] =	ssyncadd.s32 $0xFFFFE000  }
0x162: {  	[bflag:$0x0] =	sbarrier.arrive $0xFFFF  }
0x163: {  	s12 =	sld [smem:$0x7F2];
	_ =	sdelay $0x1  }
0x164: {  	s9 =	sshrl.u32 s28, $0x3  }
0x165: {  	[hbm:s12], [sflag:s11] =	dma.local [spmem:s9], $0x680  }
0x166: {  	_ =	swait.ge [sflag:s20], $0x680  }
0x167: {  	s16 =	sld [smem:$0x7F3]  }
0x168: {  	[sflag:s20] =	ssyncset.done $0x0  }
0x169: {  	s15 =	sshrl.u32 s0, $0x3;
	[sflag:s20] =	ssyncadd.s32 $0xFFFFF980  }
0x16a: {  	[hbm:s16], [sflag:s11] =	dma.local [spmem:s15], $0x680  }
0x16b: {  	_ =	swait.ge [sflag:s20], $0x680  }
0x16c: {  	s13 =	sld [smem:$0x7F4]  }
0x16d: {  	[sflag:s20] =	ssyncset.done $0x0;
	s9 =	rddreg [dreg:$0x15]  }
0x16e: {  	[sflag:s20] =	ssyncadd.s32 $0xFFFFF980;
	s12 =	sshrl.u32 s9, $0x3  }
0x16f: {  	[hbm:s13], [sflag:s11] =	dma.local [spmem:s12], $0x680  }
0x170: {  	_ =	swait.ge [sflag:s20], $0x680  }
0x171: {  	s16 =	sld [smem:$0x7F5]  }
0x172: {  	[sflag:s20] =	ssyncset.done $0x0;
	s14 =	rddreg [dreg:$0x16]  }
0x173: {  	[sflag:s20] =	ssyncadd.s32 $0xFFFFF980;
	s15 =	sshrl.u32 s14, $0x3  }
0x174: {  	[hbm:s16], [sflag:s11] =	dma.local [spmem:s15], $0x680  }
0x175: {  	_ =	swait.ge [sflag:s20], $0x680  }
0x176: {  	s14 =	sld [smem:$0x7F6]  }
0x177: {  	[sflag:s20] =	ssyncset.done $0x0;
	s12 =	rddreg [dreg:$0x17]  }
0x178: {  	[sflag:s20] =	ssyncadd.s32 $0xFFFFF980;
	s13 =	sshrl.u32 s12, $0x3  }
0x179: {  	[hbm:s14], [sflag:s11] =	dma.local [spmem:s13], $0x680  }
0x17a: {  	_ =	swait.ge [sflag:s20], $0x680  }
0x17b: {  	s16 =	sld [smem:$0x7F7]  }
0x17c: {  	[sflag:s20] =	ssyncset.done $0x0;
	s13 =	rddreg [dreg:$0x18]  }
0x17d: {  	[sflag:s20] =	ssyncadd.s32 $0xFFFFF980;
	s15 =	sshrl.u32 s13, $0x3  }
0x17e: {  	[hbm:s16], [sflag:s11] =	dma.local [spmem:s15], $0x680  }
.Ltmp8:
0x17f: {  	_ = 	snop;
	(pc) =	sbr.rel @p2 .LBB2_22-.Ltmp8, $4  }
.Ltmp9:
0x180: {  	_ = 	snop;
	(pc) =	sbr.rel @!p2 .LBB2_23-.Ltmp9, $4  }
0x181: {  	_ =	swait.ge [sflag:s20], $0x680  }
0x182: {  	[sflag:s20] =	ssyncset.done $0x0;
	s9 =	rddreg [dreg:$0x11]  }
0x183: {  	s14 =	rddreg [dreg:$0x1a];
	[sflag:s20] =	ssyncadd.s32 $0xFFFFF980  }
0x184: {  	_ = 	snop  }
.LBB2_13:
0x185: {  	[spmem:s28] =	stream.linear.scatter [tilespmem:s19], [sflag:$0x3], $0x3400, $0x38;
	[tilespmem:$0x1B6C0] =	vst v63  }
0x186: {  	_ =	swait.ge [sflag:s20], $0x3400  }
0x187: {  	[sflag:s20] =	ssyncset.done $0x0  }
0x188: {  	[sflag:s20] =	ssyncadd.s32 $0xFFFFCC00  }
0x189: {  	[spmem:s0] =	stream.linear.scatter [tilespmem:s19], [sflag:$0x3], $0x3400, $0x38;
	[tilespmem:$0x1B6C0] =	vst v63  }
0x18a: {  	_ =	swait.ge [sflag:s20], $0x3400  }
0x18b: {  	[sflag:s20] =	ssyncset.done $0x0  }
0x18c: {  	s9 =	rddreg [dreg:$0x15];
	[sflag:s20] =	ssyncadd.s32 $0xFFFFCC00  }
0x18d: {  	[spmem:s9] =	stream.linear.scatter [tilespmem:s19], [sflag:$0x3], $0x3400, $0x38;
	[tilespmem:$0x1B6C0] =	vst v63  }
0x18e: {  	_ =	swait.ge [sflag:s20], $0x3400  }
0x18f: {  	[sflag:s20] =	ssyncset.done $0x0  }
0x190: {  	s30 =	rddreg [dreg:$0x16];
	[sflag:s20] =	ssyncadd.s32 $0xFFFFCC00  }
0x191: {  	[spmem:s30] =	stream.linear.scatter [tilespmem:s19], [sflag:$0x3], $0x3400, $0x38;
	[tilespmem:$0x1B6C0] =	vst v63  }
0x192: {  	_ =	swait.ge [sflag:s20], $0x3400  }
0x193: {  	[sflag:s20] =	ssyncset.done $0x0  }
0x194: {  	s31 =	rddreg [dreg:$0x17];
	[sflag:s20] =	ssyncadd.s32 $0xFFFFCC00  }
0x195: {  	[spmem:s31] =	stream.linear.scatter [tilespmem:s19], [sflag:$0x3], $0x3400, $0x38;
	[tilespmem:$0x1B6C0] =	vst v63  }
0x196: {  	_ =	swait.ge [sflag:s20], $0x3400  }
0x197: {  	[sflag:s20] =	ssyncset.done $0x0  }
0x198: {  	[sflag:s20] =	ssyncadd.s32 $0xFFFFCC00  }
0x199: {  	[spmem:s13] =	stream.linear.scatter [tilespmem:s19], [sflag:$0x3], $0x3400, $0x38;
	[tilespmem:$0x1B6C0] =	vst v63  }
0x19a: {  	_ =	swait.ge [sflag:s20], $0x3400  }
0x19b: {  	[sflag:s20] =	ssyncset.done $0x0  }
0x19c: {  	s9 =	simm.s32 @!p1 $0x4A00;
	[sflag:s20] =	ssyncadd.s32 $0xFFFFCC00  }
0x19d: {  	[spmem:s14] =	stream.linear.scatter @!p1 [tilespmem:s9], [sflag:$0x3], $0x800, $0x38;
	[tilespmem:$0x1B6C0] =	vst v63  }
0x19e: {  	s9 =	simm.s32 @!p1 $0x3  }
0x19f: {  	_ =	swait.ge @!p1 [sflag:s9], $0x800  }
0x1a0: {  	[sflag:s9] =	ssyncset.done @!p1 $0x0  }
0x1a1: {  	[sflag:s9] =	ssyncadd.s32 @!p1 $0xFFFFF800  }
0x1a2: {  	s11 =	simm.s32 $0x0;
	s9 =	simm.s32 $0x0;
	[bflag:$0x0] =	sbarrier.arrive $0xFFFF  }
.LBB2_14:
0x1a3: {  	s13 =	sshll.u32 s11, $0x7  }
0x1a4: {  	s13 =	sadd.s32 s10, s13  }
0x1a5: {  	s13 =	sshrl.u32 s13, $0x3  }
0x1a6: {  	s14 =	sadd.s32 s6, s13  }
0x1a7: {  	[tilespmem:s9], [sflag:$0x3] =	stream.linear.gather [hbm4b:s14+s9], $0x80, $0x38;
	[tilespmem:$0x1B6C0] =	vst v63  }
0x1a8: {  	_ =	swait.ge [sflag:s20], $0x80  }
0x1a9: {  	[sflag:s20] =	ssyncset.done $0x0  }
0x1aa: {  	s13 =	sadd.s32 s7, s13;
	[sflag:s20] =	ssyncadd.s32 $0xFFFFFF80  }
0x1ab: {  	[tilespmem:s21], [sflag:$0x3] =	stream.linear.gather [hbm4b:s13+s9], $0x80, $0x38;
	[tilespmem:$0x1B6C0] =	vst v63  }
0x1ac: {  	_ =	swait.ge [sflag:s20], $0x80  }
0x1ad: {  	[sflag:s20] =	ssyncset.done $0x0  }
0x1ae: {  	[sflag:s20] =	ssyncadd.s32 $0xFFFFFF80  }
0x1af: {  	v9 =	vld [tilespmem:$0x0]  }
0x1b0: {  	v11 =	vld [tilespmem:$0x10]  }
0x1b1: {  	v12 =	vld [tilespmem:$0x20]  }
0x1b2: {  	v13 =	vld [tilespmem:$0x80]  }
0x1b3: {  	v16 =	vld [tilespmem:$0x30]  }
0x1b4: {  	v17 =	vld [tilespmem:$0x90]  }
0x1b5: {  	v19 =	vld [tilespmem:$0xA0]  }
0x1b6: {  	v42 =	vld [tilespmem:$0x40]  }
0x1b7: {  	v20 =	vld [tilespmem:$0x50]  }
0x1b8: {  	v22 =	vld [tilespmem:$0xB0]  }
0x1b9: {  	v46 =	vld [tilespmem:$0xC0]  }
0x1ba: {  	v23 =	vld [tilespmem:$0x60]  }
0x1bb: {  	v24 =	vld [tilespmem:$0xD0]  }
0x1bc: {  	v48 =	vld [tilespmem:$0x70]  }
0x1bd: {  	v50 =	vld [tilespmem:$0xE0];
	v10 =	vcvt.s32.f32 v9  }
0x1be: {  	v56 =	vld [tilespmem:$0xF0];
	v14 =	vcvt.s32.f32 v11;
	v15 =	vcvt.s32.f32 v12  }
0x1bf: {  	v13 =	vmul.u32 $0x1B, v13;
	v41 =	vcvt.s32.f32 v16;
	v17 =	vmul.u32 $0x1B, v17  }
0x1c0: {  	v43 =	vmul.u32 $0x1B, v19;
	v45 =	vcvt.s32.f32 v42;
	v47 =	vcvt.s32.f32 v20  }
0x1c1: {  	v22 =	vmul.u32 $0x1B, v22;
	v19 =	vmul.u32 $0x1B, v46;
	v49 =	vcvt.s32.f32 v23  }
0x1c2: {  	v24 =	vmul.u32 $0x1B, v24;
	v52 =	vcvt.s32.f32 v48;
	v59 =	vmul.u32 $0x1B, v50  }
0x1c3: {  	v61 =	vmul.u32 $0x1B, v56;
	v10 =	vmul.f32 $3.703703730e-02, v10;
	v14 =	vmul.f32 $3.703703730e-02, v14  }
0x1c4: {  	v15 =	vmul.f32 $3.703703730e-02, v15;
	v9 =	vadd.s32 v9, v13;
	v11 =	vadd.s32 v11, v17  }
0x1c5: {  	v12 =	vadd.s32 v12, v43;
	v17 =	vmul.f32 $3.703703730e-02, v45;
	v51 =	vmul.f32 $3.703703730e-02, v49  }
0x1c6: {  	v54 =	vmul.f32 $3.703703730e-02, v52;
	v10 =	vadd.f32 $9.999999770e-03, v10;
	v14 =	vadd.f32 $9.999999770e-03, v14  }
0x1c7: {  	v40 =	vadd.f32 $9.999999770e-03, v15;
	v15 =	vmul.f32 $3.703703730e-02, v41;
	v17 =	vadd.f32 $9.999999770e-03, v17  }
0x1c8: {  	v16 =	vadd.s32 v16, v22;
	v10 =	vtrunc.f32 v10;
	v39 =	vtrunc.f32 v14  }
0x1c9: {  	v20 =	vadd.s32 v20, v24;
	v14 =	vtrunc.f32 v40;
	v17 =	vtrunc.f32 v17  }
0x1ca: {  	v15 =	vadd.f32 $9.999999770e-03, v15;
	v10 =	vcvt.f32.s32 v10;
	v13 =	vcvt.f32.s32 v39  }
0x1cb: {  	v58 =	vadd.f32 $9.999999770e-03, v54;
	v14 =	vcvt.f32.s32 v14;
	v17 =	vcvt.f32.s32 v17  }
0x1cc: {  	v15 =	vtrunc.f32 v15;
	v18 =	vmul.u32 $0xFFFFFFE5, v10;
	v21 =	vmul.u32 $0xFFFFFFE5, v13  }
0x1cd: {  	v44 =	vmul.u32 $0xFFFFFFE5, v14;
	v15 =	vcvt.f32.s32 v15;
	v10 =	vadd.s32 $0x4E20, v10  }
0x1ce: {  	v13 =	vadd.s32 $0x4E20, v13;
	v57 =	vadd.s32 $0x4E20, v14;
	v14 =	vtrunc.f32 v58  }
0x1cf: {  	[tilespmem:$0x180] =	vst v10;
	v10 =	vmul.u32 $0xFFFFFFE5, v17;
	v11 =	vadd.s32 v21, v11;
	v21 =	vmul.f32 $3.703703730e-02, v47  }
0x1d0: {  	v9 =	vadd.s32 v18, v9;
	v12 =	vadd.s32 v44, v12;
	v25 =	vmul.u32 $0xFFFFFFE5, v15  }
0x1d1: {  	vm0 =	vlt.s32 v9, $0x83D5F;
	vm9 =	vlt.s32 v11, $0x83D5F;
	v21 =	vadd.f32 $9.999999770e-03, v21  }
0x1d2: {  	[tilespmem:$0x190] =	vst v13;
	vm10 =	vlt.s32 v12, $0x83D5F;
	v9 =	vnsel vm0, $0x83D5F, v9;
	v11 =	vnsel vm9, $0x83D5F, v11  }
0x1d3: {  	v12 =	vnsel vm10, $0x83D5F, v12;
	[tilespmem:$0x110] =	vst v11;
	v11 =	vadd.f32 $9.999999770e-03, v51;
	v21 =	vtrunc.f32 v21  }
0x1d4: {  	v16 =	vadd.s32 v25, v16;
	[tilespmem:$0x100] =	vst v9;
	v9 =	vadd.s32 v42, v19;
	v21 =	vcvt.f32.s32 v21  }
0x1d5: {  	[tilespmem:$0x1A0] =	vst v57;
	vm11 =	vlt.s32 v16, $0x83D5F;
	v9 =	vadd.s32 v10, v9;
	v11 =	vtrunc.f32 v11  }
0x1d6: {  	[tilespmem:$0x120] =	vst v12;
	v10 =	vnsel vm11, $0x83D5F, v16;
	v11 =	vcvt.f32.s32 v11;
	v53 =	vmul.u32 $0xFFFFFFE5, v21  }
0x1d7: {  	v14 =	vcvt.f32.s32 v14;
	vm12 =	vlt.s32 v9, $0x83D5F;
	[tilespmem:$0x130] =	vst v10;
	v10 =	vadd.s32 $0x4E20, v15  }
0x1d8: {  	v9 =	vnsel vm12, $0x83D5F, v9;
	[tilespmem:$0x1B0] =	vst v10;
	v60 =	vmul.u32 $0xFFFFFFE5, v11;
	v55 =	vadd.s32 v53, v20  }
0x1d9: {  	v10 =	vadd.s32 v23, v59;
	[tilespmem:$0x140] =	vst v9;
	v9 =	vadd.s32 $0x4E20, v17;
	vm13 =	vlt.s32 v55, $0x83D5F  }
0x1da: {  	v62 =	vmul.u32 $0xFFFFFFE5, v14;
	[tilespmem:$0x1C0] =	vst v9;
	v10 =	vadd.s32 v60, v10;
	v9 =	vnsel vm13, $0x83D5F, v55  }
0x1db: {  	v63 =	vadd.s32 $0x4E20, v21;
	vm14 =	vlt.s32 v10, $0x83D5F;
	[tilespmem:$0x150] =	vst v9;
	v9 =	vadd.s32 v48, v61  }
0x1dc: {  	[tilespmem:$0x1D0] =	vst v63;
	v10 =	vnsel vm14, $0x83D5F, v10;
	v9 =	vadd.s32 v62, v9  }
0x1dd: {  	[tilespmem:$0x160] =	vst v10;
	v10 =	vadd.s32 $0x4E20, v11;
	vm15 =	vlt.s32 v9, $0x83D5F  }
0x1de: {  	[tilespmem:$0x1E0] =	vst v10;
	v9 =	vnsel vm15, $0x83D5F, v9  }
0x1df: {  	[tilespmem:$0x170] =	vst v9;
	v9 =	vadd.s32 $0x4E20, v14  }
0x1e0: {  	s14 =	simm.s32 $0x200;
	[tilespmem:$0x1F0] =	vst v9  }
0x1e1: {  	[tilespmem:s14], [sflag:$0x1] =	stream.indirect.gather [hbm4b:s5+s21], $0x10, s22, s21, $0xb8;
	[tilespmem:$0x1B6C0] =	vst v63  }
0x1e2: {  	_ = 	snop  }
0x1e3: {  	[tilespmem:s23], [sflag:$0x2] =	stream.indirect.gather [hbm4b:s1+s21], $0x40, s17, s21, $0xb8;
	[tilespmem:$0x1B6C0] =	vst v63  }
0x1e4: {  	_ =	swait.ge [sflag:s18], $0x800  }
0x1e5: {  	[sflag:s18] =	ssyncset.done $0x0  }
0x1e6: {  	[sflag:s18] =	ssyncadd.s32 $0xFFFFF800  }
0x1e7: {  	_ =	swait.ge [sflag:s24], $0x2000  }
0x1e8: {  	[sflag:s24] =	ssyncset.done $0x0  }
0x1e9: {  	s13 =	simm.s32 $0x0;
	[sflag:s24] =	ssyncadd.s32 $0xFFFFE000  }
0x1ea: {  	v9 =	vld [tilespmem:s13+$0xA00]  }
0x1eb: {  	s15 =	simm.s32 $0x100;
	v10 =	vld [tilespmem:s14+$0x0]  }
.LBB2_15:
0x1ec: {  	p3 =	sne.s32 s15, $0x7F00;
	v11 =	vld [tilespmem:s13+$0xA10]  }
0x1ed: {  	v12 =	vld [tilespmem:s13+$0xA20]  }
0x1ee: {  	v13 =	vld [tilespmem:s13+$0xA30];
	_ =	sdelay $0x1  }
0x1ef: {  	v14 =	vperm.xlane v10, v5;
	v10 =	vperm.xlane v10, v6;
	_ =	sdelay $0x1  }
0x1f0: {  	v9 =	vmul.f32 v9, v14;
	v11 =	vmul.f32 v11, v14  }
0x1f1: {  	v12 =	vmul.f32 v12, v10;
	v10 =	vmul.f32 v13, v10  }
.Ltmp10:
0x1f2: {  	[tilespmem:s13+$0x2A00] =	vst v9;
	(pc) =	sbr.rel @p3 .LBB2_15-.Ltmp10, $4  }
0x1f3: {  	[tilespmem:s13+$0x2A10] =	vst v11  }
0x1f4: {  	s16 =	sshra.s32 s15, $0x2;
	[tilespmem:s13+$0x2A20] =	vst v12  }
0x1f5: {  	s14 =	sadd.s32 $0x10, s14;
	v9 =	vld [tilespmem:s16+$0xA00];
	[tilespmem:s13+$0x2A30] =	vst v10;
	s13 =	smov.u32 s16  }
0x1f6: {  	s15 =	sadd.s32 $0x100, s15;
	v10 =	vld [tilespmem:s14+$0x0]  }
0x1f7: {  	_ =	sdelay $0x1  }
0x1f8: {  	v11 =	vld [tilespmem:s13+$0xA10]  }
0x1f9: {  	v12 =	vld [tilespmem:s13+$0xA20]  }
0x1fa: {  	v13 =	vld [tilespmem:s13+$0xA30];
	v14 =	vperm.xlane v10, v5;
	_ =	sdelay $0x1  }
0x1fb: {  	v10 =	vperm.xlane v10, v6;
	v9 =	vmul.f32 v9, v14  }
0x1fc: {  	v11 =	vmul.f32 v11, v14  }
0x1fd: {  	v12 =	vmul.f32 v12, v10;
	[tilespmem:s13+$0x2A00] =	vst v9  }
0x1fe: {  	s11 =	sadd.s32 $0x1, s11;
	v9 =	vmul.f32 v13, v10;
	[tilespmem:s13+$0x2A10] =	vst v11  }
0x1ff: {  	p3 =	sne.s32 s11, $0x9D;
	[tilespmem:s13+$0x2A20] =	vst v12  }
.Ltmp11:
0x200: {  	[tilespmem:s13+$0x2A30] =	vst v9;
	(pc) =	sbr.rel @p3 .LBB2_14-.Ltmp11, $4  }
0x201: {  	[spmem:s2] =	stream.indirect.scatter.add.f32 [tilespmem:s3], [sflag:$0x3], $0x40, s21, s21, $0xb8;
	[tilespmem:$0x1B6C0] =	vst v63  }
0x202: {  	_ =	swait.ge [sflag:s20], $0x2000  }
0x203: {  	[sflag:s20] =	ssyncset.done $0x0  }
0x204: {  	[sflag:s20] =	ssyncadd.s32 $0xFFFFE000  }
0x205: {  	s9 =	sshll.u32 s25, $0x6;
	[bflag:$0x0] =	sbarrier.arrive $0xFFFF  }
0x206: {  	s13 =	sshrl.u32 s28, $0x3;
	s11 =	sor.u32 $0x1C03, s9;
	s8 =	rddreg [dreg:$0x1b]  }
0x207: {  	[hbm:s8], [sflag:s11] =	dma.local [spmem:s13], $0x680  }
0x208: {  	_ =	swait.ge [sflag:s20], $0x680  }
0x209: {  	[sflag:s20] =	ssyncset.done $0x0  }
0x20a: {  	s14 =	sshrl.u32 s0, $0x3;
	s15 =	rddreg [dreg:$0x1c];
	[sflag:s20] =	ssyncadd.s32 $0xFFFFF980  }
0x20b: {  	[hbm:s15], [sflag:s11] =	dma.local [spmem:s14], $0x680  }
0x20c: {  	_ =	swait.ge [sflag:s20], $0x680  }
0x20d: {  	[sflag:s20] =	ssyncset.done $0x0;
	s29 =	rddreg [dreg:$0x15]  }
0x20e: {  	s16 =	rddreg [dreg:$0x1d];
	[sflag:s20] =	ssyncadd.s32 $0xFFFFF980;
	s15 =	sshrl.u32 s29, $0x3  }
0x20f: {  	[hbm:s16], [sflag:s11] =	dma.local [spmem:s15], $0x680  }
0x210: {  	_ =	swait.ge [sflag:s20], $0x680  }
0x211: {  	[sflag:s20] =	ssyncset.done $0x0;
	s30 =	rddreg [dreg:$0x16]  }
0x212: {  	s25 =	rddreg [dreg:$0x1e];
	[sflag:s20] =	ssyncadd.s32 $0xFFFFF980;
	s16 =	sshrl.u32 s30, $0x3  }
0x213: {  	[hbm:s25], [sflag:s11] =	dma.local [spmem:s16], $0x680  }
0x214: {  	_ =	swait.ge [sflag:s20], $0x680  }
0x215: {  	[sflag:s20] =	ssyncset.done $0x0;
	s31 =	rddreg [dreg:$0x17]  }
0x216: {  	s26 =	rddreg [dreg:$0x1f];
	[sflag:s20] =	ssyncadd.s32 $0xFFFFF980;
	s25 =	sshrl.u32 s31, $0x3  }
0x217: {  	[hbm:s26], [sflag:s11] =	dma.local [spmem:s25], $0x680  }
0x218: {  	_ =	swait.ge [sflag:s20], $0x680  }
0x219: {  	s26 =	sld [smem:$0x7F1]  }
0x21a: {  	[sflag:s20] =	ssyncset.done $0x0;
	s8 =	rddreg [dreg:$0x18]  }
0x21b: {  	[sflag:s20] =	ssyncadd.s32 $0xFFFFF980;
	s9 =	sshrl.u32 s8, $0x3  }
0x21c: {  	[hbm:s26], [sflag:s11] =	dma.local [spmem:s9], $0x680  }
0x21d: {  	_ =	swait.ge [sflag:s20], $0x680  }
0x21e: {  	[sflag:s20] =	ssyncset.done $0x0  }
0x21f: {  	s26 =	rddreg [dreg:$0x5];
	[sflag:s20] =	ssyncadd.s32 $0xFFFFF980  }
0x220: {  	[hbm:s26], [sflag:s11] =	dma.local @!p1 [spmem:s12], $0x100  }
0x221: {  	s12 =	simm.s32 @!p1 $0x3  }
0x222: {  	_ =	swait.ge @!p1 [sflag:s12], $0x100  }
0x223: {  	[sflag:s12] =	ssyncset.done @!p1 $0x0  }
0x224: {  	[sflag:s12] =	ssyncadd.s32 @!p1 $0xFFFFFF00  }
0x225: {  	[bflag:$0x0] =	sbarrier.arrive $0xFFFF  }
0x226: {  	[spmem:s28] =	stream.linear.scatter [tilespmem:s19], [sflag:$0x3], $0x3400, $0x38;
	[tilespmem:$0x1B6C0] =	vst v63  }
0x227: {  	_ =	swait.ge [sflag:s20], $0x3400  }
0x228: {  	[sflag:s20] =	ssyncset.done $0x0  }
0x229: {  	s26 =	smov.u32 s0;
	[sflag:s20] =	ssyncadd.s32 $0xFFFFCC00  }
0x22a: {  	[spmem:s26] =	stream.linear.scatter [tilespmem:s19], [sflag:$0x3], $0x3400, $0x38;
	[tilespmem:$0x1B6C0] =	vst v63  }
0x22b: {  	_ =	swait.ge [sflag:s20], $0x3400  }
0x22c: {  	[sflag:s20] =	ssyncset.done $0x0  }
0x22d: {  	[sflag:s20] =	ssyncadd.s32 $0xFFFFCC00  }
0x22e: {  	[spmem:s29] =	stream.linear.scatter [tilespmem:s19], [sflag:$0x3], $0x3400, $0x38;
	[tilespmem:$0x1B6C0] =	vst v63  }
0x22f: {  	_ =	swait.ge [sflag:s20], $0x3400  }
0x230: {  	[sflag:s20] =	ssyncset.done $0x0  }
0x231: {  	[sflag:s20] =	ssyncadd.s32 $0xFFFFCC00  }
0x232: {  	[spmem:s30] =	stream.linear.scatter [tilespmem:s19], [sflag:$0x3], $0x3400, $0x38;
	[tilespmem:$0x1B6C0] =	vst v63  }
0x233: {  	_ =	swait.ge [sflag:s20], $0x3400  }
0x234: {  	[sflag:s20] =	ssyncset.done $0x0  }
0x235: {  	[sflag:s20] =	ssyncadd.s32 $0xFFFFCC00  }
0x236: {  	[spmem:s31] =	stream.linear.scatter [tilespmem:s19], [sflag:$0x3], $0x3400, $0x38;
	[tilespmem:$0x1B6C0] =	vst v63  }
0x237: {  	_ =	swait.ge [sflag:s20], $0x3400  }
0x238: {  	[sflag:s20] =	ssyncset.done $0x0  }
0x239: {  	[sflag:s20] =	ssyncadd.s32 $0xFFFFCC00  }
0x23a: {  	[spmem:s8] =	stream.linear.scatter [tilespmem:s19], [sflag:$0x3], $0x3400, $0x38;
	[tilespmem:$0x1B6C0] =	vst v63  }
0x23b: {  	_ =	swait.ge [sflag:s20], $0x3400  }
0x23c: {  	[sflag:s20] =	ssyncset.done $0x0  }
0x23d: {  	s26 =	simm.s32 @!p1 $0x4A00;
	s8 =	rddreg [dreg:$0x1a];
	[sflag:s20] =	ssyncadd.s32 $0xFFFFCC00  }
0x23e: {  	[spmem:s8] =	stream.linear.scatter @!p1 [tilespmem:s26], [sflag:$0x3], $0x800, $0x38;
	[tilespmem:$0x1B6C0] =	vst v63  }
0x23f: {  	_ =	swait.ge @!p1 [sflag:s12], $0x800  }
0x240: {  	[sflag:s12] =	ssyncset.done @!p1 $0x0  }
0x241: {  	s0 =	smov.u32 s28;
	[sflag:s12] =	ssyncadd.s32 @!p1 $0xFFFFF800  }
0x242: {  	s26 =	simm.s32 $0x0;
	s12 =	simm.s32 $0x0;
	[bflag:$0x0] =	sbarrier.arrive $0xFFFF  }
.LBB2_18:
0x243: {  	s28 =	sshll.u32 s26, $0x7  }
0x244: {  	s28 =	sadd.s32 s10, s28  }
0x245: {  	s28 =	sshrl.u32 s28, $0x3  }
0x246: {  	s29 =	sadd.s32 s6, s28  }
0x247: {  	[tilespmem:s12], [sflag:$0x3] =	stream.linear.gather [hbm4b:s29+s12], $0x80, $0x38;
	[tilespmem:$0x1B6C0] =	vst v63  }
0x248: {  	_ =	swait.ge [sflag:s20], $0x80  }
0x249: {  	[sflag:s20] =	ssyncset.done $0x0  }
0x24a: {  	s28 =	sadd.s32 s7, s28;
	[sflag:s20] =	ssyncadd.s32 $0xFFFFFF80  }
0x24b: {  	[tilespmem:s21], [sflag:$0x3] =	stream.linear.gather [hbm4b:s28+s12], $0x80, $0x38;
	[tilespmem:$0x1B6C0] =	vst v63  }
0x24c: {  	_ =	swait.ge [sflag:s20], $0x80  }
0x24d: {  	[sflag:s20] =	ssyncset.done $0x0  }
0x24e: {  	[sflag:s20] =	ssyncadd.s32 $0xFFFFFF80  }
0x24f: {  	v9 =	vld [tilespmem:$0x0]  }
0x250: {  	v11 =	vld [tilespmem:$0x10]  }
0x251: {  	v12 =	vld [tilespmem:$0x20]  }
0x252: {  	v13 =	vld [tilespmem:$0x80]  }
0x253: {  	v16 =	vld [tilespmem:$0x30]  }
0x254: {  	v17 =	vld [tilespmem:$0x90]  }
0x255: {  	v19 =	vld [tilespmem:$0xA0]  }
0x256: {  	v42 =	vld [tilespmem:$0x40]  }
0x257: {  	v20 =	vld [tilespmem:$0x50]  }
0x258: {  	v22 =	vld [tilespmem:$0xB0]  }
0x259: {  	v46 =	vld [tilespmem:$0xC0]  }
0x25a: {  	v23 =	vld [tilespmem:$0x60]  }
0x25b: {  	v24 =	vld [tilespmem:$0xD0]  }
0x25c: {  	v48 =	vld [tilespmem:$0x70]  }
0x25d: {  	v50 =	vld [tilespmem:$0xE0];
	v10 =	vcvt.s32.f32 v9  }
0x25e: {  	v56 =	vld [tilespmem:$0xF0];
	v14 =	vcvt.s32.f32 v11;
	v15 =	vcvt.s32.f32 v12  }
0x25f: {  	v13 =	vmul.u32 $0x1B, v13;
	v41 =	vcvt.s32.f32 v16;
	v17 =	vmul.u32 $0x1B, v17  }
0x260: {  	v43 =	vmul.u32 $0x1B, v19;
	v45 =	vcvt.s32.f32 v42;
	v47 =	vcvt.s32.f32 v20  }
0x261: {  	v22 =	vmul.u32 $0x1B, v22;
	v19 =	vmul.u32 $0x1B, v46;
	v49 =	vcvt.s32.f32 v23  }
0x262: {  	v24 =	vmul.u32 $0x1B, v24;
	v52 =	vcvt.s32.f32 v48;
	v59 =	vmul.u32 $0x1B, v50  }
0x263: {  	v61 =	vmul.u32 $0x1B, v56;
	v10 =	vmul.f32 $3.703703730e-02, v10;
	v14 =	vmul.f32 $3.703703730e-02, v14  }
0x264: {  	v15 =	vmul.f32 $3.703703730e-02, v15;
	v9 =	vadd.s32 v9, v13;
	v11 =	vadd.s32 v11, v17  }
0x265: {  	v12 =	vadd.s32 v12, v43;
	v17 =	vmul.f32 $3.703703730e-02, v45;
	v51 =	vmul.f32 $3.703703730e-02, v49  }
0x266: {  	v54 =	vmul.f32 $3.703703730e-02, v52;
	v10 =	vadd.f32 $9.999999770e-03, v10;
	v14 =	vadd.f32 $9.999999770e-03, v14  }
0x267: {  	v40 =	vadd.f32 $9.999999770e-03, v15;
	v15 =	vmul.f32 $3.703703730e-02, v41;
	v17 =	vadd.f32 $9.999999770e-03, v17  }
0x268: {  	v16 =	vadd.s32 v16, v22;
	v10 =	vtrunc.f32 v10;
	v39 =	vtrunc.f32 v14  }
0x269: {  	v20 =	vadd.s32 v20, v24;
	v14 =	vtrunc.f32 v40;
	v17 =	vtrunc.f32 v17  }
0x26a: {  	v15 =	vadd.f32 $9.999999770e-03, v15;
	v10 =	vcvt.f32.s32 v10;
	v13 =	vcvt.f32.s32 v39  }
0x26b: {  	v58 =	vadd.f32 $9.999999770e-03, v54;
	v14 =	vcvt.f32.s32 v14;
	v17 =	vcvt.f32.s32 v17  }
0x26c: {  	v15 =	vtrunc.f32 v15;
	v18 =	vmul.u32 $0xFFFFFFE5, v10;
	v21 =	vmul.u32 $0xFFFFFFE5, v13  }
0x26d: {  	v44 =	vmul.u32 $0xFFFFFFE5, v14;
	v15 =	vcvt.f32.s32 v15;
	v10 =	vadd.s32 $0xEA60, v10  }
0x26e: {  	v13 =	vadd.s32 $0xEA60, v13;
	v57 =	vadd.s32 $0xEA60, v14;
	v14 =	vtrunc.f32 v58  }
0x26f: {  	[tilespmem:$0x180] =	vst v10;
	v10 =	vmul.u32 $0xFFFFFFE5, v17;
	v11 =	vadd.s32 v21, v11;
	v21 =	vmul.f32 $3.703703730e-02, v47  }
0x270: {  	v9 =	vadd.s32 v18, v9;
	v12 =	vadd.s32 v44, v12;
	v25 =	vmul.u32 $0xFFFFFFE5, v15  }
0x271: {  	vm0 =	vlt.s32 v9, $0x83D5F;
	vm9 =	vlt.s32 v11, $0x83D5F;
	v21 =	vadd.f32 $9.999999770e-03, v21  }
0x272: {  	[tilespmem:$0x190] =	vst v13;
	vm10 =	vlt.s32 v12, $0x83D5F;
	v9 =	vnsel vm0, $0x83D5F, v9;
	v11 =	vnsel vm9, $0x83D5F, v11  }
0x273: {  	v12 =	vnsel vm10, $0x83D5F, v12;
	[tilespmem:$0x110] =	vst v11;
	v11 =	vadd.f32 $9.999999770e-03, v51;
	v21 =	vtrunc.f32 v21  }
0x274: {  	v16 =	vadd.s32 v25, v16;
	[tilespmem:$0x100] =	vst v9;
	v9 =	vadd.s32 v42, v19;
	v21 =	vcvt.f32.s32 v21  }
0x275: {  	[tilespmem:$0x1A0] =	vst v57;
	vm11 =	vlt.s32 v16, $0x83D5F;
	v9 =	vadd.s32 v10, v9;
	v11 =	vtrunc.f32 v11  }
0x276: {  	[tilespmem:$0x120] =	vst v12;
	v10 =	vnsel vm11, $0x83D5F, v16;
	v11 =	vcvt.f32.s32 v11;
	v53 =	vmul.u32 $0xFFFFFFE5, v21  }
0x277: {  	v14 =	vcvt.f32.s32 v14;
	vm12 =	vlt.s32 v9, $0x83D5F;
	[tilespmem:$0x130] =	vst v10;
	v10 =	vadd.s32 $0xEA60, v15  }
0x278: {  	v9 =	vnsel vm12, $0x83D5F, v9;
	[tilespmem:$0x1B0] =	vst v10;
	v60 =	vmul.u32 $0xFFFFFFE5, v11;
	v55 =	vadd.s32 v53, v20  }
0x279: {  	v10 =	vadd.s32 v23, v59;
	[tilespmem:$0x140] =	vst v9;
	v9 =	vadd.s32 $0xEA60, v17;
	vm13 =	vlt.s32 v55, $0x83D5F  }
0x27a: {  	v62 =	vmul.u32 $0xFFFFFFE5, v14;
	[tilespmem:$0x1C0] =	vst v9;
	v10 =	vadd.s32 v60, v10;
	v9 =	vnsel vm13, $0x83D5F, v55  }
0x27b: {  	v63 =	vadd.s32 $0xEA60, v21;
	vm14 =	vlt.s32 v10, $0x83D5F;
	[tilespmem:$0x150] =	vst v9;
	v9 =	vadd.s32 v48, v61  }
0x27c: {  	[tilespmem:$0x1D0] =	vst v63;
	v10 =	vnsel vm14, $0x83D5F, v10;
	v9 =	vadd.s32 v62, v9  }
0x27d: {  	[tilespmem:$0x160] =	vst v10;
	v10 =	vadd.s32 $0xEA60, v11;
	vm15 =	vlt.s32 v9, $0x83D5F  }
0x27e: {  	[tilespmem:$0x1E0] =	vst v10;
	v9 =	vnsel vm15, $0x83D5F, v9  }
0x27f: {  	[tilespmem:$0x170] =	vst v9;
	v9 =	vadd.s32 $0xEA60, v14  }
0x280: {  	s29 =	simm.s32 $0x200;
	[tilespmem:$0x1F0] =	vst v9  }
0x281: {  	[tilespmem:s29], [sflag:$0x1] =	stream.indirect.gather [hbm4b:s5+s21], $0x10, s22, s21, $0xb8;
	[tilespmem:$0x1B6C0] =	vst v63  }
0x282: {  	_ = 	snop  }
0x283: {  	[tilespmem:s23], [sflag:$0x2] =	stream.indirect.gather [hbm4b:s1+s21], $0x40, s17, s21, $0xb8;
	[tilespmem:$0x1B6C0] =	vst v63  }
0x284: {  	_ =	swait.ge [sflag:s18], $0x800  }
0x285: {  	[sflag:s18] =	ssyncset.done $0x0  }
0x286: {  	[sflag:s18] =	ssyncadd.s32 $0xFFFFF800  }
0x287: {  	_ =	swait.ge [sflag:s24], $0x2000  }
0x288: {  	[sflag:s24] =	ssyncset.done $0x0  }
0x289: {  	s28 =	simm.s32 $0x0;
	[sflag:s24] =	ssyncadd.s32 $0xFFFFE000  }
0x28a: {  	v9 =	vld [tilespmem:s28+$0xA00]  }
0x28b: {  	s30 =	simm.s32 $0x100;
	v10 =	vld [tilespmem:s29+$0x0]  }
.LBB2_19:
0x28c: {  	p3 =	sne.s32 s30, $0x7F00;
	v11 =	vld [tilespmem:s28+$0xA10]  }
0x28d: {  	v12 =	vld [tilespmem:s28+$0xA20]  }
0x28e: {  	v13 =	vld [tilespmem:s28+$0xA30];
	_ =	sdelay $0x1  }
0x28f: {  	v14 =	vperm.xlane v10, v7;
	v10 =	vperm.xlane v10, v8;
	_ =	sdelay $0x1  }
0x290: {  	v9 =	vmul.f32 v9, v14;
	v11 =	vmul.f32 v11, v14  }
0x291: {  	v12 =	vmul.f32 v12, v10;
	v10 =	vmul.f32 v13, v10  }
.Ltmp12:
0x292: {  	[tilespmem:s28+$0x2A00] =	vst v9;
	(pc) =	sbr.rel @p3 .LBB2_19-.Ltmp12, $4  }
0x293: {  	[tilespmem:s28+$0x2A10] =	vst v11  }
0x294: {  	s31 =	sshra.s32 s30, $0x2;
	[tilespmem:s28+$0x2A20] =	vst v12  }
0x295: {  	s29 =	sadd.s32 $0x10, s29;
	v9 =	vld [tilespmem:s31+$0xA00];
	[tilespmem:s28+$0x2A30] =	vst v10;
	s28 =	smov.u32 s31  }
0x296: {  	s30 =	sadd.s32 $0x100, s30;
	v10 =	vld [tilespmem:s29+$0x0]  }
0x297: {  	_ =	sdelay $0x1  }
0x298: {  	v11 =	vld [tilespmem:s28+$0xA10]  }
0x299: {  	v12 =	vld [tilespmem:s28+$0xA20]  }
0x29a: {  	v13 =	vld [tilespmem:s28+$0xA30];
	v14 =	vperm.xlane v10, v7;
	_ =	sdelay $0x1  }
0x29b: {  	v10 =	vperm.xlane v10, v8;
	v9 =	vmul.f32 v9, v14  }
0x29c: {  	v11 =	vmul.f32 v11, v14  }
0x29d: {  	v12 =	vmul.f32 v12, v10;
	[tilespmem:s28+$0x2A00] =	vst v9  }
0x29e: {  	s26 =	sadd.s32 $0x1, s26;
	v9 =	vmul.f32 v13, v10;
	[tilespmem:s28+$0x2A10] =	vst v11  }
0x29f: {  	p3 =	sne.s32 s26, $0x9D;
	[tilespmem:s28+$0x2A20] =	vst v12  }
.Ltmp13:
0x2a0: {  	[tilespmem:s28+$0x2A30] =	vst v9;
	(pc) =	sbr.rel @p3 .LBB2_18-.Ltmp13, $4  }
0x2a1: {  	[spmem:s2] =	stream.indirect.scatter.add.f32 [tilespmem:s3], [sflag:$0x3], $0x40, s21, s21, $0xb8;
	[tilespmem:$0x1B6C0] =	vst v63  }
0x2a2: {  	_ =	swait.ge [sflag:s20], $0x2000  }
0x2a3: {  	[sflag:s20] =	ssyncset.done $0x0  }
0x2a4: {  	[sflag:s20] =	ssyncadd.s32 $0xFFFFE000  }
0x2a5: {  	[bflag:$0x0] =	sbarrier.arrive $0xFFFF  }
0x2a6: {  	s8 =	sld [smem:$0x7F8];
	_ =	sdelay $0x2  }
0x2a7: {  	[hbm:s8], [sflag:s11] =	dma.local [spmem:s13], $0x680  }
0x2a8: {  	_ =	swait.ge [sflag:s20], $0x680  }
0x2a9: {  	s13 =	sld [smem:$0x7F9]  }
0x2aa: {  	[sflag:s20] =	ssyncset.done $0x0  }
0x2ab: {  	[sflag:s20] =	ssyncadd.s32 $0xFFFFF980  }
0x2ac: {  	[hbm:s13], [sflag:s11] =	dma.local [spmem:s14], $0x680  }
0x2ad: {  	_ =	swait.ge [sflag:s20], $0x680  }
0x2ae: {  	s14 =	sld [smem:$0x7FA]  }
0x2af: {  	[sflag:s20] =	ssyncset.done $0x0  }
0x2b0: {  	[sflag:s20] =	ssyncadd.s32 $0xFFFFF980  }
0x2b1: {  	[hbm:s14], [sflag:s11] =	dma.local [spmem:s15], $0x680  }
0x2b2: {  	_ =	swait.ge [sflag:s20], $0x680  }
0x2b3: {  	s15 =	sld [smem:$0x7FB]  }
0x2b4: {  	[sflag:s20] =	ssyncset.done $0x0  }
0x2b5: {  	[sflag:s20] =	ssyncadd.s32 $0xFFFFF980  }
0x2b6: {  	[hbm:s15], [sflag:s11] =	dma.local [spmem:s16], $0x680  }
0x2b7: {  	_ =	swait.ge [sflag:s20], $0x680  }
0x2b8: {  	s16 =	sld [smem:$0x7FC]  }
0x2b9: {  	[sflag:s20] =	ssyncset.done $0x0  }
0x2ba: {  	[sflag:s20] =	ssyncadd.s32 $0xFFFFF980  }
0x2bb: {  	[hbm:s16], [sflag:s11] =	dma.local [spmem:s25], $0x680  }
0x2bc: {  	_ =	swait.ge [sflag:s20], $0x680  }
0x2bd: {  	s26 =	sld [smem:$0x7FD]  }
0x2be: {  	[sflag:s20] =	ssyncset.done $0x0  }
0x2bf: {  	[sflag:s20] =	ssyncadd.s32 $0xFFFFF980  }
0x2c0: {  	[hbm:s26], [sflag:s11] =	dma.local [spmem:s9], $0x680  }
0x2c1: {  	_ =	swait.ge [sflag:s20], $0x680  }
0x2c2: {  	s9 =	rddreg [dreg:$0x12]  }
0x2c3: {  	s26 =	rddreg [dreg:$0x19]  }
0x2c4: {  	s8 =	rddreg [dreg:$0x6]  }
.Ltmp14:
0x2c5: {  	s29 =	rddreg [dreg:$0x7];
	(pc) =	sbr.rel @p1 .LBB2_23-.Ltmp14, $4  }
.Ltmp15:
0x2c6: {  	s30 =	rddreg [dreg:$0x8];
	(pc) =	sbr.rel @!p1 .LBB2_22-.Ltmp15, $4  }
0x2c7: {  	s31 =	rddreg [dreg:$0x9]  }
0x2c8: {  	s28 =	smov.u32 s0;
	[sflag:s20] =	ssyncset.done $0x0;
	s13 =	rddreg [dreg:$0x18]  }
0x2c9: {  	s25 =	stileid.u32;
	s14 =	rddreg [dreg:$0x1a];
	[sflag:s20] =	ssyncadd.s32 $0xFFFFF980  }
0x2ca: {  	_ = 	snop  }
.LBB2_24:
0x2cb: {  	_ =	sfence.sel $0x180000  }
0x2cc: {  	[bflag:$0x0] =	sbarrier.arrive $0xFFFF  }
0x2cd: {  	_ =	strace $0x90000047  }
0x2ce: {  	[bflag:$0x2] =	sbarrier.arrive $0xFFFF  }
0x2cf: {  	p0 =	sne.s32 s25, $0x0;
	s0 =	rddreg [dreg:$0x3]  }
0x2d0: {  	s0 =	sadd.s32 @!p0 $0x100000, s0  }
0x2d1: {  	[sflag:s0] =	ssyncadd.tile.s32 @!p0 $0x1;
	_ =	shalt  }
.Lfunc_end2:
_tile_overlayer_lowered:
.L_overlay_start_2:
0x2d2: {  	(tag) =	ssettag $0x2  }
0x2d3: {  	s0 =	rddreg [dreg:$0x0];
	s2 =	stileid.u32  }
0x2d4: {  	s1 =	rddreg [dreg:$0x1];
	p0 =	sne.s32 s2, $0x0  }
0x2d5: {  	s3 =	rddreg [dreg:$0x2];
	[bflag:$0x3] =	sbarrier.arrive $0xFFFF;
	s2 =	simm.s32 @!p0 $0x1C03  }
0x2d6: {  	[timem:s3], [sflag:s2] =	dma.local @!p0 [hbm:s0], s1  }
0x2d7: {  	s0 =	simm.s32 @!p0 $0x3  }
0x2d8: {  	_ =	swait.ge @!p0 [sflag:s0], s1  }
0x2d9: {  	s1 =	ssub.s32 @!p0 $0x0, s1;
	[sflag:s0] =	ssyncset.done @!p0 $0x0  }
0x2da: {  	[sflag:s0] =	ssyncadd.s32 @!p0 s1  }
0x2db: {  	[bflag:$0x3] =	sbarrier.arrive $0xFFFF  }
0x2dc: {  	_ =	shalt  }

</sc_bundles>
